<compile_context>
chip_gen: v7x
topology: tpu7x:2x2x1
jax: 0.10.2.dev20260603
libtpu: 0.0.44.dev20260713+nightly
codegen_flags: <defaults>
</compile_context>

<pallas_src>
import functools
import jax
import jax.numpy as jnp
from jax import lax
from jax.experimental import pallas as pl
from jax.experimental.pallas import tpu as pltpu
from jax.experimental.pallas import tpu_sc as plsc

N_RAYS = 16384
S = 128
C_OUT = 25
LATENT = 16

RB_A = 2048
RB_C = 1024
SC_WORKERS = 32
SC_CHUNK = N_RAYS // SC_WORKERS
SC_SUB = 256
GROUPS = SC_SUB // 16
ILV = 4


def _tk_body(rays_t_ref, radii_ref, t_ref, k_ref):
    rt = rays_t_ref[...]
    o = rt[0:3, :]
    d = rt[3:6, :]
    od = jnp.sum(o * d, axis=0, keepdims=True)
    dd = jnp.sum(d * d, axis=0, keepdims=True)
    oo = jnp.sum(o * o, axis=0, keepdims=True)
    r = radii_ref[...]
    disc = od * od - dd * (oo - r * r)
    disc = jnp.maximum(disc, 0.0)
    t = (-od + jnp.sqrt(disc)) / dd
    t_ref[...] = t
    k = jnp.sum((t > 0.0).astype(jnp.int32), axis=0)
    k_ref[...] = k.reshape(1, 1, RB_A)


def _compute_tk(rays_t, radii):
    grid = N_RAYS // RB_A
    return pl.pallas_call(
        _tk_body,
        grid=(grid,),
        in_specs=[
            pl.BlockSpec((8, RB_A), lambda i: (0, i)),
            pl.BlockSpec((S, 1), lambda i: (0, 0)),
        ],
        out_specs=[
            pl.BlockSpec((S, RB_A), lambda i: (0, i)),
            pl.BlockSpec((1, 1, RB_A), lambda i: (i, 0, 0)),
        ],
        out_shape=[
            jax.ShapeDtypeStruct((S, N_RAYS), jnp.float32),
            jax.ShapeDtypeStruct((grid, 1, RB_A), jnp.int32),
        ],
    )(rays_t, radii.reshape(S, 1))


def _codes_body(ct_ref, out_ref):
    ct = ct_ref[...]
    nrm = jnp.sqrt(jnp.sum(ct * ct, axis=0, keepdims=True))
    out_ref[...] = ct / jnp.maximum(nrm, 1e-12)


def _compute_codes(codes_t):
    return pl.pallas_call(
        _codes_body,
        out_shape=jax.ShapeDtypeStruct((LATENT, S), jnp.float32),
    )(codes_t)


def _sc_merge_body(t_hbm, k_hbm, out_hbm, t_v, o_v, k_v):
    wid = lax.axis_index("s") * 2 + lax.axis_index("c")
    big = jnp.float32(3e38)
    lanes = jnp.arange(16, dtype=jnp.int32)
    for sub in range(SC_CHUNK // SC_SUB):
        base = wid * SC_CHUNK + sub * SC_SUB
        pltpu.sync_copy(t_hbm.at[:, pl.ds(base, SC_SUB)], t_v)
        pltpu.sync_copy(k_hbm.at[pl.ds(base, SC_SUB)], k_v)
        for gb in range(GROUPS // ILV):
            rids = []
            los = []
            his = []
            for u in range(ILV):
                g = gb * ILV + u
                rids.append(g * 16 + lanes)
                kv = k_v[pl.ds(g * 16, 16)]
                los.append(kv - 1)
                his.append(kv)

            def step(j, carry):
                lohi = list(carry)
                jcol = jnp.full((16,), 0, jnp.int32) + j
                out = []
                for u in range(ILV):
                    lo, hi = lohi[2 * u], lohi[2 * u + 1]
                    vlo = lo >= 0
                    vhi = hi < S
                    ilo = jnp.clip(lo, 0, S - 1)
                    ihi = jnp.clip(hi, 0, S - 1)
                    tl = plsc.load_gather(t_v, [ilo, rids[u]])
                    th = plsc.load_gather(t_v, [ihi, rids[u]])
                    al = jnp.where(vlo, jnp.abs(tl), big)
                    ah = jnp.where(vhi, jnp.abs(th), big)
                    take = al <= ah
                    chosen = jnp.where(take, tl, th)
                    plsc.store_scatter(o_v, [jcol, rids[u]], chosen)
                    out.append(jnp.where(take, lo - 1, lo))
                    out.append(jnp.where(take, hi, hi + 1))
                return tuple(out)

            init = []
            for u in range(ILV):
                init.append(los[u])
                init.append(his[u])
            lax.fori_loop(0, S, step, tuple(init))
        pltpu.sync_copy(o_v, out_hbm.at[:, pl.ds(base, SC_SUB)])


def _sc_sort(t, k):
    mesh = plsc.VectorSubcoreMesh(core_axis_name="c", subcore_axis_name="s")
    fn = functools.partial(
        pl.kernel,
        mesh=mesh,
        out_type=jax.ShapeDtypeStruct((S, N_RAYS), jnp.float32),
        scratch_types=[
            pltpu.VMEM((S, SC_SUB), jnp.float32),
            pltpu.VMEM((S, SC_SUB), jnp.float32),
            pltpu.VMEM((SC_SUB,), jnp.int32),
        ],
        compiler_params=pltpu.CompilerParams(needs_layout_passes=False),
    )(_sc_merge_body)
    return fn(t, k)


def _assemble_body(t_ref, rays_ref, ct_ref, out_ref, depth_ref):
    t = t_ref[...].T
    rays = rays_ref[...]
    for c in range(3):
        o_c = rays[:, c:c + 1]
        d_c = rays[:, 3 + c:4 + c]
        pts = o_c + t * d_c
        out_ref[c] = pts
        out_ref[c + 6] = pts
        out_ref[c + 3] = jnp.broadcast_to(d_c, (RB_C, S))
    for q in range(LATENT):
        out_ref[9 + q] = jnp.broadcast_to(ct_ref[q:q + 1, :], (RB_C, S))
    d = rays[:, 3:6]
    dd = jnp.sum(d * d, axis=1, keepdims=True)
    depth_ref[...] = jnp.abs(t) * jnp.sqrt(dd)


def _assemble(t_sorted, rays, codes_nt):
    grid = N_RAYS // RB_C
    return pl.pallas_call(
        _assemble_body,
        grid=(grid,),
        in_specs=[
            pl.BlockSpec((S, RB_C), lambda i: (0, i)),
            pl.BlockSpec((RB_C, 8), lambda i: (i, 0)),
            pl.BlockSpec((LATENT, S), lambda i: (0, 0)),
        ],
        out_specs=[
            pl.BlockSpec((C_OUT, RB_C, S), lambda i: (0, i, 0)),
            pl.BlockSpec((RB_C, S), lambda i: (i, 0)),
        ],
        out_shape=[
            jax.ShapeDtypeStruct((C_OUT, N_RAYS, S), jnp.float32),
            jax.ShapeDtypeStruct((N_RAYS, S), jnp.float32),
        ],
    )(t_sorted, rays, codes_nt)


def kernel(rays, radii, latent_codes):
    t, k3 = _compute_tk(rays.T, radii)
    k = k3.reshape(N_RAYS)
    codes_nt = _compute_codes(latent_codes.T)
    t_sorted = _sc_sort(t, k)
    out25, depth = _assemble(t_sorted, rays, codes_nt)
    return jnp.transpose(out25, (1, 2, 0)), depth

# --- scband reference (transcript-rebuilt; emitter-appended) ---
"""Pipeline reference for scband-radial-subdivision-91336774517359 (READ-ONLY COPY).

The authoritative reference and input builder live on the scoring server;
editing this copy changes nothing except your own understanding.
"""

import jax, jax.numpy as jnp
import numpy as np

NUM_SLICES = 128
LATENT_DIM = 16
START_RADIUS = 1.0
END_RADIUS = 100.0
OFFSET = 0.0
N_RAYS = 16384


def intersect_sphere(rays, radii):
    # rays: [N, S, 6] (origin, dir); radii: [N, S]
    o = rays[..., :3]
    d = rays[..., 3:6]
    od = jnp.sum(o * d, axis=-1)
    dd = jnp.sum(d * d, axis=-1)
    oo = jnp.sum(o * o, axis=-1)
    disc = od * od - dd * (oo - radii * radii)
    disc = jnp.maximum(disc, 0.0)
    t = (-od + jnp.sqrt(disc)) / dd
    return o + t[..., None] * d


def setup_inputs(seed: int = 0) -> dict:
    key = jax.random.key(seed)
    k1, k2 = jax.random.split(key)
    rays = jax.random.normal(k1, (N_RAYS, 8), dtype=jnp.float32)
    # cfg.use_disparity = True branch
    inv_radii = jnp.linspace(1.0 / END_RADIUS, 1.0 / START_RADIUS, NUM_SLICES, dtype=jnp.float32)
    radii = 1.0 / inv_radii + OFFSET
    latent_codes = jax.random.normal(k2, (NUM_SLICES, LATENT_DIM), dtype=jnp.float32) * (0.01 / np.sqrt(LATENT_DIM))
    return {"rays": rays, "radii": radii, "latent_codes": latent_codes}


def reference(rays, radii, latent_codes):
    N = rays.shape[0]
    S = radii.shape[0]
    # intersect()
    r6 = jnp.tile(rays[..., :6][:, None, :], (1, S, 1))
    rad = jnp.tile(radii[None, :], (N, 1))
    isect_pts = intersect_sphere(r6, rad)  # [N, S, 3]
    isect_depth = jnp.linalg.norm(r6[..., :3] - isect_pts, axis=-1)  # [N, S]
    sort_idx = jnp.argsort(isect_depth, axis=-1)
    isect_depth = jnp.take_along_axis(isect_depth, sort_idx, axis=-1)
    pts_p = jnp.transpose(isect_pts, (0, 2, 1))  # [N, 3, S]
    idx3 = jnp.stack([sort_idx, sort_idx, sort_idx], axis=1)  # [N, 3, S]
    pts_p = jnp.take_along_axis(pts_p, idx3, axis=-1)
    isect_pts = jnp.transpose(pts_p, (0, 2, 1))  # [N, S, 3]
    # forward()
    isect_dirs = jnp.tile(rays[..., 3:6][:, None, :], (1, S, 1))
    codes = jnp.tile(latent_codes[None], (N, 1, 1))
    norm = jnp.linalg.norm(codes, axis=-1, keepdims=True)
    codes = codes / jnp.maximum(norm, 1e-12)
    out = jnp.concatenate([isect_pts, isect_dirs, isect_pts, codes], axis=-1)
    return out, isect_depth

if __name__ == "__main__":
    import jax
    _d = setup_inputs()
    print(jax.jit(kernel)(*tuple(_d.values())))

</pallas_src>

<mosaic_0001>
#map = affine_map<(d0, d1) -> (0, 0)>
#map1 = affine_map<(d0, d1) -> (0)>
module attributes {stable_mosaic.version = 14 : i64} {
  func.func @_sc_merge_body(%arg0: i32, %arg1: i32, %arg2: memref<128x16384xf32, #tpu.memory_space<hbm>>, %arg3: memref<16384xi32, #tpu.memory_space<hbm>>, %arg4: memref<128x16384xf32, #tpu.memory_space<hbm>>, %arg5: memref<128x256xf32, #tpu.memory_space<vmem>>, %arg6: memref<128x256xf32, #tpu.memory_space<vmem>>, %arg7: memref<256xi32, #tpu.memory_space<vmem>>) attributes {dimension_semantics = [#tpu.dimension_semantics<core_parallel>, #tpu.dimension_semantics<subcore_parallel>], iteration_bounds = array<i64: 2, 16>, scalar_prefetch = 0 : i64, scratch_operands = 3 : i64, tpu.core_type = #tpu.core_type<sc_vector_subcore>, window_params = [{transform_indices = #map}, {transform_indices = #map1}, {transform_indices = #map}]} {
    %mul3A = arith.constant 2 : i32
    %mul3A_0 = arith.muli %arg1, %mul3A : i32
    %add3A = arith.addi %mul3A_0, %arg0 : i32
    %iota3A = tpu.iota {dimensions = array<i32: 0>} : vector<16xi32>
    %mul3A_1 = arith.constant 512 : i32
    %mul3A_2 = arith.muli %add3A, %mul3A_1 : i32
    %add3A_3 = arith.constant 0 : i32
    %add3A_4 = arith.addi %mul3A_2, %add3A_3 : i32
    "tpu.region"() ({
      %run_scoped3A = tpu.sem_alloc : memref<!tpu.dma_semaphore, #tpu.memory_space<semaphore_mem>>
      %dma_start3A = arith.constant 0 : i32
      %dma_start3A_318 = tpu.memref_slice %arg2[%dma_start3A, %add3A_4] : memref<128x16384xf32, #tpu.memory_space<hbm>> -> memref<128x256xf32, #tpu.memory_space<hbm>>
      %dma_start3A_319 = arith.constant 0 : i32
      %dma_start3A_320 = tpu.memref_slice %arg2[%dma_start3A_319, %add3A_4] : memref<128x16384xf32, #tpu.memory_space<hbm>> -> memref<128x256xf32, #tpu.memory_space<hbm>>
      tpu.enqueue_dma source(%dma_start3A_320 : memref<128x256xf32, #tpu.memory_space<hbm>>) target(%arg5 : memref<128x256xf32, #tpu.memory_space<vmem>>) target_semaphore(%run_scoped3A : memref<!tpu.dma_semaphore, #tpu.memory_space<semaphore_mem>>)
      %dma_wait3A = arith.constant 0 : i32
      %dma_wait3A_321 = tpu.memref_slice %arg2[%dma_wait3A, %add3A_4] : memref<128x16384xf32, #tpu.memory_space<hbm>> -> memref<128x256xf32, #tpu.memory_space<hbm>>
      %dma_wait3A_322 = arith.constant 0 : i32
      %dma_wait3A_323 = tpu.memref_slice %arg2[%dma_wait3A_322, %add3A_4] : memref<128x16384xf32, #tpu.memory_space<hbm>> -> memref<128x256xf32, #tpu.memory_space<hbm>>
      tpu.wait_dma2 semaphore(%run_scoped3A : memref<!tpu.dma_semaphore, #tpu.memory_space<semaphore_mem>>) src(%dma_wait3A_323 : memref<128x256xf32, #tpu.memory_space<hbm>>) dst(%arg5 : memref<128x256xf32, #tpu.memory_space<vmem>>)
      tpu.yield
    }) : () -> ()
    "tpu.region"() ({
      %run_scoped3A = tpu.sem_alloc : memref<!tpu.dma_semaphore, #tpu.memory_space<semaphore_mem>>
      %dma_start3A = tpu.memref_slice %arg3[%add3A_4] : memref<16384xi32, #tpu.memory_space<hbm>> -> memref<256xi32, #tpu.memory_space<hbm>>
      %dma_start3A_318 = tpu.memref_slice %arg3[%add3A_4] : memref<16384xi32, #tpu.memory_space<hbm>> -> memref<256xi32, #tpu.memory_space<hbm>>
      tpu.enqueue_dma source(%dma_start3A_318 : memref<256xi32, #tpu.memory_space<hbm>>) target(%arg7 : memref<256xi32, #tpu.memory_space<vmem>>) target_semaphore(%run_scoped3A : memref<!tpu.dma_semaphore, #tpu.memory_space<semaphore_mem>>)
      %dma_wait3A = tpu.memref_slice %arg3[%add3A_4] : memref<16384xi32, #tpu.memory_space<hbm>> -> memref<256xi32, #tpu.memory_space<hbm>>
      %dma_wait3A_319 = tpu.memref_slice %arg3[%add3A_4] : memref<16384xi32, #tpu.memory_space<hbm>> -> memref<256xi32, #tpu.memory_space<hbm>>
      tpu.wait_dma2 semaphore(%run_scoped3A : memref<!tpu.dma_semaphore, #tpu.memory_space<semaphore_mem>>) src(%dma_wait3A_319 : memref<256xi32, #tpu.memory_space<hbm>>) dst(%arg7 : memref<256xi32, #tpu.memory_space<vmem>>)
      tpu.yield
    }) : () -> ()
    %add3A_5 = arith.constant 0 : i32
    %add3A_6 = vector.broadcast %add3A_5 : i32 to vector<16xi32>
    %add3A_7 = arith.addi %add3A_6, %iota3A : vector<16xi32>
    %get3A = arith.constant 0 : index
    %get3A_8 = tpu.vector_load %arg7[%get3A] {strides = array<i32>} : memref<256xi32, #tpu.memory_space<vmem>>, vector<16xi32>,
    %sub3A = arith.constant 1 : i32
    %sub3A_9 = vector.broadcast %sub3A : i32 to vector<16xi32>
    %sub3A_10 = arith.subi %get3A_8, %sub3A_9 : vector<16xi32>
    %add3A_11 = arith.constant 16 : i32
    %add3A_12 = vector.broadcast %add3A_11 : i32 to vector<16xi32>
    %add3A_13 = arith.addi %add3A_12, %iota3A : vector<16xi32>
    %get3A_14 = arith.constant 16 : index
    %get3A_15 = tpu.vector_load %arg7[%get3A_14] {strides = array<i32>} : memref<256xi32, #tpu.memory_space<vmem>>, vector<16xi32>,
    %sub3A_16 = arith.constant 1 : i32
    %sub3A_17 = vector.broadcast %sub3A_16 : i32 to vector<16xi32>
    %sub3A_18 = arith.subi %get3A_15, %sub3A_17 : vector<16xi32>
    %add3A_19 = arith.constant 32 : i32
    %add3A_20 = vector.broadcast %add3A_19 : i32 to vector<16xi32>
    %add3A_21 = arith.addi %add3A_20, %iota3A : vector<16xi32>
    %get3A_22 = arith.constant 32 : index
    %get3A_23 = tpu.vector_load %arg7[%get3A_22] {strides = array<i32>} : memref<256xi32, #tpu.memory_space<vmem>>, vector<16xi32>,
    %sub3A_24 = arith.constant 1 : i32
    %sub3A_25 = vector.broadcast %sub3A_24 : i32 to vector<16xi32>
    %sub3A_26 = arith.subi %get3A_23, %sub3A_25 : vector<16xi32>
    %add3A_27 = arith.constant 48 : i32
    %add3A_28 = vector.broadcast %add3A_27 : i32 to vector<16xi32>
    %add3A_29 = arith.addi %add3A_28, %iota3A : vector<16xi32>
    %get3A_30 = arith.constant 48 : index
    %get3A_31 = tpu.vector_load %arg7[%get3A_30] {strides = array<i32>} : memref<256xi32, #tpu.memory_space<vmem>>, vector<16xi32>,
    %sub3A_32 = arith.constant 1 : i32
    %sub3A_33 = vector.broadcast %sub3A_32 : i32 to vector<16xi32>
    %sub3A_34 = arith.subi %get3A_31, %sub3A_33 : vector<16xi32>
    %scan3A = arith.constant 3.000000e+38 : f32
    %scan3A_35 = arith.constant 0 : i32
    %scan3A_36 = arith.constant 128 : i32
    %scan3A_37 = arith.addi %scan3A_35, %scan3A_36 : i32
    %scan3A_38 = arith.constant 1 : i32
    %scan3A_39:8 = scf.for %scan3A_318 = %scan3A_35 to %scan3A_37 step %scan3A_38 iter_args(%scan3A_319 = %sub3A_10, %scan3A_320 = %get3A_8, %scan3A_321 = %sub3A_18, %scan3A_322 = %get3A_15, %scan3A_323 = %sub3A_26, %scan3A_324 = %get3A_23, %scan3A_325 = %sub3A_34, %scan3A_326 = %get3A_31) -> (vector<16xi32>, vector<16xi32>, vector<16xi32>, vector<16xi32>, vector<16xi32>, vector<16xi32>, vector<16xi32>, vector<16xi32>)  : i32 {
      %broadcast_in_dim3A = arith.constant 0 : i32
      %broadcast_in_dim3A_327 = vector.broadcast %broadcast_in_dim3A : i32 to vector<16xi32>
      %add3A_328 = vector.broadcast %scan3A_318 : i32 to vector<16xi32>
      %add3A_329 = arith.addi %broadcast_in_dim3A_327, %add3A_328 : vector<16xi32>
      %ge3A = arith.constant 0 : i32
      %ge3A_330 = vector.broadcast %ge3A : i32 to vector<16xi32>
      %ge3A_331 = arith.cmpi sge, %scan3A_319, %ge3A_330 : vector<16xi32>
      %lt3A = arith.constant 128 : i32
      %lt3A_332 = vector.broadcast %lt3A : i32 to vector<16xi32>
      %lt3A_333 = arith.cmpi slt, %scan3A_320, %lt3A_332 : vector<16xi32>
      %jit3A = arith.constant 0 : i32
      %jit3A_334 = arith.constant 127 : i32
      %max3A = vector.broadcast %jit3A : i32 to vector<16xi32>
      %max3A_335 = arith.maxsi %max3A, %scan3A_319 : vector<16xi32>
      %min3A = vector.broadcast %jit3A_334 : i32 to vector<16xi32>
      %min3A_336 = arith.minsi %min3A, %max3A_335 : vector<16xi32>
      %jit3A_337 = arith.constant 0 : i32
      %jit3A_338 = arith.constant 127 : i32
      %max3A_339 = vector.broadcast %jit3A_337 : i32 to vector<16xi32>
      %max3A_340 = arith.maxsi %max3A_339, %scan3A_320 : vector<16xi32>
      %min3A_341 = vector.broadcast %jit3A_338 : i32 to vector<16xi32>
      %min3A_342 = arith.minsi %min3A_341, %max3A_340 : vector<16xi32>
      %gather3A = tpu.vector_load_idx %arg5[%min3A_336, %add3A_7] : memref<128x256xf32, #tpu.memory_space<vmem>>[vector<16xi32>, vector<16xi32>], vector<16xf32>,
      %gather3A_343 = tpu.vector_load_idx %arg5[%min3A_342, %add3A_7] : memref<128x256xf32, #tpu.memory_space<vmem>>[vector<16xi32>, vector<16xi32>], vector<16xf32>,
      %abs3A = math.absf %gather3A : vector<16xf32>
      %broadcast_in_dim3A_344 = vector.broadcast %scan3A : f32 to vector<16xf32>
      %select_n3A = arith.select %ge3A_331, %abs3A, %broadcast_in_dim3A_344 : vector<16xi1>, vector<16xf32>
      %abs3A_345 = math.absf %gather3A_343 : vector<16xf32>
      %broadcast_in_dim3A_346 = vector.broadcast %scan3A : f32 to vector<16xf32>
      %select_n3A_347 = arith.select %lt3A_333, %abs3A_345, %broadcast_in_dim3A_346 : vector<16xi1>, vector<16xf32>
      %le3A = arith.cmpf ole, %select_n3A, %select_n3A_347 : vector<16xf32>
      %select_n3A_348 = arith.select %le3A, %gather3A, %gather3A_343 : vector<16xi1>, vector<16xf32>
      tpu.vector_store_idx %arg6[%add3A_329, %add3A_7], %select_n3A_348 : memref<128x256xf32, #tpu.memory_space<vmem>>[vector<16xi32>, vector<16xi32>], vector<16xf32>,
      %sub3A_349 = arith.constant 1 : i32
      %sub3A_350 = vector.broadcast %sub3A_349 : i32 to vector<16xi32>
      %sub3A_351 = arith.subi %scan3A_319, %sub3A_350 : vector<16xi32>
      %select_n3A_352 = arith.select %le3A, %sub3A_351, %scan3A_319 : vector<16xi1>, vector<16xi32>
      %add3A_353 = arith.constant 1 : i32
      %add3A_354 = vector.broadcast %add3A_353 : i32 to vector<16xi32>
      %add3A_355 = arith.addi %scan3A_320, %add3A_354 : vector<16xi32>
      %select_n3A_356 = arith.select %le3A, %scan3A_320, %add3A_355 : vector<16xi1>, vector<16xi32>
      %ge3A_357 = arith.constant 0 : i32
      %ge3A_358 = vector.broadcast %ge3A_357 : i32 to vector<16xi32>
      %ge3A_359 = arith.cmpi sge, %scan3A_321, %ge3A_358 : vector<16xi32>
      %lt3A_360 = arith.constant 128 : i32
      %lt3A_361 = vector.broadcast %lt3A_360 : i32 to vector<16xi32>
      %lt3A_362 = arith.cmpi slt, %scan3A_322, %lt3A_361 : vector<16xi32>
      %jit3A_363 = arith.constant 0 : i32
      %jit3A_364 = arith.constant 127 : i32
      %max3A_365 = vector.broadcast %jit3A_363 : i32 to vector<16xi32>
      %max3A_366 = arith.maxsi %max3A_365, %scan3A_321 : vector<16xi32>
      %min3A_367 = vector.broadcast %jit3A_364 : i32 to vector<16xi32>
      %min3A_368 = arith.minsi %min3A_367, %max3A_366 : vector<16xi32>
      %jit3A_369 = arith.constant 0 : i32
      %jit3A_370 = arith.constant 127 : i32
      %max3A_371 = vector.broadcast %jit3A_369 : i32 to vector<16xi32>
      %max3A_372 = arith.maxsi %max3A_371, %scan3A_322 : vector<16xi32>
      %min3A_373 = vector.broadcast %jit3A_370 : i32 to vector<16xi32>
      %min3A_374 = arith.minsi %min3A_373, %max3A_372 : vector<16xi32>
      %gather3A_375 = tpu.vector_load_idx %arg5[%min3A_368, %add3A_13] : memref<128x256xf32, #tpu.memory_space<vmem>>[vector<16xi32>, vector<16xi32>], vector<16xf32>,
      %gather3A_376 = tpu.vector_load_idx %arg5[%min3A_374, %add3A_13] : memref<128x256xf32, #tpu.memory_space<vmem>>[vector<16xi32>, vector<16xi32>], vector<16xf32>,
      %abs3A_377 = math.absf %gather3A_375 : vector<16xf32>
      %broadcast_in_dim3A_378 = vector.broadcast %scan3A : f32 to vector<16xf32>
      %select_n3A_379 = arith.select %ge3A_359, %abs3A_377, %broadcast_in_dim3A_378 : vector<16xi1>, vector<16xf32>
      %abs3A_380 = math.absf %gather3A_376 : vector<16xf32>
      %broadcast_in_dim3A_381 = vector.broadcast %scan3A : f32 to vector<16xf32>
      %select_n3A_382 = arith.select %lt3A_362, %abs3A_380, %broadcast_in_dim3A_381 : vector<16xi1>, vector<16xf32>
      %le3A_383 = arith.cmpf ole, %select_n3A_379, %select_n3A_382 : vector<16xf32>
      %select_n3A_384 = arith.select %le3A_383, %gather3A_375, %gather3A_376 : vector<16xi1>, vector<16xf32>
      tpu.vector_store_idx %arg6[%add3A_329, %add3A_13], %select_n3A_384 : memref<128x256xf32, #tpu.memory_space<vmem>>[vector<16xi32>, vector<16xi32>], vector<16xf32>,
      %sub3A_385 = arith.constant 1 : i32
      %sub3A_386 = vector.broadcast %sub3A_385 : i32 to vector<16xi32>
      %sub3A_387 = arith.subi %scan3A_321, %sub3A_386 : vector<16xi32>
      %select_n3A_388 = arith.select %le3A_383, %sub3A_387, %scan3A_321 : vector<16xi1>, vector<16xi32>
      %add3A_389 = arith.constant 1 : i32
      %add3A_390 = vector.broadcast %add3A_389 : i32 to vector<16xi32>
      %add3A_391 = arith.addi %scan3A_322, %add3A_390 : vector<16xi32>
      %select_n3A_392 = arith.select %le3A_383, %scan3A_322, %add3A_391 : vector<16xi1>, vector<16xi32>
      %ge3A_393 = arith.constant 0 : i32
      %ge3A_394 = vector.broadcast %ge3A_393 : i32 to vector<16xi32>
      %ge3A_395 = arith.cmpi sge, %scan3A_323, %ge3A_394 : vector<16xi32>
      %lt3A_396 = arith.constant 128 : i32
      %lt3A_397 = vector.broadcast %lt3A_396 : i32 to vector<16xi32>
      %lt3A_398 = arith.cmpi slt, %scan3A_324, %lt3A_397 : vector<16xi32>
      %jit3A_399 = arith.constant 0 : i32
      %jit3A_400 = arith.constant 127 : i32
      %max3A_401 = vector.broadcast %jit3A_399 : i32 to vector<16xi32>
      %max3A_402 = arith.maxsi %max3A_401, %scan3A_323 : vector<16xi32>
      %min3A_403 = vector.broadcast %jit3A_400 : i32 to vector<16xi32>
      %min3A_404 = arith.minsi %min3A_403, %max3A_402 : vector<16xi32>
      %jit3A_405 = arith.constant 0 : i32
      %jit3A_406 = arith.constant 127 : i32
      %max3A_407 = vector.broadcast %jit3A_405 : i32 to vector<16xi32>
      %max3A_408 = arith.maxsi %max3A_407, %scan3A_324 : vector<16xi32>
      %min3A_409 = vector.broadcast %jit3A_406 : i32 to vector<16xi32>
      %min3A_410 = arith.minsi %min3A_409, %max3A_408 : vector<16xi32>
      %gather3A_411 = tpu.vector_load_idx %arg5[%min3A_404, %add3A_21] : memref<128x256xf32, #tpu.memory_space<vmem>>[vector<16xi32>, vector<16xi32>], vector<16xf32>,
      %gather3A_412 = tpu.vector_load_idx %arg5[%min3A_410, %add3A_21] : memref<128x256xf32, #tpu.memory_space<vmem>>[vector<16xi32>, vector<16xi32>], vector<16xf32>,
      %abs3A_413 = math.absf %gather3A_411 : vector<16xf32>
      %broadcast_in_dim3A_414 = vector.broadcast %scan3A : f32 to vector<16xf32>
      %select_n3A_415 = arith.select %ge3A_395, %abs3A_413, %broadcast_in_dim3A_414 : vector<16xi1>, vector<16xf32>
      %abs3A_416 = math.absf %gather3A_412 : vector<16xf32>
      %broadcast_in_dim3A_417 = vector.broadcast %scan3A : f32 to vector<16xf32>
      %select_n3A_418 = arith.select %lt3A_398, %abs3A_416, %broadcast_in_dim3A_417 : vector<16xi1>, vector<16xf32>
      %le3A_419 = arith.cmpf ole, %select_n3A_415, %select_n3A_418 : vector<16xf32>
      %select_n3A_420 = arith.select %le3A_419, %gather3A_411, %gather3A_412 : vector<16xi1>, vector<16xf32>
      tpu.vector_store_idx %arg6[%add3A_329, %add3A_21], %select_n3A_420 : memref<128x256xf32, #tpu.memory_space<vmem>>[vector<16xi32>, vector<16xi32>], vector<16xf32>,
      %sub3A_421 = arith.constant 1 : i32
      %sub3A_422 = vector.broadcast %sub3A_421 : i32 to vector<16xi32>
      %sub3A_423 = arith.subi %scan3A_323, %sub3A_422 : vector<16xi32>
      %select_n3A_424 = arith.select %le3A_419, %sub3A_423, %scan3A_323 : vector<16xi1>, vector<16xi32>
      %add3A_425 = arith.constant 1 : i32
      %add3A_426 = vector.broadcast %add3A_425 : i32 to vector<16xi32>
      %add3A_427 = arith.addi %scan3A_324, %add3A_426 : vector<16xi32>
      %select_n3A_428 = arith.select %le3A_419, %scan3A_324, %add3A_427 : vector<16xi1>, vector<16xi32>
      %ge3A_429 = arith.constant 0 : i32
      %ge3A_430 = vector.broadcast %ge3A_429 : i32 to vector<16xi32>
      %ge3A_431 = arith.cmpi sge, %scan3A_325, %ge3A_430 : vector<16xi32>
      %lt3A_432 = arith.constant 128 : i32
      %lt3A_433 = vector.broadcast %lt3A_432 : i32 to vector<16xi32>
      %lt3A_434 = arith.cmpi slt, %scan3A_326, %lt3A_433 : vector<16xi32>
      %jit3A_435 = arith.constant 0 : i32
      %jit3A_436 = arith.constant 127 : i32
      %max3A_437 = vector.broadcast %jit3A_435 : i32 to vector<16xi32>
      %max3A_438 = arith.maxsi %max3A_437, %scan3A_325 : vector<16xi32>
      %min3A_439 = vector.broadcast %jit3A_436 : i32 to vector<16xi32>
      %min3A_440 = arith.minsi %min3A_439, %max3A_438 : vector<16xi32>
      %jit3A_441 = arith.constant 0 : i32
      %jit3A_442 = arith.constant 127 : i32
      %max3A_443 = vector.broadcast %jit3A_441 : i32 to vector<16xi32>
      %max3A_444 = arith.maxsi %max3A_443, %scan3A_326 : vector<16xi32>
      %min3A_445 = vector.broadcast %jit3A_442 : i32 to vector<16xi32>
      %min3A_446 = arith.minsi %min3A_445, %max3A_444 : vector<16xi32>
      %gather3A_447 = tpu.vector_load_idx %arg5[%min3A_440, %add3A_29] : memref<128x256xf32, #tpu.memory_space<vmem>>[vector<16xi32>, vector<16xi32>], vector<16xf32>,
      %gather3A_448 = tpu.vector_load_idx %arg5[%min3A_446, %add3A_29] : memref<128x256xf32, #tpu.memory_space<vmem>>[vector<16xi32>, vector<16xi32>], vector<16xf32>,
      %abs3A_449 = math.absf %gather3A_447 : vector<16xf32>
      %broadcast_in_dim3A_450 = vector.broadcast %scan3A : f32 to vector<16xf32>
      %select_n3A_451 = arith.select %ge3A_431, %abs3A_449, %broadcast_in_dim3A_450 : vector<16xi1>, vector<16xf32>
      %abs3A_452 = math.absf %gather3A_448 : vector<16xf32>
      %broadcast_in_dim3A_453 = vector.broadcast %scan3A : f32 to vector<16xf32>
      %select_n3A_454 = arith.select %lt3A_434, %abs3A_452, %broadcast_in_dim3A_453 : vector<16xi1>, vector<16xf32>
      %le3A_455 = arith.cmpf ole, %select_n3A_451, %select_n3A_454 : vector<16xf32>
      %select_n3A_456 = arith.select %le3A_455, %gather3A_447, %gather3A_448 : vector<16xi1>, vector<16xf32>
      tpu.vector_store_idx %arg6[%add3A_329, %add3A_29], %select_n3A_456 : memref<128x256xf32, #tpu.memory_space<vmem>>[vector<16xi32>, vector<16xi32>], vector<16xf32>,
      %sub3A_457 = arith.constant 1 : i32
      %sub3A_458 = vector.broadcast %sub3A_457 : i32 to vector<16xi32>
      %sub3A_459 = arith.subi %scan3A_325, %sub3A_458 : vector<16xi32>
      %select_n3A_460 = arith.select %le3A_455, %sub3A_459, %scan3A_325 : vector<16xi1>, vector<16xi32>
      %add3A_461 = arith.constant 1 : i32
      %add3A_462 = vector.broadcast %add3A_461 : i32 to vector<16xi32>
      %add3A_463 = arith.addi %scan3A_326, %add3A_462 : vector<16xi32>
      %select_n3A_464 = arith.select %le3A_455, %scan3A_326, %add3A_463 : vector<16xi1>, vector<16xi32>
      scf.yield %select_n3A_352, %select_n3A_356, %select_n3A_388, %select_n3A_392, %select_n3A_424, %select_n3A_428, %select_n3A_460, %select_n3A_464 : vector<16xi32>, vector<16xi32>, vector<16xi32>, vector<16xi32>, vector<16xi32>, vector<16xi32>, vector<16xi32>, vector<16xi32>
    }
    %scan3A_40 = arith.constant 128 : i32
    %add3A_41 = arith.constant 64 : i32
    %add3A_42 = vector.broadcast %add3A_41 : i32 to vector<16xi32>
    %add3A_43 = arith.addi %add3A_42, %iota3A : vector<16xi32>
    %get3A_44 = arith.constant 64 : index
    %get3A_45 = tpu.vector_load %arg7[%get3A_44] {strides = array<i32>} : memref<256xi32, #tpu.memory_space<vmem>>, vector<16xi32>,
    %sub3A_46 = arith.constant 1 : i32
    %sub3A_47 = vector.broadcast %sub3A_46 : i32 to vector<16xi32>
    %sub3A_48 = arith.subi %get3A_45, %sub3A_47 : vector<16xi32>
    %add3A_49 = arith.constant 80 : i32
    %add3A_50 = vector.broadcast %add3A_49 : i32 to vector<16xi32>
    %add3A_51 = arith.addi %add3A_50, %iota3A : vector<16xi32>
    %get3A_52 = arith.constant 80 : index
    %get3A_53 = tpu.vector_load %arg7[%get3A_52] {strides = array<i32>} : memref<256xi32, #tpu.memory_space<vmem>>, vector<16xi32>,
    %sub3A_54 = arith.constant 1 : i32
    %sub3A_55 = vector.broadcast %sub3A_54 : i32 to vector<16xi32>
    %sub3A_56 = arith.subi %get3A_53, %sub3A_55 : vector<16xi32>
    %add3A_57 = arith.constant 96 : i32
    %add3A_58 = vector.broadcast %add3A_57 : i32 to vector<16xi32>
    %add3A_59 = arith.addi %add3A_58, %iota3A : vector<16xi32>
    %get3A_60 = arith.constant 96 : index
    %get3A_61 = tpu.vector_load %arg7[%get3A_60] {strides = array<i32>} : memref<256xi32, #tpu.memory_space<vmem>>, vector<16xi32>,
    %sub3A_62 = arith.constant 1 : i32
    %sub3A_63 = vector.broadcast %sub3A_62 : i32 to vector<16xi32>
    %sub3A_64 = arith.subi %get3A_61, %sub3A_63 : vector<16xi32>
    %add3A_65 = arith.constant 112 : i32
    %add3A_66 = vector.broadcast %add3A_65 : i32 to vector<16xi32>
    %add3A_67 = arith.addi %add3A_66, %iota3A : vector<16xi32>
    %get3A_68 = arith.constant 112 : index
    %get3A_69 = tpu.vector_load %arg7[%get3A_68] {strides = array<i32>} : memref<256xi32, #tpu.memory_space<vmem>>, vector<16xi32>,
    %sub3A_70 = arith.constant 1 : i32
    %sub3A_71 = vector.broadcast %sub3A_70 : i32 to vector<16xi32>
    %sub3A_72 = arith.subi %get3A_69, %sub3A_71 : vector<16xi32>
    %scan3A_73 = arith.constant 3.000000e+38 : f32
    %scan3A_74 = arith.constant 0 : i32
    %scan3A_75 = arith.constant 128 : i32
    %scan3A_76 = arith.addi %scan3A_74, %scan3A_75 : i32
    %scan3A_77 = arith.constant 1 : i32
    %scan3A_78:8 = scf.for %scan3A_318 = %scan3A_74 to %scan3A_76 step %scan3A_77 iter_args(%scan3A_319 = %sub3A_48, %scan3A_320 = %get3A_45, %scan3A_321 = %sub3A_56, %scan3A_322 = %get3A_53, %scan3A_323 = %sub3A_64, %scan3A_324 = %get3A_61, %scan3A_325 = %sub3A_72, %scan3A_326 = %get3A_69) -> (vector<16xi32>, vector<16xi32>, vector<16xi32>, vector<16xi32>, vector<16xi32>, vector<16xi32>, vector<16xi32>, vector<16xi32>)  : i32 {
      %broadcast_in_dim3A = arith.constant 0 : i32
      %broadcast_in_dim3A_327 = vector.broadcast %broadcast_in_dim3A : i32 to vector<16xi32>
      %add3A_328 = vector.broadcast %scan3A_318 : i32 to vector<16xi32>
      %add3A_329 = arith.addi %broadcast_in_dim3A_327, %add3A_328 : vector<16xi32>
      %ge3A = arith.constant 0 : i32
      %ge3A_330 = vector.broadcast %ge3A : i32 to vector<16xi32>
      %ge3A_331 = arith.cmpi sge, %scan3A_319, %ge3A_330 : vector<16xi32>
      %lt3A = arith.constant 128 : i32
      %lt3A_332 = vector.broadcast %lt3A : i32 to vector<16xi32>
      %lt3A_333 = arith.cmpi slt, %scan3A_320, %lt3A_332 : vector<16xi32>
      %jit3A = arith.constant 0 : i32
      %jit3A_334 = arith.constant 127 : i32
      %max3A = vector.broadcast %jit3A : i32 to vector<16xi32>
      %max3A_335 = arith.maxsi %max3A, %scan3A_319 : vector<16xi32>
      %min3A = vector.broadcast %jit3A_334 : i32 to vector<16xi32>
      %min3A_336 = arith.minsi %min3A, %max3A_335 : vector<16xi32>
      %jit3A_337 = arith.constant 0 : i32
      %jit3A_338 = arith.constant 127 : i32
      %max3A_339 = vector.broadcast %jit3A_337 : i32 to vector<16xi32>
      %max3A_340 = arith.maxsi %max3A_339, %scan3A_320 : vector<16xi32>
      %min3A_341 = vector.broadcast %jit3A_338 : i32 to vector<16xi32>
      %min3A_342 = arith.minsi %min3A_341, %max3A_340 : vector<16xi32>
      %gather3A = tpu.vector_load_idx %arg5[%min3A_336, %add3A_43] : memref<128x256xf32, #tpu.memory_space<vmem>>[vector<16xi32>, vector<16xi32>], vector<16xf32>,
      %gather3A_343 = tpu.vector_load_idx %arg5[%min3A_342, %add3A_43] : memref<128x256xf32, #tpu.memory_space<vmem>>[vector<16xi32>, vector<16xi32>], vector<16xf32>,
      %abs3A = math.absf %gather3A : vector<16xf32>
      %broadcast_in_dim3A_344 = vector.broadcast %scan3A_73 : f32 to vector<16xf32>
      %select_n3A = arith.select %ge3A_331, %abs3A, %broadcast_in_dim3A_344 : vector<16xi1>, vector<16xf32>
      %abs3A_345 = math.absf %gather3A_343 : vector<16xf32>
      %broadcast_in_dim3A_346 = vector.broadcast %scan3A_73 : f32 to vector<16xf32>
      %select_n3A_347 = arith.select %lt3A_333, %abs3A_345, %broadcast_in_dim3A_346 : vector<16xi1>, vector<16xf32>
      %le3A = arith.cmpf ole, %select_n3A, %select_n3A_347 : vector<16xf32>
      %select_n3A_348 = arith.select %le3A, %gather3A, %gather3A_343 : vector<16xi1>, vector<16xf32>
      tpu.vector_store_idx %arg6[%add3A_329, %add3A_43], %select_n3A_348 : memref<128x256xf32, #tpu.memory_space<vmem>>[vector<16xi32>, vector<16xi32>], vector<16xf32>,
      %sub3A_349 = arith.constant 1 : i32
      %sub3A_350 = vector.broadcast %sub3A_349 : i32 to vector<16xi32>
      %sub3A_351 = arith.subi %scan3A_319, %sub3A_350 : vector<16xi32>
      %select_n3A_352 = arith.select %le3A, %sub3A_351, %scan3A_319 : vector<16xi1>, vector<16xi32>
      %add3A_353 = arith.constant 1 : i32
      %add3A_354 = vector.broadcast %add3A_353 : i32 to vector<16xi32>
      %add3A_355 = arith.addi %scan3A_320, %add3A_354 : vector<16xi32>
      %select_n3A_356 = arith.select %le3A, %scan3A_320, %add3A_355 : vector<16xi1>, vector<16xi32>
      %ge3A_357 = arith.constant 0 : i32
      %ge3A_358 = vector.broadcast %ge3A_357 : i32 to vector<16xi32>
      %ge3A_359 = arith.cmpi sge, %scan3A_321, %ge3A_358 : vector<16xi32>
      %lt3A_360 = arith.constant 128 : i32
      %lt3A_361 = vector.broadcast %lt3A_360 : i32 to vector<16xi32>
      %lt3A_362 = arith.cmpi slt, %scan3A_322, %lt3A_361 : vector<16xi32>
      %jit3A_363 = arith.constant 0 : i32
      %jit3A_364 = arith.constant 127 : i32
      %max3A_365 = vector.broadcast %jit3A_363 : i32 to vector<16xi32>
      %max3A_366 = arith.maxsi %max3A_365, %scan3A_321 : vector<16xi32>
      %min3A_367 = vector.broadcast %jit3A_364 : i32 to vector<16xi32>
      %min3A_368 = arith.minsi %min3A_367, %max3A_366 : vector<16xi32>
      %jit3A_369 = arith.constant 0 : i32
      %jit3A_370 = arith.constant 127 : i32
      %max3A_371 = vector.broadcast %jit3A_369 : i32 to vector<16xi32>
      %max3A_372 = arith.maxsi %max3A_371, %scan3A_322 : vector<16xi32>
      %min3A_373 = vector.broadcast %jit3A_370 : i32 to vector<16xi32>
      %min3A_374 = arith.minsi %min3A_373, %max3A_372 : vector<16xi32>
      %gather3A_375 = tpu.vector_load_idx %arg5[%min3A_368, %add3A_51] : memref<128x256xf32, #tpu.memory_space<vmem>>[vector<16xi32>, vector<16xi32>], vector<16xf32>,
      %gather3A_376 = tpu.vector_load_idx %arg5[%min3A_374, %add3A_51] : memref<128x256xf32, #tpu.memory_space<vmem>>[vector<16xi32>, vector<16xi32>], vector<16xf32>,
      %abs3A_377 = math.absf %gather3A_375 : vector<16xf32>
      %broadcast_in_dim3A_378 = vector.broadcast %scan3A_73 : f32 to vector<16xf32>
      %select_n3A_379 = arith.select %ge3A_359, %abs3A_377, %broadcast_in_dim3A_378 : vector<16xi1>, vector<16xf32>
      %abs3A_380 = math.absf %gather3A_376 : vector<16xf32>
      %broadcast_in_dim3A_381 = vector.broadcast %scan3A_73 : f32 to vector<16xf32>
      %select_n3A_382 = arith.select %lt3A_362, %abs3A_380, %broadcast_in_dim3A_381 : vector<16xi1>, vector<16xf32>
      %le3A_383 = arith.cmpf ole, %select_n3A_379, %select_n3A_382 : vector<16xf32>
      %select_n3A_384 = arith.select %le3A_383, %gather3A_375, %gather3A_376 : vector<16xi1>, vector<16xf32>
      tpu.vector_store_idx %arg6[%add3A_329, %add3A_51], %select_n3A_384 : memref<128x256xf32, #tpu.memory_space<vmem>>[vector<16xi32>, vector<16xi32>], vector<16xf32>,
      %sub3A_385 = arith.constant 1 : i32
      %sub3A_386 = vector.broadcast %sub3A_385 : i32 to vector<16xi32>
      %sub3A_387 = arith.subi %scan3A_321, %sub3A_386 : vector<16xi32>
      %select_n3A_388 = arith.select %le3A_383, %sub3A_387, %scan3A_321 : vector<16xi1>, vector<16xi32>
      %add3A_389 = arith.constant 1 : i32
      %add3A_390 = vector.broadcast %add3A_389 : i32 to vector<16xi32>
      %add3A_391 = arith.addi %scan3A_322, %add3A_390 : vector<16xi32>
      %select_n3A_392 = arith.select %le3A_383, %scan3A_322, %add3A_391 : vector<16xi1>, vector<16xi32>
      %ge3A_393 = arith.constant 0 : i32
      %ge3A_394 = vector.broadcast %ge3A_393 : i32 to vector<16xi32>
      %ge3A_395 = arith.cmpi sge, %scan3A_323, %ge3A_394 : vector<16xi32>
      %lt3A_396 = arith.constant 128 : i32
      %lt3A_397 = vector.broadcast %lt3A_396 : i32 to vector<16xi32>
      %lt3A_398 = arith.cmpi slt, %scan3A_324, %lt3A_397 : vector<16xi32>
      %jit3A_399 = arith.constant 0 : i32
      %jit3A_400 = arith.constant 127 : i32
      %max3A_401 = vector.broadcast %jit3A_399 : i32 to vector<16xi32>
      %max3A_402 = arith.maxsi %max3A_401, %scan3A_323 : vector<16xi32>
      %min3A_403 = vector.broadcast %jit3A_400 : i32 to vector<16xi32>
      %min3A_404 = arith.minsi %min3A_403, %max3A_402 : vector<16xi32>
      %jit3A_405 = arith.constant 0 : i32
      %jit3A_406 = arith.constant 127 : i32
      %max3A_407 = vector.broadcast %jit3A_405 : i32 to vector<16xi32>
      %max3A_408 = arith.maxsi %max3A_407, %scan3A_324 : vector<16xi32>
      %min3A_409 = vector.broadcast %jit3A_406 : i32 to vector<16xi32>
      %min3A_410 = arith.minsi %min3A_409, %max3A_408 : vector<16xi32>
      %gather3A_411 = tpu.vector_load_idx %arg5[%min3A_404, %add3A_59] : memref<128x256xf32, #tpu.memory_space<vmem>>[vector<16xi32>, vector<16xi32>], vector<16xf32>,
      %gather3A_412 = tpu.vector_load_idx %arg5[%min3A_410, %add3A_59] : memref<128x256xf32, #tpu.memory_space<vmem>>[vector<16xi32>, vector<16xi32>], vector<16xf32>,
      %abs3A_413 = math.absf %gather3A_411 : vector<16xf32>
      %broadcast_in_dim3A_414 = vector.broadcast %scan3A_73 : f32 to vector<16xf32>
      %select_n3A_415 = arith.select %ge3A_395, %abs3A_413, %broadcast_in_dim3A_414 : vector<16xi1>, vector<16xf32>
      %abs3A_416 = math.absf %gather3A_412 : vector<16xf32>
      %broadcast_in_dim3A_417 = vector.broadcast %scan3A_73 : f32 to vector<16xf32>
      %select_n3A_418 = arith.select %lt3A_398, %abs3A_416, %broadcast_in_dim3A_417 : vector<16xi1>, vector<16xf32>
      %le3A_419 = arith.cmpf ole, %select_n3A_415, %select_n3A_418 : vector<16xf32>
      %select_n3A_420 = arith.select %le3A_419, %gather3A_411, %gather3A_412 : vector<16xi1>, vector<16xf32>
      tpu.vector_store_idx %arg6[%add3A_329, %add3A_59], %select_n3A_420 : memref<128x256xf32, #tpu.memory_space<vmem>>[vector<16xi32>, vector<16xi32>], vector<16xf32>,
      %sub3A_421 = arith.constant 1 : i32
      %sub3A_422 = vector.broadcast %sub3A_421 : i32 to vector<16xi32>
      %sub3A_423 = arith.subi %scan3A_323, %sub3A_422 : vector<16xi32>
      %select_n3A_424 = arith.select %le3A_419, %sub3A_423, %scan3A_323 : vector<16xi1>, vector<16xi32>
      %add3A_425 = arith.constant 1 : i32
      %add3A_426 = vector.broadcast %add3A_425 : i32 to vector<16xi32>
      %add3A_427 = arith.addi %scan3A_324, %add3A_426 : vector<16xi32>
      %select_n3A_428 = arith.select %le3A_419, %scan3A_324, %add3A_427 : vector<16xi1>, vector<16xi32>
      %ge3A_429 = arith.constant 0 : i32
      %ge3A_430 = vector.broadcast %ge3A_429 : i32 to vector<16xi32>
      %ge3A_431 = arith.cmpi sge, %scan3A_325, %ge3A_430 : vector<16xi32>
      %lt3A_432 = arith.constant 128 : i32
      %lt3A_433 = vector.broadcast %lt3A_432 : i32 to vector<16xi32>
      %lt3A_434 = arith.cmpi slt, %scan3A_326, %lt3A_433 : vector<16xi32>
      %jit3A_435 = arith.constant 0 : i32
      %jit3A_436 = arith.constant 127 : i32
      %max3A_437 = vector.broadcast %jit3A_435 : i32 to vector<16xi32>
      %max3A_438 = arith.maxsi %max3A_437, %scan3A_325 : vector<16xi32>
      %min3A_439 = vector.broadcast %jit3A_436 : i32 to vector<16xi32>
      %min3A_440 = arith.minsi %min3A_439, %max3A_438 : vector<16xi32>
      %jit3A_441 = arith.constant 0 : i32
      %jit3A_442 = arith.constant 127 : i32
      %max3A_443 = vector.broadcast %jit3A_441 : i32 to vector<16xi32>
      %max3A_444 = arith.maxsi %max3A_443, %scan3A_326 : vector<16xi32>
      %min3A_445 = vector.broadcast %jit3A_442 : i32 to vector<16xi32>
      %min3A_446 = arith.minsi %min3A_445, %max3A_444 : vector<16xi32>
      %gather3A_447 = tpu.vector_load_idx %arg5[%min3A_440, %add3A_67] : memref<128x256xf32, #tpu.memory_space<vmem>>[vector<16xi32>, vector<16xi32>], vector<16xf32>,
      %gather3A_448 = tpu.vector_load_idx %arg5[%min3A_446, %add3A_67] : memref<128x256xf32, #tpu.memory_space<vmem>>[vector<16xi32>, vector<16xi32>], vector<16xf32>,
      %abs3A_449 = math.absf %gather3A_447 : vector<16xf32>
      %broadcast_in_dim3A_450 = vector.broadcast %scan3A_73 : f32 to vector<16xf32>
      %select_n3A_451 = arith.select %ge3A_431, %abs3A_449, %broadcast_in_dim3A_450 : vector<16xi1>, vector<16xf32>
      %abs3A_452 = math.absf %gather3A_448 : vector<16xf32>
      %broadcast_in_dim3A_453 = vector.broadcast %scan3A_73 : f32 to vector<16xf32>
      %select_n3A_454 = arith.select %lt3A_434, %abs3A_452, %broadcast_in_dim3A_453 : vector<16xi1>, vector<16xf32>
      %le3A_455 = arith.cmpf ole, %select_n3A_451, %select_n3A_454 : vector<16xf32>
      %select_n3A_456 = arith.select %le3A_455, %gather3A_447, %gather3A_448 : vector<16xi1>, vector<16xf32>
      tpu.vector_store_idx %arg6[%add3A_329, %add3A_67], %select_n3A_456 : memref<128x256xf32, #tpu.memory_space<vmem>>[vector<16xi32>, vector<16xi32>], vector<16xf32>,
      %sub3A_457 = arith.constant 1 : i32
      %sub3A_458 = vector.broadcast %sub3A_457 : i32 to vector<16xi32>
      %sub3A_459 = arith.subi %scan3A_325, %sub3A_458 : vector<16xi32>
      %select_n3A_460 = arith.select %le3A_455, %sub3A_459, %scan3A_325 : vector<16xi1>, vector<16xi32>
      %add3A_461 = arith.constant 1 : i32
      %add3A_462 = vector.broadcast %add3A_461 : i32 to vector<16xi32>
      %add3A_463 = arith.addi %scan3A_326, %add3A_462 : vector<16xi32>
      %select_n3A_464 = arith.select %le3A_455, %scan3A_326, %add3A_463 : vector<16xi1>, vector<16xi32>
      scf.yield %select_n3A_352, %select_n3A_356, %select_n3A_388, %select_n3A_392, %select_n3A_424, %select_n3A_428, %select_n3A_460, %select_n3A_464 : vector<16xi32>, vector<16xi32>, vector<16xi32>, vector<16xi32>, vector<16xi32>, vector<16xi32>, vector<16xi32>, vector<16xi32>
    }
    %scan3A_79 = arith.constant 128 : i32
    %add3A_80 = arith.constant 128 : i32
    %add3A_81 = vector.broadcast %add3A_80 : i32 to vector<16xi32>
    %add3A_82 = arith.addi %add3A_81, %iota3A : vector<16xi32>
    %get3A_83 = arith.constant 128 : index
    %get3A_84 = tpu.vector_load %arg7[%get3A_83] {strides = array<i32>} : memref<256xi32, #tpu.memory_space<vmem>>, vector<16xi32>,
    %sub3A_85 = arith.constant 1 : i32
    %sub3A_86 = vector.broadcast %sub3A_85 : i32 to vector<16xi32>
    %sub3A_87 = arith.subi %get3A_84, %sub3A_86 : vector<16xi32>
    %add3A_88 = arith.constant 144 : i32
    %add3A_89 = vector.broadcast %add3A_88 : i32 to vector<16xi32>
    %add3A_90 = arith.addi %add3A_89, %iota3A : vector<16xi32>
    %get3A_91 = arith.constant 144 : index
    %get3A_92 = tpu.vector_load %arg7[%get3A_91] {strides = array<i32>} : memref<256xi32, #tpu.memory_space<vmem>>, vector<16xi32>,
    %sub3A_93 = arith.constant 1 : i32
    %sub3A_94 = vector.broadcast %sub3A_93 : i32 to vector<16xi32>
    %sub3A_95 = arith.subi %get3A_92, %sub3A_94 : vector<16xi32>
    %add3A_96 = arith.constant 160 : i32
    %add3A_97 = vector.broadcast %add3A_96 : i32 to vector<16xi32>
    %add3A_98 = arith.addi %add3A_97, %iota3A : vector<16xi32>
    %get3A_99 = arith.constant 160 : index
    %get3A_100 = tpu.vector_load %arg7[%get3A_99] {strides = array<i32>} : memref<256xi32, #tpu.memory_space<vmem>>, vector<16xi32>,
    %sub3A_101 = arith.constant 1 : i32
    %sub3A_102 = vector.broadcast %sub3A_101 : i32 to vector<16xi32>
    %sub3A_103 = arith.subi %get3A_100, %sub3A_102 : vector<16xi32>
    %add3A_104 = arith.constant 176 : i32
    %add3A_105 = vector.broadcast %add3A_104 : i32 to vector<16xi32>
    %add3A_106 = arith.addi %add3A_105, %iota3A : vector<16xi32>
    %get3A_107 = arith.constant 176 : index
    %get3A_108 = tpu.vector_load %arg7[%get3A_107] {strides = array<i32>} : memref<256xi32, #tpu.memory_space<vmem>>, vector<16xi32>,
    %sub3A_109 = arith.constant 1 : i32
    %sub3A_110 = vector.broadcast %sub3A_109 : i32 to vector<16xi32>
    %sub3A_111 = arith.subi %get3A_108, %sub3A_110 : vector<16xi32>
    %scan3A_112 = arith.constant 3.000000e+38 : f32
    %scan3A_113 = arith.constant 0 : i32
    %scan3A_114 = arith.constant 128 : i32
    %scan3A_115 = arith.addi %scan3A_113, %scan3A_114 : i32
    %scan3A_116 = arith.constant 1 : i32
    %scan3A_117:8 = scf.for %scan3A_318 = %scan3A_113 to %scan3A_115 step %scan3A_116 iter_args(%scan3A_319 = %sub3A_87, %scan3A_320 = %get3A_84, %scan3A_321 = %sub3A_95, %scan3A_322 = %get3A_92, %scan3A_323 = %sub3A_103, %scan3A_324 = %get3A_100, %scan3A_325 = %sub3A_111, %scan3A_326 = %get3A_108) -> (vector<16xi32>, vector<16xi32>, vector<16xi32>, vector<16xi32>, vector<16xi32>, vector<16xi32>, vector<16xi32>, vector<16xi32>)  : i32 {
      %broadcast_in_dim3A = arith.constant 0 : i32
      %broadcast_in_dim3A_327 = vector.broadcast %broadcast_in_dim3A : i32 to vector<16xi32>
      %add3A_328 = vector.broadcast %scan3A_318 : i32 to vector<16xi32>
      %add3A_329 = arith.addi %broadcast_in_dim3A_327, %add3A_328 : vector<16xi32>
      %ge3A = arith.constant 0 : i32
      %ge3A_330 = vector.broadcast %ge3A : i32 to vector<16xi32>
      %ge3A_331 = arith.cmpi sge, %scan3A_319, %ge3A_330 : vector<16xi32>
      %lt3A = arith.constant 128 : i32
      %lt3A_332 = vector.broadcast %lt3A : i32 to vector<16xi32>
      %lt3A_333 = arith.cmpi slt, %scan3A_320, %lt3A_332 : vector<16xi32>
      %jit3A = arith.constant 0 : i32
      %jit3A_334 = arith.constant 127 : i32
      %max3A = vector.broadcast %jit3A : i32 to vector<16xi32>
      %max3A_335 = arith.maxsi %max3A, %scan3A_319 : vector<16xi32>
      %min3A = vector.broadcast %jit3A_334 : i32 to vector<16xi32>
      %min3A_336 = arith.minsi %min3A, %max3A_335 : vector<16xi32>
      %jit3A_337 = arith.constant 0 : i32
      %jit3A_338 = arith.constant 127 : i32
      %max3A_339 = vector.broadcast %jit3A_337 : i32 to vector<16xi32>
      %max3A_340 = arith.maxsi %max3A_339, %scan3A_320 : vector<16xi32>
      %min3A_341 = vector.broadcast %jit3A_338 : i32 to vector<16xi32>
      %min3A_342 = arith.minsi %min3A_341, %max3A_340 : vector<16xi32>
      %gather3A = tpu.vector_load_idx %arg5[%min3A_336, %add3A_82] : memref<128x256xf32, #tpu.memory_space<vmem>>[vector<16xi32>, vector<16xi32>], vector<16xf32>,
      %gather3A_343 = tpu.vector_load_idx %arg5[%min3A_342, %add3A_82] : memref<128x256xf32, #tpu.memory_space<vmem>>[vector<16xi32>, vector<16xi32>], vector<16xf32>,
      %abs3A = math.absf %gather3A : vector<16xf32>
      %broadcast_in_dim3A_344 = vector.broadcast %scan3A_112 : f32 to vector<16xf32>
      %select_n3A = arith.select %ge3A_331, %abs3A, %broadcast_in_dim3A_344 : vector<16xi1>, vector<16xf32>
      %abs3A_345 = math.absf %gather3A_343 : vector<16xf32>
      %broadcast_in_dim3A_346 = vector.broadcast %scan3A_112 : f32 to vector<16xf32>
      %select_n3A_347 = arith.select %lt3A_333, %abs3A_345, %broadcast_in_dim3A_346 : vector<16xi1>, vector<16xf32>
      %le3A = arith.cmpf ole, %select_n3A, %select_n3A_347 : vector<16xf32>
      %select_n3A_348 = arith.select %le3A, %gather3A, %gather3A_343 : vector<16xi1>, vector<16xf32>
      tpu.vector_store_idx %arg6[%add3A_329, %add3A_82], %select_n3A_348 : memref<128x256xf32, #tpu.memory_space<vmem>>[vector<16xi32>, vector<16xi32>], vector<16xf32>,
      %sub3A_349 = arith.constant 1 : i32
      %sub3A_350 = vector.broadcast %sub3A_349 : i32 to vector<16xi32>
      %sub3A_351 = arith.subi %scan3A_319, %sub3A_350 : vector<16xi32>
      %select_n3A_352 = arith.select %le3A, %sub3A_351, %scan3A_319 : vector<16xi1>, vector<16xi32>
      %add3A_353 = arith.constant 1 : i32
      %add3A_354 = vector.broadcast %add3A_353 : i32 to vector<16xi32>
      %add3A_355 = arith.addi %scan3A_320, %add3A_354 : vector<16xi32>
      %select_n3A_356 = arith.select %le3A, %scan3A_320, %add3A_355 : vector<16xi1>, vector<16xi32>
      %ge3A_357 = arith.constant 0 : i32
      %ge3A_358 = vector.broadcast %ge3A_357 : i32 to vector<16xi32>
      %ge3A_359 = arith.cmpi sge, %scan3A_321, %ge3A_358 : vector<16xi32>
      %lt3A_360 = arith.constant 128 : i32
      %lt3A_361 = vector.broadcast %lt3A_360 : i32 to vector<16xi32>
      %lt3A_362 = arith.cmpi slt, %scan3A_322, %lt3A_361 : vector<16xi32>
      %jit3A_363 = arith.constant 0 : i32
      %jit3A_364 = arith.constant 127 : i32
      %max3A_365 = vector.broadcast %jit3A_363 : i32 to vector<16xi32>
      %max3A_366 = arith.maxsi %max3A_365, %scan3A_321 : vector<16xi32>
      %min3A_367 = vector.broadcast %jit3A_364 : i32 to vector<16xi32>
      %min3A_368 = arith.minsi %min3A_367, %max3A_366 : vector<16xi32>
      %jit3A_369 = arith.constant 0 : i32
      %jit3A_370 = arith.constant 127 : i32
      %max3A_371 = vector.broadcast %jit3A_369 : i32 to vector<16xi32>
      %max3A_372 = arith.maxsi %max3A_371, %scan3A_322 : vector<16xi32>
      %min3A_373 = vector.broadcast %jit3A_370 : i32 to vector<16xi32>
      %min3A_374 = arith.minsi %min3A_373, %max3A_372 : vector<16xi32>
      %gather3A_375 = tpu.vector_load_idx %arg5[%min3A_368, %add3A_90] : memref<128x256xf32, #tpu.memory_space<vmem>>[vector<16xi32>, vector<16xi32>], vector<16xf32>,
      %gather3A_376 = tpu.vector_load_idx %arg5[%min3A_374, %add3A_90] : memref<128x256xf32, #tpu.memory_space<vmem>>[vector<16xi32>, vector<16xi32>], vector<16xf32>,
      %abs3A_377 = math.absf %gather3A_375 : vector<16xf32>
      %broadcast_in_dim3A_378 = vector.broadcast %scan3A_112 : f32 to vector<16xf32>
      %select_n3A_379 = arith.select %ge3A_359, %abs3A_377, %broadcast_in_dim3A_378 : vector<16xi1>, vector<16xf32>
      %abs3A_380 = math.absf %gather3A_376 : vector<16xf32>
      %broadcast_in_dim3A_381 = vector.broadcast %scan3A_112 : f32 to vector<16xf32>
      %select_n3A_382 = arith.select %lt3A_362, %abs3A_380, %broadcast_in_dim3A_381 : vector<16xi1>, vector<16xf32>
      %le3A_383 = arith.cmpf ole, %select_n3A_379, %select_n3A_382 : vector<16xf32>
      %select_n3A_384 = arith.select %le3A_383, %gather3A_375, %gather3A_376 : vector<16xi1>, vector<16xf32>
      tpu.vector_store_idx %arg6[%add3A_329, %add3A_90], %select_n3A_384 : memref<128x256xf32, #tpu.memory_space<vmem>>[vector<16xi32>, vector<16xi32>], vector<16xf32>,
      %sub3A_385 = arith.constant 1 : i32
      %sub3A_386 = vector.broadcast %sub3A_385 : i32 to vector<16xi32>
      %sub3A_387 = arith.subi %scan3A_321, %sub3A_386 : vector<16xi32>
      %select_n3A_388 = arith.select %le3A_383, %sub3A_387, %scan3A_321 : vector<16xi1>, vector<16xi32>
      %add3A_389 = arith.constant 1 : i32
      %add3A_390 = vector.broadcast %add3A_389 : i32 to vector<16xi32>
      %add3A_391 = arith.addi %scan3A_322, %add3A_390 : vector<16xi32>
      %select_n3A_392 = arith.select %le3A_383, %scan3A_322, %add3A_391 : vector<16xi1>, vector<16xi32>
      %ge3A_393 = arith.constant 0 : i32
      %ge3A_394 = vector.broadcast %ge3A_393 : i32 to vector<16xi32>
      %ge3A_395 = arith.cmpi sge, %scan3A_323, %ge3A_394 : vector<16xi32>
      %lt3A_396 = arith.constant 128 : i32
      %lt3A_397 = vector.broadcast %lt3A_396 : i32 to vector<16xi32>
      %lt3A_398 = arith.cmpi slt, %scan3A_324, %lt3A_397 : vector<16xi32>
      %jit3A_399 = arith.constant 0 : i32
      %jit3A_400 = arith.constant 127 : i32
      %max3A_401 = vector.broadcast %jit3A_399 : i32 to vector<16xi32>
      %max3A_402 = arith.maxsi %max3A_401, %scan3A_323 : vector<16xi32>
      %min3A_403 = vector.broadcast %jit3A_400 : i32 to vector<16xi32>
      %min3A_404 = arith.minsi %min3A_403, %max3A_402 : vector<16xi32>
      %jit3A_405 = arith.constant 0 : i32
      %jit3A_406 = arith.constant 127 : i32
      %max3A_407 = vector.broadcast %jit3A_405 : i32 to vector<16xi32>
      %max3A_408 = arith.maxsi %max3A_407, %scan3A_324 : vector<16xi32>
      %min3A_409 = vector.broadcast %jit3A_406 : i32 to vector<16xi32>
      %min3A_410 = arith.minsi %min3A_409, %max3A_408 : vector<16xi32>
      %gather3A_411 = tpu.vector_load_idx %arg5[%min3A_404, %add3A_98] : memref<128x256xf32, #tpu.memory_space<vmem>>[vector<16xi32>, vector<16xi32>], vector<16xf32>,
      %gather3A_412 = tpu.vector_load_idx %arg5[%min3A_410, %add3A_98] : memref<128x256xf32, #tpu.memory_space<vmem>>[vector<16xi32>, vector<16xi32>], vector<16xf32>,
      %abs3A_413 = math.absf %gather3A_411 : vector<16xf32>
      %broadcast_in_dim3A_414 = vector.broadcast %scan3A_112 : f32 to vector<16xf32>
      %select_n3A_415 = arith.select %ge3A_395, %abs3A_413, %broadcast_in_dim3A_414 : vector<16xi1>, vector<16xf32>
      %abs3A_416 = math.absf %gather3A_412 : vector<16xf32>
      %broadcast_in_dim3A_417 = vector.broadcast %scan3A_112 : f32 to vector<16xf32>
      %select_n3A_418 = arith.select %lt3A_398, %abs3A_416, %broadcast_in_dim3A_417 : vector<16xi1>, vector<16xf32>
      %le3A_419 = arith.cmpf ole, %select_n3A_415, %select_n3A_418 : vector<16xf32>
      %select_n3A_420 = arith.select %le3A_419, %gather3A_411, %gather3A_412 : vector<16xi1>, vector<16xf32>
      tpu.vector_store_idx %arg6[%add3A_329, %add3A_98], %select_n3A_420 : memref<128x256xf32, #tpu.memory_space<vmem>>[vector<16xi32>, vector<16xi32>], vector<16xf32>,
      %sub3A_421 = arith.constant 1 : i32
      %sub3A_422 = vector.broadcast %sub3A_421 : i32 to vector<16xi32>
      %sub3A_423 = arith.subi %scan3A_323, %sub3A_422 : vector<16xi32>
      %select_n3A_424 = arith.select %le3A_419, %sub3A_423, %scan3A_323 : vector<16xi1>, vector<16xi32>
      %add3A_425 = arith.constant 1 : i32
      %add3A_426 = vector.broadcast %add3A_425 : i32 to vector<16xi32>
      %add3A_427 = arith.addi %scan3A_324, %add3A_426 : vector<16xi32>
      %select_n3A_428 = arith.select %le3A_419, %scan3A_324, %add3A_427 : vector<16xi1>, vector<16xi32>
      %ge3A_429 = arith.constant 0 : i32
      %ge3A_430 = vector.broadcast %ge3A_429 : i32 to vector<16xi32>
      %ge3A_431 = arith.cmpi sge, %scan3A_325, %ge3A_430 : vector<16xi32>
      %lt3A_432 = arith.constant 128 : i32
      %lt3A_433 = vector.broadcast %lt3A_432 : i32 to vector<16xi32>
      %lt3A_434 = arith.cmpi slt, %scan3A_326, %lt3A_433 : vector<16xi32>
      %jit3A_435 = arith.constant 0 : i32
      %jit3A_436 = arith.constant 127 : i32
      %max3A_437 = vector.broadcast %jit3A_435 : i32 to vector<16xi32>
      %max3A_438 = arith.maxsi %max3A_437, %scan3A_325 : vector<16xi32>
      %min3A_439 = vector.broadcast %jit3A_436 : i32 to vector<16xi32>
      %min3A_440 = arith.minsi %min3A_439, %max3A_438 : vector<16xi32>
      %jit3A_441 = arith.constant 0 : i32
      %jit3A_442 = arith.constant 127 : i32
      %max3A_443 = vector.broadcast %jit3A_441 : i32 to vector<16xi32>
      %max3A_444 = arith.maxsi %max3A_443, %scan3A_326 : vector<16xi32>
      %min3A_445 = vector.broadcast %jit3A_442 : i32 to vector<16xi32>
      %min3A_446 = arith.minsi %min3A_445, %max3A_444 : vector<16xi32>
      %gather3A_447 = tpu.vector_load_idx %arg5[%min3A_440, %add3A_106] : memref<128x256xf32, #tpu.memory_space<vmem>>[vector<16xi32>, vector<16xi32>], vector<16xf32>,
      %gather3A_448 = tpu.vector_load_idx %arg5[%min3A_446, %add3A_106] : memref<128x256xf32, #tpu.memory_space<vmem>>[vector<16xi32>, vector<16xi32>], vector<16xf32>,
      %abs3A_449 = math.absf %gather3A_447 : vector<16xf32>
      %broadcast_in_dim3A_450 = vector.broadcast %scan3A_112 : f32 to vector<16xf32>
      %select_n3A_451 = arith.select %ge3A_431, %abs3A_449, %broadcast_in_dim3A_450 : vector<16xi1>, vector<16xf32>
      %abs3A_452 = math.absf %gather3A_448 : vector<16xf32>
      %broadcast_in_dim3A_453 = vector.broadcast %scan3A_112 : f32 to vector<16xf32>
      %select_n3A_454 = arith.select %lt3A_434, %abs3A_452, %broadcast_in_dim3A_453 : vector<16xi1>, vector<16xf32>
      %le3A_455 = arith.cmpf ole, %select_n3A_451, %select_n3A_454 : vector<16xf32>
      %select_n3A_456 = arith.select %le3A_455, %gather3A_447, %gather3A_448 : vector<16xi1>, vector<16xf32>
      tpu.vector_store_idx %arg6[%add3A_329, %add3A_106], %select_n3A_456 : memref<128x256xf32, #tpu.memory_space<vmem>>[vector<16xi32>, vector<16xi32>], vector<16xf32>,
      %sub3A_457 = arith.constant 1 : i32
      %sub3A_458 = vector.broadcast %sub3A_457 : i32 to vector<16xi32>
      %sub3A_459 = arith.subi %scan3A_325, %sub3A_458 : vector<16xi32>
      %select_n3A_460 = arith.select %le3A_455, %sub3A_459, %scan3A_325 : vector<16xi1>, vector<16xi32>
      %add3A_461 = arith.constant 1 : i32
      %add3A_462 = vector.broadcast %add3A_461 : i32 to vector<16xi32>
      %add3A_463 = arith.addi %scan3A_326, %add3A_462 : vector<16xi32>
      %select_n3A_464 = arith.select %le3A_455, %scan3A_326, %add3A_463 : vector<16xi1>, vector<16xi32>
      scf.yield %select_n3A_352, %select_n3A_356, %select_n3A_388, %select_n3A_392, %select_n3A_424, %select_n3A_428, %select_n3A_460, %select_n3A_464 : vector<16xi32>, vector<16xi32>, vector<16xi32>, vector<16xi32>, vector<16xi32>, vector<16xi32>, vector<16xi32>, vector<16xi32>
    }
    %scan3A_118 = arith.constant 128 : i32
    %add3A_119 = arith.constant 192 : i32
    %add3A_120 = vector.broadcast %add3A_119 : i32 to vector<16xi32>
    %add3A_121 = arith.addi %add3A_120, %iota3A : vector<16xi32>
    %get3A_122 = arith.constant 192 : index
    %get3A_123 = tpu.vector_load %arg7[%get3A_122] {strides = array<i32>} : memref<256xi32, #tpu.memory_space<vmem>>, vector<16xi32>,
    %sub3A_124 = arith.constant 1 : i32
    %sub3A_125 = vector.broadcast %sub3A_124 : i32 to vector<16xi32>
    %sub3A_126 = arith.subi %get3A_123, %sub3A_125 : vector<16xi32>
    %add3A_127 = arith.constant 208 : i32
    %add3A_128 = vector.broadcast %add3A_127 : i32 to vector<16xi32>
    %add3A_129 = arith.addi %add3A_128, %iota3A : vector<16xi32>
    %get3A_130 = arith.constant 208 : index
    %get3A_131 = tpu.vector_load %arg7[%get3A_130] {strides = array<i32>} : memref<256xi32, #tpu.memory_space<vmem>>, vector<16xi32>,
    %sub3A_132 = arith.constant 1 : i32
    %sub3A_133 = vector.broadcast %sub3A_132 : i32 to vector<16xi32>
    %sub3A_134 = arith.subi %get3A_131, %sub3A_133 : vector<16xi32>
    %add3A_135 = arith.constant 224 : i32
    %add3A_136 = vector.broadcast %add3A_135 : i32 to vector<16xi32>
    %add3A_137 = arith.addi %add3A_136, %iota3A : vector<16xi32>
    %get3A_138 = arith.constant 224 : index
    %get3A_139 = tpu.vector_load %arg7[%get3A_138] {strides = array<i32>} : memref<256xi32, #tpu.memory_space<vmem>>, vector<16xi32>,
    %sub3A_140 = arith.constant 1 : i32
    %sub3A_141 = vector.broadcast %sub3A_140 : i32 to vector<16xi32>
    %sub3A_142 = arith.subi %get3A_139, %sub3A_141 : vector<16xi32>
    %add3A_143 = arith.constant 240 : i32
    %add3A_144 = vector.broadcast %add3A_143 : i32 to vector<16xi32>
    %add3A_145 = arith.addi %add3A_144, %iota3A : vector<16xi32>
    %get3A_146 = arith.constant 240 : index
    %get3A_147 = tpu.vector_load %arg7[%get3A_146] {strides = array<i32>} : memref<256xi32, #tpu.memory_space<vmem>>, vector<16xi32>,
    %sub3A_148 = arith.constant 1 : i32
    %sub3A_149 = vector.broadcast %sub3A_148 : i32 to vector<16xi32>
    %sub3A_150 = arith.subi %get3A_147, %sub3A_149 : vector<16xi32>
    %scan3A_151 = arith.constant 3.000000e+38 : f32
    %scan3A_152 = arith.constant 0 : i32
    %scan3A_153 = arith.constant 128 : i32
    %scan3A_154 = arith.addi %scan3A_152, %scan3A_153 : i32
    %scan3A_155 = arith.constant 1 : i32
    %scan3A_156:8 = scf.for %scan3A_318 = %scan3A_152 to %scan3A_154 step %scan3A_155 iter_args(%scan3A_319 = %sub3A_126, %scan3A_320 = %get3A_123, %scan3A_321 = %sub3A_134, %scan3A_322 = %get3A_131, %scan3A_323 = %sub3A_142, %scan3A_324 = %get3A_139, %scan3A_325 = %sub3A_150, %scan3A_326 = %get3A_147) -> (vector<16xi32>, vector<16xi32>, vector<16xi32>, vector<16xi32>, vector<16xi32>, vector<16xi32>, vector<16xi32>, vector<16xi32>)  : i32 {
      %broadcast_in_dim3A = arith.constant 0 : i32
      %broadcast_in_dim3A_327 = vector.broadcast %broadcast_in_dim3A : i32 to vector<16xi32>
      %add3A_328 = vector.broadcast %scan3A_318 : i32 to vector<16xi32>
      %add3A_329 = arith.addi %broadcast_in_dim3A_327, %add3A_328 : vector<16xi32>
      %ge3A = arith.constant 0 : i32
      %ge3A_330 = vector.broadcast %ge3A : i32 to vector<16xi32>
      %ge3A_331 = arith.cmpi sge, %scan3A_319, %ge3A_330 : vector<16xi32>
      %lt3A = arith.constant 128 : i32
      %lt3A_332 = vector.broadcast %lt3A : i32 to vector<16xi32>
      %lt3A_333 = arith.cmpi slt, %scan3A_320, %lt3A_332 : vector<16xi32>
      %jit3A = arith.constant 0 : i32
      %jit3A_334 = arith.constant 127 : i32
      %max3A = vector.broadcast %jit3A : i32 to vector<16xi32>
      %max3A_335 = arith.maxsi %max3A, %scan3A_319 : vector<16xi32>
      %min3A = vector.broadcast %jit3A_334 : i32 to vector<16xi32>
      %min3A_336 = arith.minsi %min3A, %max3A_335 : vector<16xi32>
      %jit3A_337 = arith.constant 0 : i32
      %jit3A_338 = arith.constant 127 : i32
      %max3A_339 = vector.broadcast %jit3A_337 : i32 to vector<16xi32>
      %max3A_340 = arith.maxsi %max3A_339, %scan3A_320 : vector<16xi32>
      %min3A_341 = vector.broadcast %jit3A_338 : i32 to vector<16xi32>
      %min3A_342 = arith.minsi %min3A_341, %max3A_340 : vector<16xi32>
      %gather3A = tpu.vector_load_idx %arg5[%min3A_336, %add3A_121] : memref<128x256xf32, #tpu.memory_space<vmem>>[vector<16xi32>, vector<16xi32>], vector<16xf32>,
      %gather3A_343 = tpu.vector_load_idx %arg5[%min3A_342, %add3A_121] : memref<128x256xf32, #tpu.memory_space<vmem>>[vector<16xi32>, vector<16xi32>], vector<16xf32>,
      %abs3A = math.absf %gather3A : vector<16xf32>
      %broadcast_in_dim3A_344 = vector.broadcast %scan3A_151 : f32 to vector<16xf32>
      %select_n3A = arith.select %ge3A_331, %abs3A, %broadcast_in_dim3A_344 : vector<16xi1>, vector<16xf32>
      %abs3A_345 = math.absf %gather3A_343 : vector<16xf32>
      %broadcast_in_dim3A_346 = vector.broadcast %scan3A_151 : f32 to vector<16xf32>
      %select_n3A_347 = arith.select %lt3A_333, %abs3A_345, %broadcast_in_dim3A_346 : vector<16xi1>, vector<16xf32>
      %le3A = arith.cmpf ole, %select_n3A, %select_n3A_347 : vector<16xf32>
      %select_n3A_348 = arith.select %le3A, %gather3A, %gather3A_343 : vector<16xi1>, vector<16xf32>
      tpu.vector_store_idx %arg6[%add3A_329, %add3A_121], %select_n3A_348 : memref<128x256xf32, #tpu.memory_space<vmem>>[vector<16xi32>, vector<16xi32>], vector<16xf32>,
      %sub3A_349 = arith.constant 1 : i32
      %sub3A_350 = vector.broadcast %sub3A_349 : i32 to vector<16xi32>
      %sub3A_351 = arith.subi %scan3A_319, %sub3A_350 : vector<16xi32>
      %select_n3A_352 = arith.select %le3A, %sub3A_351, %scan3A_319 : vector<16xi1>, vector<16xi32>
      %add3A_353 = arith.constant 1 : i32
      %add3A_354 = vector.broadcast %add3A_353 : i32 to vector<16xi32>
      %add3A_355 = arith.addi %scan3A_320, %add3A_354 : vector<16xi32>
      %select_n3A_356 = arith.select %le3A, %scan3A_320, %add3A_355 : vector<16xi1>, vector<16xi32>
      %ge3A_357 = arith.constant 0 : i32
      %ge3A_358 = vector.broadcast %ge3A_357 : i32 to vector<16xi32>
      %ge3A_359 = arith.cmpi sge, %scan3A_321, %ge3A_358 : vector<16xi32>
      %lt3A_360 = arith.constant 128 : i32
      %lt3A_361 = vector.broadcast %lt3A_360 : i32 to vector<16xi32>
      %lt3A_362 = arith.cmpi slt, %scan3A_322, %lt3A_361 : vector<16xi32>
      %jit3A_363 = arith.constant 0 : i32
      %jit3A_364 = arith.constant 127 : i32
      %max3A_365 = vector.broadcast %jit3A_363 : i32 to vector<16xi32>
      %max3A_366 = arith.maxsi %max3A_365, %scan3A_321 : vector<16xi32>
      %min3A_367 = vector.broadcast %jit3A_364 : i32 to vector<16xi32>
      %min3A_368 = arith.minsi %min3A_367, %max3A_366 : vector<16xi32>
      %jit3A_369 = arith.constant 0 : i32
      %jit3A_370 = arith.constant 127 : i32
      %max3A_371 = vector.broadcast %jit3A_369 : i32 to vector<16xi32>
      %max3A_372 = arith.maxsi %max3A_371, %scan3A_322 : vector<16xi32>
      %min3A_373 = vector.broadcast %jit3A_370 : i32 to vector<16xi32>
      %min3A_374 = arith.minsi %min3A_373, %max3A_372 : vector<16xi32>
      %gather3A_375 = tpu.vector_load_idx %arg5[%min3A_368, %add3A_129] : memref<128x256xf32, #tpu.memory_space<vmem>>[vector<16xi32>, vector<16xi32>], vector<16xf32>,
      %gather3A_376 = tpu.vector_load_idx %arg5[%min3A_374, %add3A_129] : memref<128x256xf32, #tpu.memory_space<vmem>>[vector<16xi32>, vector<16xi32>], vector<16xf32>,
      %abs3A_377 = math.absf %gather3A_375 : vector<16xf32>
      %broadcast_in_dim3A_378 = vector.broadcast %scan3A_151 : f32 to vector<16xf32>
      %select_n3A_379 = arith.select %ge3A_359, %abs3A_377, %broadcast_in_dim3A_378 : vector<16xi1>, vector<16xf32>
      %abs3A_380 = math.absf %gather3A_376 : vector<16xf32>
      %broadcast_in_dim3A_381 = vector.broadcast %scan3A_151 : f32 to vector<16xf32>
      %select_n3A_382 = arith.select %lt3A_362, %abs3A_380, %broadcast_in_dim3A_381 : vector<16xi1>, vector<16xf32>
      %le3A_383 = arith.cmpf ole, %select_n3A_379, %select_n3A_382 : vector<16xf32>
      %select_n3A_384 = arith.select %le3A_383, %gather3A_375, %gather3A_376 : vector<16xi1>, vector<16xf32>
      tpu.vector_store_idx %arg6[%add3A_329, %add3A_129], %select_n3A_384 : memref<128x256xf32, #tpu.memory_space<vmem>>[vector<16xi32>, vector<16xi32>], vector<16xf32>,
      %sub3A_385 = arith.constant 1 : i32
      %sub3A_386 = vector.broadcast %sub3A_385 : i32 to vector<16xi32>
      %sub3A_387 = arith.subi %scan3A_321, %sub3A_386 : vector<16xi32>
      %select_n3A_388 = arith.select %le3A_383, %sub3A_387, %scan3A_321 : vector<16xi1>, vector<16xi32>
      %add3A_389 = arith.constant 1 : i32
      %add3A_390 = vector.broadcast %add3A_389 : i32 to vector<16xi32>
      %add3A_391 = arith.addi %scan3A_322, %add3A_390 : vector<16xi32>
      %select_n3A_392 = arith.select %le3A_383, %scan3A_322, %add3A_391 : vector<16xi1>, vector<16xi32>
      %ge3A_393 = arith.constant 0 : i32
      %ge3A_394 = vector.broadcast %ge3A_393 : i32 to vector<16xi32>
      %ge3A_395 = arith.cmpi sge, %scan3A_323, %ge3A_394 : vector<16xi32>
      %lt3A_396 = arith.constant 128 : i32
      %lt3A_397 = vector.broadcast %lt3A_396 : i32 to vector<16xi32>
      %lt3A_398 = arith.cmpi slt, %scan3A_324, %lt3A_397 : vector<16xi32>
      %jit3A_399 = arith.constant 0 : i32
      %jit3A_400 = arith.constant 127 : i32
      %max3A_401 = vector.broadcast %jit3A_399 : i32 to vector<16xi32>
      %max3A_402 = arith.maxsi %max3A_401, %scan3A_323 : vector<16xi32>
      %min3A_403 = vector.broadcast %jit3A_400 : i32 to vector<16xi32>
      %min3A_404 = arith.minsi %min3A_403, %max3A_402 : vector<16xi32>
      %jit3A_405 = arith.constant 0 : i32
      %jit3A_406 = arith.constant 127 : i32
      %max3A_407 = vector.broadcast %jit3A_405 : i32 to vector<16xi32>
      %max3A_408 = arith.maxsi %max3A_407, %scan3A_324 : vector<16xi32>
      %min3A_409 = vector.broadcast %jit3A_406 : i32 to vector<16xi32>
      %min3A_410 = arith.minsi %min3A_409, %max3A_408 : vector<16xi32>
      %gather3A_411 = tpu.vector_load_idx %arg5[%min3A_404, %add3A_137] : memref<128x256xf32, #tpu.memory_space<vmem>>[vector<16xi32>, vector<16xi32>], vector<16xf32>,
      %gather3A_412 = tpu.vector_load_idx %arg5[%min3A_410, %add3A_137] : memref<128x256xf32, #tpu.memory_space<vmem>>[vector<16xi32>, vector<16xi32>], vector<16xf32>,
      %abs3A_413 = math.absf %gather3A_411 : vector<16xf32>
      %broadcast_in_dim3A_414 = vector.broadcast %scan3A_151 : f32 to vector<16xf32>
      %select_n3A_415 = arith.select %ge3A_395, %abs3A_413, %broadcast_in_dim3A_414 : vector<16xi1>, vector<16xf32>
      %abs3A_416 = math.absf %gather3A_412 : vector<16xf32>
      %broadcast_in_dim3A_417 = vector.broadcast %scan3A_151 : f32 to vector<16xf32>
      %select_n3A_418 = arith.select %lt3A_398, %abs3A_416, %broadcast_in_dim3A_417 : vector<16xi1>, vector<16xf32>
      %le3A_419 = arith.cmpf ole, %select_n3A_415, %select_n3A_418 : vector<16xf32>
      %select_n3A_420 = arith.select %le3A_419, %gather3A_411, %gather3A_412 : vector<16xi1>, vector<16xf32>
      tpu.vector_store_idx %arg6[%add3A_329, %add3A_137], %select_n3A_420 : memref<128x256xf32, #tpu.memory_space<vmem>>[vector<16xi32>, vector<16xi32>], vector<16xf32>,
      %sub3A_421 = arith.constant 1 : i32
      %sub3A_422 = vector.broadcast %sub3A_421 : i32 to vector<16xi32>
      %sub3A_423 = arith.subi %scan3A_323, %sub3A_422 : vector<16xi32>
      %select_n3A_424 = arith.select %le3A_419, %sub3A_423, %scan3A_323 : vector<16xi1>, vector<16xi32>
      %add3A_425 = arith.constant 1 : i32
      %add3A_426 = vector.broadcast %add3A_425 : i32 to vector<16xi32>
      %add3A_427 = arith.addi %scan3A_324, %add3A_426 : vector<16xi32>
      %select_n3A_428 = arith.select %le3A_419, %scan3A_324, %add3A_427 : vector<16xi1>, vector<16xi32>
      %ge3A_429 = arith.constant 0 : i32
      %ge3A_430 = vector.broadcast %ge3A_429 : i32 to vector<16xi32>
      %ge3A_431 = arith.cmpi sge, %scan3A_325, %ge3A_430 : vector<16xi32>
      %lt3A_432 = arith.constant 128 : i32
      %lt3A_433 = vector.broadcast %lt3A_432 : i32 to vector<16xi32>
      %lt3A_434 = arith.cmpi slt, %scan3A_326, %lt3A_433 : vector<16xi32>
      %jit3A_435 = arith.constant 0 : i32
      %jit3A_436 = arith.constant 127 : i32
      %max3A_437 = vector.broadcast %jit3A_435 : i32 to vector<16xi32>
      %max3A_438 = arith.maxsi %max3A_437, %scan3A_325 : vector<16xi32>
      %min3A_439 = vector.broadcast %jit3A_436 : i32 to vector<16xi32>
      %min3A_440 = arith.minsi %min3A_439, %max3A_438 : vector<16xi32>
      %jit3A_441 = arith.constant 0 : i32
      %jit3A_442 = arith.constant 127 : i32
      %max3A_443 = vector.broadcast %jit3A_441 : i32 to vector<16xi32>
      %max3A_444 = arith.maxsi %max3A_443, %scan3A_326 : vector<16xi32>
      %min3A_445 = vector.broadcast %jit3A_442 : i32 to vector<16xi32>
      %min3A_446 = arith.minsi %min3A_445, %max3A_444 : vector<16xi32>
      %gather3A_447 = tpu.vector_load_idx %arg5[%min3A_440, %add3A_145] : memref<128x256xf32, #tpu.memory_space<vmem>>[vector<16xi32>, vector<16xi32>], vector<16xf32>,
      %gather3A_448 = tpu.vector_load_idx %arg5[%min3A_446, %add3A_145] : memref<128x256xf32, #tpu.memory_space<vmem>>[vector<16xi32>, vector<16xi32>], vector<16xf32>,
      %abs3A_449 = math.absf %gather3A_447 : vector<16xf32>
      %broadcast_in_dim3A_450 = vector.broadcast %scan3A_151 : f32 to vector<16xf32>
      %select_n3A_451 = arith.select %ge3A_431, %abs3A_449, %broadcast_in_dim3A_450 : vector<16xi1>, vector<16xf32>
      %abs3A_452 = math.absf %gather3A_448 : vector<16xf32>
      %broadcast_in_dim3A_453 = vector.broadcast %scan3A_151 : f32 to vector<16xf32>
      %select_n3A_454 = arith.select %lt3A_434, %abs3A_452, %broadcast_in_dim3A_453 : vector<16xi1>, vector<16xf32>
      %le3A_455 = arith.cmpf ole, %select_n3A_451, %select_n3A_454 : vector<16xf32>
      %select_n3A_456 = arith.select %le3A_455, %gather3A_447, %gather3A_448 : vector<16xi1>, vector<16xf32>
      tpu.vector_store_idx %arg6[%add3A_329, %add3A_145], %select_n3A_456 : memref<128x256xf32, #tpu.memory_space<vmem>>[vector<16xi32>, vector<16xi32>], vector<16xf32>,
      %sub3A_457 = arith.constant 1 : i32
      %sub3A_458 = vector.broadcast %sub3A_457 : i32 to vector<16xi32>
      %sub3A_459 = arith.subi %scan3A_325, %sub3A_458 : vector<16xi32>
      %select_n3A_460 = arith.select %le3A_455, %sub3A_459, %scan3A_325 : vector<16xi1>, vector<16xi32>
      %add3A_461 = arith.constant 1 : i32
      %add3A_462 = vector.broadcast %add3A_461 : i32 to vector<16xi32>
      %add3A_463 = arith.addi %scan3A_326, %add3A_462 : vector<16xi32>
      %select_n3A_464 = arith.select %le3A_455, %scan3A_326, %add3A_463 : vector<16xi1>, vector<16xi32>
      scf.yield %select_n3A_352, %select_n3A_356, %select_n3A_388, %select_n3A_392, %select_n3A_424, %select_n3A_428, %select_n3A_460, %select_n3A_464 : vector<16xi32>, vector<16xi32>, vector<16xi32>, vector<16xi32>, vector<16xi32>, vector<16xi32>, vector<16xi32>, vector<16xi32>
    }
    %scan3A_157 = arith.constant 128 : i32
    "tpu.region"() ({
      %run_scoped3A = tpu.sem_alloc : memref<!tpu.dma_semaphore, #tpu.memory_space<semaphore_mem>>
      %dma_start3A = arith.constant 0 : i32
      %dma_start3A_318 = tpu.memref_slice %arg4[%dma_start3A, %add3A_4] : memref<128x16384xf32, #tpu.memory_space<hbm>> -> memref<128x256xf32, #tpu.memory_space<hbm>>
      %dma_start3A_319 = arith.constant 0 : i32
      %dma_start3A_320 = tpu.memref_slice %arg4[%dma_start3A_319, %add3A_4] : memref<128x16384xf32, #tpu.memory_space<hbm>> -> memref<128x256xf32, #tpu.memory_space<hbm>>
      tpu.enqueue_dma source(%arg6 : memref<128x256xf32, #tpu.memory_space<vmem>>) target(%dma_start3A_320 : memref<128x256xf32, #tpu.memory_space<hbm>>) target_semaphore(%run_scoped3A : memref<!tpu.dma_semaphore, #tpu.memory_space<semaphore_mem>>)
      %dma_wait3A = arith.constant 0 : i32
      %dma_wait3A_321 = tpu.memref_slice %arg4[%dma_wait3A, %add3A_4] : memref<128x16384xf32, #tpu.memory_space<hbm>> -> memref<128x256xf32, #tpu.memory_space<hbm>>
      %dma_wait3A_322 = arith.constant 0 : i32
      %dma_wait3A_323 = tpu.memref_slice %arg4[%dma_wait3A_322, %add3A_4] : memref<128x16384xf32, #tpu.memory_space<hbm>> -> memref<128x256xf32, #tpu.memory_space<hbm>>
      tpu.wait_dma2 semaphore(%run_scoped3A : memref<!tpu.dma_semaphore, #tpu.memory_space<semaphore_mem>>) src(%arg6 : memref<128x256xf32, #tpu.memory_space<vmem>>) dst(%dma_wait3A_323 : memref<128x256xf32, #tpu.memory_space<hbm>>)
      tpu.yield
    }) : () -> ()
    %mul3A_158 = arith.constant 512 : i32
    %mul3A_159 = arith.muli %add3A, %mul3A_158 : i32
    %add3A_160 = arith.constant 256 : i32
    %add3A_161 = arith.addi %mul3A_159, %add3A_160 : i32
    "tpu.region"() ({
      %run_scoped3A = tpu.sem_alloc : memref<!tpu.dma_semaphore, #tpu.memory_space<semaphore_mem>>
      %dma_start3A = arith.constant 0 : i32
      %dma_start3A_318 = tpu.memref_slice %arg2[%dma_start3A, %add3A_161] : memref<128x16384xf32, #tpu.memory_space<hbm>> -> memref<128x256xf32, #tpu.memory_space<hbm>>
      %dma_start3A_319 = arith.constant 0 : i32
      %dma_start3A_320 = tpu.memref_slice %arg2[%dma_start3A_319, %add3A_161] : memref<128x16384xf32, #tpu.memory_space<hbm>> -> memref<128x256xf32, #tpu.memory_space<hbm>>
      tpu.enqueue_dma source(%dma_start3A_320 : memref<128x256xf32, #tpu.memory_space<hbm>>) target(%arg5 : memref<128x256xf32, #tpu.memory_space<vmem>>) target_semaphore(%run_scoped3A : memref<!tpu.dma_semaphore, #tpu.memory_space<semaphore_mem>>)
      %dma_wait3A = arith.constant 0 : i32
      %dma_wait3A_321 = tpu.memref_slice %arg2[%dma_wait3A, %add3A_161] : memref<128x16384xf32, #tpu.memory_space<hbm>> -> memref<128x256xf32, #tpu.memory_space<hbm>>
      %dma_wait3A_322 = arith.constant 0 : i32
      %dma_wait3A_323 = tpu.memref_slice %arg2[%dma_wait3A_322, %add3A_161] : memref<128x16384xf32, #tpu.memory_space<hbm>> -> memref<128x256xf32, #tpu.memory_space<hbm>>
      tpu.wait_dma2 semaphore(%run_scoped3A : memref<!tpu.dma_semaphore, #tpu.memory_space<semaphore_mem>>) src(%dma_wait3A_323 : memref<128x256xf32, #tpu.memory_space<hbm>>) dst(%arg5 : memref<128x256xf32, #tpu.memory_space<vmem>>)
      tpu.yield
    }) : () -> ()
    "tpu.region"() ({
      %run_scoped3A = tpu.sem_alloc : memref<!tpu.dma_semaphore, #tpu.memory_space<semaphore_mem>>
      %dma_start3A = tpu.memref_slice %arg3[%add3A_161] : memref<16384xi32, #tpu.memory_space<hbm>> -> memref<256xi32, #tpu.memory_space<hbm>>
      %dma_start3A_318 = tpu.memref_slice %arg3[%add3A_161] : memref<16384xi32, #tpu.memory_space<hbm>> -> memref<256xi32, #tpu.memory_space<hbm>>
      tpu.enqueue_dma source(%dma_start3A_318 : memref<256xi32, #tpu.memory_space<hbm>>) target(%arg7 : memref<256xi32, #tpu.memory_space<vmem>>) target_semaphore(%run_scoped3A : memref<!tpu.dma_semaphore, #tpu.memory_space<semaphore_mem>>)
      %dma_wait3A = tpu.memref_slice %arg3[%add3A_161] : memref<16384xi32, #tpu.memory_space<hbm>> -> memref<256xi32, #tpu.memory_space<hbm>>
      %dma_wait3A_319 = tpu.memref_slice %arg3[%add3A_161] : memref<16384xi32, #tpu.memory_space<hbm>> -> memref<256xi32, #tpu.memory_space<hbm>>
      tpu.wait_dma2 semaphore(%run_scoped3A : memref<!tpu.dma_semaphore, #tpu.memory_space<semaphore_mem>>) src(%dma_wait3A_319 : memref<256xi32, #tpu.memory_space<hbm>>) dst(%arg7 : memref<256xi32, #tpu.memory_space<vmem>>)
      tpu.yield
    }) : () -> ()
    %add3A_162 = arith.constant 0 : i32
    %add3A_163 = vector.broadcast %add3A_162 : i32 to vector<16xi32>
    %add3A_164 = arith.addi %add3A_163, %iota3A : vector<16xi32>
    %get3A_165 = arith.constant 0 : index
    %get3A_166 = tpu.vector_load %arg7[%get3A_165] {strides = array<i32>} : memref<256xi32, #tpu.memory_space<vmem>>, vector<16xi32>,
    %sub3A_167 = arith.constant 1 : i32
    %sub3A_168 = vector.broadcast %sub3A_167 : i32 to vector<16xi32>
    %sub3A_169 = arith.subi %get3A_166, %sub3A_168 : vector<16xi32>
    %add3A_170 = arith.constant 16 : i32
    %add3A_171 = vector.broadcast %add3A_170 : i32 to vector<16xi32>
    %add3A_172 = arith.addi %add3A_171, %iota3A : vector<16xi32>
    %get3A_173 = arith.constant 16 : index
    %get3A_174 = tpu.vector_load %arg7[%get3A_173] {strides = array<i32>} : memref<256xi32, #tpu.memory_space<vmem>>, vector<16xi32>,
    %sub3A_175 = arith.constant 1 : i32
    %sub3A_176 = vector.broadcast %sub3A_175 : i32 to vector<16xi32>
    %sub3A_177 = arith.subi %get3A_174, %sub3A_176 : vector<16xi32>
    %add3A_178 = arith.constant 32 : i32
    %add3A_179 = vector.broadcast %add3A_178 : i32 to vector<16xi32>
    %add3A_180 = arith.addi %add3A_179, %iota3A : vector<16xi32>
    %get3A_181 = arith.constant 32 : index
    %get3A_182 = tpu.vector_load %arg7[%get3A_181] {strides = array<i32>} : memref<256xi32, #tpu.memory_space<vmem>>, vector<16xi32>,
    %sub3A_183 = arith.constant 1 : i32
    %sub3A_184 = vector.broadcast %sub3A_183 : i32 to vector<16xi32>
    %sub3A_185 = arith.subi %get3A_182, %sub3A_184 : vector<16xi32>
    %add3A_186 = arith.constant 48 : i32
    %add3A_187 = vector.broadcast %add3A_186 : i32 to vector<16xi32>
    %add3A_188 = arith.addi %add3A_187, %iota3A : vector<16xi32>
    %get3A_189 = arith.constant 48 : index
    %get3A_190 = tpu.vector_load %arg7[%get3A_189] {strides = array<i32>} : memref<256xi32, #tpu.memory_space<vmem>>, vector<16xi32>,
    %sub3A_191 = arith.constant 1 : i32
    %sub3A_192 = vector.broadcast %sub3A_191 : i32 to vector<16xi32>
    %sub3A_193 = arith.subi %get3A_190, %sub3A_192 : vector<16xi32>
    %scan3A_194 = arith.constant 3.000000e+38 : f32
    %scan3A_195 = arith.constant 0 : i32
    %scan3A_196 = arith.constant 128 : i32
    %scan3A_197 = arith.addi %scan3A_195, %scan3A_196 : i32
    %scan3A_198 = arith.constant 1 : i32
    %scan3A_199:8 = scf.for %scan3A_318 = %scan3A_195 to %scan3A_197 step %scan3A_198 iter_args(%scan3A_319 = %sub3A_169, %scan3A_320 = %get3A_166, %scan3A_321 = %sub3A_177, %scan3A_322 = %get3A_174, %scan3A_323 = %sub3A_185, %scan3A_324 = %get3A_182, %scan3A_325 = %sub3A_193, %scan3A_326 = %get3A_190) -> (vector<16xi32>, vector<16xi32>, vector<16xi32>, vector<16xi32>, vector<16xi32>, vector<16xi32>, vector<16xi32>, vector<16xi32>)  : i32 {
      %broadcast_in_dim3A = arith.constant 0 : i32
      %broadcast_in_dim3A_327 = vector.broadcast %broadcast_in_dim3A : i32 to vector<16xi32>
      %add3A_328 = vector.broadcast %scan3A_318 : i32 to vector<16xi32>
      %add3A_329 = arith.addi %broadcast_in_dim3A_327, %add3A_328 : vector<16xi32>
      %ge3A = arith.constant 0 : i32
      %ge3A_330 = vector.broadcast %ge3A : i32 to vector<16xi32>
      %ge3A_331 = arith.cmpi sge, %scan3A_319, %ge3A_330 : vector<16xi32>
      %lt3A = arith.constant 128 : i32
      %lt3A_332 = vector.broadcast %lt3A : i32 to vector<16xi32>
      %lt3A_333 = arith.cmpi slt, %scan3A_320, %lt3A_332 : vector<16xi32>
      %jit3A = arith.constant 0 : i32
      %jit3A_334 = arith.constant 127 : i32
      %max3A = vector.broadcast %jit3A : i32 to vector<16xi32>
      %max3A_335 = arith.maxsi %max3A, %scan3A_319 : vector<16xi32>
      %min3A = vector.broadcast %jit3A_334 : i32 to vector<16xi32>
      %min3A_336 = arith.minsi %min3A, %max3A_335 : vector<16xi32>
      %jit3A_337 = arith.constant 0 : i32
      %jit3A_338 = arith.constant 127 : i32
      %max3A_339 = vector.broadcast %jit3A_337 : i32 to vector<16xi32>
      %max3A_340 = arith.maxsi %max3A_339, %scan3A_320 : vector<16xi32>
      %min3A_341 = vector.broadcast %jit3A_338 : i32 to vector<16xi32>
      %min3A_342 = arith.minsi %min3A_341, %max3A_340 : vector<16xi32>
      %gather3A = tpu.vector_load_idx %arg5[%min3A_336, %add3A_164] : memref<128x256xf32, #tpu.memory_space<vmem>>[vector<16xi32>, vector<16xi32>], vector<16xf32>,
      %gather3A_343 = tpu.vector_load_idx %arg5[%min3A_342, %add3A_164] : memref<128x256xf32, #tpu.memory_space<vmem>>[vector<16xi32>, vector<16xi32>], vector<16xf32>,
      %abs3A = math.absf %gather3A : vector<16xf32>
      %broadcast_in_dim3A_344 = vector.broadcast %scan3A_194 : f32 to vector<16xf32>
      %select_n3A = arith.select %ge3A_331, %abs3A, %broadcast_in_dim3A_344 : vector<16xi1>, vector<16xf32>
      %abs3A_345 = math.absf %gather3A_343 : vector<16xf32>
      %broadcast_in_dim3A_346 = vector.broadcast %scan3A_194 : f32 to vector<16xf32>
      %select_n3A_347 = arith.select %lt3A_333, %abs3A_345, %broadcast_in_dim3A_346 : vector<16xi1>, vector<16xf32>
      %le3A = arith.cmpf ole, %select_n3A, %select_n3A_347 : vector<16xf32>
      %select_n3A_348 = arith.select %le3A, %gather3A, %gather3A_343 : vector<16xi1>, vector<16xf32>
      tpu.vector_store_idx %arg6[%add3A_329, %add3A_164], %select_n3A_348 : memref<128x256xf32, #tpu.memory_space<vmem>>[vector<16xi32>, vector<16xi32>], vector<16xf32>,
      %sub3A_349 = arith.constant 1 : i32
      %sub3A_350 = vector.broadcast %sub3A_349 : i32 to vector<16xi32>
      %sub3A_351 = arith.subi %scan3A_319, %sub3A_350 : vector<16xi32>
      %select_n3A_352 = arith.select %le3A, %sub3A_351, %scan3A_319 : vector<16xi1>, vector<16xi32>
      %add3A_353 = arith.constant 1 : i32
      %add3A_354 = vector.broadcast %add3A_353 : i32 to vector<16xi32>
      %add3A_355 = arith.addi %scan3A_320, %add3A_354 : vector<16xi32>
      %select_n3A_356 = arith.select %le3A, %scan3A_320, %add3A_355 : vector<16xi1>, vector<16xi32>
      %ge3A_357 = arith.constant 0 : i32
      %ge3A_358 = vector.broadcast %ge3A_357 : i32 to vector<16xi32>
      %ge3A_359 = arith.cmpi sge, %scan3A_321, %ge3A_358 : vector<16xi32>
      %lt3A_360 = arith.constant 128 : i32
      %lt3A_361 = vector.broadcast %lt3A_360 : i32 to vector<16xi32>
      %lt3A_362 = arith.cmpi slt, %scan3A_322, %lt3A_361 : vector<16xi32>
      %jit3A_363 = arith.constant 0 : i32
      %jit3A_364 = arith.constant 127 : i32
      %max3A_365 = vector.broadcast %jit3A_363 : i32 to vector<16xi32>
      %max3A_366 = arith.maxsi %max3A_365, %scan3A_321 : vector<16xi32>
      %min3A_367 = vector.broadcast %jit3A_364 : i32 to vector<16xi32>
      %min3A_368 = arith.minsi %min3A_367, %max3A_366 : vector<16xi32>
      %jit3A_369 = arith.constant 0 : i32
      %jit3A_370 = arith.constant 127 : i32
      %max3A_371 = vector.broadcast %jit3A_369 : i32 to vector<16xi32>
      %max3A_372 = arith.maxsi %max3A_371, %scan3A_322 : vector<16xi32>
      %min3A_373 = vector.broadcast %jit3A_370 : i32 to vector<16xi32>
      %min3A_374 = arith.minsi %min3A_373, %max3A_372 : vector<16xi32>
      %gather3A_375 = tpu.vector_load_idx %arg5[%min3A_368, %add3A_172] : memref<128x256xf32, #tpu.memory_space<vmem>>[vector<16xi32>, vector<16xi32>], vector<16xf32>,
      %gather3A_376 = tpu.vector_load_idx %arg5[%min3A_374, %add3A_172] : memref<128x256xf32, #tpu.memory_space<vmem>>[vector<16xi32>, vector<16xi32>], vector<16xf32>,
      %abs3A_377 = math.absf %gather3A_375 : vector<16xf32>
      %broadcast_in_dim3A_378 = vector.broadcast %scan3A_194 : f32 to vector<16xf32>
      %select_n3A_379 = arith.select %ge3A_359, %abs3A_377, %broadcast_in_dim3A_378 : vector<16xi1>, vector<16xf32>
      %abs3A_380 = math.absf %gather3A_376 : vector<16xf32>
      %broadcast_in_dim3A_381 = vector.broadcast %scan3A_194 : f32 to vector<16xf32>
      %select_n3A_382 = arith.select %lt3A_362, %abs3A_380, %broadcast_in_dim3A_381 : vector<16xi1>, vector<16xf32>
      %le3A_383 = arith.cmpf ole, %select_n3A_379, %select_n3A_382 : vector<16xf32>
      %select_n3A_384 = arith.select %le3A_383, %gather3A_375, %gather3A_376 : vector<16xi1>, vector<16xf32>
      tpu.vector_store_idx %arg6[%add3A_329, %add3A_172], %select_n3A_384 : memref<128x256xf32, #tpu.memory_space<vmem>>[vector<16xi32>, vector<16xi32>], vector<16xf32>,
      %sub3A_385 = arith.constant 1 : i32
      %sub3A_386 = vector.broadcast %sub3A_385 : i32 to vector<16xi32>
      %sub3A_387 = arith.subi %scan3A_321, %sub3A_386 : vector<16xi32>
      %select_n3A_388 = arith.select %le3A_383, %sub3A_387, %scan3A_321 : vector<16xi1>, vector<16xi32>
      %add3A_389 = arith.constant 1 : i32
      %add3A_390 = vector.broadcast %add3A_389 : i32 to vector<16xi32>
      %add3A_391 = arith.addi %scan3A_322, %add3A_390 : vector<16xi32>
      %select_n3A_392 = arith.select %le3A_383, %scan3A_322, %add3A_391 : vector<16xi1>, vector<16xi32>
      %ge3A_393 = arith.constant 0 : i32
      %ge3A_394 = vector.broadcast %ge3A_393 : i32 to vector<16xi32>
      %ge3A_395 = arith.cmpi sge, %scan3A_323, %ge3A_394 : vector<16xi32>
      %lt3A_396 = arith.constant 128 : i32
      %lt3A_397 = vector.broadcast %lt3A_396 : i32 to vector<16xi32>
      %lt3A_398 = arith.cmpi slt, %scan3A_324, %lt3A_397 : vector<16xi32>
      %jit3A_399 = arith.constant 0 : i32
      %jit3A_400 = arith.constant 127 : i32
      %max3A_401 = vector.broadcast %jit3A_399 : i32 to vector<16xi32>
      %max3A_402 = arith.maxsi %max3A_401, %scan3A_323 : vector<16xi32>
      %min3A_403 = vector.broadcast %jit3A_400 : i32 to vector<16xi32>
      %min3A_404 = arith.minsi %min3A_403, %max3A_402 : vector<16xi32>
      %jit3A_405 = arith.constant 0 : i32
      %jit3A_406 = arith.constant 127 : i32
      %max3A_407 = vector.broadcast %jit3A_405 : i32 to vector<16xi32>
      %max3A_408 = arith.maxsi %max3A_407, %scan3A_324 : vector<16xi32>
      %min3A_409 = vector.broadcast %jit3A_406 : i32 to vector<16xi32>
      %min3A_410 = arith.minsi %min3A_409, %max3A_408 : vector<16xi32>
      %gather3A_411 = tpu.vector_load_idx %arg5[%min3A_404, %add3A_180] : memref<128x256xf32, #tpu.memory_space<vmem>>[vector<16xi32>, vector<16xi32>], vector<16xf32>,
      %gather3A_412 = tpu.vector_load_idx %arg5[%min3A_410, %add3A_180] : memref<128x256xf32, #tpu.memory_space<vmem>>[vector<16xi32>, vector<16xi32>], vector<16xf32>,
      %abs3A_413 = math.absf %gather3A_411 : vector<16xf32>
      %broadcast_in_dim3A_414 = vector.broadcast %scan3A_194 : f32 to vector<16xf32>
      %select_n3A_415 = arith.select %ge3A_395, %abs3A_413, %broadcast_in_dim3A_414 : vector<16xi1>, vector<16xf32>
      %abs3A_416 = math.absf %gather3A_412 : vector<16xf32>
      %broadcast_in_dim3A_417 = vector.broadcast %scan3A_194 : f32 to vector<16xf32>
      %select_n3A_418 = arith.select %lt3A_398, %abs3A_416, %broadcast_in_dim3A_417 : vector<16xi1>, vector<16xf32>
      %le3A_419 = arith.cmpf ole, %select_n3A_415, %select_n3A_418 : vector<16xf32>
      %select_n3A_420 = arith.select %le3A_419, %gather3A_411, %gather3A_412 : vector<16xi1>, vector<16xf32>
      tpu.vector_store_idx %arg6[%add3A_329, %add3A_180], %select_n3A_420 : memref<128x256xf32, #tpu.memory_space<vmem>>[vector<16xi32>, vector<16xi32>], vector<16xf32>,
      %sub3A_421 = arith.constant 1 : i32
      %sub3A_422 = vector.broadcast %sub3A_421 : i32 to vector<16xi32>
      %sub3A_423 = arith.subi %scan3A_323, %sub3A_422 : vector<16xi32>
      %select_n3A_424 = arith.select %le3A_419, %sub3A_423, %scan3A_323 : vector<16xi1>, vector<16xi32>
      %add3A_425 = arith.constant 1 : i32
      %add3A_426 = vector.broadcast %add3A_425 : i32 to vector<16xi32>
      %add3A_427 = arith.addi %scan3A_324, %add3A_426 : vector<16xi32>
      %select_n3A_428 = arith.select %le3A_419, %scan3A_324, %add3A_427 : vector<16xi1>, vector<16xi32>
      %ge3A_429 = arith.constant 0 : i32
      %ge3A_430 = vector.broadcast %ge3A_429 : i32 to vector<16xi32>
      %ge3A_431 = arith.cmpi sge, %scan3A_325, %ge3A_430 : vector<16xi32>
      %lt3A_432 = arith.constant 128 : i32
      %lt3A_433 = vector.broadcast %lt3A_432 : i32 to vector<16xi32>
      %lt3A_434 = arith.cmpi slt, %scan3A_326, %lt3A_433 : vector<16xi32>
      %jit3A_435 = arith.constant 0 : i32
      %jit3A_436 = arith.constant 127 : i32
      %max3A_437 = vector.broadcast %jit3A_435 : i32 to vector<16xi32>
      %max3A_438 = arith.maxsi %max3A_437, %scan3A_325 : vector<16xi32>
      %min3A_439 = vector.broadcast %jit3A_436 : i32 to vector<16xi32>
      %min3A_440 = arith.minsi %min3A_439, %max3A_438 : vector<16xi32>
      %jit3A_441 = arith.constant 0 : i32
      %jit3A_442 = arith.constant 127 : i32
      %max3A_443 = vector.broadcast %jit3A_441 : i32 to vector<16xi32>
      %max3A_444 = arith.maxsi %max3A_443, %scan3A_326 : vector<16xi32>
      %min3A_445 = vector.broadcast %jit3A_442 : i32 to vector<16xi32>
      %min3A_446 = arith.minsi %min3A_445, %max3A_444 : vector<16xi32>
      %gather3A_447 = tpu.vector_load_idx %arg5[%min3A_440, %add3A_188] : memref<128x256xf32, #tpu.memory_space<vmem>>[vector<16xi32>, vector<16xi32>], vector<16xf32>,
      %gather3A_448 = tpu.vector_load_idx %arg5[%min3A_446, %add3A_188] : memref<128x256xf32, #tpu.memory_space<vmem>>[vector<16xi32>, vector<16xi32>], vector<16xf32>,
      %abs3A_449 = math.absf %gather3A_447 : vector<16xf32>
      %broadcast_in_dim3A_450 = vector.broadcast %scan3A_194 : f32 to vector<16xf32>
      %select_n3A_451 = arith.select %ge3A_431, %abs3A_449, %broadcast_in_dim3A_450 : vector<16xi1>, vector<16xf32>
      %abs3A_452 = math.absf %gather3A_448 : vector<16xf32>
      %broadcast_in_dim3A_453 = vector.broadcast %scan3A_194 : f32 to vector<16xf32>
      %select_n3A_454 = arith.select %lt3A_434, %abs3A_452, %broadcast_in_dim3A_453 : vector<16xi1>, vector<16xf32>
      %le3A_455 = arith.cmpf ole, %select_n3A_451, %select_n3A_454 : vector<16xf32>
      %select_n3A_456 = arith.select %le3A_455, %gather3A_447, %gather3A_448 : vector<16xi1>, vector<16xf32>
      tpu.vector_store_idx %arg6[%add3A_329, %add3A_188], %select_n3A_456 : memref<128x256xf32, #tpu.memory_space<vmem>>[vector<16xi32>, vector<16xi32>], vector<16xf32>,
      %sub3A_457 = arith.constant 1 : i32
      %sub3A_458 = vector.broadcast %sub3A_457 : i32 to vector<16xi32>
      %sub3A_459 = arith.subi %scan3A_325, %sub3A_458 : vector<16xi32>
      %select_n3A_460 = arith.select %le3A_455, %sub3A_459, %scan3A_325 : vector<16xi1>, vector<16xi32>
      %add3A_461 = arith.constant 1 : i32
      %add3A_462 = vector.broadcast %add3A_461 : i32 to vector<16xi32>
      %add3A_463 = arith.addi %scan3A_326, %add3A_462 : vector<16xi32>
      %select_n3A_464 = arith.select %le3A_455, %scan3A_326, %add3A_463 : vector<16xi1>, vector<16xi32>
      scf.yield %select_n3A_352, %select_n3A_356, %select_n3A_388, %select_n3A_392, %select_n3A_424, %select_n3A_428, %select_n3A_460, %select_n3A_464 : vector<16xi32>, vector<16xi32>, vector<16xi32>, vector<16xi32>, vector<16xi32>, vector<16xi32>, vector<16xi32>, vector<16xi32>
    }
    %scan3A_200 = arith.constant 128 : i32
    %add3A_201 = arith.constant 64 : i32
    %add3A_202 = vector.broadcast %add3A_201 : i32 to vector<16xi32>
    %add3A_203 = arith.addi %add3A_202, %iota3A : vector<16xi32>
    %get3A_204 = arith.constant 64 : index
    %get3A_205 = tpu.vector_load %arg7[%get3A_204] {strides = array<i32>} : memref<256xi32, #tpu.memory_space<vmem>>, vector<16xi32>,
    %sub3A_206 = arith.constant 1 : i32
    %sub3A_207 = vector.broadcast %sub3A_206 : i32 to vector<16xi32>
    %sub3A_208 = arith.subi %get3A_205, %sub3A_207 : vector<16xi32>
    %add3A_209 = arith.constant 80 : i32
    %add3A_210 = vector.broadcast %add3A_209 : i32 to vector<16xi32>
    %add3A_211 = arith.addi %add3A_210, %iota3A : vector<16xi32>
    %get3A_212 = arith.constant 80 : index
    %get3A_213 = tpu.vector_load %arg7[%get3A_212] {strides = array<i32>} : memref<256xi32, #tpu.memory_space<vmem>>, vector<16xi32>,
    %sub3A_214 = arith.constant 1 : i32
    %sub3A_215 = vector.broadcast %sub3A_214 : i32 to vector<16xi32>
    %sub3A_216 = arith.subi %get3A_213, %sub3A_215 : vector<16xi32>
    %add3A_217 = arith.constant 96 : i32
    %add3A_218 = vector.broadcast %add3A_217 : i32 to vector<16xi32>
    %add3A_219 = arith.addi %add3A_218, %iota3A : vector<16xi32>
    %get3A_220 = arith.constant 96 : index
    %get3A_221 = tpu.vector_load %arg7[%get3A_220] {strides = array<i32>} : memref<256xi32, #tpu.memory_space<vmem>>, vector<16xi32>,
    %sub3A_222 = arith.constant 1 : i32
    %sub3A_223 = vector.broadcast %sub3A_222 : i32 to vector<16xi32>
    %sub3A_224 = arith.subi %get3A_221, %sub3A_223 : vector<16xi32>
    %add3A_225 = arith.constant 112 : i32
    %add3A_226 = vector.broadcast %add3A_225 : i32 to vector<16xi32>
    %add3A_227 = arith.addi %add3A_226, %iota3A : vector<16xi32>
    %get3A_228 = arith.constant 112 : index
    %get3A_229 = tpu.vector_load %arg7[%get3A_228] {strides = array<i32>} : memref<256xi32, #tpu.memory_space<vmem>>, vector<16xi32>,
    %sub3A_230 = arith.constant 1 : i32
    %sub3A_231 = vector.broadcast %sub3A_230 : i32 to vector<16xi32>
    %sub3A_232 = arith.subi %get3A_229, %sub3A_231 : vector<16xi32>
    %scan3A_233 = arith.constant 3.000000e+38 : f32
    %scan3A_234 = arith.constant 0 : i32
    %scan3A_235 = arith.constant 128 : i32
    %scan3A_236 = arith.addi %scan3A_234, %scan3A_235 : i32
    %scan3A_237 = arith.constant 1 : i32
    %scan3A_238:8 = scf.for %scan3A_318 = %scan3A_234 to %scan3A_236 step %scan3A_237 iter_args(%scan3A_319 = %sub3A_208, %scan3A_320 = %get3A_205, %scan3A_321 = %sub3A_216, %scan3A_322 = %get3A_213, %scan3A_323 = %sub3A_224, %scan3A_324 = %get3A_221, %scan3A_325 = %sub3A_232, %scan3A_326 = %get3A_229) -> (vector<16xi32>, vector<16xi32>, vector<16xi32>, vector<16xi32>, vector<16xi32>, vector<16xi32>, vector<16xi32>, vector<16xi32>)  : i32 {
      %broadcast_in_dim3A = arith.constant 0 : i32
      %broadcast_in_dim3A_327 = vector.broadcast %broadcast_in_dim3A : i32 to vector<16xi32>
      %add3A_328 = vector.broadcast %scan3A_318 : i32 to vector<16xi32>
      %add3A_329 = arith.addi %broadcast_in_dim3A_327, %add3A_328 : vector<16xi32>
      %ge3A = arith.constant 0 : i32
      %ge3A_330 = vector.broadcast %ge3A : i32 to vector<16xi32>
      %ge3A_331 = arith.cmpi sge, %scan3A_319, %ge3A_330 : vector<16xi32>
      %lt3A = arith.constant 128 : i32
      %lt3A_332 = vector.broadcast %lt3A : i32 to vector<16xi32>
      %lt3A_333 = arith.cmpi slt, %scan3A_320, %lt3A_332 : vector<16xi32>
      %jit3A = arith.constant 0 : i32
      %jit3A_334 = arith.constant 127 : i32
      %max3A = vector.broadcast %jit3A : i32 to vector<16xi32>
      %max3A_335 = arith.maxsi %max3A, %scan3A_319 : vector<16xi32>
      %min3A = vector.broadcast %jit3A_334 : i32 to vector<16xi32>
      %min3A_336 = arith.minsi %min3A, %max3A_335 : vector<16xi32>
      %jit3A_337 = arith.constant 0 : i32
      %jit3A_338 = arith.constant 127 : i32
      %max3A_339 = vector.broadcast %jit3A_337 : i32 to vector<16xi32>
      %max3A_340 = arith.maxsi %max3A_339, %scan3A_320 : vector<16xi32>
      %min3A_341 = vector.broadcast %jit3A_338 : i32 to vector<16xi32>
      %min3A_342 = arith.minsi %min3A_341, %max3A_340 : vector<16xi32>
      %gather3A = tpu.vector_load_idx %arg5[%min3A_336, %add3A_203] : memref<128x256xf32, #tpu.memory_space<vmem>>[vector<16xi32>, vector<16xi32>], vector<16xf32>,
      %gather3A_343 = tpu.vector_load_idx %arg5[%min3A_342, %add3A_203] : memref<128x256xf32, #tpu.memory_space<vmem>>[vector<16xi32>, vector<16xi32>], vector<16xf32>,
      %abs3A = math.absf %gather3A : vector<16xf32>
      %broadcast_in_dim3A_344 = vector.broadcast %scan3A_233 : f32 to vector<16xf32>
      %select_n3A = arith.select %ge3A_331, %abs3A, %broadcast_in_dim3A_344 : vector<16xi1>, vector<16xf32>
      %abs3A_345 = math.absf %gather3A_343 : vector<16xf32>
      %broadcast_in_dim3A_346 = vector.broadcast %scan3A_233 : f32 to vector<16xf32>
      %select_n3A_347 = arith.select %lt3A_333, %abs3A_345, %broadcast_in_dim3A_346 : vector<16xi1>, vector<16xf32>
      %le3A = arith.cmpf ole, %select_n3A, %select_n3A_347 : vector<16xf32>
      %select_n3A_348 = arith.select %le3A, %gather3A, %gather3A_343 : vector<16xi1>, vector<16xf32>
      tpu.vector_store_idx %arg6[%add3A_329, %add3A_203], %select_n3A_348 : memref<128x256xf32, #tpu.memory_space<vmem>>[vector<16xi32>, vector<16xi32>], vector<16xf32>,
      %sub3A_349 = arith.constant 1 : i32
      %sub3A_350 = vector.broadcast %sub3A_349 : i32 to vector<16xi32>
      %sub3A_351 = arith.subi %scan3A_319, %sub3A_350 : vector<16xi32>
      %select_n3A_352 = arith.select %le3A, %sub3A_351, %scan3A_319 : vector<16xi1>, vector<16xi32>
      %add3A_353 = arith.constant 1 : i32
      %add3A_354 = vector.broadcast %add3A_353 : i32 to vector<16xi32>
      %add3A_355 = arith.addi %scan3A_320, %add3A_354 : vector<16xi32>
      %select_n3A_356 = arith.select %le3A, %scan3A_320, %add3A_355 : vector<16xi1>, vector<16xi32>
      %ge3A_357 = arith.constant 0 : i32
      %ge3A_358 = vector.broadcast %ge3A_357 : i32 to vector<16xi32>
      %ge3A_359 = arith.cmpi sge, %scan3A_321, %ge3A_358 : vector<16xi32>
      %lt3A_360 = arith.constant 128 : i32
      %lt3A_361 = vector.broadcast %lt3A_360 : i32 to vector<16xi32>
      %lt3A_362 = arith.cmpi slt, %scan3A_322, %lt3A_361 : vector<16xi32>
      %jit3A_363 = arith.constant 0 : i32
      %jit3A_364 = arith.constant 127 : i32
      %max3A_365 = vector.broadcast %jit3A_363 : i32 to vector<16xi32>
      %max3A_366 = arith.maxsi %max3A_365, %scan3A_321 : vector<16xi32>
      %min3A_367 = vector.broadcast %jit3A_364 : i32 to vector<16xi32>
      %min3A_368 = arith.minsi %min3A_367, %max3A_366 : vector<16xi32>
      %jit3A_369 = arith.constant 0 : i32
      %jit3A_370 = arith.constant 127 : i32
      %max3A_371 = vector.broadcast %jit3A_369 : i32 to vector<16xi32>
      %max3A_372 = arith.maxsi %max3A_371, %scan3A_322 : vector<16xi32>
      %min3A_373 = vector.broadcast %jit3A_370 : i32 to vector<16xi32>
      %min3A_374 = arith.minsi %min3A_373, %max3A_372 : vector<16xi32>
      %gather3A_375 = tpu.vector_load_idx %arg5[%min3A_368, %add3A_211] : memref<128x256xf32, #tpu.memory_space<vmem>>[vector<16xi32>, vector<16xi32>], vector<16xf32>,
      %gather3A_376 = tpu.vector_load_idx %arg5[%min3A_374, %add3A_211] : memref<128x256xf32, #tpu.memory_space<vmem>>[vector<16xi32>, vector<16xi32>], vector<16xf32>,
      %abs3A_377 = math.absf %gather3A_375 : vector<16xf32>
      %broadcast_in_dim3A_378 = vector.broadcast %scan3A_233 : f32 to vector<16xf32>
      %select_n3A_379 = arith.select %ge3A_359, %abs3A_377, %broadcast_in_dim3A_378 : vector<16xi1>, vector<16xf32>
      %abs3A_380 = math.absf %gather3A_376 : vector<16xf32>
      %broadcast_in_dim3A_381 = vector.broadcast %scan3A_233 : f32 to vector<16xf32>
      %select_n3A_382 = arith.select %lt3A_362, %abs3A_380, %broadcast_in_dim3A_381 : vector<16xi1>, vector<16xf32>
      %le3A_383 = arith.cmpf ole, %select_n3A_379, %select_n3A_382 : vector<16xf32>
      %select_n3A_384 = arith.select %le3A_383, %gather3A_375, %gather3A_376 : vector<16xi1>, vector<16xf32>
      tpu.vector_store_idx %arg6[%add3A_329, %add3A_211], %select_n3A_384 : memref<128x256xf32, #tpu.memory_space<vmem>>[vector<16xi32>, vector<16xi32>], vector<16xf32>,
      %sub3A_385 = arith.constant 1 : i32
      %sub3A_386 = vector.broadcast %sub3A_385 : i32 to vector<16xi32>
      %sub3A_387 = arith.subi %scan3A_321, %sub3A_386 : vector<16xi32>
      %select_n3A_388 = arith.select %le3A_383, %sub3A_387, %scan3A_321 : vector<16xi1>, vector<16xi32>
      %add3A_389 = arith.constant 1 : i32
      %add3A_390 = vector.broadcast %add3A_389 : i32 to vector<16xi32>
      %add3A_391 = arith.addi %scan3A_322, %add3A_390 : vector<16xi32>
      %select_n3A_392 = arith.select %le3A_383, %scan3A_322, %add3A_391 : vector<16xi1>, vector<16xi32>
      %ge3A_393 = arith.constant 0 : i32
      %ge3A_394 = vector.broadcast %ge3A_393 : i32 to vector<16xi32>
      %ge3A_395 = arith.cmpi sge, %scan3A_323, %ge3A_394 : vector<16xi32>
      %lt3A_396 = arith.constant 128 : i32
      %lt3A_397 = vector.broadcast %lt3A_396 : i32 to vector<16xi32>
      %lt3A_398 = arith.cmpi slt, %scan3A_324, %lt3A_397 : vector<16xi32>
      %jit3A_399 = arith.constant 0 : i32
      %jit3A_400 = arith.constant 127 : i32
      %max3A_401 = vector.broadcast %jit3A_399 : i32 to vector<16xi32>
      %max3A_402 = arith.maxsi %max3A_401, %scan3A_323 : vector<16xi32>
      %min3A_403 = vector.broadcast %jit3A_400 : i32 to vector<16xi32>
      %min3A_404 = arith.minsi %min3A_403, %max3A_402 : vector<16xi32>
      %jit3A_405 = arith.constant 0 : i32
      %jit3A_406 = arith.constant 127 : i32
      %max3A_407 = vector.broadcast %jit3A_405 : i32 to vector<16xi32>
      %max3A_408 = arith.maxsi %max3A_407, %scan3A_324 : vector<16xi32>
      %min3A_409 = vector.broadcast %jit3A_406 : i32 to vector<16xi32>
      %min3A_410 = arith.minsi %min3A_409, %max3A_408 : vector<16xi32>
      %gather3A_411 = tpu.vector_load_idx %arg5[%min3A_404, %add3A_219] : memref<128x256xf32, #tpu.memory_space<vmem>>[vector<16xi32>, vector<16xi32>], vector<16xf32>,
      %gather3A_412 = tpu.vector_load_idx %arg5[%min3A_410, %add3A_219] : memref<128x256xf32, #tpu.memory_space<vmem>>[vector<16xi32>, vector<16xi32>], vector<16xf32>,
      %abs3A_413 = math.absf %gather3A_411 : vector<16xf32>
      %broadcast_in_dim3A_414 = vector.broadcast %scan3A_233 : f32 to vector<16xf32>
      %select_n3A_415 = arith.select %ge3A_395, %abs3A_413, %broadcast_in_dim3A_414 : vector<16xi1>, vector<16xf32>
      %abs3A_416 = math.absf %gather3A_412 : vector<16xf32>
      %broadcast_in_dim3A_417 = vector.broadcast %scan3A_233 : f32 to vector<16xf32>
      %select_n3A_418 = arith.select %lt3A_398, %abs3A_416, %broadcast_in_dim3A_417 : vector<16xi1>, vector<16xf32>
      %le3A_419 = arith.cmpf ole, %select_n3A_415, %select_n3A_418 : vector<16xf32>
      %select_n3A_420 = arith.select %le3A_419, %gather3A_411, %gather3A_412 : vector<16xi1>, vector<16xf32>
      tpu.vector_store_idx %arg6[%add3A_329, %add3A_219], %select_n3A_420 : memref<128x256xf32, #tpu.memory_space<vmem>>[vector<16xi32>, vector<16xi32>], vector<16xf32>,
      %sub3A_421 = arith.constant 1 : i32
      %sub3A_422 = vector.broadcast %sub3A_421 : i32 to vector<16xi32>
      %sub3A_423 = arith.subi %scan3A_323, %sub3A_422 : vector<16xi32>
      %select_n3A_424 = arith.select %le3A_419, %sub3A_423, %scan3A_323 : vector<16xi1>, vector<16xi32>
      %add3A_425 = arith.constant 1 : i32
      %add3A_426 = vector.broadcast %add3A_425 : i32 to vector<16xi32>
      %add3A_427 = arith.addi %scan3A_324, %add3A_426 : vector<16xi32>
      %select_n3A_428 = arith.select %le3A_419, %scan3A_324, %add3A_427 : vector<16xi1>, vector<16xi32>
      %ge3A_429 = arith.constant 0 : i32
      %ge3A_430 = vector.broadcast %ge3A_429 : i32 to vector<16xi32>
      %ge3A_431 = arith.cmpi sge, %scan3A_325, %ge3A_430 : vector<16xi32>
      %lt3A_432 = arith.constant 128 : i32
      %lt3A_433 = vector.broadcast %lt3A_432 : i32 to vector<16xi32>
      %lt3A_434 = arith.cmpi slt, %scan3A_326, %lt3A_433 : vector<16xi32>
      %jit3A_435 = arith.constant 0 : i32
      %jit3A_436 = arith.constant 127 : i32
      %max3A_437 = vector.broadcast %jit3A_435 : i32 to vector<16xi32>
      %max3A_438 = arith.maxsi %max3A_437, %scan3A_325 : vector<16xi32>
      %min3A_439 = vector.broadcast %jit3A_436 : i32 to vector<16xi32>
      %min3A_440 = arith.minsi %min3A_439, %max3A_438 : vector<16xi32>
      %jit3A_441 = arith.constant 0 : i32
      %jit3A_442 = arith.constant 127 : i32
      %max3A_443 = vector.broadcast %jit3A_441 : i32 to vector<16xi32>
      %max3A_444 = arith.maxsi %max3A_443, %scan3A_326 : vector<16xi32>
      %min3A_445 = vector.broadcast %jit3A_442 : i32 to vector<16xi32>
      %min3A_446 = arith.minsi %min3A_445, %max3A_444 : vector<16xi32>
      %gather3A_447 = tpu.vector_load_idx %arg5[%min3A_440, %add3A_227] : memref<128x256xf32, #tpu.memory_space<vmem>>[vector<16xi32>, vector<16xi32>], vector<16xf32>,
      %gather3A_448 = tpu.vector_load_idx %arg5[%min3A_446, %add3A_227] : memref<128x256xf32, #tpu.memory_space<vmem>>[vector<16xi32>, vector<16xi32>], vector<16xf32>,
      %abs3A_449 = math.absf %gather3A_447 : vector<16xf32>
      %broadcast_in_dim3A_450 = vector.broadcast %scan3A_233 : f32 to vector<16xf32>
      %select_n3A_451 = arith.select %ge3A_431, %abs3A_449, %broadcast_in_dim3A_450 : vector<16xi1>, vector<16xf32>
      %abs3A_452 = math.absf %gather3A_448 : vector<16xf32>
      %broadcast_in_dim3A_453 = vector.broadcast %scan3A_233 : f32 to vector<16xf32>
      %select_n3A_454 = arith.select %lt3A_434, %abs3A_452, %broadcast_in_dim3A_453 : vector<16xi1>, vector<16xf32>
      %le3A_455 = arith.cmpf ole, %select_n3A_451, %select_n3A_454 : vector<16xf32>
      %select_n3A_456 = arith.select %le3A_455, %gather3A_447, %gather3A_448 : vector<16xi1>, vector<16xf32>
      tpu.vector_store_idx %arg6[%add3A_329, %add3A_227], %select_n3A_456 : memref<128x256xf32, #tpu.memory_space<vmem>>[vector<16xi32>, vector<16xi32>], vector<16xf32>,
      %sub3A_457 = arith.constant 1 : i32
      %sub3A_458 = vector.broadcast %sub3A_457 : i32 to vector<16xi32>
      %sub3A_459 = arith.subi %scan3A_325, %sub3A_458 : vector<16xi32>
      %select_n3A_460 = arith.select %le3A_455, %sub3A_459, %scan3A_325 : vector<16xi1>, vector<16xi32>
      %add3A_461 = arith.constant 1 : i32
      %add3A_462 = vector.broadcast %add3A_461 : i32 to vector<16xi32>
      %add3A_463 = arith.addi %scan3A_326, %add3A_462 : vector<16xi32>
      %select_n3A_464 = arith.select %le3A_455, %scan3A_326, %add3A_463 : vector<16xi1>, vector<16xi32>
      scf.yield %select_n3A_352, %select_n3A_356, %select_n3A_388, %select_n3A_392, %select_n3A_424, %select_n3A_428, %select_n3A_460, %select_n3A_464 : vector<16xi32>, vector<16xi32>, vector<16xi32>, vector<16xi32>, vector<16xi32>, vector<16xi32>, vector<16xi32>, vector<16xi32>
    }
    %scan3A_239 = arith.constant 128 : i32
    %add3A_240 = arith.constant 128 : i32
    %add3A_241 = vector.broadcast %add3A_240 : i32 to vector<16xi32>
    %add3A_242 = arith.addi %add3A_241, %iota3A : vector<16xi32>
    %get3A_243 = arith.constant 128 : index
    %get3A_244 = tpu.vector_load %arg7[%get3A_243] {strides = array<i32>} : memref<256xi32, #tpu.memory_space<vmem>>, vector<16xi32>,
    %sub3A_245 = arith.constant 1 : i32
    %sub3A_246 = vector.broadcast %sub3A_245 : i32 to vector<16xi32>
    %sub3A_247 = arith.subi %get3A_244, %sub3A_246 : vector<16xi32>
    %add3A_248 = arith.constant 144 : i32
    %add3A_249 = vector.broadcast %add3A_248 : i32 to vector<16xi32>
    %add3A_250 = arith.addi %add3A_249, %iota3A : vector<16xi32>
    %get3A_251 = arith.constant 144 : index
    %get3A_252 = tpu.vector_load %arg7[%get3A_251] {strides = array<i32>} : memref<256xi32, #tpu.memory_space<vmem>>, vector<16xi32>,
    %sub3A_253 = arith.constant 1 : i32
    %sub3A_254 = vector.broadcast %sub3A_253 : i32 to vector<16xi32>
    %sub3A_255 = arith.subi %get3A_252, %sub3A_254 : vector<16xi32>
    %add3A_256 = arith.constant 160 : i32
    %add3A_257 = vector.broadcast %add3A_256 : i32 to vector<16xi32>
    %add3A_258 = arith.addi %add3A_257, %iota3A : vector<16xi32>
    %get3A_259 = arith.constant 160 : index
    %get3A_260 = tpu.vector_load %arg7[%get3A_259] {strides = array<i32>} : memref<256xi32, #tpu.memory_space<vmem>>, vector<16xi32>,
    %sub3A_261 = arith.constant 1 : i32
    %sub3A_262 = vector.broadcast %sub3A_261 : i32 to vector<16xi32>
    %sub3A_263 = arith.subi %get3A_260, %sub3A_262 : vector<16xi32>
    %add3A_264 = arith.constant 176 : i32
    %add3A_265 = vector.broadcast %add3A_264 : i32 to vector<16xi32>
    %add3A_266 = arith.addi %add3A_265, %iota3A : vector<16xi32>
    %get3A_267 = arith.constant 176 : index
    %get3A_268 = tpu.vector_load %arg7[%get3A_267] {strides = array<i32>} : memref<256xi32, #tpu.memory_space<vmem>>, vector<16xi32>,
    %sub3A_269 = arith.constant 1 : i32
    %sub3A_270 = vector.broadcast %sub3A_269 : i32 to vector<16xi32>
    %sub3A_271 = arith.subi %get3A_268, %sub3A_270 : vector<16xi32>
    %scan3A_272 = arith.constant 3.000000e+38 : f32
    %scan3A_273 = arith.constant 0 : i32
    %scan3A_274 = arith.constant 128 : i32
    %scan3A_275 = arith.addi %scan3A_273, %scan3A_274 : i32
    %scan3A_276 = arith.constant 1 : i32
    %scan3A_277:8 = scf.for %scan3A_318 = %scan3A_273 to %scan3A_275 step %scan3A_276 iter_args(%scan3A_319 = %sub3A_247, %scan3A_320 = %get3A_244, %scan3A_321 = %sub3A_255, %scan3A_322 = %get3A_252, %scan3A_323 = %sub3A_263, %scan3A_324 = %get3A_260, %scan3A_325 = %sub3A_271, %scan3A_326 = %get3A_268) -> (vector<16xi32>, vector<16xi32>, vector<16xi32>, vector<16xi32>, vector<16xi32>, vector<16xi32>, vector<16xi32>, vector<16xi32>)  : i32 {
      %broadcast_in_dim3A = arith.constant 0 : i32
      %broadcast_in_dim3A_327 = vector.broadcast %broadcast_in_dim3A : i32 to vector<16xi32>
      %add3A_328 = vector.broadcast %scan3A_318 : i32 to vector<16xi32>
      %add3A_329 = arith.addi %broadcast_in_dim3A_327, %add3A_328 : vector<16xi32>
      %ge3A = arith.constant 0 : i32
      %ge3A_330 = vector.broadcast %ge3A : i32 to vector<16xi32>
      %ge3A_331 = arith.cmpi sge, %scan3A_319, %ge3A_330 : vector<16xi32>
      %lt3A = arith.constant 128 : i32
      %lt3A_332 = vector.broadcast %lt3A : i32 to vector<16xi32>
      %lt3A_333 = arith.cmpi slt, %scan3A_320, %lt3A_332 : vector<16xi32>
      %jit3A = arith.constant 0 : i32
      %jit3A_334 = arith.constant 127 : i32
      %max3A = vector.broadcast %jit3A : i32 to vector<16xi32>
      %max3A_335 = arith.maxsi %max3A, %scan3A_319 : vector<16xi32>
      %min3A = vector.broadcast %jit3A_334 : i32 to vector<16xi32>
      %min3A_336 = arith.minsi %min3A, %max3A_335 : vector<16xi32>
      %jit3A_337 = arith.constant 0 : i32
      %jit3A_338 = arith.constant 127 : i32
      %max3A_339 = vector.broadcast %jit3A_337 : i32 to vector<16xi32>
      %max3A_340 = arith.maxsi %max3A_339, %scan3A_320 : vector<16xi32>
      %min3A_341 = vector.broadcast %jit3A_338 : i32 to vector<16xi32>
      %min3A_342 = arith.minsi %min3A_341, %max3A_340 : vector<16xi32>
      %gather3A = tpu.vector_load_idx %arg5[%min3A_336, %add3A_242] : memref<128x256xf32, #tpu.memory_space<vmem>>[vector<16xi32>, vector<16xi32>], vector<16xf32>,
      %gather3A_343 = tpu.vector_load_idx %arg5[%min3A_342, %add3A_242] : memref<128x256xf32, #tpu.memory_space<vmem>>[vector<16xi32>, vector<16xi32>], vector<16xf32>,
      %abs3A = math.absf %gather3A : vector<16xf32>
      %broadcast_in_dim3A_344 = vector.broadcast %scan3A_272 : f32 to vector<16xf32>
      %select_n3A = arith.select %ge3A_331, %abs3A, %broadcast_in_dim3A_344 : vector<16xi1>, vector<16xf32>
      %abs3A_345 = math.absf %gather3A_343 : vector<16xf32>
      %broadcast_in_dim3A_346 = vector.broadcast %scan3A_272 : f32 to vector<16xf32>
      %select_n3A_347 = arith.select %lt3A_333, %abs3A_345, %broadcast_in_dim3A_346 : vector<16xi1>, vector<16xf32>
      %le3A = arith.cmpf ole, %select_n3A, %select_n3A_347 : vector<16xf32>
      %select_n3A_348 = arith.select %le3A, %gather3A, %gather3A_343 : vector<16xi1>, vector<16xf32>
      tpu.vector_store_idx %arg6[%add3A_329, %add3A_242], %select_n3A_348 : memref<128x256xf32, #tpu.memory_space<vmem>>[vector<16xi32>, vector<16xi32>], vector<16xf32>,
      %sub3A_349 = arith.constant 1 : i32
      %sub3A_350 = vector.broadcast %sub3A_349 : i32 to vector<16xi32>
      %sub3A_351 = arith.subi %scan3A_319, %sub3A_350 : vector<16xi32>
      %select_n3A_352 = arith.select %le3A, %sub3A_351, %scan3A_319 : vector<16xi1>, vector<16xi32>
      %add3A_353 = arith.constant 1 : i32
      %add3A_354 = vector.broadcast %add3A_353 : i32 to vector<16xi32>
      %add3A_355 = arith.addi %scan3A_320, %add3A_354 : vector<16xi32>
      %select_n3A_356 = arith.select %le3A, %scan3A_320, %add3A_355 : vector<16xi1>, vector<16xi32>
      %ge3A_357 = arith.constant 0 : i32
      %ge3A_358 = vector.broadcast %ge3A_357 : i32 to vector<16xi32>
      %ge3A_359 = arith.cmpi sge, %scan3A_321, %ge3A_358 : vector<16xi32>
      %lt3A_360 = arith.constant 128 : i32
      %lt3A_361 = vector.broadcast %lt3A_360 : i32 to vector<16xi32>
      %lt3A_362 = arith.cmpi slt, %scan3A_322, %lt3A_361 : vector<16xi32>
      %jit3A_363 = arith.constant 0 : i32
      %jit3A_364 = arith.constant 127 : i32
      %max3A_365 = vector.broadcast %jit3A_363 : i32 to vector<16xi32>
      %max3A_366 = arith.maxsi %max3A_365, %scan3A_321 : vector<16xi32>
      %min3A_367 = vector.broadcast %jit3A_364 : i32 to vector<16xi32>
      %min3A_368 = arith.minsi %min3A_367, %max3A_366 : vector<16xi32>
      %jit3A_369 = arith.constant 0 : i32
      %jit3A_370 = arith.constant 127 : i32
      %max3A_371 = vector.broadcast %jit3A_369 : i32 to vector<16xi32>
      %max3A_372 = arith.maxsi %max3A_371, %scan3A_322 : vector<16xi32>
      %min3A_373 = vector.broadcast %jit3A_370 : i32 to vector<16xi32>
      %min3A_374 = arith.minsi %min3A_373, %max3A_372 : vector<16xi32>
      %gather3A_375 = tpu.vector_load_idx %arg5[%min3A_368, %add3A_250] : memref<128x256xf32, #tpu.memory_space<vmem>>[vector<16xi32>, vector<16xi32>], vector<16xf32>,
      %gather3A_376 = tpu.vector_load_idx %arg5[%min3A_374, %add3A_250] : memref<128x256xf32, #tpu.memory_space<vmem>>[vector<16xi32>, vector<16xi32>], vector<16xf32>,
      %abs3A_377 = math.absf %gather3A_375 : vector<16xf32>
      %broadcast_in_dim3A_378 = vector.broadcast %scan3A_272 : f32 to vector<16xf32>
      %select_n3A_379 = arith.select %ge3A_359, %abs3A_377, %broadcast_in_dim3A_378 : vector<16xi1>, vector<16xf32>
      %abs3A_380 = math.absf %gather3A_376 : vector<16xf32>
      %broadcast_in_dim3A_381 = vector.broadcast %scan3A_272 : f32 to vector<16xf32>
      %select_n3A_382 = arith.select %lt3A_362, %abs3A_380, %broadcast_in_dim3A_381 : vector<16xi1>, vector<16xf32>
      %le3A_383 = arith.cmpf ole, %select_n3A_379, %select_n3A_382 : vector<16xf32>
      %select_n3A_384 = arith.select %le3A_383, %gather3A_375, %gather3A_376 : vector<16xi1>, vector<16xf32>
      tpu.vector_store_idx %arg6[%add3A_329, %add3A_250], %select_n3A_384 : memref<128x256xf32, #tpu.memory_space<vmem>>[vector<16xi32>, vector<16xi32>], vector<16xf32>,
      %sub3A_385 = arith.constant 1 : i32
      %sub3A_386 = vector.broadcast %sub3A_385 : i32 to vector<16xi32>
      %sub3A_387 = arith.subi %scan3A_321, %sub3A_386 : vector<16xi32>
      %select_n3A_388 = arith.select %le3A_383, %sub3A_387, %scan3A_321 : vector<16xi1>, vector<16xi32>
      %add3A_389 = arith.constant 1 : i32
      %add3A_390 = vector.broadcast %add3A_389 : i32 to vector<16xi32>
      %add3A_391 = arith.addi %scan3A_322, %add3A_390 : vector<16xi32>
      %select_n3A_392 = arith.select %le3A_383, %scan3A_322, %add3A_391 : vector<16xi1>, vector<16xi32>
      %ge3A_393 = arith.constant 0 : i32
      %ge3A_394 = vector.broadcast %ge3A_393 : i32 to vector<16xi32>
      %ge3A_395 = arith.cmpi sge, %scan3A_323, %ge3A_394 : vector<16xi32>
      %lt3A_396 = arith.constant 128 : i32
      %lt3A_397 = vector.broadcast %lt3A_396 : i32 to vector<16xi32>
      %lt3A_398 = arith.cmpi slt, %scan3A_324, %lt3A_397 : vector<16xi32>
      %jit3A_399 = arith.constant 0 : i32
      %jit3A_400 = arith.constant 127 : i32
      %max3A_401 = vector.broadcast %jit3A_399 : i32 to vector<16xi32>
      %max3A_402 = arith.maxsi %max3A_401, %scan3A_323 : vector<16xi32>
      %min3A_403 = vector.broadcast %jit3A_400 : i32 to vector<16xi32>
      %min3A_404 = arith.minsi %min3A_403, %max3A_402 : vector<16xi32>
      %jit3A_405 = arith.constant 0 : i32
      %jit3A_406 = arith.constant 127 : i32
      %max3A_407 = vector.broadcast %jit3A_405 : i32 to vector<16xi32>
      %max3A_408 = arith.maxsi %max3A_407, %scan3A_324 : vector<16xi32>
      %min3A_409 = vector.broadcast %jit3A_406 : i32 to vector<16xi32>
      %min3A_410 = arith.minsi %min3A_409, %max3A_408 : vector<16xi32>
      %gather3A_411 = tpu.vector_load_idx %arg5[%min3A_404, %add3A_258] : memref<128x256xf32, #tpu.memory_space<vmem>>[vector<16xi32>, vector<16xi32>], vector<16xf32>,
      %gather3A_412 = tpu.vector_load_idx %arg5[%min3A_410, %add3A_258] : memref<128x256xf32, #tpu.memory_space<vmem>>[vector<16xi32>, vector<16xi32>], vector<16xf32>,
      %abs3A_413 = math.absf %gather3A_411 : vector<16xf32>
      %broadcast_in_dim3A_414 = vector.broadcast %scan3A_272 : f32 to vector<16xf32>
      %select_n3A_415 = arith.select %ge3A_395, %abs3A_413, %broadcast_in_dim3A_414 : vector<16xi1>, vector<16xf32>
      %abs3A_416 = math.absf %gather3A_412 : vector<16xf32>
      %broadcast_in_dim3A_417 = vector.broadcast %scan3A_272 : f32 to vector<16xf32>
      %select_n3A_418 = arith.select %lt3A_398, %abs3A_416, %broadcast_in_dim3A_417 : vector<16xi1>, vector<16xf32>
      %le3A_419 = arith.cmpf ole, %select_n3A_415, %select_n3A_418 : vector<16xf32>
      %select_n3A_420 = arith.select %le3A_419, %gather3A_411, %gather3A_412 : vector<16xi1>, vector<16xf32>
      tpu.vector_store_idx %arg6[%add3A_329, %add3A_258], %select_n3A_420 : memref<128x256xf32, #tpu.memory_space<vmem>>[vector<16xi32>, vector<16xi32>], vector<16xf32>,
      %sub3A_421 = arith.constant 1 : i32
      %sub3A_422 = vector.broadcast %sub3A_421 : i32 to vector<16xi32>
      %sub3A_423 = arith.subi %scan3A_323, %sub3A_422 : vector<16xi32>
      %select_n3A_424 = arith.select %le3A_419, %sub3A_423, %scan3A_323 : vector<16xi1>, vector<16xi32>
      %add3A_425 = arith.constant 1 : i32
      %add3A_426 = vector.broadcast %add3A_425 : i32 to vector<16xi32>
      %add3A_427 = arith.addi %scan3A_324, %add3A_426 : vector<16xi32>
      %select_n3A_428 = arith.select %le3A_419, %scan3A_324, %add3A_427 : vector<16xi1>, vector<16xi32>
      %ge3A_429 = arith.constant 0 : i32
      %ge3A_430 = vector.broadcast %ge3A_429 : i32 to vector<16xi32>
      %ge3A_431 = arith.cmpi sge, %scan3A_325, %ge3A_430 : vector<16xi32>
      %lt3A_432 = arith.constant 128 : i32
      %lt3A_433 = vector.broadcast %lt3A_432 : i32 to vector<16xi32>
      %lt3A_434 = arith.cmpi slt, %scan3A_326, %lt3A_433 : vector<16xi32>
      %jit3A_435 = arith.constant 0 : i32
      %jit3A_436 = arith.constant 127 : i32
      %max3A_437 = vector.broadcast %jit3A_435 : i32 to vector<16xi32>
      %max3A_438 = arith.maxsi %max3A_437, %scan3A_325 : vector<16xi32>
      %min3A_439 = vector.broadcast %jit3A_436 : i32 to vector<16xi32>
      %min3A_440 = arith.minsi %min3A_439, %max3A_438 : vector<16xi32>
      %jit3A_441 = arith.constant 0 : i32
      %jit3A_442 = arith.constant 127 : i32
      %max3A_443 = vector.broadcast %jit3A_441 : i32 to vector<16xi32>
      %max3A_444 = arith.maxsi %max3A_443, %scan3A_326 : vector<16xi32>
      %min3A_445 = vector.broadcast %jit3A_442 : i32 to vector<16xi32>
      %min3A_446 = arith.minsi %min3A_445, %max3A_444 : vector<16xi32>
      %gather3A_447 = tpu.vector_load_idx %arg5[%min3A_440, %add3A_266] : memref<128x256xf32, #tpu.memory_space<vmem>>[vector<16xi32>, vector<16xi32>], vector<16xf32>,
      %gather3A_448 = tpu.vector_load_idx %arg5[%min3A_446, %add3A_266] : memref<128x256xf32, #tpu.memory_space<vmem>>[vector<16xi32>, vector<16xi32>], vector<16xf32>,
      %abs3A_449 = math.absf %gather3A_447 : vector<16xf32>
      %broadcast_in_dim3A_450 = vector.broadcast %scan3A_272 : f32 to vector<16xf32>
      %select_n3A_451 = arith.select %ge3A_431, %abs3A_449, %broadcast_in_dim3A_450 : vector<16xi1>, vector<16xf32>
      %abs3A_452 = math.absf %gather3A_448 : vector<16xf32>
      %broadcast_in_dim3A_453 = vector.broadcast %scan3A_272 : f32 to vector<16xf32>
      %select_n3A_454 = arith.select %lt3A_434, %abs3A_452, %broadcast_in_dim3A_453 : vector<16xi1>, vector<16xf32>
      %le3A_455 = arith.cmpf ole, %select_n3A_451, %select_n3A_454 : vector<16xf32>
      %select_n3A_456 = arith.select %le3A_455, %gather3A_447, %gather3A_448 : vector<16xi1>, vector<16xf32>
      tpu.vector_store_idx %arg6[%add3A_329, %add3A_266], %select_n3A_456 : memref<128x256xf32, #tpu.memory_space<vmem>>[vector<16xi32>, vector<16xi32>], vector<16xf32>,
      %sub3A_457 = arith.constant 1 : i32
      %sub3A_458 = vector.broadcast %sub3A_457 : i32 to vector<16xi32>
      %sub3A_459 = arith.subi %scan3A_325, %sub3A_458 : vector<16xi32>
      %select_n3A_460 = arith.select %le3A_455, %sub3A_459, %scan3A_325 : vector<16xi1>, vector<16xi32>
      %add3A_461 = arith.constant 1 : i32
      %add3A_462 = vector.broadcast %add3A_461 : i32 to vector<16xi32>
      %add3A_463 = arith.addi %scan3A_326, %add3A_462 : vector<16xi32>
      %select_n3A_464 = arith.select %le3A_455, %scan3A_326, %add3A_463 : vector<16xi1>, vector<16xi32>
      scf.yield %select_n3A_352, %select_n3A_356, %select_n3A_388, %select_n3A_392, %select_n3A_424, %select_n3A_428, %select_n3A_460, %select_n3A_464 : vector<16xi32>, vector<16xi32>, vector<16xi32>, vector<16xi32>, vector<16xi32>, vector<16xi32>, vector<16xi32>, vector<16xi32>
    }
    %scan3A_278 = arith.constant 128 : i32
    %add3A_279 = arith.constant 192 : i32
    %add3A_280 = vector.broadcast %add3A_279 : i32 to vector<16xi32>
    %add3A_281 = arith.addi %add3A_280, %iota3A : vector<16xi32>
    %get3A_282 = arith.constant 192 : index
    %get3A_283 = tpu.vector_load %arg7[%get3A_282] {strides = array<i32>} : memref<256xi32, #tpu.memory_space<vmem>>, vector<16xi32>,
    %sub3A_284 = arith.constant 1 : i32
    %sub3A_285 = vector.broadcast %sub3A_284 : i32 to vector<16xi32>
    %sub3A_286 = arith.subi %get3A_283, %sub3A_285 : vector<16xi32>
    %add3A_287 = arith.constant 208 : i32
    %add3A_288 = vector.broadcast %add3A_287 : i32 to vector<16xi32>
    %add3A_289 = arith.addi %add3A_288, %iota3A : vector<16xi32>
    %get3A_290 = arith.constant 208 : index
    %get3A_291 = tpu.vector_load %arg7[%get3A_290] {strides = array<i32>} : memref<256xi32, #tpu.memory_space<vmem>>, vector<16xi32>,
    %sub3A_292 = arith.constant 1 : i32
    %sub3A_293 = vector.broadcast %sub3A_292 : i32 to vector<16xi32>
    %sub3A_294 = arith.subi %get3A_291, %sub3A_293 : vector<16xi32>
    %add3A_295 = arith.constant 224 : i32
    %add3A_296 = vector.broadcast %add3A_295 : i32 to vector<16xi32>
    %add3A_297 = arith.addi %add3A_296, %iota3A : vector<16xi32>
    %get3A_298 = arith.constant 224 : index
    %get3A_299 = tpu.vector_load %arg7[%get3A_298] {strides = array<i32>} : memref<256xi32, #tpu.memory_space<vmem>>, vector<16xi32>,
    %sub3A_300 = arith.constant 1 : i32
    %sub3A_301 = vector.broadcast %sub3A_300 : i32 to vector<16xi32>
    %sub3A_302 = arith.subi %get3A_299, %sub3A_301 : vector<16xi32>
    %add3A_303 = arith.constant 240 : i32
    %add3A_304 = vector.broadcast %add3A_303 : i32 to vector<16xi32>
    %add3A_305 = arith.addi %add3A_304, %iota3A : vector<16xi32>
    %get3A_306 = arith.constant 240 : index
    %get3A_307 = tpu.vector_load %arg7[%get3A_306] {strides = array<i32>} : memref<256xi32, #tpu.memory_space<vmem>>, vector<16xi32>,
    %sub3A_308 = arith.constant 1 : i32
    %sub3A_309 = vector.broadcast %sub3A_308 : i32 to vector<16xi32>
    %sub3A_310 = arith.subi %get3A_307, %sub3A_309 : vector<16xi32>
    %scan3A_311 = arith.constant 3.000000e+38 : f32
    %scan3A_312 = arith.constant 0 : i32
    %scan3A_313 = arith.constant 128 : i32
    %scan3A_314 = arith.addi %scan3A_312, %scan3A_313 : i32
    %scan3A_315 = arith.constant 1 : i32
    %scan3A_316:8 = scf.for %scan3A_318 = %scan3A_312 to %scan3A_314 step %scan3A_315 iter_args(%scan3A_319 = %sub3A_286, %scan3A_320 = %get3A_283, %scan3A_321 = %sub3A_294, %scan3A_322 = %get3A_291, %scan3A_323 = %sub3A_302, %scan3A_324 = %get3A_299, %scan3A_325 = %sub3A_310, %scan3A_326 = %get3A_307) -> (vector<16xi32>, vector<16xi32>, vector<16xi32>, vector<16xi32>, vector<16xi32>, vector<16xi32>, vector<16xi32>, vector<16xi32>)  : i32 {
      %broadcast_in_dim3A = arith.constant 0 : i32
      %broadcast_in_dim3A_327 = vector.broadcast %broadcast_in_dim3A : i32 to vector<16xi32>
      %add3A_328 = vector.broadcast %scan3A_318 : i32 to vector<16xi32>
      %add3A_329 = arith.addi %broadcast_in_dim3A_327, %add3A_328 : vector<16xi32>
      %ge3A = arith.constant 0 : i32
      %ge3A_330 = vector.broadcast %ge3A : i32 to vector<16xi32>
      %ge3A_331 = arith.cmpi sge, %scan3A_319, %ge3A_330 : vector<16xi32>
      %lt3A = arith.constant 128 : i32
      %lt3A_332 = vector.broadcast %lt3A : i32 to vector<16xi32>
      %lt3A_333 = arith.cmpi slt, %scan3A_320, %lt3A_332 : vector<16xi32>
      %jit3A = arith.constant 0 : i32
      %jit3A_334 = arith.constant 127 : i32
      %max3A = vector.broadcast %jit3A : i32 to vector<16xi32>
      %max3A_335 = arith.maxsi %max3A, %scan3A_319 : vector<16xi32>
      %min3A = vector.broadcast %jit3A_334 : i32 to vector<16xi32>
      %min3A_336 = arith.minsi %min3A, %max3A_335 : vector<16xi32>
      %jit3A_337 = arith.constant 0 : i32
      %jit3A_338 = arith.constant 127 : i32
      %max3A_339 = vector.broadcast %jit3A_337 : i32 to vector<16xi32>
      %max3A_340 = arith.maxsi %max3A_339, %scan3A_320 : vector<16xi32>
      %min3A_341 = vector.broadcast %jit3A_338 : i32 to vector<16xi32>
      %min3A_342 = arith.minsi %min3A_341, %max3A_340 : vector<16xi32>
      %gather3A = tpu.vector_load_idx %arg5[%min3A_336, %add3A_281] : memref<128x256xf32, #tpu.memory_space<vmem>>[vector<16xi32>, vector<16xi32>], vector<16xf32>,
      %gather3A_343 = tpu.vector_load_idx %arg5[%min3A_342, %add3A_281] : memref<128x256xf32, #tpu.memory_space<vmem>>[vector<16xi32>, vector<16xi32>], vector<16xf32>,
      %abs3A = math.absf %gather3A : vector<16xf32>
      %broadcast_in_dim3A_344 = vector.broadcast %scan3A_311 : f32 to vector<16xf32>
      %select_n3A = arith.select %ge3A_331, %abs3A, %broadcast_in_dim3A_344 : vector<16xi1>, vector<16xf32>
      %abs3A_345 = math.absf %gather3A_343 : vector<16xf32>
      %broadcast_in_dim3A_346 = vector.broadcast %scan3A_311 : f32 to vector<16xf32>
      %select_n3A_347 = arith.select %lt3A_333, %abs3A_345, %broadcast_in_dim3A_346 : vector<16xi1>, vector<16xf32>
      %le3A = arith.cmpf ole, %select_n3A, %select_n3A_347 : vector<16xf32>
      %select_n3A_348 = arith.select %le3A, %gather3A, %gather3A_343 : vector<16xi1>, vector<16xf32>
      tpu.vector_store_idx %arg6[%add3A_329, %add3A_281], %select_n3A_348 : memref<128x256xf32, #tpu.memory_space<vmem>>[vector<16xi32>, vector<16xi32>], vector<16xf32>,
      %sub3A_349 = arith.constant 1 : i32
      %sub3A_350 = vector.broadcast %sub3A_349 : i32 to vector<16xi32>
      %sub3A_351 = arith.subi %scan3A_319, %sub3A_350 : vector<16xi32>
      %select_n3A_352 = arith.select %le3A, %sub3A_351, %scan3A_319 : vector<16xi1>, vector<16xi32>
      %add3A_353 = arith.constant 1 : i32
      %add3A_354 = vector.broadcast %add3A_353 : i32 to vector<16xi32>
      %add3A_355 = arith.addi %scan3A_320, %add3A_354 : vector<16xi32>
      %select_n3A_356 = arith.select %le3A, %scan3A_320, %add3A_355 : vector<16xi1>, vector<16xi32>
      %ge3A_357 = arith.constant 0 : i32
      %ge3A_358 = vector.broadcast %ge3A_357 : i32 to vector<16xi32>
      %ge3A_359 = arith.cmpi sge, %scan3A_321, %ge3A_358 : vector<16xi32>
      %lt3A_360 = arith.constant 128 : i32
      %lt3A_361 = vector.broadcast %lt3A_360 : i32 to vector<16xi32>
      %lt3A_362 = arith.cmpi slt, %scan3A_322, %lt3A_361 : vector<16xi32>
      %jit3A_363 = arith.constant 0 : i32
      %jit3A_364 = arith.constant 127 : i32
      %max3A_365 = vector.broadcast %jit3A_363 : i32 to vector<16xi32>
      %max3A_366 = arith.maxsi %max3A_365, %scan3A_321 : vector<16xi32>
      %min3A_367 = vector.broadcast %jit3A_364 : i32 to vector<16xi32>
      %min3A_368 = arith.minsi %min3A_367, %max3A_366 : vector<16xi32>
      %jit3A_369 = arith.constant 0 : i32
      %jit3A_370 = arith.constant 127 : i32
      %max3A_371 = vector.broadcast %jit3A_369 : i32 to vector<16xi32>
      %max3A_372 = arith.maxsi %max3A_371, %scan3A_322 : vector<16xi32>
      %min3A_373 = vector.broadcast %jit3A_370 : i32 to vector<16xi32>
      %min3A_374 = arith.minsi %min3A_373, %max3A_372 : vector<16xi32>
      %gather3A_375 = tpu.vector_load_idx %arg5[%min3A_368, %add3A_289] : memref<128x256xf32, #tpu.memory_space<vmem>>[vector<16xi32>, vector<16xi32>], vector<16xf32>,
      %gather3A_376 = tpu.vector_load_idx %arg5[%min3A_374, %add3A_289] : memref<128x256xf32, #tpu.memory_space<vmem>>[vector<16xi32>, vector<16xi32>], vector<16xf32>,
      %abs3A_377 = math.absf %gather3A_375 : vector<16xf32>
      %broadcast_in_dim3A_378 = vector.broadcast %scan3A_311 : f32 to vector<16xf32>
      %select_n3A_379 = arith.select %ge3A_359, %abs3A_377, %broadcast_in_dim3A_378 : vector<16xi1>, vector<16xf32>
      %abs3A_380 = math.absf %gather3A_376 : vector<16xf32>
      %broadcast_in_dim3A_381 = vector.broadcast %scan3A_311 : f32 to vector<16xf32>
      %select_n3A_382 = arith.select %lt3A_362, %abs3A_380, %broadcast_in_dim3A_381 : vector<16xi1>, vector<16xf32>
      %le3A_383 = arith.cmpf ole, %select_n3A_379, %select_n3A_382 : vector<16xf32>
      %select_n3A_384 = arith.select %le3A_383, %gather3A_375, %gather3A_376 : vector<16xi1>, vector<16xf32>
      tpu.vector_store_idx %arg6[%add3A_329, %add3A_289], %select_n3A_384 : memref<128x256xf32, #tpu.memory_space<vmem>>[vector<16xi32>, vector<16xi32>], vector<16xf32>,
      %sub3A_385 = arith.constant 1 : i32
      %sub3A_386 = vector.broadcast %sub3A_385 : i32 to vector<16xi32>
      %sub3A_387 = arith.subi %scan3A_321, %sub3A_386 : vector<16xi32>
      %select_n3A_388 = arith.select %le3A_383, %sub3A_387, %scan3A_321 : vector<16xi1>, vector<16xi32>
      %add3A_389 = arith.constant 1 : i32
      %add3A_390 = vector.broadcast %add3A_389 : i32 to vector<16xi32>
      %add3A_391 = arith.addi %scan3A_322, %add3A_390 : vector<16xi32>
      %select_n3A_392 = arith.select %le3A_383, %scan3A_322, %add3A_391 : vector<16xi1>, vector<16xi32>
      %ge3A_393 = arith.constant 0 : i32
      %ge3A_394 = vector.broadcast %ge3A_393 : i32 to vector<16xi32>
      %ge3A_395 = arith.cmpi sge, %scan3A_323, %ge3A_394 : vector<16xi32>
      %lt3A_396 = arith.constant 128 : i32
      %lt3A_397 = vector.broadcast %lt3A_396 : i32 to vector<16xi32>
      %lt3A_398 = arith.cmpi slt, %scan3A_324, %lt3A_397 : vector<16xi32>
      %jit3A_399 = arith.constant 0 : i32
      %jit3A_400 = arith.constant 127 : i32
      %max3A_401 = vector.broadcast %jit3A_399 : i32 to vector<16xi32>
      %max3A_402 = arith.maxsi %max3A_401, %scan3A_323 : vector<16xi32>
      %min3A_403 = vector.broadcast %jit3A_400 : i32 to vector<16xi32>
      %min3A_404 = arith.minsi %min3A_403, %max3A_402 : vector<16xi32>
      %jit3A_405 = arith.constant 0 : i32
      %jit3A_406 = arith.constant 127 : i32
      %max3A_407 = vector.broadcast %jit3A_405 : i32 to vector<16xi32>
      %max3A_408 = arith.maxsi %max3A_407, %scan3A_324 : vector<16xi32>
      %min3A_409 = vector.broadcast %jit3A_406 : i32 to vector<16xi32>
      %min3A_410 = arith.minsi %min3A_409, %max3A_408 : vector<16xi32>
      %gather3A_411 = tpu.vector_load_idx %arg5[%min3A_404, %add3A_297] : memref<128x256xf32, #tpu.memory_space<vmem>>[vector<16xi32>, vector<16xi32>], vector<16xf32>,
      %gather3A_412 = tpu.vector_load_idx %arg5[%min3A_410, %add3A_297] : memref<128x256xf32, #tpu.memory_space<vmem>>[vector<16xi32>, vector<16xi32>], vector<16xf32>,
      %abs3A_413 = math.absf %gather3A_411 : vector<16xf32>
      %broadcast_in_dim3A_414 = vector.broadcast %scan3A_311 : f32 to vector<16xf32>
      %select_n3A_415 = arith.select %ge3A_395, %abs3A_413, %broadcast_in_dim3A_414 : vector<16xi1>, vector<16xf32>
      %abs3A_416 = math.absf %gather3A_412 : vector<16xf32>
      %broadcast_in_dim3A_417 = vector.broadcast %scan3A_311 : f32 to vector<16xf32>
      %select_n3A_418 = arith.select %lt3A_398, %abs3A_416, %broadcast_in_dim3A_417 : vector<16xi1>, vector<16xf32>
      %le3A_419 = arith.cmpf ole, %select_n3A_415, %select_n3A_418 : vector<16xf32>
      %select_n3A_420 = arith.select %le3A_419, %gather3A_411, %gather3A_412 : vector<16xi1>, vector<16xf32>
      tpu.vector_store_idx %arg6[%add3A_329, %add3A_297], %select_n3A_420 : memref<128x256xf32, #tpu.memory_space<vmem>>[vector<16xi32>, vector<16xi32>], vector<16xf32>,
      %sub3A_421 = arith.constant 1 : i32
      %sub3A_422 = vector.broadcast %sub3A_421 : i32 to vector<16xi32>
      %sub3A_423 = arith.subi %scan3A_323, %sub3A_422 : vector<16xi32>
      %select_n3A_424 = arith.select %le3A_419, %sub3A_423, %scan3A_323 : vector<16xi1>, vector<16xi32>
      %add3A_425 = arith.constant 1 : i32
      %add3A_426 = vector.broadcast %add3A_425 : i32 to vector<16xi32>
      %add3A_427 = arith.addi %scan3A_324, %add3A_426 : vector<16xi32>
      %select_n3A_428 = arith.select %le3A_419, %scan3A_324, %add3A_427 : vector<16xi1>, vector<16xi32>
      %ge3A_429 = arith.constant 0 : i32
      %ge3A_430 = vector.broadcast %ge3A_429 : i32 to vector<16xi32>
      %ge3A_431 = arith.cmpi sge, %scan3A_325, %ge3A_430 : vector<16xi32>
      %lt3A_432 = arith.constant 128 : i32
      %lt3A_433 = vector.broadcast %lt3A_432 : i32 to vector<16xi32>
      %lt3A_434 = arith.cmpi slt, %scan3A_326, %lt3A_433 : vector<16xi32>
      %jit3A_435 = arith.constant 0 : i32
      %jit3A_436 = arith.constant 127 : i32
      %max3A_437 = vector.broadcast %jit3A_435 : i32 to vector<16xi32>
      %max3A_438 = arith.maxsi %max3A_437, %scan3A_325 : vector<16xi32>
      %min3A_439 = vector.broadcast %jit3A_436 : i32 to vector<16xi32>
      %min3A_440 = arith.minsi %min3A_439, %max3A_438 : vector<16xi32>
      %jit3A_441 = arith.constant 0 : i32
      %jit3A_442 = arith.constant 127 : i32
      %max3A_443 = vector.broadcast %jit3A_441 : i32 to vector<16xi32>
      %max3A_444 = arith.maxsi %max3A_443, %scan3A_326 : vector<16xi32>
      %min3A_445 = vector.broadcast %jit3A_442 : i32 to vector<16xi32>
      %min3A_446 = arith.minsi %min3A_445, %max3A_444 : vector<16xi32>
      %gather3A_447 = tpu.vector_load_idx %arg5[%min3A_440, %add3A_305] : memref<128x256xf32, #tpu.memory_space<vmem>>[vector<16xi32>, vector<16xi32>], vector<16xf32>,
      %gather3A_448 = tpu.vector_load_idx %arg5[%min3A_446, %add3A_305] : memref<128x256xf32, #tpu.memory_space<vmem>>[vector<16xi32>, vector<16xi32>], vector<16xf32>,
      %abs3A_449 = math.absf %gather3A_447 : vector<16xf32>
      %broadcast_in_dim3A_450 = vector.broadcast %scan3A_311 : f32 to vector<16xf32>
      %select_n3A_451 = arith.select %ge3A_431, %abs3A_449, %broadcast_in_dim3A_450 : vector<16xi1>, vector<16xf32>
      %abs3A_452 = math.absf %gather3A_448 : vector<16xf32>
      %broadcast_in_dim3A_453 = vector.broadcast %scan3A_311 : f32 to vector<16xf32>
      %select_n3A_454 = arith.select %lt3A_434, %abs3A_452, %broadcast_in_dim3A_453 : vector<16xi1>, vector<16xf32>
      %le3A_455 = arith.cmpf ole, %select_n3A_451, %select_n3A_454 : vector<16xf32>
      %select_n3A_456 = arith.select %le3A_455, %gather3A_447, %gather3A_448 : vector<16xi1>, vector<16xf32>
      tpu.vector_store_idx %arg6[%add3A_329, %add3A_305], %select_n3A_456 : memref<128x256xf32, #tpu.memory_space<vmem>>[vector<16xi32>, vector<16xi32>], vector<16xf32>,
      %sub3A_457 = arith.constant 1 : i32
      %sub3A_458 = vector.broadcast %sub3A_457 : i32 to vector<16xi32>
      %sub3A_459 = arith.subi %scan3A_325, %sub3A_458 : vector<16xi32>
      %select_n3A_460 = arith.select %le3A_455, %sub3A_459, %scan3A_325 : vector<16xi1>, vector<16xi32>
      %add3A_461 = arith.constant 1 : i32
      %add3A_462 = vector.broadcast %add3A_461 : i32 to vector<16xi32>
      %add3A_463 = arith.addi %scan3A_326, %add3A_462 : vector<16xi32>
      %select_n3A_464 = arith.select %le3A_455, %scan3A_326, %add3A_463 : vector<16xi1>, vector<16xi32>
      scf.yield %select_n3A_352, %select_n3A_356, %select_n3A_388, %select_n3A_392, %select_n3A_424, %select_n3A_428, %select_n3A_460, %select_n3A_464 : vector<16xi32>, vector<16xi32>, vector<16xi32>, vector<16xi32>, vector<16xi32>, vector<16xi32>, vector<16xi32>, vector<16xi32>
    }
    %scan3A_317 = arith.constant 128 : i32
    "tpu.region"() ({
      %run_scoped3A = tpu.sem_alloc : memref<!tpu.dma_semaphore, #tpu.memory_space<semaphore_mem>>
      %dma_start3A = arith.constant 0 : i32
      %dma_start3A_318 = tpu.memref_slice %arg4[%dma_start3A, %add3A_161] : memref<128x16384xf32, #tpu.memory_space<hbm>> -> memref<128x256xf32, #tpu.memory_space<hbm>>
      %dma_start3A_319 = arith.constant 0 : i32
      %dma_start3A_320 = tpu.memref_slice %arg4[%dma_start3A_319, %add3A_161] : memref<128x16384xf32, #tpu.memory_space<hbm>> -> memref<128x256xf32, #tpu.memory_space<hbm>>
      tpu.enqueue_dma source(%arg6 : memref<128x256xf32, #tpu.memory_space<vmem>>) target(%dma_start3A_320 : memref<128x256xf32, #tpu.memory_space<hbm>>) target_semaphore(%run_scoped3A : memref<!tpu.dma_semaphore, #tpu.memory_space<semaphore_mem>>)
      %dma_wait3A = arith.constant 0 : i32
      %dma_wait3A_321 = tpu.memref_slice %arg4[%dma_wait3A, %add3A_161] : memref<128x16384xf32, #tpu.memory_space<hbm>> -> memref<128x256xf32, #tpu.memory_space<hbm>>
      %dma_wait3A_322 = arith.constant 0 : i32
      %dma_wait3A_323 = tpu.memref_slice %arg4[%dma_wait3A_322, %add3A_161] : memref<128x16384xf32, #tpu.memory_space<hbm>> -> memref<128x256xf32, #tpu.memory_space<hbm>>
      tpu.wait_dma2 semaphore(%run_scoped3A : memref<!tpu.dma_semaphore, #tpu.memory_space<semaphore_mem>>) src(%arg6 : memref<128x256xf32, #tpu.memory_space<vmem>>) dst(%dma_wait3A_323 : memref<128x256xf32, #tpu.memory_space<hbm>>)
      tpu.yield
    }) : () -> ()
    return
  }
}

module attributes {stable_mosaic.version = 14 : i64} {
  func.func @_codes_body(%arg0: memref<16x128xf32, #tpu.memory_space<vmem>>, %arg1: memref<16x128xf32, #tpu.memory_space<vmem>>) attributes {dimension_semantics = [], scalar_prefetch = 0 : i64, scratch_operands = 0 : i64, tpu.core_type = #tpu.core_type<tc>} {
    %get3A = arith.constant 0 : index
    %get3A_0 = arith.constant 0 : index
    %get3A_1 = vector.load %arg0[%get3A, %get3A_0] : memref<16x128xf32, #tpu.memory_space<vmem>>, vector<16x128xf32>
    %mul3A = arith.mulf %get3A_1, %get3A_1 : vector<16x128xf32>
    %reduce_sum3A = arith.constant dense<0.000000e+00> : vector<128xf32>
    %reduce_sum3A_2 = vector.multi_reduction <add>, %mul3A, %reduce_sum3A [0] : vector<16x128xf32> to vector<128xf32>
    %broadcast_in_dim3A = vector.shape_cast %reduce_sum3A_2 : vector<128xf32> to vector<1x128xf32>
    %sqrt3A = math.sqrt %broadcast_in_dim3A : vector<1x128xf32>
    %max3A = arith.constant 9.99999996E-13 : f32
    %max3A_3 = vector.broadcast %max3A : f32 to vector<1x128xf32>
    %max3A_4 = arith.maximumf %sqrt3A, %max3A_3 : vector<1x128xf32>
    %div3A = vector.broadcast %max3A_4 : vector<1x128xf32> to vector<16x128xf32>
    %div3A_5 = arith.divf %get3A_1, %div3A : vector<16x128xf32>
    %swap3A = arith.constant 0 : index
    %swap3A_6 = arith.constant 0 : index
    %swap3A_7 = vector.load %arg1[%swap3A, %swap3A_6] : memref<16x128xf32, #tpu.memory_space<vmem>>, vector<16x128xf32>
    tpu.vector_store %arg1[%swap3A, %swap3A_6], %div3A_5 {strides = array<i32>} : memref<16x128xf32, #tpu.memory_space<vmem>>, vector<16x128xf32>,
    return
  }
}

module attributes {stable_mosaic.version = 14 : i64} {
  func.func @_tk_body(%arg0: i32, %arg1: memref<8x2048xf32, #tpu.memory_space<vmem>>, %arg2: memref<128x1xf32, #tpu.memory_space<vmem>>, %arg3: memref<128x2048xf32, #tpu.memory_space<vmem>>, %arg4: memref<1x1x2048xi32, #tpu.memory_space<vmem>>) attributes {dimension_semantics = [#tpu.dimension_semantics<arbitrary>], iteration_bounds = array<i64: 8>, scalar_prefetch = 0 : i64, scratch_operands = 0 : i64, tpu.core_type = #tpu.core_type<tc>, window_params = [{transform_indices = @transform_0, window_bounds = array<i64: 8, 2048>}, {pipeline_mode = #tpu.pipeline_mode<synchronous>, transform_indices = @transform_1, window_bounds = array<i64: 128, 1>}, {transform_indices = @transform_2, window_bounds = array<i64: 128, 2048>}, {transform_indices = @transform_3, window_bounds = array<i64: 1, 1, 2048>}]} {
    %get3A = arith.constant 0 : index
    %get3A_0 = arith.constant 0 : index
    %get3A_1 = vector.load %arg1[%get3A, %get3A_0] : memref<8x2048xf32, #tpu.memory_space<vmem>>, vector<8x2048xf32>
    %slice3A = vector.extract_strided_slice %get3A_1 {offsets = [0, 0], sizes = [3, 2048], strides = [1, 1]} : vector<8x2048xf32> to vector<3x2048xf32>
    %slice3A_2 = vector.extract_strided_slice %get3A_1 {offsets = [3, 0], sizes = [3, 2048], strides = [1, 1]} : vector<8x2048xf32> to vector<3x2048xf32>
    %mul3A = arith.mulf %slice3A, %slice3A_2 : vector<3x2048xf32>
    %reduce_sum3A = arith.constant dense<0.000000e+00> : vector<2048xf32>
    %reduce_sum3A_3 = vector.multi_reduction <add>, %mul3A, %reduce_sum3A [0] : vector<3x2048xf32> to vector<2048xf32>
    %broadcast_in_dim3A = vector.shape_cast %reduce_sum3A_3 : vector<2048xf32> to vector<1x2048xf32>
    %mul3A_4 = arith.mulf %slice3A_2, %slice3A_2 : vector<3x2048xf32>
    %reduce_sum3A_5 = arith.constant dense<0.000000e+00> : vector<2048xf32>
    %reduce_sum3A_6 = vector.multi_reduction <add>, %mul3A_4, %reduce_sum3A_5 [0] : vector<3x2048xf32> to vector<2048xf32>
    %broadcast_in_dim3A_7 = vector.shape_cast %reduce_sum3A_6 : vector<2048xf32> to vector<1x2048xf32>
    %mul3A_8 = arith.mulf %slice3A, %slice3A : vector<3x2048xf32>
    %reduce_sum3A_9 = arith.constant dense<0.000000e+00> : vector<2048xf32>
    %reduce_sum3A_10 = vector.multi_reduction <add>, %mul3A_8, %reduce_sum3A_9 [0] : vector<3x2048xf32> to vector<2048xf32>
    %broadcast_in_dim3A_11 = vector.shape_cast %reduce_sum3A_10 : vector<2048xf32> to vector<1x2048xf32>
    %get3A_12 = arith.constant 0 : index
    %get3A_13 = arith.constant 0 : index
    %get3A_14 = vector.load %arg2[%get3A_12, %get3A_13] : memref<128x1xf32, #tpu.memory_space<vmem>>, vector<128x1xf32>
    %mul3A_15 = arith.mulf %broadcast_in_dim3A, %broadcast_in_dim3A : vector<1x2048xf32>
    %mul3A_16 = arith.mulf %get3A_14, %get3A_14 : vector<128x1xf32>
    %sub3A = vector.broadcast %broadcast_in_dim3A_11 : vector<1x2048xf32> to vector<128x2048xf32>
    %sub3A_17 = vector.broadcast %mul3A_16 : vector<128x1xf32> to vector<128x2048xf32>
    %sub3A_18 = arith.subf %sub3A, %sub3A_17 : vector<128x2048xf32>
    %mul3A_19 = vector.broadcast %broadcast_in_dim3A_7 : vector<1x2048xf32> to vector<128x2048xf32>
    %mul3A_20 = arith.mulf %mul3A_19, %sub3A_18 : vector<128x2048xf32>
    %sub3A_21 = vector.broadcast %mul3A_15 : vector<1x2048xf32> to vector<128x2048xf32>
    %sub3A_22 = arith.subf %sub3A_21, %mul3A_20 : vector<128x2048xf32>
    %max3A = arith.constant 0.000000e+00 : f32
    %max3A_23 = vector.broadcast %max3A : f32 to vector<128x2048xf32>
    %max3A_24 = arith.maximumf %sub3A_22, %max3A_23 : vector<128x2048xf32>
    %neg3A = arith.constant 0.000000e+00 : f32
    %neg3A_25 = vector.broadcast %neg3A : f32 to vector<1x2048xf32>
    %neg3A_26 = arith.subf %neg3A_25, %broadcast_in_dim3A : vector<1x2048xf32>
    %sqrt3A = math.sqrt %max3A_24 : vector<128x2048xf32>
    %add3A = vector.broadcast %neg3A_26 : vector<1x2048xf32> to vector<128x2048xf32>
    %add3A_27 = arith.addf %add3A, %sqrt3A : vector<128x2048xf32>
    %div3A = vector.broadcast %broadcast_in_dim3A_7 : vector<1x2048xf32> to vector<128x2048xf32>
    %div3A_28 = arith.divf %add3A_27, %div3A : vector<128x2048xf32>
    %swap3A = arith.constant 0 : index
    %swap3A_29 = arith.constant 0 : index
    %swap3A_30 = vector.load %arg3[%swap3A, %swap3A_29] : memref<128x2048xf32, #tpu.memory_space<vmem>>, vector<128x2048xf32>
    tpu.vector_store %arg3[%swap3A, %swap3A_29], %div3A_28 {strides = array<i32>} : memref<128x2048xf32, #tpu.memory_space<vmem>>, vector<128x2048xf32>,
    %gt3A = arith.constant 0.000000e+00 : f32
    %gt3A_31 = vector.broadcast %gt3A : f32 to vector<128x2048xf32>
    %gt3A_32 = arith.cmpf ogt, %div3A_28, %gt3A_31 : vector<128x2048xf32>
    %convert_element_type3A = arith.extui %gt3A_32 : vector<128x2048xi1> to vector<128x2048xi32>
    %reduce_sum3A_33 = arith.constant dense<0> : vector<2048xi32>
    %reduce_sum3A_34 = vector.multi_reduction <add>, %convert_element_type3A, %reduce_sum3A_33 [0] : vector<128x2048xi32> to vector<2048xi32>
    %reshape3A = vector.shape_cast %reduce_sum3A_34 : vector<2048xi32> to vector<1x1x2048xi32>
    %swap3A_35 = arith.constant 0 : index
    %swap3A_36 = arith.constant 0 : index
    %swap3A_37 = arith.constant 0 : index
    %swap3A_38 = vector.load %arg4[%swap3A_35, %swap3A_36, %swap3A_37] : memref<1x1x2048xi32, #tpu.memory_space<vmem>>, vector<1x1x2048xi32>
    tpu.vector_store %arg4[%swap3A_35, %swap3A_36, %swap3A_37], %reshape3A {strides = array<i32>} : memref<1x1x2048xi32, #tpu.memory_space<vmem>>, vector<1x1x2048xi32>,
    return
  }
  func.func @transform_0(%arg0: i32) -> (i32, i32) {
    %c0_i32 = arith.constant 0 : i32
    %c0_i32_0 = arith.constant 0 : i32
    return %c0_i32, %arg0 : i32, i32
  }
  func.func @transform_1(%arg0: i32) -> (i32, i32) {
    %c0_i32 = arith.constant 0 : i32
    %c0_i32_0 = arith.constant 0 : i32
    %c0_i32_1 = arith.constant 0 : i32
    return %c0_i32, %c0_i32_0 : i32, i32
  }
  func.func @transform_2(%arg0: i32) -> (i32, i32) {
    %c0_i32 = arith.constant 0 : i32
    %c0_i32_0 = arith.constant 0 : i32
    return %c0_i32, %arg0 : i32, i32
  }
  func.func @transform_3(%arg0: i32) -> (i32, i32, i32) {
    %c0_i32 = arith.constant 0 : i32
    %c0_i32_0 = arith.constant 0 : i32
    %c0_i32_1 = arith.constant 0 : i32
    return %arg0, %c0_i32, %c0_i32_0 : i32, i32, i32
  }
}

module attributes {stable_mosaic.version = 14 : i64} {
  func.func @_assemble_body(%arg0: i32, %arg1: memref<128x1024xf32, #tpu.memory_space<vmem>>, %arg2: memref<1024x8xf32, #tpu.memory_space<vmem>>, %arg3: memref<16x128xf32, #tpu.memory_space<vmem>>, %arg4: memref<25x1024x128xf32, #tpu.memory_space<vmem>>, %arg5: memref<1024x128xf32, #tpu.memory_space<vmem>>) attributes {dimension_semantics = [#tpu.dimension_semantics<arbitrary>], iteration_bounds = array<i64: 16>, scalar_prefetch = 0 : i64, scratch_operands = 0 : i64, tpu.core_type = #tpu.core_type<tc>, window_params = [{transform_indices = @transform_0, window_bounds = array<i64: 128, 1024>}, {transform_indices = @transform_1, window_bounds = array<i64: 1024, 8>}, {pipeline_mode = #tpu.pipeline_mode<synchronous>, transform_indices = @transform_2, window_bounds = array<i64: 16, 128>}, {transform_indices = @transform_3, window_bounds = array<i64: 25, 1024, 128>}, {transform_indices = @transform_4, window_bounds = array<i64: 1024, 128>}]} {
    %get3A = arith.constant 0 : index
    %get3A_0 = arith.constant 0 : index
    %get3A_1 = vector.load %arg1[%get3A, %get3A_0] : memref<128x1024xf32, #tpu.memory_space<vmem>>, vector<128x1024xf32>
    %transpose3A = tpu.transpose %get3A_1, [1, 0] : vector<128x1024xf32> -> vector<1024x128xf32>
    %get3A_2 = arith.constant 0 : index
    %get3A_3 = arith.constant 0 : index
    %get3A_4 = vector.load %arg2[%get3A_2, %get3A_3] : memref<1024x8xf32, #tpu.memory_space<vmem>>, vector<1024x8xf32>
    %slice3A = vector.extract_strided_slice %get3A_4 {offsets = [0, 0], sizes = [1024, 1], strides = [1, 1]} : vector<1024x8xf32> to vector<1024x1xf32>
    %slice3A_5 = vector.extract_strided_slice %get3A_4 {offsets = [0, 3], sizes = [1024, 1], strides = [1, 1]} : vector<1024x8xf32> to vector<1024x1xf32>
    %mul3A = vector.broadcast %slice3A_5 : vector<1024x1xf32> to vector<1024x128xf32>
    %mul3A_6 = arith.mulf %transpose3A, %mul3A : vector<1024x128xf32>
    %add3A = vector.broadcast %slice3A : vector<1024x1xf32> to vector<1024x128xf32>
    %add3A_7 = arith.addf %add3A, %mul3A_6 : vector<1024x128xf32>
    %swap3A = arith.constant 0 : index
    %swap3A_8 = arith.constant 0 : index
    %swap3A_9 = arith.constant 0 : index
    %swap3A_10 = vector.load %arg4[%swap3A, %swap3A_8, %swap3A_9] : memref<25x1024x128xf32, #tpu.memory_space<vmem>>, vector<1x1024x128xf32>
    %swap3A_11 = vector.shape_cast %swap3A_10 : vector<1x1024x128xf32> to vector<1024x128xf32>
    %swap3A_12 = vector.shape_cast %add3A_7 : vector<1024x128xf32> to vector<1x1024x128xf32>
    tpu.vector_store %arg4[%swap3A, %swap3A_8, %swap3A_9], %swap3A_12 {strides = array<i32>} : memref<25x1024x128xf32, #tpu.memory_space<vmem>>, vector<1x1024x128xf32>,
    %swap3A_13 = arith.constant 6 : index
    %swap3A_14 = arith.constant 0 : index
    %swap3A_15 = arith.constant 0 : index
    %swap3A_16 = vector.load %arg4[%swap3A_13, %swap3A_14, %swap3A_15] : memref<25x1024x128xf32, #tpu.memory_space<vmem>>, vector<1x1024x128xf32>
    %swap3A_17 = vector.shape_cast %swap3A_16 : vector<1x1024x128xf32> to vector<1024x128xf32>
    %swap3A_18 = vector.shape_cast %add3A_7 : vector<1024x128xf32> to vector<1x1024x128xf32>
    tpu.vector_store %arg4[%swap3A_13, %swap3A_14, %swap3A_15], %swap3A_18 {strides = array<i32>} : memref<25x1024x128xf32, #tpu.memory_space<vmem>>, vector<1x1024x128xf32>,
    %broadcast_in_dim3A = vector.shape_cast %slice3A_5 : vector<1024x1xf32> to vector<1024x1xf32>
    %broadcast_in_dim3A_19 = vector.broadcast %broadcast_in_dim3A : vector<1024x1xf32> to vector<1024x128xf32>
    %swap3A_20 = arith.constant 3 : index
    %swap3A_21 = arith.constant 0 : index
    %swap3A_22 = arith.constant 0 : index
    %swap3A_23 = vector.load %arg4[%swap3A_20, %swap3A_21, %swap3A_22] : memref<25x1024x128xf32, #tpu.memory_space<vmem>>, vector<1x1024x128xf32>
    %swap3A_24 = vector.shape_cast %swap3A_23 : vector<1x1024x128xf32> to vector<1024x128xf32>
    %swap3A_25 = vector.shape_cast %broadcast_in_dim3A_19 : vector<1024x128xf32> to vector<1x1024x128xf32>
    tpu.vector_store %arg4[%swap3A_20, %swap3A_21, %swap3A_22], %swap3A_25 {strides = array<i32>} : memref<25x1024x128xf32, #tpu.memory_space<vmem>>, vector<1x1024x128xf32>,
    %slice3A_26 = vector.extract_strided_slice %get3A_4 {offsets = [0, 1], sizes = [1024, 1], strides = [1, 1]} : vector<1024x8xf32> to vector<1024x1xf32>
    %slice3A_27 = vector.extract_strided_slice %get3A_4 {offsets = [0, 4], sizes = [1024, 1], strides = [1, 1]} : vector<1024x8xf32> to vector<1024x1xf32>
    %mul3A_28 = vector.broadcast %slice3A_27 : vector<1024x1xf32> to vector<1024x128xf32>
    %mul3A_29 = arith.mulf %transpose3A, %mul3A_28 : vector<1024x128xf32>
    %add3A_30 = vector.broadcast %slice3A_26 : vector<1024x1xf32> to vector<1024x128xf32>
    %add3A_31 = arith.addf %add3A_30, %mul3A_29 : vector<1024x128xf32>
    %swap3A_32 = arith.constant 1 : index
    %swap3A_33 = arith.constant 0 : index
    %swap3A_34 = arith.constant 0 : index
    %swap3A_35 = vector.load %arg4[%swap3A_32, %swap3A_33, %swap3A_34] : memref<25x1024x128xf32, #tpu.memory_space<vmem>>, vector<1x1024x128xf32>
    %swap3A_36 = vector.shape_cast %swap3A_35 : vector<1x1024x128xf32> to vector<1024x128xf32>
    %swap3A_37 = vector.shape_cast %add3A_31 : vector<1024x128xf32> to vector<1x1024x128xf32>
    tpu.vector_store %arg4[%swap3A_32, %swap3A_33, %swap3A_34], %swap3A_37 {strides = array<i32>} : memref<25x1024x128xf32, #tpu.memory_space<vmem>>, vector<1x1024x128xf32>,
    %swap3A_38 = arith.constant 7 : index
    %swap3A_39 = arith.constant 0 : index
    %swap3A_40 = arith.constant 0 : index
    %swap3A_41 = vector.load %arg4[%swap3A_38, %swap3A_39, %swap3A_40] : memref<25x1024x128xf32, #tpu.memory_space<vmem>>, vector<1x1024x128xf32>
    %swap3A_42 = vector.shape_cast %swap3A_41 : vector<1x1024x128xf32> to vector<1024x128xf32>
    %swap3A_43 = vector.shape_cast %add3A_31 : vector<1024x128xf32> to vector<1x1024x128xf32>
    tpu.vector_store %arg4[%swap3A_38, %swap3A_39, %swap3A_40], %swap3A_43 {strides = array<i32>} : memref<25x1024x128xf32, #tpu.memory_space<vmem>>, vector<1x1024x128xf32>,
    %broadcast_in_dim3A_44 = vector.shape_cast %slice3A_27 : vector<1024x1xf32> to vector<1024x1xf32>
    %broadcast_in_dim3A_45 = vector.broadcast %broadcast_in_dim3A_44 : vector<1024x1xf32> to vector<1024x128xf32>
    %swap3A_46 = arith.constant 4 : index
    %swap3A_47 = arith.constant 0 : index
    %swap3A_48 = arith.constant 0 : index
    %swap3A_49 = vector.load %arg4[%swap3A_46, %swap3A_47, %swap3A_48] : memref<25x1024x128xf32, #tpu.memory_space<vmem>>, vector<1x1024x128xf32>
    %swap3A_50 = vector.shape_cast %swap3A_49 : vector<1x1024x128xf32> to vector<1024x128xf32>
    %swap3A_51 = vector.shape_cast %broadcast_in_dim3A_45 : vector<1024x128xf32> to vector<1x1024x128xf32>
    tpu.vector_store %arg4[%swap3A_46, %swap3A_47, %swap3A_48], %swap3A_51 {strides = array<i32>} : memref<25x1024x128xf32, #tpu.memory_space<vmem>>, vector<1x1024x128xf32>,
    %slice3A_52 = vector.extract_strided_slice %get3A_4 {offsets = [0, 2], sizes = [1024, 1], strides = [1, 1]} : vector<1024x8xf32> to vector<1024x1xf32>
    %slice3A_53 = vector.extract_strided_slice %get3A_4 {offsets = [0, 5], sizes = [1024, 1], strides = [1, 1]} : vector<1024x8xf32> to vector<1024x1xf32>
    %mul3A_54 = vector.broadcast %slice3A_53 : vector<1024x1xf32> to vector<1024x128xf32>
    %mul3A_55 = arith.mulf %transpose3A, %mul3A_54 : vector<1024x128xf32>
    %add3A_56 = vector.broadcast %slice3A_52 : vector<1024x1xf32> to vector<1024x128xf32>
    %add3A_57 = arith.addf %add3A_56, %mul3A_55 : vector<1024x128xf32>
    %swap3A_58 = arith.constant 2 : index
    %swap3A_59 = arith.constant 0 : index
    %swap3A_60 = arith.constant 0 : index
    %swap3A_61 = vector.load %arg4[%swap3A_58, %swap3A_59, %swap3A_60] : memref<25x1024x128xf32, #tpu.memory_space<vmem>>, vector<1x1024x128xf32>
    %swap3A_62 = vector.shape_cast %swap3A_61 : vector<1x1024x128xf32> to vector<1024x128xf32>
    %swap3A_63 = vector.shape_cast %add3A_57 : vector<1024x128xf32> to vector<1x1024x128xf32>
    tpu.vector_store %arg4[%swap3A_58, %swap3A_59, %swap3A_60], %swap3A_63 {strides = array<i32>} : memref<25x1024x128xf32, #tpu.memory_space<vmem>>, vector<1x1024x128xf32>,
    %swap3A_64 = arith.constant 8 : index
    %swap3A_65 = arith.constant 0 : index
    %swap3A_66 = arith.constant 0 : index
    %swap3A_67 = vector.load %arg4[%swap3A_64, %swap3A_65, %swap3A_66] : memref<25x1024x128xf32, #tpu.memory_space<vmem>>, vector<1x1024x128xf32>
    %swap3A_68 = vector.shape_cast %swap3A_67 : vector<1x1024x128xf32> to vector<1024x128xf32>
    %swap3A_69 = vector.shape_cast %add3A_57 : vector<1024x128xf32> to vector<1x1024x128xf32>
    tpu.vector_store %arg4[%swap3A_64, %swap3A_65, %swap3A_66], %swap3A_69 {strides = array<i32>} : memref<25x1024x128xf32, #tpu.memory_space<vmem>>, vector<1x1024x128xf32>,
    %broadcast_in_dim3A_70 = vector.shape_cast %slice3A_53 : vector<1024x1xf32> to vector<1024x1xf32>
    %broadcast_in_dim3A_71 = vector.broadcast %broadcast_in_dim3A_70 : vector<1024x1xf32> to vector<1024x128xf32>
    %swap3A_72 = arith.constant 5 : index
    %swap3A_73 = arith.constant 0 : index
    %swap3A_74 = arith.constant 0 : index
    %swap3A_75 = vector.load %arg4[%swap3A_72, %swap3A_73, %swap3A_74] : memref<25x1024x128xf32, #tpu.memory_space<vmem>>, vector<1x1024x128xf32>
    %swap3A_76 = vector.shape_cast %swap3A_75 : vector<1x1024x128xf32> to vector<1024x128xf32>
    %swap3A_77 = vector.shape_cast %broadcast_in_dim3A_71 : vector<1024x128xf32> to vector<1x1024x128xf32>
    tpu.vector_store %arg4[%swap3A_72, %swap3A_73, %swap3A_74], %swap3A_77 {strides = array<i32>} : memref<25x1024x128xf32, #tpu.memory_space<vmem>>, vector<1x1024x128xf32>,
    %get3A_78 = arith.constant 0 : index
    %get3A_79 = arith.constant 0 : index
    %get3A_80 = vector.load %arg3[%get3A_78, %get3A_79] : memref<16x128xf32, #tpu.memory_space<vmem>>, vector<1x128xf32>
    %broadcast_in_dim3A_81 = vector.shape_cast %get3A_80 : vector<1x128xf32> to vector<1x128xf32>
    %broadcast_in_dim3A_82 = vector.broadcast %broadcast_in_dim3A_81 : vector<1x128xf32> to vector<1024x128xf32>
    %swap3A_83 = arith.constant 9 : index
    %swap3A_84 = arith.constant 0 : index
    %swap3A_85 = arith.constant 0 : index
    %swap3A_86 = vector.load %arg4[%swap3A_83, %swap3A_84, %swap3A_85] : memref<25x1024x128xf32, #tpu.memory_space<vmem>>, vector<1x1024x128xf32>
    %swap3A_87 = vector.shape_cast %swap3A_86 : vector<1x1024x128xf32> to vector<1024x128xf32>
    %swap3A_88 = vector.shape_cast %broadcast_in_dim3A_82 : vector<1024x128xf32> to vector<1x1024x128xf32>
    tpu.vector_store %arg4[%swap3A_83, %swap3A_84, %swap3A_85], %swap3A_88 {strides = array<i32>} : memref<25x1024x128xf32, #tpu.memory_space<vmem>>, vector<1x1024x128xf32>,
    %get3A_89 = arith.constant 1 : index
    %get3A_90 = arith.constant 0 : index
    %get3A_91 = vector.load %arg3[%get3A_89, %get3A_90] : memref<16x128xf32, #tpu.memory_space<vmem>>, vector<1x128xf32>
    %broadcast_in_dim3A_92 = vector.shape_cast %get3A_91 : vector<1x128xf32> to vector<1x128xf32>
    %broadcast_in_dim3A_93 = vector.broadcast %broadcast_in_dim3A_92 : vector<1x128xf32> to vector<1024x128xf32>
    %swap3A_94 = arith.constant 10 : index
    %swap3A_95 = arith.constant 0 : index
    %swap3A_96 = arith.constant 0 : index
    %swap3A_97 = vector.load %arg4[%swap3A_94, %swap3A_95, %swap3A_96] : memref<25x1024x128xf32, #tpu.memory_space<vmem>>, vector<1x1024x128xf32>
    %swap3A_98 = vector.shape_cast %swap3A_97 : vector<1x1024x128xf32> to vector<1024x128xf32>
    %swap3A_99 = vector.shape_cast %broadcast_in_dim3A_93 : vector<1024x128xf32> to vector<1x1024x128xf32>
    tpu.vector_store %arg4[%swap3A_94, %swap3A_95, %swap3A_96], %swap3A_99 {strides = array<i32>} : memref<25x1024x128xf32, #tpu.memory_space<vmem>>, vector<1x1024x128xf32>,
    %get3A_100 = arith.constant 2 : index
    %get3A_101 = arith.constant 0 : index
    %get3A_102 = vector.load %arg3[%get3A_100, %get3A_101] : memref<16x128xf32, #tpu.memory_space<vmem>>, vector<1x128xf32>
    %broadcast_in_dim3A_103 = vector.shape_cast %get3A_102 : vector<1x128xf32> to vector<1x128xf32>
    %broadcast_in_dim3A_104 = vector.broadcast %broadcast_in_dim3A_103 : vector<1x128xf32> to vector<1024x128xf32>
    %swap3A_105 = arith.constant 11 : index
    %swap3A_106 = arith.constant 0 : index
    %swap3A_107 = arith.constant 0 : index
    %swap3A_108 = vector.load %arg4[%swap3A_105, %swap3A_106, %swap3A_107] : memref<25x1024x128xf32, #tpu.memory_space<vmem>>, vector<1x1024x128xf32>
    %swap3A_109 = vector.shape_cast %swap3A_108 : vector<1x1024x128xf32> to vector<1024x128xf32>
    %swap3A_110 = vector.shape_cast %broadcast_in_dim3A_104 : vector<1024x128xf32> to vector<1x1024x128xf32>
    tpu.vector_store %arg4[%swap3A_105, %swap3A_106, %swap3A_107], %swap3A_110 {strides = array<i32>} : memref<25x1024x128xf32, #tpu.memory_space<vmem>>, vector<1x1024x128xf32>,
    %get3A_111 = arith.constant 3 : index
    %get3A_112 = arith.constant 0 : index
    %get3A_113 = vector.load %arg3[%get3A_111, %get3A_112] : memref<16x128xf32, #tpu.memory_space<vmem>>, vector<1x128xf32>
    %broadcast_in_dim3A_114 = vector.shape_cast %get3A_113 : vector<1x128xf32> to vector<1x128xf32>
    %broadcast_in_dim3A_115 = vector.broadcast %broadcast_in_dim3A_114 : vector<1x128xf32> to vector<1024x128xf32>
    %swap3A_116 = arith.constant 12 : index
    %swap3A_117 = arith.constant 0 : index
    %swap3A_118 = arith.constant 0 : index
    %swap3A_119 = vector.load %arg4[%swap3A_116, %swap3A_117, %swap3A_118] : memref<25x1024x128xf32, #tpu.memory_space<vmem>>, vector<1x1024x128xf32>
    %swap3A_120 = vector.shape_cast %swap3A_119 : vector<1x1024x128xf32> to vector<1024x128xf32>
    %swap3A_121 = vector.shape_cast %broadcast_in_dim3A_115 : vector<1024x128xf32> to vector<1x1024x128xf32>
    tpu.vector_store %arg4[%swap3A_116, %swap3A_117, %swap3A_118], %swap3A_121 {strides = array<i32>} : memref<25x1024x128xf32, #tpu.memory_space<vmem>>, vector<1x1024x128xf32>,
    %get3A_122 = arith.constant 4 : index
    %get3A_123 = arith.constant 0 : index
    %get3A_124 = vector.load %arg3[%get3A_122, %get3A_123] : memref<16x128xf32, #tpu.memory_space<vmem>>, vector<1x128xf32>
    %broadcast_in_dim3A_125 = vector.shape_cast %get3A_124 : vector<1x128xf32> to vector<1x128xf32>
    %broadcast_in_dim3A_126 = vector.broadcast %broadcast_in_dim3A_125 : vector<1x128xf32> to vector<1024x128xf32>
    %swap3A_127 = arith.constant 13 : index
    %swap3A_128 = arith.constant 0 : index
    %swap3A_129 = arith.constant 0 : index
    %swap3A_130 = vector.load %arg4[%swap3A_127, %swap3A_128, %swap3A_129] : memref<25x1024x128xf32, #tpu.memory_space<vmem>>, vector<1x1024x128xf32>
    %swap3A_131 = vector.shape_cast %swap3A_130 : vector<1x1024x128xf32> to vector<1024x128xf32>
    %swap3A_132 = vector.shape_cast %broadcast_in_dim3A_126 : vector<1024x128xf32> to vector<1x1024x128xf32>
    tpu.vector_store %arg4[%swap3A_127, %swap3A_128, %swap3A_129], %swap3A_132 {strides = array<i32>} : memref<25x1024x128xf32, #tpu.memory_space<vmem>>, vector<1x1024x128xf32>,
    %get3A_133 = arith.constant 5 : index
    %get3A_134 = arith.constant 0 : index
    %get3A_135 = vector.load %arg3[%get3A_133, %get3A_134] : memref<16x128xf32, #tpu.memory_space<vmem>>, vector<1x128xf32>
    %broadcast_in_dim3A_136 = vector.shape_cast %get3A_135 : vector<1x128xf32> to vector<1x128xf32>
    %broadcast_in_dim3A_137 = vector.broadcast %broadcast_in_dim3A_136 : vector<1x128xf32> to vector<1024x128xf32>
    %swap3A_138 = arith.constant 14 : index
    %swap3A_139 = arith.constant 0 : index
    %swap3A_140 = arith.constant 0 : index
    %swap3A_141 = vector.load %arg4[%swap3A_138, %swap3A_139, %swap3A_140] : memref<25x1024x128xf32, #tpu.memory_space<vmem>>, vector<1x1024x128xf32>
    %swap3A_142 = vector.shape_cast %swap3A_141 : vector<1x1024x128xf32> to vector<1024x128xf32>
    %swap3A_143 = vector.shape_cast %broadcast_in_dim3A_137 : vector<1024x128xf32> to vector<1x1024x128xf32>
    tpu.vector_store %arg4[%swap3A_138, %swap3A_139, %swap3A_140], %swap3A_143 {strides = array<i32>} : memref<25x1024x128xf32, #tpu.memory_space<vmem>>, vector<1x1024x128xf32>,
    %get3A_144 = arith.constant 6 : index
    %get3A_145 = arith.constant 0 : index
    %get3A_146 = vector.load %arg3[%get3A_144, %get3A_145] : memref<16x128xf32, #tpu.memory_space<vmem>>, vector<1x128xf32>
    %broadcast_in_dim3A_147 = vector.shape_cast %get3A_146 : vector<1x128xf32> to vector<1x128xf32>
    %broadcast_in_dim3A_148 = vector.broadcast %broadcast_in_dim3A_147 : vector<1x128xf32> to vector<1024x128xf32>
    %swap3A_149 = arith.constant 15 : index
    %swap3A_150 = arith.constant 0 : index
    %swap3A_151 = arith.constant 0 : index
    %swap3A_152 = vector.load %arg4[%swap3A_149, %swap3A_150, %swap3A_151] : memref<25x1024x128xf32, #tpu.memory_space<vmem>>, vector<1x1024x128xf32>
    %swap3A_153 = vector.shape_cast %swap3A_152 : vector<1x1024x128xf32> to vector<1024x128xf32>
    %swap3A_154 = vector.shape_cast %broadcast_in_dim3A_148 : vector<1024x128xf32> to vector<1x1024x128xf32>
    tpu.vector_store %arg4[%swap3A_149, %swap3A_150, %swap3A_151], %swap3A_154 {strides = array<i32>} : memref<25x1024x128xf32, #tpu.memory_space<vmem>>, vector<1x1024x128xf32>,
    %get3A_155 = arith.constant 7 : index
    %get3A_156 = arith.constant 0 : index
    %get3A_157 = vector.load %arg3[%get3A_155, %get3A_156] : memref<16x128xf32, #tpu.memory_space<vmem>>, vector<1x128xf32>
    %broadcast_in_dim3A_158 = vector.shape_cast %get3A_157 : vector<1x128xf32> to vector<1x128xf32>
    %broadcast_in_dim3A_159 = vector.broadcast %broadcast_in_dim3A_158 : vector<1x128xf32> to vector<1024x128xf32>
    %swap3A_160 = arith.constant 16 : index
    %swap3A_161 = arith.constant 0 : index
    %swap3A_162 = arith.constant 0 : index
    %swap3A_163 = vector.load %arg4[%swap3A_160, %swap3A_161, %swap3A_162] : memref<25x1024x128xf32, #tpu.memory_space<vmem>>, vector<1x1024x128xf32>
    %swap3A_164 = vector.shape_cast %swap3A_163 : vector<1x1024x128xf32> to vector<1024x128xf32>
    %swap3A_165 = vector.shape_cast %broadcast_in_dim3A_159 : vector<1024x128xf32> to vector<1x1024x128xf32>
    tpu.vector_store %arg4[%swap3A_160, %swap3A_161, %swap3A_162], %swap3A_165 {strides = array<i32>} : memref<25x1024x128xf32, #tpu.memory_space<vmem>>, vector<1x1024x128xf32>,
    %get3A_166 = arith.constant 8 : index
    %get3A_167 = arith.constant 0 : index
    %get3A_168 = vector.load %arg3[%get3A_166, %get3A_167] : memref<16x128xf32, #tpu.memory_space<vmem>>, vector<1x128xf32>
    %broadcast_in_dim3A_169 = vector.shape_cast %get3A_168 : vector<1x128xf32> to vector<1x128xf32>
    %broadcast_in_dim3A_170 = vector.broadcast %broadcast_in_dim3A_169 : vector<1x128xf32> to vector<1024x128xf32>
    %swap3A_171 = arith.constant 17 : index
    %swap3A_172 = arith.constant 0 : index
    %swap3A_173 = arith.constant 0 : index
    %swap3A_174 = vector.load %arg4[%swap3A_171, %swap3A_172, %swap3A_173] : memref<25x1024x128xf32, #tpu.memory_space<vmem>>, vector<1x1024x128xf32>
    %swap3A_175 = vector.shape_cast %swap3A_174 : vector<1x1024x128xf32> to vector<1024x128xf32>
    %swap3A_176 = vector.shape_cast %broadcast_in_dim3A_170 : vector<1024x128xf32> to vector<1x1024x128xf32>
    tpu.vector_store %arg4[%swap3A_171, %swap3A_172, %swap3A_173], %swap3A_176 {strides = array<i32>} : memref<25x1024x128xf32, #tpu.memory_space<vmem>>, vector<1x1024x128xf32>,
    %get3A_177 = arith.constant 9 : index
    %get3A_178 = arith.constant 0 : index
    %get3A_179 = vector.load %arg3[%get3A_177, %get3A_178] : memref<16x128xf32, #tpu.memory_space<vmem>>, vector<1x128xf32>
    %broadcast_in_dim3A_180 = vector.shape_cast %get3A_179 : vector<1x128xf32> to vector<1x128xf32>
    %broadcast_in_dim3A_181 = vector.broadcast %broadcast_in_dim3A_180 : vector<1x128xf32> to vector<1024x128xf32>
    %swap3A_182 = arith.constant 18 : index
    %swap3A_183 = arith.constant 0 : index
    %swap3A_184 = arith.constant 0 : index
    %swap3A_185 = vector.load %arg4[%swap3A_182, %swap3A_183, %swap3A_184] : memref<25x1024x128xf32, #tpu.memory_space<vmem>>, vector<1x1024x128xf32>
    %swap3A_186 = vector.shape_cast %swap3A_185 : vector<1x1024x128xf32> to vector<1024x128xf32>
    %swap3A_187 = vector.shape_cast %broadcast_in_dim3A_181 : vector<1024x128xf32> to vector<1x1024x128xf32>
    tpu.vector_store %arg4[%swap3A_182, %swap3A_183, %swap3A_184], %swap3A_187 {strides = array<i32>} : memref<25x1024x128xf32, #tpu.memory_space<vmem>>, vector<1x1024x128xf32>,
    %get3A_188 = arith.constant 10 : index
    %get3A_189 = arith.constant 0 : index
    %get3A_190 = vector.load %arg3[%get3A_188, %get3A_189] : memref<16x128xf32, #tpu.memory_space<vmem>>, vector<1x128xf32>
    %broadcast_in_dim3A_191 = vector.shape_cast %get3A_190 : vector<1x128xf32> to vector<1x128xf32>
    %broadcast_in_dim3A_192 = vector.broadcast %broadcast_in_dim3A_191 : vector<1x128xf32> to vector<1024x128xf32>
    %swap3A_193 = arith.constant 19 : index
    %swap3A_194 = arith.constant 0 : index
    %swap3A_195 = arith.constant 0 : index
    %swap3A_196 = vector.load %arg4[%swap3A_193, %swap3A_194, %swap3A_195] : memref<25x1024x128xf32, #tpu.memory_space<vmem>>, vector<1x1024x128xf32>
    %swap3A_197 = vector.shape_cast %swap3A_196 : vector<1x1024x128xf32> to vector<1024x128xf32>
    %swap3A_198 = vector.shape_cast %broadcast_in_dim3A_192 : vector<1024x128xf32> to vector<1x1024x128xf32>
    tpu.vector_store %arg4[%swap3A_193, %swap3A_194, %swap3A_195], %swap3A_198 {strides = array<i32>} : memref<25x1024x128xf32, #tpu.memory_space<vmem>>, vector<1x1024x128xf32>,
    %get3A_199 = arith.constant 11 : index
    %get3A_200 = arith.constant 0 : index
    %get3A_201 = vector.load %arg3[%get3A_199, %get3A_200] : memref<16x128xf32, #tpu.memory_space<vmem>>, vector<1x128xf32>
    %broadcast_in_dim3A_202 = vector.shape_cast %get3A_201 : vector<1x128xf32> to vector<1x128xf32>
    %broadcast_in_dim3A_203 = vector.broadcast %broadcast_in_dim3A_202 : vector<1x128xf32> to vector<1024x128xf32>
    %swap3A_204 = arith.constant 20 : index
    %swap3A_205 = arith.constant 0 : index
    %swap3A_206 = arith.constant 0 : index
    %swap3A_207 = vector.load %arg4[%swap3A_204, %swap3A_205, %swap3A_206] : memref<25x1024x128xf32, #tpu.memory_space<vmem>>, vector<1x1024x128xf32>
    %swap3A_208 = vector.shape_cast %swap3A_207 : vector<1x1024x128xf32> to vector<1024x128xf32>
    %swap3A_209 = vector.shape_cast %broadcast_in_dim3A_203 : vector<1024x128xf32> to vector<1x1024x128xf32>
    tpu.vector_store %arg4[%swap3A_204, %swap3A_205, %swap3A_206], %swap3A_209 {strides = array<i32>} : memref<25x1024x128xf32, #tpu.memory_space<vmem>>, vector<1x1024x128xf32>,
    %get3A_210 = arith.constant 12 : index
    %get3A_211 = arith.constant 0 : index
    %get3A_212 = vector.load %arg3[%get3A_210, %get3A_211] : memref<16x128xf32, #tpu.memory_space<vmem>>, vector<1x128xf32>
    %broadcast_in_dim3A_213 = vector.shape_cast %get3A_212 : vector<1x128xf32> to vector<1x128xf32>
    %broadcast_in_dim3A_214 = vector.broadcast %broadcast_in_dim3A_213 : vector<1x128xf32> to vector<1024x128xf32>
    %swap3A_215 = arith.constant 21 : index
    %swap3A_216 = arith.constant 0 : index
    %swap3A_217 = arith.constant 0 : index
    %swap3A_218 = vector.load %arg4[%swap3A_215, %swap3A_216, %swap3A_217] : memref<25x1024x128xf32, #tpu.memory_space<vmem>>, vector<1x1024x128xf32>
    %swap3A_219 = vector.shape_cast %swap3A_218 : vector<1x1024x128xf32> to vector<1024x128xf32>
    %swap3A_220 = vector.shape_cast %broadcast_in_dim3A_214 : vector<1024x128xf32> to vector<1x1024x128xf32>
    tpu.vector_store %arg4[%swap3A_215, %swap3A_216, %swap3A_217], %swap3A_220 {strides = array<i32>} : memref<25x1024x128xf32, #tpu.memory_space<vmem>>, vector<1x1024x128xf32>,
    %get3A_221 = arith.constant 13 : index
    %get3A_222 = arith.constant 0 : index
    %get3A_223 = vector.load %arg3[%get3A_221, %get3A_222] : memref<16x128xf32, #tpu.memory_space<vmem>>, vector<1x128xf32>
    %broadcast_in_dim3A_224 = vector.shape_cast %get3A_223 : vector<1x128xf32> to vector<1x128xf32>
    %broadcast_in_dim3A_225 = vector.broadcast %broadcast_in_dim3A_224 : vector<1x128xf32> to vector<1024x128xf32>
    %swap3A_226 = arith.constant 22 : index
    %swap3A_227 = arith.constant 0 : index
    %swap3A_228 = arith.constant 0 : index
    %swap3A_229 = vector.load %arg4[%swap3A_226, %swap3A_227, %swap3A_228] : memref<25x1024x128xf32, #tpu.memory_space<vmem>>, vector<1x1024x128xf32>
    %swap3A_230 = vector.shape_cast %swap3A_229 : vector<1x1024x128xf32> to vector<1024x128xf32>
    %swap3A_231 = vector.shape_cast %broadcast_in_dim3A_225 : vector<1024x128xf32> to vector<1x1024x128xf32>
    tpu.vector_store %arg4[%swap3A_226, %swap3A_227, %swap3A_228], %swap3A_231 {strides = array<i32>} : memref<25x1024x128xf32, #tpu.memory_space<vmem>>, vector<1x1024x128xf32>,
    %get3A_232 = arith.constant 14 : index
    %get3A_233 = arith.constant 0 : index
    %get3A_234 = vector.load %arg3[%get3A_232, %get3A_233] : memref<16x128xf32, #tpu.memory_space<vmem>>, vector<1x128xf32>
    %broadcast_in_dim3A_235 = vector.shape_cast %get3A_234 : vector<1x128xf32> to vector<1x128xf32>
    %broadcast_in_dim3A_236 = vector.broadcast %broadcast_in_dim3A_235 : vector<1x128xf32> to vector<1024x128xf32>
    %swap3A_237 = arith.constant 23 : index
    %swap3A_238 = arith.constant 0 : index
    %swap3A_239 = arith.constant 0 : index
    %swap3A_240 = vector.load %arg4[%swap3A_237, %swap3A_238, %swap3A_239] : memref<25x1024x128xf32, #tpu.memory_space<vmem>>, vector<1x1024x128xf32>
    %swap3A_241 = vector.shape_cast %swap3A_240 : vector<1x1024x128xf32> to vector<1024x128xf32>
    %swap3A_242 = vector.shape_cast %broadcast_in_dim3A_236 : vector<1024x128xf32> to vector<1x1024x128xf32>
    tpu.vector_store %arg4[%swap3A_237, %swap3A_238, %swap3A_239], %swap3A_242 {strides = array<i32>} : memref<25x1024x128xf32, #tpu.memory_space<vmem>>, vector<1x1024x128xf32>,
    %get3A_243 = arith.constant 15 : index
    %get3A_244 = arith.constant 0 : index
    %get3A_245 = vector.load %arg3[%get3A_243, %get3A_244] : memref<16x128xf32, #tpu.memory_space<vmem>>, vector<1x128xf32>
    %broadcast_in_dim3A_246 = vector.shape_cast %get3A_245 : vector<1x128xf32> to vector<1x128xf32>
    %broadcast_in_dim3A_247 = vector.broadcast %broadcast_in_dim3A_246 : vector<1x128xf32> to vector<1024x128xf32>
    %swap3A_248 = arith.constant 24 : index
    %swap3A_249 = arith.constant 0 : index
    %swap3A_250 = arith.constant 0 : index
    %swap3A_251 = vector.load %arg4[%swap3A_248, %swap3A_249, %swap3A_250] : memref<25x1024x128xf32, #tpu.memory_space<vmem>>, vector<1x1024x128xf32>
    %swap3A_252 = vector.shape_cast %swap3A_251 : vector<1x1024x128xf32> to vector<1024x128xf32>
    %swap3A_253 = vector.shape_cast %broadcast_in_dim3A_247 : vector<1024x128xf32> to vector<1x1024x128xf32>
    tpu.vector_store %arg4[%swap3A_248, %swap3A_249, %swap3A_250], %swap3A_253 {strides = array<i32>} : memref<25x1024x128xf32, #tpu.memory_space<vmem>>, vector<1x1024x128xf32>,
    %slice3A_254 = vector.extract_strided_slice %get3A_4 {offsets = [0, 3], sizes = [1024, 3], strides = [1, 1]} : vector<1024x8xf32> to vector<1024x3xf32>
    %mul3A_255 = arith.mulf %slice3A_254, %slice3A_254 : vector<1024x3xf32>
    %reduce_sum3A = arith.constant dense<0.000000e+00> : vector<1024xf32>
    %reduce_sum3A_256 = vector.multi_reduction <add>, %mul3A_255, %reduce_sum3A [1] : vector<1024x3xf32> to vector<1024xf32>
    %broadcast_in_dim3A_257 = vector.shape_cast %reduce_sum3A_256 : vector<1024xf32> to vector<1024x1xf32>
    %abs3A = math.absf %transpose3A : vector<1024x128xf32>
    %sqrt3A = math.sqrt %broadcast_in_dim3A_257 : vector<1024x1xf32>
    %mul3A_258 = vector.broadcast %sqrt3A : vector<1024x1xf32> to vector<1024x128xf32>
    %mul3A_259 = arith.mulf %abs3A, %mul3A_258 : vector<1024x128xf32>
    %swap3A_260 = arith.constant 0 : index
    %swap3A_261 = arith.constant 0 : index
    %swap3A_262 = vector.load %arg5[%swap3A_260, %swap3A_261] : memref<1024x128xf32, #tpu.memory_space<vmem>>, vector<1024x128xf32>
    tpu.vector_store %arg5[%swap3A_260, %swap3A_261], %mul3A_259 {strides = array<i32>} : memref<1024x128xf32, #tpu.memory_space<vmem>>, vector<1024x128xf32>,
    return
  }
  func.func @transform_0(%arg0: i32) -> (i32, i32) {
    %c0_i32 = arith.constant 0 : i32
    %c0_i32_0 = arith.constant 0 : i32
    return %c0_i32, %arg0 : i32, i32
  }
  func.func @transform_1(%arg0: i32) -> (i32, i32) {
    %c0_i32 = arith.constant 0 : i32
    %c0_i32_0 = arith.constant 0 : i32
    return %arg0, %c0_i32 : i32, i32
  }
  func.func @transform_2(%arg0: i32) -> (i32, i32) {
    %c0_i32 = arith.constant 0 : i32
    %c0_i32_0 = arith.constant 0 : i32
    %c0_i32_1 = arith.constant 0 : i32
    return %c0_i32, %c0_i32_0 : i32, i32
  }
  func.func @transform_3(%arg0: i32) -> (i32, i32, i32) {
    %c0_i32 = arith.constant 0 : i32
    %c0_i32_0 = arith.constant 0 : i32
    %c0_i32_1 = arith.constant 0 : i32
    return %c0_i32, %arg0, %c0_i32_0 : i32, i32, i32
  }
  func.func @transform_4(%arg0: i32) -> (i32, i32) {
    %c0_i32 = arith.constant 0 : i32
    %c0_i32_0 = arith.constant 0 : i32
    return %arg0, %c0_i32 : i32, i32
  }
}

</mosaic_0001>

<sc_bundles>
// kernel: kernel.6.cloned.1.call-start
scs
__scs_entry_jumppad:
0x0: {  	(pc) =	sbr.rel $0x88, $3  }
0x1: {  	(tag) =	ssettag $0x0;
	lr =	simm.s32 $0x1  }
0x2: {  	[smem:$0x3F9E] =	sst lr;
	_ =	strace $0xD0000000  }
0x3: {  	_ = 	snop  }
0x4: {  	_ = 	snop  }
0x5: {  	_ = 	snop  }
0x6: {  	_ = 	snop  }
0x7: {  	_ = 	snop  }
__scs_overlays_trampoline_lowered:
0x8: {  	[smem:$0x3FAD] =	sst s0  }
0x9: {  	[smem:$0x3FAE] =	sst s1  }
0xa: {  	[smem:$0x3FAF] =	sst s2  }
0xb: {  	[smem:$0x3FB0] =	sst s3  }
0xc: {  	[smem:$0x3FB1] =	sst s4  }
0xd: {  	[smem:$0x3FB2] =	sst s5  }
0xe: {  	[smem:$0x3FB3] =	sst s6  }
0xf: {  	[smem:$0x3FB4] =	sst s7  }
0x10: {  	[smem:$0x3FB5] =	sst s8  }
0x11: {  	[smem:$0x3FB6] =	sst s9;
	s0 =	simm.s32 @!p0 $0x0  }
0x12: {  	s1 =	sld [smem:$0x3F9C];
	s0 =	simm.s32 @p0 $0x1  }
0x13: {  	[smem:$0x3FB7] =	sst s0;
	s0 =	simm.s32 @!p1 $0x0  }
0x14: {  	s2 =	sld [smem:$0x3F9B];
	s0 =	simm.s32 @p1 $0x1  }
0x15: {  	[smem:$0x3FB8] =	sst s0;
	s0 =	simm.s32 @!p2 $0x0  }
0x16: {  	s3 =	sld [smem:$0x3FDB];
	s0 =	simm.s32 @p2 $0x1  }
0x17: {  	s4 =	simm.s32 $0x1BF5;
	[smem:$0x3FBA] =	sst s0  }
0x18: {  	s0 =	sld [smem:$0x3F9D];
	_ =	swait.ge [sflag:s4], $0x0  }
0x19: {  	s7 =	sld [smem:$0x3F9E]  }
0x1a: {  	s8 =	sadd.s32 $0xFFFFE003, lr  }
0x1b: {  	s9 =	sadd.s32 $0xFFFFFEF7, lr;
	s5 =	simm.s32 $0xFFFFFFFF;
	p2 =	slt.u32 s8, $0xFFFFF086  }
0x1c: {  	p1 =	slt.u32 s9, $0xF7A;
	s5 =	simm.s32 @!p2 $0x0  }
0x1d: {  	s5 =	simm.s32 @p1 $0x1;
	p0 =	seq.s32 s7, s2  }
0x1e: {  	s7 =	smul.u32 @!p0 $0xF7A, s2;
	p2 =	seq.s32 @!p0 s5, $0x0  }
0x1f: {  	s9 =	smul.u32 $0xF7A, s1;
	s8 =	simm.s32 @!p0 $0x1BF5;
	p2 =	por !p2, p0  }
0x20: {  	[sflag:s8] =	ssyncset.s32 @!p0 $0xFFFFF086;
	s6 =	sadd.s32 @!p0 s3, s7;
	s7 =	simm.s32 @!p0 $0x108  }
0x21: {  	s3 =	sadd.s32 s3, s9;
	s6 =	sadd.s32 @!p0 $0x88, s6;
	s7 =	simm.s32 @p2 $0x1082  }
0x22: {  	[simem:s7], [sflag:s8] =	dma.local @!p0 [hbm:s6], $0xF7A  }
0x23: {  	s9 =	sor.u32 $0xD0000000, s2;
	s6 =	simm.s32 $0x108;
	_ =	swait.ge @!p0 [sflag:s8], $0x0  }
0x24: {  	s3 =	sadd.s32 $0x88, s3;
	s6 =	simm.s32 @!p1 $0x1082;
	[sflag:s4] =	ssyncset.s32 $0xFFFFF086  }
0x25: {  	[simem:s6], [sflag:s4] =	dma.local [hbm:s3], $0xF7A  }
0x26: {  	[smem:$0x3F9E] =	sst s1;
	(tag) =	ssettag s2;
	_ =	strace s9  }
0x27: {  	s1 =	sld [smem:$0x3FAE]  }
0x28: {  	s2 =	sld [smem:$0x3FAF]  }
0x29: {  	s4 =	sld [smem:$0x3FB1]  }
0x2a: {  	p0 =	seq.s32 s5, $0x0;
	s5 =	sld [smem:$0x3FB2]  }
0x2b: {  	s6 =	sld [smem:$0x3FB3]  }
0x2c: {  	s7 =	sld [smem:$0x3FB4]  }
0x2d: {  	s3 =	simm.s32 $0x108;
	s8 =	sld [smem:$0x3FB5]  }
0x2e: {  	s3 =	simm.s32 @!p0 $0x1082;
	s9 =	sld [smem:$0x3FB6]  }
0x2f: {  	lr =	sadd.s32 s0, s3;
	s0 =	sld [smem:$0x3FAD]  }
0x30: {  	s3 =	sld [smem:$0x3FB0]  }
0x31: {  	[smem:$0x3FB9] =	sst s10  }
0x32: {  	s10 =	sld [smem:$0x3FB7];
	_ =	sdelay $0x3  }
0x33: {  	p0 =	seq.s32 s10, $0x1;
	s10 =	sld [smem:$0x3FB9];
	_ =	sdelay $0x3  }
0x34: {  	[smem:$0x3FB9] =	sst s10  }
0x35: {  	s10 =	sld [smem:$0x3FB8];
	_ =	sdelay $0x3  }
0x36: {  	p1 =	seq.s32 s10, $0x1;
	s10 =	sld [smem:$0x3FB9];
	_ =	sdelay $0x3  }
0x37: {  	[smem:$0x3FB9] =	sst s10  }
0x38: {  	s10 =	sld [smem:$0x3FBA]  }
0x39: {  	_ = 	snop;
	(pc) =	sbr.ind lr, $3  }
0x3a: {  	_ = 	snop  }
0x3b: {  	_ = 	snop  }
0x3c: {  	p2 =	seq.s32 s10, $0x1;
	s10 =	sld [smem:$0x3FB9]  }
0x3d: {  	_ =	shalt  }
0x3e: {  	_ =	shalt  }
0x3f: {  	_ =	shalt  }
0x40: {  	_ =	shalt  }
0x41: {  	_ =	shalt  }
0x42: {  	_ =	shalt  }
0x43: {  	_ =	shalt  }
0x44: {  	_ =	shalt  }
0x45: {  	_ =	shalt  }
0x46: {  	_ =	shalt  }
0x47: {  	_ =	shalt  }
0x48: {  	_ =	shalt  }
0x49: {  	_ =	shalt  }
0x4a: {  	_ =	shalt  }
0x4b: {  	_ =	shalt  }
0x4c: {  	_ =	shalt  }
0x4d: {  	_ =	shalt  }
0x4e: {  	_ =	shalt  }
0x4f: {  	_ =	shalt  }
0x50: {  	_ =	shalt  }
0x51: {  	_ =	shalt  }
0x52: {  	_ =	shalt  }
0x53: {  	_ =	shalt  }
0x54: {  	_ =	shalt  }
0x55: {  	_ =	shalt  }
0x56: {  	_ =	shalt  }
0x57: {  	_ =	shalt  }
0x58: {  	_ =	shalt  }
0x59: {  	_ =	shalt  }
0x5a: {  	_ =	shalt  }
0x5b: {  	_ =	shalt  }
0x5c: {  	_ =	shalt  }
0x5d: {  	_ =	shalt  }
0x5e: {  	_ =	shalt  }
0x5f: {  	_ =	shalt  }
0x60: {  	_ =	shalt  }
0x61: {  	_ =	shalt  }
0x62: {  	_ =	shalt  }
0x63: {  	_ =	shalt  }
0x64: {  	_ =	shalt  }
0x65: {  	_ =	shalt  }
0x66: {  	_ =	shalt  }
0x67: {  	_ =	shalt  }
0x68: {  	_ =	shalt  }
0x69: {  	_ =	shalt  }
0x6a: {  	_ =	shalt  }
0x6b: {  	_ =	shalt  }
0x6c: {  	_ =	shalt  }
0x6d: {  	_ =	shalt  }
0x6e: {  	_ =	shalt  }
0x6f: {  	_ =	shalt  }
0x70: {  	_ =	shalt  }
0x71: {  	_ =	shalt  }
0x72: {  	_ =	shalt  }
0x73: {  	_ =	shalt  }
0x74: {  	_ =	shalt  }
0x75: {  	_ =	shalt  }
0x76: {  	_ =	shalt  }
0x77: {  	_ =	shalt  }
0x78: {  	_ =	shalt  }
0x79: {  	_ =	shalt  }
0x7a: {  	_ =	shalt  }
0x7b: {  	_ =	shalt  }
0x7c: {  	_ =	shalt  }
0x7d: {  	_ =	shalt  }
0x7e: {  	_ =	shalt  }
0x7f: {  	_ =	shalt  }
0x80: {  	_ =	shalt  }
0x81: {  	_ =	shalt  }
0x82: {  	_ =	shalt  }
0x83: {  	_ =	shalt  }
0x84: {  	_ =	shalt  }
0x85: {  	_ =	shalt  }
0x86: {  	_ =	shalt  }
0x87: {  	_ =	shalt  }
.Lfunc_end0:
.L_simem_size_0:
called_computation_lowered:
.L_overlay_start_0:
0x88: {  	s2 =	sld [smem:$0x3FD9]  }
0x89: {  	s3 =	sld [smem:$0x3FFE];
	_ =	sdelay $0x1  }
0x8a: {  	s1 =	srdreg.scid  }
0x8b: {  	s0 =	sand.u32 $0x1, s1  }
0x8c: {  	s14 =	sshll.u32 s0, $0xA;
	s2 =	sadd.s32 s3, s2  }
0x8d: {  	s2 =	sadd.s32 s2, s14  }
0x8e: {  	[smem:$0x3FC5] =	sst s2  }
0x8f: {  	_ = 	snop  }
0x90: {  	s2 =	sld [smem:$0x3FD0];
	_ =	sdelay $0x2  }
0x91: {  	s15 =	simm.s32 $0xA;
	s4 =	simm.s32 $0x10  }
0x92: {  	[smem:s4], [sflag:s15] =	dma.local [hbm:s2], $0x1  }
0x93: {  	_ =	swait.eq [sflag:s15], $0x1  }
0x94: {  	[sflag:s15] =	ssyncset.done $0x0  }
0x95: {  	s16 =	sld [smem:$0x10];
	[sflag:s15] =	ssyncadd.s32 $0xFFFFFFFF  }
0x96: {  	s17 =	sld [smem:$0x11];
	(tm) =	ssettm $0x1  }
0x97: {  	s18 =	sld [smem:$0x3FFB];
	_ =	sdelay $0x3  }
0x98: {  	_ =	strace s18  }
0x99: {  	s4 =	sld [smem:$0x3FFC];
	_ =	sdelay $0x3  }
0x9a: {  	_ =	strace s4  }
0x9b: {  	s4 =	sld [smem:$0x3FFD];
	_ =	sdelay $0x3  }
0x9c: {  	_ =	strace s4  }
0x9d: {  	_ =	strace $0x8FFFFFFF  }
0x9e: {  	s19 =	sld [smem:$0x3FDB];
	_ =	sdelay $0x1  }
0x9f: {  	s5 =	simm.s32 $_scs_section_size  }
0xa0: {  	s6 =	simm.s32 $_size__tile_overlayer_lowered;
	s7 =	simm.s32 $_tile_overlayer_lowered  }
0xa1: {  	s22 =	simm.s32 $0x1BFF;
	s21 =	sshll.u32 s7, $0x1;
	s4 =	sadd.s32 s5, s19  }
0xa2: {  	s8 =	simm.s32 $0x0;
	s20 =	sshll.u32 s6, $0x1;
	s6 =	sadd.s32 s21, s4  }
0xa3: {  	[timem:s8], [sflag:s22] =	dma.local [hbm:s6], s20  }
0xa4: {  	_ =	swait.ge [sflag:s22], s20  }
0xa5: {  	s5 =	ssub.s32 $0x0, s20;
	[sflag:s22] =	ssyncset.done $0x0  }
0xa6: {  	[sflag:s22] =	ssyncadd.s32 s5;
	_ =	sdelay $0x1  }
0xa7: {  	s23 =	simm.s32 $0x1B8B  }
0xa8: {  	_ =	swait.ge [sflag:s23], $0x1  }
0xa9: {  	[sflag:s23] =	ssyncset.done $0x0  }
0xaa: {  	s25 =	simm.s32 $0x1B8E;
	s24 =	sld [smem:$0x3FFE];
	[sflag:s23] =	ssyncadd.s32 $0xFFFFFFFF  }
0xab: {  	s26 =	simm.s32 $execute0_lowered;
	[smem:$0x3FD2] =	sst s25  }
0xac: {  	s6 =	sshll.u32 s26, $0x1;
	_ =	strace $0x80000046;
	[dreg:$0x1] =	wrdreg $0xFFFFFFFF  }
0xad: {  	s28 =	simm.s32 $_size_execute0_lowered;
	s4 =	sadd.s32 s4, s6;
	[dreg:$0x0] =	wrdreg $0x0  }
0xae: {  	s6 =	sshll.u32 s28, $0x1;
	[dreg:$0x2] =	wrdreg s4  }
0xaf: {  	[dreg:$0x3] =	wrdreg s6  }
0xb0: {  	[dreg:$0x4] =	wrdreg $0xC0  }
0xb1: {  	_ =	task [dreg:s8], $0x5FFFF  }
0xb2: {  	[dreg:$0x1] =	wrdreg $0xFFFFFFFF  }
0xb3: {  	[dreg:$0x0] =	wrdreg $0x60  }
0xb4: {  	[dreg:$0x2] =	wrdreg s17  }
0xb5: {  	[dreg:$0x3] =	wrdreg s24  }
0xb6: {  	[dreg:$0x4] =	wrdreg s16  }
0xb7: {  	[dreg:$0x5] =	wrdreg $0x9  }
0xb8: {  	_ =	task.clear_ibuf [dreg:s8], $0x6FFFF;
	_ =	strace $0x90000046  }
0xb9: {  	s29 =	simm.s32 $0x9;
	_ =	strace $0x80000048  }
0xba: {  	_ =	swait.ge [sflag:s29], $0x1  }
0xbb: {  	[sflag:s29] =	ssyncadd.s32 $0xFFFFFFFF  }
0xbc: {  	_ =	strace $0x90000048  }
0xbd: {  	_ =	sfence  }
0xbe: {  	s30 =	sld [smem:$0x0];
	_ =	sdelay $0x2  }
0xbf: {  	s31 =	sshll.u32 s1, $0xD;
	s1 =	sshrl.u32 s1, $0x2  }
0xc0: {  	s3 =	sand.u32 $0x4000, s31;
	s1 =	sadd.s32 s1, s30  }
0xc1: {  	s0 =	sor.u32 s3, s0;
	s1 =	sshll.u32 s1, $0x11  }
0xc2: {  	s0 =	sor.u32 s1, s0  }
0xc3: {  	s0 =	sadd.s32 $0x8F2B, s0  }
0xc4: {  	[sflag:s0] =	ssyncadd.remote.s32 $0x1  }
0xc5: {  	_ =	sfence.sel $0xFFFF  }
0xc6: {  	[dreg:$0x0] =	wrdreg $0xFFFFFFFF;
	(pc) =	sbr.abs _section_cstart, $3  }
0xc7: {  	[dreg:$0x1] =	wrdreg $0xFFFFFFFF  }
0xc8: {  	_ =	task.clear_ibuf [dreg:s8], $0x2FFFF;
	_ =	strace $0x9FFFFFFF  }
0xc9: {  	(tm) =	ssettm $0x7FFFFFFF  }
tec
execute0_lowered:
.L_overlay_start_1:
0x0: {  	(tag) =	ssettag $0x1  }
0x1: {  	s6 =	rddreg [dreg:$0x0]  }
0x2: {  	s3 =	rddreg [dreg:$0x1]  }
0x3: {  	s8 =	rddreg [dreg:$0x2]  }
0x4: {  	s0 =	rddreg [dreg:$0x3];
	s4 =	srdreg.scid  }
0x5: {  	s2 =	simm.s32 $0x0;
	s1 =	stileid.u32;
	s12 =	simm.s32 $0x1  }
0x6: {  	s13 =	simm.s32 $0x10000;
	s14 =	simm.s32 $0x8000;
	s15 =	simm.s32 $0x0  }
0x7: {  	s4 =	sand.u32 $0x1, s4;
	[smem:$0x7FF] =	sst s2;
	s5 =	sshll.u32 s1, $0xA  }
0x8: {  	s29 =	sadd.s32 $0x1400, s3;
	s7 =	sshll.u32 s4, $0x9;
	s4 =	ssub.s32 $0x2, s4  }
0x9: {  	_ =	strace $0x80000047;
	s5 =	sor.u32 s7, s5;
	s30 =	sshrl.u32 s4, $0x1  }
0xa: {  	s9 =	sshrl.u32 s5, $0x7;
	s10 =	ssub.s32 s4, s30;
	s31 =	sshrl.u32 s5, $0x3  }
0xb: {  	v0 =	vlaneseq.u32;
	s3 =	sadd.s32 s6, s5;
	s5 =	sadd.s32 s8, s5;
	s9 =	sor.u32 $0x2, s9  }
0xc: {  	v1 =	vimm.s32 $0x0;
	v2 =	vor.u32 $0x10, v0;
	s4 =	sadd.s32 s29, s31;
	s11 =	sshll.u32 s9, $0x7;
	s9 =	sshll.u32 s9, $0x4  }
0xd: {  	v3 =	vor.u32 $0x20, v0;
	v4 =	vor.u32 $0x30, v0;
	v5 =	vor.u32 $0x40, v0;
	s6 =	sadd.s32 s6, s11;
	s7 =	sadd.s32 s29, s9;
	s8 =	sadd.s32 s8, s11  }
0xe: {  	v6 =	vor.u32 $0x50, v0;
	v7 =	vor.u32 $0x60, v0;
	v8 =	vor.u32 $0x70, v0;
	s9 =	smax.u32 s10, $0x1;
	s10 =	simm.s32 $0x800;
	s11 =	simm.s32 $0x20000  }
.LBB2_1:
0xf: {  	[tilespmem:s2], [sflag:$0x1] =	stream.strided.gather [hbm4b:s3+s10], $0x8000, s11, s10, $0x38;
	[tilespmem:$0x10100] =	vst v63  }
0x10: {  	_ =	swait.ge [sflag:s12], $0x8000  }
0x11: {  	[sflag:s12] =	ssyncset.done $0x0  }
0x12: {  	[sflag:s12] =	ssyncadd.s32 $0xFFFF8000  }
0x13: {  	[tilespmem:s13], [sflag:$0x1] =	stream.linear.gather [hbm4b:s4+s2], $0x100, $0x38;
	[tilespmem:$0x10100] =	vst v63  }
0x14: {  	_ =	swait.ge [sflag:s12], $0x100  }
0x15: {  	[sflag:s12] =	ssyncset.done $0x0  }
0x16: {  	[sflag:s12] =	ssyncadd.s32 $0xFFFFFF00  }
0x17: {  	v13 =	vld [tilespmem:$0x10000]  }
0x18: {  	v15 =	vld [tilespmem:$0x10010]  }
0x19: {  	v11 =	vld [tilespmem:$0x10020];
	_ =	sdelay $0x2  }
0x1a: {  	s16 =	simm.s32 $0x1  }
0x1b: {  	v18 =	vmov s2;
	v31 =	vmov s16;
	v9 =	vld [tilespmem:$0x10030];
	vm0 =	vgt.s32 v13, $0x0  }
0x1c: {  	v16 =	vadd.s32 $0xFFFFFFFF, v13;
	v22 =	vadd.s32 $0xFFFFFFFF, v15;
	v12 =	vadd.s32 $0xFFFFFFFF, v11  }
0x1d: {  	vm1 =	vgt.s32 v15, $0x0;
	vm3 =	vlt.s32 v15, $0x80;
	v10 =	vnsel vm0, $0x0, v13  }
0x1e: {  	vm0 =	vgt.s32 v22, $0x0;
	vm2 =	vgt.s32 v16, $0x0;
	v20 =	vnsel vm1, $0x0, v15  }
0x1f: {  	vm1 =	vgt.s32 v12, $0x0;
	vm4 =	vgt.s32 v22, $0xFFFFFFFF;
	v14 =	vmin.u32 v10, $0x7F  }
0x20: {  	v10 =	vadd.s32 $0xFFFFFFFF, v9;
	v19 =	vnsel vm0, $0x0, v22;
	v21 =	vnsel vm2, $0x0, v16  }
0x21: {  	v20 =	vmin.u32 v20, $0x7F;
	vm0 =	vlt.s32 v13, $0x80;
	v17 =	vshll.u32 v14, $0x8  }
0x22: {  	v14 =	vshll.u32 v14, $0x7;
	v19 =	vmin.u32 v19, $0x7F;
	v21 =	vmin.u32 v21, $0x7F  }
0x23: {  	v25 =	vshll.u32 v20, $0x8;
	v20 =	vshll.u32 v20, $0x7;
	vm2 =	vgt.s32 v10, $0x0  }
0x24: {  	v17 =	vand.u32 $0x7800, v17;
	v14 =	vand.u32 $0x380, v14;
	v23 =	vshll.u32 v19, $0x8  }
0x25: {  	v24 =	vshll.u32 v21, $0x8;
	v21 =	vshll.u32 v21, $0x7;
	v19 =	vshll.u32 v19, $0x7  }
0x26: {  	v20 =	vand.u32 $0x380, v20;
	v25 =	vand.u32 $0x7800, v25;
	v14 =	vor.u32 v17, v14  }
0x27: {  	v17 =	vshll.u32 v18, $0x8;
	v24 =	vand.u32 $0x7800, v24;
	v21 =	vand.u32 $0x380, v21  }
0x28: {  	v18 =	vshll.u32 v18, $0x7;
	v23 =	vand.u32 $0x7800, v23;
	v20 =	vor.u32 v25, v20  }
0x29: {  	v17 =	vand.u32 $0x7800, v17;
	v21 =	vor.u32 v24, v21;
	v14 =	vor.u32 v0, v14  }
0x2a: {  	v18 =	vand.u32 $0x380, v18;
	v20 =	vor.u32 v2, v20;
	v21 =	vor.u32 v0, v21  }
0x2b: {  	v24 =	vor.u32 v18, v17;
	v17 =	vand.u32 $0x380, v19;
	v18 =	vnsel vm1, $0x0, v12  }
0x2c: {  	vm1 =	vgt.s32 v11, $0x0;
	v17 =	vor.u32 v23, v17;
	v18 =	vmin.u32 v18, $0x7F  }
0x2d: {  	v19 =	vnsel vm1, $0x0, v11;
	vm1 =	vgt.s32 v16, $0xFFFFFFFF;
	v26 =	vor.u32 v0, v24  }
0x2e: {  	v19 =	vmin.u32 v19, $0x7F;
	v23 =	vshll.u32 v18, $0x8;
	v18 =	vshll.u32 v18, $0x7;
	v14 =	vld.idx.msk [tilespmem:v14+s2+$0x0], $0xffff  }
0x2f: {  	v17 =	vor.u32 v2, v17;
	v23 =	vand.u32 $0x7800, v23;
	v18 =	vand.u32 $0x380, v18;
	v21 =	vld.idx.msk [tilespmem:v21+s2+$0x0], $0xffff  }
0x30: {  	v25 =	vshll.u32 v19, $0x8;
	v19 =	vshll.u32 v19, $0x7;
	v23 =	vor.u32 v23, v18  }
0x31: {  	v18 =	vand.u32 $0x380, v19;
	v19 =	vand.u32 $0x7800, v25;
	v25 =	vnsel vm2, $0x0, v10  }
0x32: {  	vm2 =	vgt.s32 v9, $0x0;
	v19 =	vor.u32 v19, v18;
	v18 =	vmin.u32 v25, $0x7F  }
0x33: {  	v25 =	vnsel vm2, $0x0, v9;
	vm2 =	vgt.s32 v12, $0xFFFFFFFF;
	v23 =	vor.u32 v3, v23  }
0x34: {  	v25 =	vmin.u32 v25, $0x7F;
	v28 =	vand.u32 $0x7FFFFFFF, v14;
	v27 =	vand.u32 $0x7FFFFFFF, v21  }
0x35: {  	v29 =	vshll.u32 v18, $0x8;
	v28 =	vnsel vm0, $0x7F61B1E6, v28;
	v27 =	vnsel vm1, $0x7F61B1E6, v27  }
0x36: {  	v18 =	vshll.u32 v18, $0x7;
	v30 =	vshll.u32 v25, $0x8;
	vm0 =	vle.f32 v27, v28  }
0x37: {  	v18 =	vand.u32 $0x380, v18;
	vm1 =	vmneg vm0;
	v14 =	vsel vm0, v21, v14  }
0x38: {  	v25 =	vshll.u32 v25, $0x7;
	v27 =	vand.u32 $0x7800, v29;
	v21 =	vsel vm1, $0x1, v1;
	[tilespmem:v26+s14+$0x0] =	vst.idx.msk $0xffff, v14  }
0x39: {  	v28 =	vor.u32 v2, v24;
	v14 =	vadd.s32 v21, v13;
	v13 =	vand.u32 $0x380, v25;
	v25 =	vld.idx.msk [tilespmem:v17+s2+$0x0], $0xffff  }
0x3a: {  	v27 =	vor.u32 v27, v18;
	v21 =	vsel vm0, $0xFFFFFFFF, v1;
	v26 =	vld.idx.msk [tilespmem:v20+s2+$0x0], $0xffff;
	vm0 =	vgt.s32 v14, $0x0  }
0x3b: {  	v18 =	vand.u32 $0x7800, v30;
	v30 =	vor.u32 v3, v19;
	v17 =	vnsel vm0, $0x0, v14  }
0x3c: {  	vm1 =	vlt.s32 v11, $0x80;
	v13 =	vor.u32 v18, v13;
	v17 =	vmin.u32 v17, $0x7F  }
0x3d: {  	v16 =	vadd.s32 v21, v16;
	v18 =	vshll.u32 v17, $0x8;
	v17 =	vshll.u32 v17, $0x7  }
0x3e: {  	vm0 =	vlt.s32 v9, $0x80;
	v18 =	vand.u32 $0x7800, v18;
	v20 =	vand.u32 $0x380, v17  }
0x3f: {  	v21 =	vand.u32 $0x7FFFFFFF, v26;
	v18 =	vor.u32 v18, v20;
	v20 =	vand.u32 $0x7FFFFFFF, v25  }
0x40: {  	v19 =	vor.u32 v4, v13;
	v29 =	vnsel vm3, $0x7F61B1E6, v21;
	v20 =	vnsel vm4, $0x7F61B1E6, v20  }
0x41: {  	vm15 =	vgt.s32 v16, $0x0;
	v17 =	vor.u32 v4, v24;
	vm3 =	vle.f32 v20, v29  }
0x42: {  	v21 =	vor.u32 v3, v24;
	vm14 =	vmneg vm3;
	v13 =	vsel vm3, $0xFFFFFFFF, v1  }
0x43: {  	v24 =	vsel vm3, v25, v26;
	v13 =	vadd.s32 v13, v22;
	v22 =	vsel vm14, $0x1, v1  }
0x44: {  	v20 =	vor.u32 v4, v27;
	[tilespmem:v28+s14+$0x0] =	vst.idx.msk $0xffff, v24;
	vm3 =	vgt.s32 v13, $0x0;
	v15 =	vadd.s32 v22, v15  }
0x45: {  	v24 =	vshll.u32 v31, $0x8;
	v26 =	vld.idx.msk [tilespmem:v23+s2+$0x0], $0xffff;
	v23 =	vnsel vm3, $0x0, v13;
	vm3 =	vgt.s32 v15, $0x0  }
0x46: {  	v25 =	vnsel vm15, $0x0, v16;
	v22 =	vand.u32 $0x7800, v24;
	v27 =	vld.idx.msk [tilespmem:v30+s2+$0x0], $0xffff;
	v24 =	vnsel vm3, $0x0, v15  }
0x47: {  	v31 =	vshll.u32 v31, $0x7;
	v23 =	vmin.u32 v23, $0x7F;
	v28 =	vmin.u32 v24, $0x7F  }
0x48: {  	v29 =	vshll.u32 v23, $0x8;
	v24 =	vmin.u32 v25, $0x7F;
	v25 =	vshll.u32 v23, $0x7  }
0x49: {  	v23 =	vshll.u32 v28, $0x8;
	v30 =	vshll.u32 v24, $0x8;
	v24 =	vshll.u32 v24, $0x7  }
0x4a: {  	v30 =	vand.u32 $0x7800, v30;
	v24 =	vand.u32 $0x380, v24;
	v32 =	vand.u32 $0x7FFFFFFF, v26  }
0x4b: {  	v33 =	vand.u32 $0x7FFFFFFF, v27;
	v24 =	vor.u32 v30, v24;
	v30 =	vand.u32 $0x380, v31  }
0x4c: {  	s16 =	simm.s32 $0x2;
	v31 =	vnsel vm2, $0x7F61B1E6, v32;
	v32 =	vnsel vm1, $0x7F61B1E6, v33;
	v24 =	vor.u32 v0, v24  }
.LBB2_2:
0x4d: {  	p0 =	sne.s32 s16, $0x7F;
	v29 =	vand.u32 $0x7800, v29;
	v28 =	vshll.u32 v28, $0x7;
	vm1 =	vle.f32 v31, v32;
	s17 =	smov.u32 s16;
	s16 =	sadd.s32 $0x1, s16  }
0x4e: {  	vm2 =	vmneg vm1;
	v26 =	vsel vm1, v26, v27;
	v27 =	vsel vm1, $0xFFFFFFFF, v1  }
0x4f: {  	v28 =	vand.u32 $0x380, v28;
	[tilespmem:v21+s14+$0x0] =	vst.idx.msk $0xffff, v26;
	v12 =	vadd.s32 v27, v12;
	v21 =	vsel vm2, $0x1, v1  }
0x50: {  	v22 =	vor.u32 v30, v22;
	v25 =	vand.u32 $0x380, v25;
	v11 =	vadd.s32 v21, v11;
	v20 =	vld.idx.msk [tilespmem:v20+s2+$0x0], $0xffff  }
0x51: {  	vm1 =	vlt.s32 v14, $0x80;
	v21 =	vor.u32 v29, v25;
	vm3 =	vgt.s32 v12, $0x0;
	v19 =	vld.idx.msk [tilespmem:v19+s2+$0x0], $0xffff  }
0x52: {  	vm2 =	vgt.s32 v16, $0xFFFFFFFF;
	v25 =	vnsel vm3, $0x0, v12;
	vm3 =	vgt.s32 v11, $0x0  }
0x53: {  	v25 =	vmin.u32 v25, $0x7F;
	v26 =	vnsel vm3, $0x0, v11;
	vm3 =	vgt.s32 v10, $0xFFFFFFFF  }
0x54: {  	v26 =	vmin.u32 v26, $0x7F;
	v27 =	vshll.u32 v25, $0x8;
	v25 =	vshll.u32 v25, $0x7  }
0x55: {  	v23 =	vand.u32 $0x7800, v23;
	v27 =	vand.u32 $0x7800, v27;
	v25 =	vand.u32 $0x380, v25  }
0x56: {  	v23 =	vor.u32 v23, v28;
	v28 =	vshll.u32 v26, $0x8;
	v29 =	vand.u32 $0x7FFFFFFF, v20  }
0x57: {  	v23 =	vor.u32 v2, v23;
	v21 =	vor.u32 v2, v21;
	v30 =	vand.u32 $0x7FFFFFFF, v19  }
0x58: {  	v18 =	vor.u32 v0, v18;
	v29 =	vnsel vm3, $0x7F61B1E6, v29;
	v30 =	vnsel vm0, $0x7F61B1E6, v30  }
0x59: {  	v26 =	vshll.u32 v26, $0x7;
	v25 =	vor.u32 v27, v25;
	vm0 =	vle.f32 v29, v30  }
0x5a: {  	vm3 =	vmneg vm0;
	v19 =	vsel vm0, v20, v19;
	v20 =	vsel vm0, $0xFFFFFFFF, v1  }
0x5b: {  	v26 =	vand.u32 $0x380, v26;
	v10 =	vadd.s32 v20, v10;
	[tilespmem:v17+s14+$0x0] =	vst.idx.msk $0xffff, v19;
	v17 =	vsel vm3, $0x1, v1  }
0x5c: {  	v20 =	vand.u32 $0x7800, v28;
	vm0 =	vgt.s32 v10, $0x0;
	v19 =	vld.idx.msk [tilespmem:v24+s2+$0x0], $0xffff;
	v9 =	vadd.s32 v17, v9  }
0x5d: {  	v20 =	vor.u32 v20, v26;
	v17 =	vld.idx.msk [tilespmem:v18+s2+$0x0], $0xffff;
	v18 =	vnsel vm0, $0x0, v10;
	vm0 =	vgt.s32 v9, $0x0  }
0x5e: {  	v18 =	vmin.u32 v18, $0x7F;
	v24 =	vnsel vm0, $0x0, v9  }
0x5f: {  	vm4 =	vgt.s32 v13, $0xFFFFFFFF;
	vm3 =	vlt.s32 v15, $0x80;
	v24 =	vmin.u32 v24, $0x7F  }
0x60: {  	v26 =	vshll.u32 v18, $0x8;
	v18 =	vshll.u32 v18, $0x7;
	v27 =	vshll.u32 v24, $0x8  }
0x61: {  	v26 =	vand.u32 $0x7800, v26;
	v18 =	vand.u32 $0x380, v18;
	v24 =	vshll.u32 v24, $0x7  }
0x62: {  	v28 =	vor.u32 v0, v22;
	v26 =	vor.u32 v26, v18;
	v18 =	vand.u32 $0x7800, v27  }
0x63: {  	v27 =	vand.u32 $0x7FFFFFFF, v19;
	v24 =	vand.u32 $0x380, v24;
	v29 =	vand.u32 $0x7FFFFFFF, v17  }
0x64: {  	v27 =	vnsel vm2, $0x7F61B1E6, v27;
	v24 =	vor.u32 v18, v24;
	v29 =	vnsel vm1, $0x7F61B1E6, v29  }
0x65: {  	vm0 =	vle.f32 v27, v29  }
0x66: {  	vm1 =	vmneg vm0;
	v17 =	vsel vm0, v19, v17;
	v18 =	vsel vm0, $0xFFFFFFFF, v1  }
0x67: {  	v16 =	vadd.s32 v18, v16;
	[tilespmem:v28+s14+$0x0] =	vst.idx.msk $0xffff, v17;
	v17 =	vsel vm1, $0x1, v1  }
0x68: {  	vm1 =	vlt.s32 v11, $0x80;
	v14 =	vadd.s32 v17, v14;
	v27 =	vld.idx.msk [tilespmem:v21+s2+$0x0], $0xffff  }
0x69: {  	vm2 =	vgt.s32 v12, $0xFFFFFFFF;
	vm0 =	vgt.s32 v14, $0x0;
	v23 =	vld.idx.msk [tilespmem:v23+s2+$0x0], $0xffff  }
0x6a: {  	v17 =	vnsel vm0, $0x0, v14  }
0x6b: {  	v17 =	vmin.u32 v17, $0x7F  }
0x6c: {  	vm0 =	vlt.s32 v9, $0x80;
	v18 =	vshll.u32 v17, $0x8;
	v17 =	vshll.u32 v17, $0x7  }
0x6d: {  	v18 =	vand.u32 $0x7800, v18;
	v19 =	vand.u32 $0x380, v17;
	v17 =	vor.u32 v4, v22  }
0x6e: {  	v28 =	vor.u32 v2, v22;
	v18 =	vor.u32 v18, v19;
	v19 =	vand.u32 $0x7FFFFFFF, v27  }
0x6f: {  	v25 =	vor.u32 v3, v25;
	v21 =	vand.u32 $0x7FFFFFFF, v23;
	v19 =	vnsel vm4, $0x7F61B1E6, v19  }
0x70: {  	v30 =	vor.u32 v3, v20;
	v29 =	vnsel vm3, $0x7F61B1E6, v21;
	v21 =	vor.u32 v3, v22  }
0x71: {  	v20 =	vor.u32 v4, v26;
	vm3 =	vle.f32 v19, v29;
	v19 =	vor.u32 v4, v24  }
0x72: {  	vm4 =	vmneg vm3;
	v22 =	vsel vm3, v27, v23;
	v23 =	vsel vm3, $0xFFFFFFFF, v1  }
0x73: {  	v24 =	vmov s17;
	v13 =	vadd.s32 v23, v13;
	[tilespmem:v28+s14+$0x0] =	vst.idx.msk $0xffff, v22;
	v22 =	vsel vm4, $0x1, v1  }
0x74: {  	v23 =	vshll.u32 v24, $0x8;
	vm3 =	vgt.s32 v13, $0x0;
	v15 =	vadd.s32 v22, v15;
	v26 =	vld.idx.msk [tilespmem:v25+s2+$0x0], $0xffff  }
0x75: {  	v22 =	vand.u32 $0x7800, v23;
	v23 =	vnsel vm3, $0x0, v13;
	vm3 =	vgt.s32 v15, $0x0;
	v27 =	vld.idx.msk [tilespmem:v30+s2+$0x0], $0xffff  }
0x76: {  	vm4 =	vgt.s32 v16, $0x0;
	v23 =	vmin.u32 v23, $0x7F;
	v25 =	vnsel vm3, $0x0, v15  }
0x77: {  	v30 =	vnsel vm4, $0x0, v16;
	v29 =	vshll.u32 v23, $0x8;
	v28 =	vmin.u32 v25, $0x7F  }
.Ltmp0:
0x78: {  	v30 =	vmin.u32 v30, $0x7F;
	v25 =	vshll.u32 v23, $0x7;
	v23 =	vshll.u32 v28, $0x8;
	(pc) =	sbr.rel @p0 .LBB2_2-.Ltmp0, $4  }
0x79: {  	v24 =	vshll.u32 v24, $0x7;
	v31 =	vshll.u32 v30, $0x8;
	v30 =	vshll.u32 v30, $0x7  }
0x7a: {  	v31 =	vand.u32 $0x7800, v31;
	v30 =	vand.u32 $0x380, v30;
	v32 =	vand.u32 $0x7FFFFFFF, v26  }
0x7b: {  	v31 =	vor.u32 v31, v30;
	v30 =	vand.u32 $0x380, v24;
	v33 =	vand.u32 $0x7FFFFFFF, v27  }
0x7c: {  	v24 =	vor.u32 v0, v31;
	v31 =	vnsel vm2, $0x7F61B1E6, v32;
	v32 =	vnsel vm1, $0x7F61B1E6, v33  }
0x7d: {  	_ =	sdelay $0x1  }
0x7e: {  	vm1 =	vle.f32 v31, v32  }
0x7f: {  	v26 =	vsel vm1, v26, v27  }
0x80: {  	[tilespmem:v21+s14+$0x0] =	vst.idx.msk $0xffff, v26  }
0x81: {  	v20 =	vld.idx.msk [tilespmem:v20+s2+$0x0], $0xffff  }
0x82: {  	v19 =	vld.idx.msk [tilespmem:v19+s2+$0x0], $0xffff;
	_ =	sdelay $0x4  }
0x83: {  	vm2 =	vgt.s32 v10, $0xFFFFFFFF;
	v21 =	vand.u32 $0x7FFFFFFF, v20;
	v26 =	vand.u32 $0x7FFFFFFF, v19  }
0x84: {  	v18 =	vor.u32 v0, v18;
	v21 =	vnsel vm2, $0x7F61B1E6, v21;
	v26 =	vnsel vm0, $0x7F61B1E6, v26  }
0x85: {  	vm0 =	vle.f32 v21, v26  }
0x86: {  	v19 =	vsel vm0, v20, v19  }
0x87: {  	[tilespmem:v17+s14+$0x0] =	vst.idx.msk $0xffff, v19  }
0x88: {  	v17 =	vld.idx.msk [tilespmem:v24+s2+$0x0], $0xffff  }
0x89: {  	vm2 =	vmneg vm1;
	v21 =	vsel vm1, $0xFFFFFFFF, v1;
	v18 =	vld.idx.msk [tilespmem:v18+s2+$0x0], $0xffff  }
0x8a: {  	vm1 =	vlt.s32 v14, $0x80;
	v20 =	vshll.u32 v28, $0x7;
	v12 =	vadd.s32 v21, v12  }
0x8b: {  	v21 =	vor.u32 v30, v22;
	v22 =	vand.u32 $0x380, v25;
	v19 =	vand.u32 $0x7800, v29  }
0x8c: {  	v20 =	vand.u32 $0x380, v20;
	v14 =	vor.u32 v19, v22;
	v19 =	vand.u32 $0x7800, v23  }
0x8d: {  	vm3 =	vgt.s32 v16, $0xFFFFFFFF;
	v16 =	vor.u32 v19, v20;
	v19 =	vor.u32 v0, v21  }
0x8e: {  	v14 =	vor.u32 v2, v14;
	v20 =	vand.u32 $0x7FFFFFFF, v17;
	v22 =	vand.u32 $0x7FFFFFFF, v18  }
0x8f: {  	v16 =	vor.u32 v2, v16;
	v20 =	vnsel vm3, $0x7F61B1E6, v20;
	v22 =	vnsel vm1, $0x7F61B1E6, v22  }
0x90: {  	v23 =	vsel vm2, $0x1, v1;
	vm2 =	vle.f32 v20, v22  }
0x91: {  	v11 =	vadd.s32 v23, v11;
	vm1 =	vgt.s32 v12, $0x0;
	v17 =	vsel vm2, v17, v18  }
0x92: {  	v20 =	vnsel vm1, $0x0, v12;
	vm1 =	vgt.s32 v11, $0x0;
	[tilespmem:v19+s14+$0x0] =	vst.idx.msk $0xffff, v17  }
0x93: {  	v18 =	vmin.u32 v20, $0x7F;
	vm2 =	vlt.s32 v15, $0x80;
	v17 =	vnsel vm1, $0x0, v11;
	v14 =	vld.idx.msk [tilespmem:v14+s2+$0x0], $0xffff  }
0x94: {  	v19 =	vshll.u32 v18, $0x8;
	v18 =	vshll.u32 v18, $0x7;
	vm1 =	vmneg vm0;
	v16 =	vld.idx.msk [tilespmem:v16+s2+$0x0], $0xffff  }
0x95: {  	v17 =	vmin.u32 v17, $0x7F;
	v19 =	vand.u32 $0x7800, v19;
	v18 =	vand.u32 $0x380, v18  }
0x96: {  	v20 =	vshll.u32 v17, $0x8;
	v17 =	vshll.u32 v17, $0x7;
	v18 =	vor.u32 v19, v18  }
0x97: {  	v17 =	vand.u32 $0x380, v17;
	v19 =	vand.u32 $0x7800, v20;
	v20 =	vsel vm0, $0xFFFFFFFF, v1  }
0x98: {  	vm0 =	vgt.s32 v13, $0xFFFFFFFF;
	v13 =	vor.u32 v2, v21;
	v18 =	vor.u32 v3, v18  }
0x99: {  	v17 =	vor.u32 v19, v17;
	v15 =	vand.u32 $0x7FFFFFFF, v14;
	v19 =	vand.u32 $0x7FFFFFFF, v16  }
0x9a: {  	v17 =	vor.u32 v3, v17;
	v15 =	vnsel vm0, $0x7F61B1E6, v15;
	v19 =	vnsel vm2, $0x7F61B1E6, v19  }
0x9b: {  	v10 =	vadd.s32 v20, v10;
	vm0 =	vle.f32 v15, v19  }
0x9c: {  	v20 =	vsel vm1, $0x1, v1;
	vm1 =	vgt.s32 v10, $0x0;
	v14 =	vsel vm0, v14, v16  }
0x9d: {  	v9 =	vadd.s32 v20, v9;
	v15 =	vnsel vm1, $0x0, v10;
	[tilespmem:v13+s14+$0x0] =	vst.idx.msk $0xffff, v14  }
0x9e: {  	vm0 =	vgt.s32 v9, $0x0;
	v13 =	vmin.u32 v15, $0x7F;
	v15 =	vld.idx.msk [tilespmem:v18+s2+$0x0], $0xffff  }
0x9f: {  	vm1 =	vgt.s32 v12, $0xFFFFFFFF;
	v14 =	vnsel vm0, $0x0, v9;
	vm0 =	vlt.s32 v11, $0x80;
	v17 =	vld.idx.msk [tilespmem:v17+s2+$0x0], $0xffff  }
0xa0: {  	v14 =	vmin.u32 v14, $0x7F;
	v16 =	vshll.u32 v13, $0x8;
	v13 =	vshll.u32 v13, $0x7  }
0xa1: {  	v18 =	vshll.u32 v14, $0x8;
	v16 =	vand.u32 $0x7800, v16;
	v14 =	vshll.u32 v14, $0x7  }
0xa2: {  	v13 =	vand.u32 $0x380, v13;
	v18 =	vand.u32 $0x7800, v18;
	v14 =	vand.u32 $0x380, v14  }
0xa3: {  	v11 =	vor.u32 v3, v21;
	v13 =	vor.u32 v16, v13;
	v14 =	vor.u32 v18, v14  }
0xa4: {  	v12 =	vor.u32 v4, v13;
	v13 =	vand.u32 $0x7FFFFFFF, v15;
	v16 =	vand.u32 $0x7FFFFFFF, v17  }
0xa5: {  	v14 =	vor.u32 v4, v14;
	v13 =	vnsel vm1, $0x7F61B1E6, v13;
	v16 =	vnsel vm0, $0x7F61B1E6, v16  }
0xa6: {  	vm0 =	vle.f32 v13, v16  }
0xa7: {  	v13 =	vsel vm0, v15, v17  }
0xa8: {  	[tilespmem:v11+s14+$0x0] =	vst.idx.msk $0xffff, v13  }
0xa9: {  	v11 =	vld.idx.msk [tilespmem:v12+s2+$0x0], $0xffff  }
0xaa: {  	v12 =	vld.idx.msk [tilespmem:v14+s2+$0x0], $0xffff;
	_ =	sdelay $0x3  }
0xab: {  	vm0 =	vlt.s32 v9, $0x80;
	v9 =	vor.u32 v4, v21  }
0xac: {  	vm1 =	vgt.s32 v10, $0xFFFFFFFF;
	v10 =	vand.u32 $0x7FFFFFFF, v11;
	v13 =	vand.u32 $0x7FFFFFFF, v12  }
0xad: {  	v10 =	vnsel vm1, $0x7F61B1E6, v10;
	v13 =	vnsel vm0, $0x7F61B1E6, v13  }
0xae: {  	vm0 =	vle.f32 v10, v13  }
0xaf: {  	v10 =	vsel vm0, v11, v12  }
0xb0: {  	[tilespmem:v9+s14+$0x0] =	vst.idx.msk $0xffff, v10  }
0xb1: {  	v13 =	vld [tilespmem:$0x10040]  }
0xb2: {  	v15 =	vld [tilespmem:$0x10050]  }
0xb3: {  	v11 =	vld [tilespmem:$0x10060];
	_ =	sdelay $0x2  }
0xb4: {  	s16 =	simm.s32 $0x0;
	s31 =	simm.s32 $0x1  }
0xb5: {  	v31 =	vmov s31;
	v18 =	vmov s16;
	v9 =	vld [tilespmem:$0x10070];
	vm0 =	vgt.s32 v13, $0x0  }
0xb6: {  	v16 =	vadd.s32 $0xFFFFFFFF, v13;
	v22 =	vadd.s32 $0xFFFFFFFF, v15;
	v12 =	vadd.s32 $0xFFFFFFFF, v11  }
0xb7: {  	vm1 =	vgt.s32 v15, $0x0;
	vm3 =	vlt.s32 v15, $0x80;
	v10 =	vnsel vm0, $0x0, v13  }
0xb8: {  	vm0 =	vgt.s32 v22, $0x0;
	vm2 =	vgt.s32 v16, $0x0;
	v20 =	vnsel vm1, $0x0, v15  }
0xb9: {  	vm1 =	vgt.s32 v12, $0x0;
	vm4 =	vgt.s32 v22, $0xFFFFFFFF;
	v14 =	vmin.u32 v10, $0x7F  }
0xba: {  	v10 =	vadd.s32 $0xFFFFFFFF, v9;
	v19 =	vnsel vm0, $0x0, v22;
	v21 =	vnsel vm2, $0x0, v16  }
0xbb: {  	v20 =	vmin.u32 v20, $0x7F;
	vm0 =	vlt.s32 v13, $0x80;
	v17 =	vshll.u32 v14, $0x8  }
0xbc: {  	v14 =	vshll.u32 v14, $0x7;
	v19 =	vmin.u32 v19, $0x7F;
	v21 =	vmin.u32 v21, $0x7F  }
0xbd: {  	v25 =	vshll.u32 v20, $0x8;
	v20 =	vshll.u32 v20, $0x7;
	vm2 =	vgt.s32 v10, $0x0  }
0xbe: {  	v17 =	vand.u32 $0x7800, v17;
	v14 =	vand.u32 $0x380, v14;
	v23 =	vshll.u32 v19, $0x8  }
0xbf: {  	v24 =	vshll.u32 v21, $0x8;
	v21 =	vshll.u32 v21, $0x7;
	v19 =	vshll.u32 v19, $0x7  }
0xc0: {  	v20 =	vand.u32 $0x380, v20;
	v25 =	vand.u32 $0x7800, v25;
	v14 =	vor.u32 v17, v14  }
0xc1: {  	v17 =	vshll.u32 v18, $0x8;
	v24 =	vand.u32 $0x7800, v24;
	v21 =	vand.u32 $0x380, v21  }
0xc2: {  	v18 =	vshll.u32 v18, $0x7;
	v23 =	vand.u32 $0x7800, v23;
	v20 =	vor.u32 v25, v20  }
0xc3: {  	v17 =	vand.u32 $0x7800, v17;
	v21 =	vor.u32 v24, v21;
	v14 =	vor.u32 v5, v14  }
0xc4: {  	v18 =	vand.u32 $0x380, v18;
	v20 =	vor.u32 v6, v20;
	v21 =	vor.u32 v5, v21  }
0xc5: {  	v24 =	vor.u32 v18, v17;
	v17 =	vand.u32 $0x380, v19;
	v18 =	vnsel vm1, $0x0, v12  }
0xc6: {  	vm1 =	vgt.s32 v11, $0x0;
	v17 =	vor.u32 v23, v17;
	v18 =	vmin.u32 v18, $0x7F  }
0xc7: {  	v19 =	vnsel vm1, $0x0, v11;
	vm1 =	vgt.s32 v16, $0xFFFFFFFF;
	v26 =	vor.u32 v5, v24  }
0xc8: {  	v19 =	vmin.u32 v19, $0x7F;
	v23 =	vshll.u32 v18, $0x8;
	v18 =	vshll.u32 v18, $0x7;
	v14 =	vld.idx.msk [tilespmem:v14+s2+$0x0], $0xffff  }
0xc9: {  	v17 =	vor.u32 v6, v17;
	v23 =	vand.u32 $0x7800, v23;
	v18 =	vand.u32 $0x380, v18;
	v21 =	vld.idx.msk [tilespmem:v21+s2+$0x0], $0xffff  }
0xca: {  	v25 =	vshll.u32 v19, $0x8;
	v19 =	vshll.u32 v19, $0x7;
	v23 =	vor.u32 v23, v18  }
0xcb: {  	v18 =	vand.u32 $0x380, v19;
	v19 =	vand.u32 $0x7800, v25;
	v25 =	vnsel vm2, $0x0, v10  }
0xcc: {  	vm2 =	vgt.s32 v9, $0x0;
	v19 =	vor.u32 v19, v18;
	v18 =	vmin.u32 v25, $0x7F  }
0xcd: {  	v25 =	vnsel vm2, $0x0, v9;
	vm2 =	vgt.s32 v12, $0xFFFFFFFF;
	v23 =	vor.u32 v7, v23  }
0xce: {  	v25 =	vmin.u32 v25, $0x7F;
	v28 =	vand.u32 $0x7FFFFFFF, v14;
	v27 =	vand.u32 $0x7FFFFFFF, v21  }
0xcf: {  	v29 =	vshll.u32 v18, $0x8;
	v28 =	vnsel vm0, $0x7F61B1E6, v28;
	v27 =	vnsel vm1, $0x7F61B1E6, v27  }
0xd0: {  	v18 =	vshll.u32 v18, $0x7;
	v30 =	vshll.u32 v25, $0x8;
	vm0 =	vle.f32 v27, v28  }
0xd1: {  	v18 =	vand.u32 $0x380, v18;
	vm1 =	vmneg vm0;
	v14 =	vsel vm0, v21, v14  }
0xd2: {  	v25 =	vshll.u32 v25, $0x7;
	v27 =	vand.u32 $0x7800, v29;
	v21 =	vsel vm1, $0x1, v1;
	[tilespmem:v26+s14+$0x0] =	vst.idx.msk $0xffff, v14  }
0xd3: {  	v28 =	vor.u32 v6, v24;
	v14 =	vadd.s32 v21, v13;
	v13 =	vand.u32 $0x380, v25;
	v25 =	vld.idx.msk [tilespmem:v17+s2+$0x0], $0xffff  }
0xd4: {  	v27 =	vor.u32 v27, v18;
	v21 =	vsel vm0, $0xFFFFFFFF, v1;
	v26 =	vld.idx.msk [tilespmem:v20+s2+$0x0], $0xffff;
	vm0 =	vgt.s32 v14, $0x0  }
0xd5: {  	v18 =	vand.u32 $0x7800, v30;
	v30 =	vor.u32 v7, v19;
	v17 =	vnsel vm0, $0x0, v14  }
0xd6: {  	vm1 =	vlt.s32 v11, $0x80;
	v13 =	vor.u32 v18, v13;
	v17 =	vmin.u32 v17, $0x7F  }
0xd7: {  	v16 =	vadd.s32 v21, v16;
	v18 =	vshll.u32 v17, $0x8;
	v17 =	vshll.u32 v17, $0x7  }
0xd8: {  	vm0 =	vlt.s32 v9, $0x80;
	v18 =	vand.u32 $0x7800, v18;
	v20 =	vand.u32 $0x380, v17  }
0xd9: {  	v21 =	vand.u32 $0x7FFFFFFF, v26;
	v18 =	vor.u32 v18, v20;
	v20 =	vand.u32 $0x7FFFFFFF, v25  }
0xda: {  	v19 =	vor.u32 v8, v13;
	v29 =	vnsel vm3, $0x7F61B1E6, v21;
	v20 =	vnsel vm4, $0x7F61B1E6, v20  }
0xdb: {  	vm15 =	vgt.s32 v16, $0x0;
	v17 =	vor.u32 v8, v24;
	vm3 =	vle.f32 v20, v29  }
0xdc: {  	v21 =	vor.u32 v7, v24;
	vm14 =	vmneg vm3;
	v13 =	vsel vm3, $0xFFFFFFFF, v1  }
0xdd: {  	v24 =	vsel vm3, v25, v26;
	v13 =	vadd.s32 v13, v22;
	v22 =	vsel vm14, $0x1, v1  }
0xde: {  	v20 =	vor.u32 v8, v27;
	[tilespmem:v28+s14+$0x0] =	vst.idx.msk $0xffff, v24;
	vm3 =	vgt.s32 v13, $0x0;
	v15 =	vadd.s32 v22, v15  }
0xdf: {  	v24 =	vshll.u32 v31, $0x8;
	v26 =	vld.idx.msk [tilespmem:v23+s2+$0x0], $0xffff;
	v23 =	vnsel vm3, $0x0, v13;
	vm3 =	vgt.s32 v15, $0x0  }
0xe0: {  	v25 =	vnsel vm15, $0x0, v16;
	v22 =	vand.u32 $0x7800, v24;
	v27 =	vld.idx.msk [tilespmem:v30+s2+$0x0], $0xffff;
	v24 =	vnsel vm3, $0x0, v15  }
0xe1: {  	v31 =	vshll.u32 v31, $0x7;
	v23 =	vmin.u32 v23, $0x7F;
	v28 =	vmin.u32 v24, $0x7F  }
0xe2: {  	v29 =	vshll.u32 v23, $0x8;
	v24 =	vmin.u32 v25, $0x7F;
	v25 =	vshll.u32 v23, $0x7  }
0xe3: {  	v23 =	vshll.u32 v28, $0x8;
	v30 =	vshll.u32 v24, $0x8;
	v24 =	vshll.u32 v24, $0x7  }
0xe4: {  	v30 =	vand.u32 $0x7800, v30;
	v24 =	vand.u32 $0x380, v24;
	v63 =	vand.u32 $0x7FFFFFFF, v26  }
0xe5: {  	v33 =	vand.u32 $0x7FFFFFFF, v27;
	v24 =	vor.u32 v30, v24;
	v30 =	vand.u32 $0x380, v31  }
0xe6: {  	s16 =	simm.s32 $0x2;
	v31 =	vnsel vm2, $0x7F61B1E6, v63;
	v32 =	vnsel vm1, $0x7F61B1E6, v33;
	v24 =	vor.u32 v5, v24  }
.LBB2_4:
0xe7: {  	p0 =	sne.s32 s16, $0x7F;
	v29 =	vand.u32 $0x7800, v29;
	v28 =	vshll.u32 v28, $0x7;
	vm1 =	vle.f32 v31, v32;
	s17 =	smov.u32 s16;
	s16 =	sadd.s32 $0x1, s16  }
0xe8: {  	vm2 =	vmneg vm1;
	v26 =	vsel vm1, v26, v27;
	v27 =	vsel vm1, $0xFFFFFFFF, v1  }
0xe9: {  	v28 =	vand.u32 $0x380, v28;
	[tilespmem:v21+s14+$0x0] =	vst.idx.msk $0xffff, v26;
	v12 =	vadd.s32 v27, v12;
	v21 =	vsel vm2, $0x1, v1  }
0xea: {  	v22 =	vor.u32 v30, v22;
	v25 =	vand.u32 $0x380, v25;
	v11 =	vadd.s32 v21, v11;
	v20 =	vld.idx.msk [tilespmem:v20+s2+$0x0], $0xffff  }
0xeb: {  	vm1 =	vlt.s32 v14, $0x80;
	v21 =	vor.u32 v29, v25;
	vm3 =	vgt.s32 v12, $0x0;
	v19 =	vld.idx.msk [tilespmem:v19+s2+$0x0], $0xffff  }
0xec: {  	vm2 =	vgt.s32 v16, $0xFFFFFFFF;
	v25 =	vnsel vm3, $0x0, v12;
	vm3 =	vgt.s32 v11, $0x0  }
0xed: {  	v25 =	vmin.u32 v25, $0x7F;
	v26 =	vnsel vm3, $0x0, v11;
	vm3 =	vgt.s32 v10, $0xFFFFFFFF  }
0xee: {  	v26 =	vmin.u32 v26, $0x7F;
	v27 =	vshll.u32 v25, $0x8;
	v25 =	vshll.u32 v25, $0x7  }
0xef: {  	v23 =	vand.u32 $0x7800, v23;
	v27 =	vand.u32 $0x7800, v27;
	v25 =	vand.u32 $0x380, v25  }
0xf0: {  	v23 =	vor.u32 v23, v28;
	v28 =	vshll.u32 v26, $0x8;
	v29 =	vand.u32 $0x7FFFFFFF, v20  }
0xf1: {  	v23 =	vor.u32 v6, v23;
	v21 =	vor.u32 v6, v21;
	v30 =	vand.u32 $0x7FFFFFFF, v19  }
0xf2: {  	v18 =	vor.u32 v5, v18;
	v29 =	vnsel vm3, $0x7F61B1E6, v29;
	v30 =	vnsel vm0, $0x7F61B1E6, v30  }
0xf3: {  	v26 =	vshll.u32 v26, $0x7;
	v25 =	vor.u32 v27, v25;
	vm0 =	vle.f32 v29, v30  }
0xf4: {  	vm3 =	vmneg vm0;
	v19 =	vsel vm0, v20, v19;
	v20 =	vsel vm0, $0xFFFFFFFF, v1  }
0xf5: {  	v26 =	vand.u32 $0x380, v26;
	v10 =	vadd.s32 v20, v10;
	[tilespmem:v17+s14+$0x0] =	vst.idx.msk $0xffff, v19;
	v17 =	vsel vm3, $0x1, v1  }
0xf6: {  	v20 =	vand.u32 $0x7800, v28;
	vm0 =	vgt.s32 v10, $0x0;
	v19 =	vld.idx.msk [tilespmem:v24+s2+$0x0], $0xffff;
	v9 =	vadd.s32 v17, v9  }
0xf7: {  	v20 =	vor.u32 v20, v26;
	v17 =	vld.idx.msk [tilespmem:v18+s2+$0x0], $0xffff;
	v18 =	vnsel vm0, $0x0, v10;
	vm0 =	vgt.s32 v9, $0x0  }
0xf8: {  	v18 =	vmin.u32 v18, $0x7F;
	v24 =	vnsel vm0, $0x0, v9  }
0xf9: {  	vm4 =	vgt.s32 v13, $0xFFFFFFFF;
	vm3 =	vlt.s32 v15, $0x80;
	v24 =	vmin.u32 v24, $0x7F  }
0xfa: {  	v26 =	vshll.u32 v18, $0x8;
	v18 =	vshll.u32 v18, $0x7;
	v27 =	vshll.u32 v24, $0x8  }
0xfb: {  	v26 =	vand.u32 $0x7800, v26;
	v18 =	vand.u32 $0x380, v18;
	v24 =	vshll.u32 v24, $0x7  }
0xfc: {  	v28 =	vor.u32 v5, v22;
	v26 =	vor.u32 v26, v18;
	v18 =	vand.u32 $0x7800, v27  }
0xfd: {  	v27 =	vand.u32 $0x7FFFFFFF, v19;
	v24 =	vand.u32 $0x380, v24;
	v29 =	vand.u32 $0x7FFFFFFF, v17  }
0xfe: {  	v27 =	vnsel vm2, $0x7F61B1E6, v27;
	v24 =	vor.u32 v18, v24;
	v29 =	vnsel vm1, $0x7F61B1E6, v29  }
0xff: {  	vm0 =	vle.f32 v27, v29  }
0x100: {  	vm1 =	vmneg vm0;
	v17 =	vsel vm0, v19, v17;
	v18 =	vsel vm0, $0xFFFFFFFF, v1  }
0x101: {  	v16 =	vadd.s32 v18, v16;
	[tilespmem:v28+s14+$0x0] =	vst.idx.msk $0xffff, v17;
	v17 =	vsel vm1, $0x1, v1  }
0x102: {  	vm1 =	vlt.s32 v11, $0x80;
	v14 =	vadd.s32 v17, v14;
	v27 =	vld.idx.msk [tilespmem:v21+s2+$0x0], $0xffff  }
0x103: {  	vm2 =	vgt.s32 v12, $0xFFFFFFFF;
	vm0 =	vgt.s32 v14, $0x0;
	v23 =	vld.idx.msk [tilespmem:v23+s2+$0x0], $0xffff  }
0x104: {  	v17 =	vnsel vm0, $0x0, v14  }
0x105: {  	v17 =	vmin.u32 v17, $0x7F  }
0x106: {  	vm0 =	vlt.s32 v9, $0x80;
	v18 =	vshll.u32 v17, $0x8;
	v17 =	vshll.u32 v17, $0x7  }
0x107: {  	v18 =	vand.u32 $0x7800, v18;
	v19 =	vand.u32 $0x380, v17;
	v17 =	vor.u32 v8, v22  }
0x108: {  	v28 =	vor.u32 v6, v22;
	v18 =	vor.u32 v18, v19;
	v19 =	vand.u32 $0x7FFFFFFF, v27  }
0x109: {  	v25 =	vor.u32 v7, v25;
	v21 =	vand.u32 $0x7FFFFFFF, v23;
	v19 =	vnsel vm4, $0x7F61B1E6, v19  }
0x10a: {  	v30 =	vor.u32 v7, v20;
	v29 =	vnsel vm3, $0x7F61B1E6, v21;
	v21 =	vor.u32 v7, v22  }
0x10b: {  	v20 =	vor.u32 v8, v26;
	vm3 =	vle.f32 v19, v29;
	v19 =	vor.u32 v8, v24  }
0x10c: {  	vm4 =	vmneg vm3;
	v22 =	vsel vm3, v27, v23;
	v23 =	vsel vm3, $0xFFFFFFFF, v1  }
0x10d: {  	v24 =	vmov s17;
	v13 =	vadd.s32 v23, v13;
	[tilespmem:v28+s14+$0x0] =	vst.idx.msk $0xffff, v22;
	v22 =	vsel vm4, $0x1, v1  }
0x10e: {  	v23 =	vshll.u32 v24, $0x8;
	vm3 =	vgt.s32 v13, $0x0;
	v15 =	vadd.s32 v22, v15;
	v26 =	vld.idx.msk [tilespmem:v25+s2+$0x0], $0xffff  }
0x10f: {  	v22 =	vand.u32 $0x7800, v23;
	v23 =	vnsel vm3, $0x0, v13;
	vm3 =	vgt.s32 v15, $0x0;
	v27 =	vld.idx.msk [tilespmem:v30+s2+$0x0], $0xffff  }
0x110: {  	vm4 =	vgt.s32 v16, $0x0;
	v23 =	vmin.u32 v23, $0x7F;
	v25 =	vnsel vm3, $0x0, v15  }
0x111: {  	v30 =	vnsel vm4, $0x0, v16;
	v29 =	vshll.u32 v23, $0x8;
	v28 =	vmin.u32 v25, $0x7F  }
.Ltmp1:
0x112: {  	v30 =	vmin.u32 v30, $0x7F;
	v25 =	vshll.u32 v23, $0x7;
	v23 =	vshll.u32 v28, $0x8;
	(pc) =	sbr.rel @p0 .LBB2_4-.Ltmp1, $4  }
0x113: {  	v24 =	vshll.u32 v24, $0x7;
	v31 =	vshll.u32 v30, $0x8;
	v30 =	vshll.u32 v30, $0x7  }
0x114: {  	v31 =	vand.u32 $0x7800, v31;
	v30 =	vand.u32 $0x380, v30;
	v32 =	vand.u32 $0x7FFFFFFF, v26  }
0x115: {  	v31 =	vor.u32 v31, v30;
	v30 =	vand.u32 $0x380, v24;
	v33 =	vand.u32 $0x7FFFFFFF, v27  }
0x116: {  	v24 =	vor.u32 v5, v31;
	v31 =	vnsel vm2, $0x7F61B1E6, v32;
	v32 =	vnsel vm1, $0x7F61B1E6, v33  }
0x117: {  	_ =	sdelay $0x1  }
0x118: {  	vm1 =	vle.f32 v31, v32  }
0x119: {  	v26 =	vsel vm1, v26, v27  }
0x11a: {  	[tilespmem:v21+s14+$0x0] =	vst.idx.msk $0xffff, v26  }
0x11b: {  	v20 =	vld.idx.msk [tilespmem:v20+s2+$0x0], $0xffff  }
0x11c: {  	v19 =	vld.idx.msk [tilespmem:v19+s2+$0x0], $0xffff;
	_ =	sdelay $0x4  }
0x11d: {  	vm2 =	vgt.s32 v10, $0xFFFFFFFF;
	v21 =	vand.u32 $0x7FFFFFFF, v20;
	v26 =	vand.u32 $0x7FFFFFFF, v19  }
0x11e: {  	v18 =	vor.u32 v5, v18;
	v21 =	vnsel vm2, $0x7F61B1E6, v21;
	v26 =	vnsel vm0, $0x7F61B1E6, v26  }
0x11f: {  	vm0 =	vle.f32 v21, v26  }
0x120: {  	v19 =	vsel vm0, v20, v19  }
0x121: {  	[tilespmem:v17+s14+$0x0] =	vst.idx.msk $0xffff, v19  }
0x122: {  	v17 =	vld.idx.msk [tilespmem:v24+s2+$0x0], $0xffff  }
0x123: {  	vm2 =	vmneg vm1;
	v21 =	vsel vm1, $0xFFFFFFFF, v1;
	v18 =	vld.idx.msk [tilespmem:v18+s2+$0x0], $0xffff  }
0x124: {  	vm1 =	vlt.s32 v14, $0x80;
	v20 =	vshll.u32 v28, $0x7;
	v12 =	vadd.s32 v21, v12  }
0x125: {  	v21 =	vor.u32 v30, v22;
	v22 =	vand.u32 $0x380, v25;
	v19 =	vand.u32 $0x7800, v29  }
0x126: {  	v20 =	vand.u32 $0x380, v20;
	v14 =	vor.u32 v19, v22;
	v19 =	vand.u32 $0x7800, v23  }
0x127: {  	vm3 =	vgt.s32 v16, $0xFFFFFFFF;
	v16 =	vor.u32 v19, v20;
	v19 =	vor.u32 v5, v21  }
0x128: {  	v14 =	vor.u32 v6, v14;
	v20 =	vand.u32 $0x7FFFFFFF, v17;
	v22 =	vand.u32 $0x7FFFFFFF, v18  }
0x129: {  	v16 =	vor.u32 v6, v16;
	v20 =	vnsel vm3, $0x7F61B1E6, v20;
	v22 =	vnsel vm1, $0x7F61B1E6, v22  }
0x12a: {  	v23 =	vsel vm2, $0x1, v1;
	vm2 =	vle.f32 v20, v22  }
0x12b: {  	v11 =	vadd.s32 v23, v11;
	vm1 =	vgt.s32 v12, $0x0;
	v17 =	vsel vm2, v17, v18  }
0x12c: {  	v20 =	vnsel vm1, $0x0, v12;
	vm1 =	vgt.s32 v11, $0x0;
	[tilespmem:v19+s14+$0x0] =	vst.idx.msk $0xffff, v17  }
0x12d: {  	v18 =	vmin.u32 v20, $0x7F;
	vm2 =	vlt.s32 v15, $0x80;
	v17 =	vnsel vm1, $0x0, v11;
	v14 =	vld.idx.msk [tilespmem:v14+s2+$0x0], $0xffff  }
0x12e: {  	v19 =	vshll.u32 v18, $0x8;
	v18 =	vshll.u32 v18, $0x7;
	vm1 =	vmneg vm0;
	v16 =	vld.idx.msk [tilespmem:v16+s2+$0x0], $0xffff  }
0x12f: {  	v17 =	vmin.u32 v17, $0x7F;
	v19 =	vand.u32 $0x7800, v19;
	v18 =	vand.u32 $0x380, v18  }
0x130: {  	v20 =	vshll.u32 v17, $0x8;
	v17 =	vshll.u32 v17, $0x7;
	v18 =	vor.u32 v19, v18  }
0x131: {  	v17 =	vand.u32 $0x380, v17;
	v19 =	vand.u32 $0x7800, v20;
	v20 =	vsel vm0, $0xFFFFFFFF, v1  }
0x132: {  	vm0 =	vgt.s32 v13, $0xFFFFFFFF;
	v13 =	vor.u32 v6, v21;
	v18 =	vor.u32 v7, v18  }
0x133: {  	v17 =	vor.u32 v19, v17;
	v15 =	vand.u32 $0x7FFFFFFF, v14;
	v19 =	vand.u32 $0x7FFFFFFF, v16  }
0x134: {  	v17 =	vor.u32 v7, v17;
	v15 =	vnsel vm0, $0x7F61B1E6, v15;
	v19 =	vnsel vm2, $0x7F61B1E6, v19  }
0x135: {  	v10 =	vadd.s32 v20, v10;
	vm0 =	vle.f32 v15, v19  }
0x136: {  	v20 =	vsel vm1, $0x1, v1;
	vm1 =	vgt.s32 v10, $0x0;
	v14 =	vsel vm0, v14, v16  }
0x137: {  	v9 =	vadd.s32 v20, v9;
	v15 =	vnsel vm1, $0x0, v10;
	[tilespmem:v13+s14+$0x0] =	vst.idx.msk $0xffff, v14  }
0x138: {  	vm0 =	vgt.s32 v9, $0x0;
	v13 =	vmin.u32 v15, $0x7F;
	v15 =	vld.idx.msk [tilespmem:v18+s2+$0x0], $0xffff  }
0x139: {  	vm1 =	vgt.s32 v12, $0xFFFFFFFF;
	v14 =	vnsel vm0, $0x0, v9;
	vm0 =	vlt.s32 v11, $0x80;
	v17 =	vld.idx.msk [tilespmem:v17+s2+$0x0], $0xffff  }
0x13a: {  	v14 =	vmin.u32 v14, $0x7F;
	v16 =	vshll.u32 v13, $0x8;
	v13 =	vshll.u32 v13, $0x7  }
0x13b: {  	v18 =	vshll.u32 v14, $0x8;
	v16 =	vand.u32 $0x7800, v16;
	v14 =	vshll.u32 v14, $0x7  }
0x13c: {  	v13 =	vand.u32 $0x380, v13;
	v18 =	vand.u32 $0x7800, v18;
	v14 =	vand.u32 $0x380, v14  }
0x13d: {  	v11 =	vor.u32 v7, v21;
	v13 =	vor.u32 v16, v13;
	v14 =	vor.u32 v18, v14  }
0x13e: {  	v12 =	vor.u32 v8, v13;
	v13 =	vand.u32 $0x7FFFFFFF, v15;
	v16 =	vand.u32 $0x7FFFFFFF, v17  }
0x13f: {  	v14 =	vor.u32 v8, v14;
	v13 =	vnsel vm1, $0x7F61B1E6, v13;
	v16 =	vnsel vm0, $0x7F61B1E6, v16  }
0x140: {  	vm0 =	vle.f32 v13, v16  }
0x141: {  	v13 =	vsel vm0, v15, v17  }
0x142: {  	[tilespmem:v11+s14+$0x0] =	vst.idx.msk $0xffff, v13  }
0x143: {  	v11 =	vld.idx.msk [tilespmem:v12+s2+$0x0], $0xffff  }
0x144: {  	v12 =	vld.idx.msk [tilespmem:v14+s2+$0x0], $0xffff;
	_ =	sdelay $0x3  }
0x145: {  	vm0 =	vlt.s32 v9, $0x80;
	v9 =	vor.u32 v8, v21  }
0x146: {  	vm1 =	vgt.s32 v10, $0xFFFFFFFF;
	v10 =	vand.u32 $0x7FFFFFFF, v11;
	v13 =	vand.u32 $0x7FFFFFFF, v12  }
0x147: {  	v10 =	vnsel vm1, $0x7F61B1E6, v10;
	v13 =	vnsel vm0, $0x7F61B1E6, v13  }
0x148: {  	vm0 =	vle.f32 v10, v13  }
0x149: {  	v10 =	vsel vm0, v11, v12  }
0x14a: {  	[tilespmem:v9+s14+$0x0] =	vst.idx.msk $0xffff, v10  }
0x14b: {  	v11 =	vld [tilespmem:$0x10080];
	_ =	sdelay $0x2  }
0x14c: {  	v18 =	vld [tilespmem:$0x10090];
	_ =	sdelay $0x1  }
0x14d: {  	s16 =	simm.s32 $0x0;
	vm0 =	vgt.s32 v11, $0x0  }
0x14e: {  	v23 =	vmov s16;
	v9 =	vnsel vm0, $0x0, v11  }
0x14f: {  	v24 =	vshll.u32 v23, $0x8;
	v23 =	vshll.u32 v23, $0x7;
	v9 =	vmin.u32 v9, $0x7F  }
0x150: {  	v17 =	vadd.s32 $0xFFFFFFFF, v18;
	v12 =	vshll.u32 v9, $0x8;
	v9 =	vshll.u32 v9, $0x7  }
0x151: {  	vm0 =	vgt.s32 v17, $0x0;
	v14 =	vand.u32 $0x7800, v12;
	v9 =	vand.u32 $0x380, v9  }
0x152: {  	v24 =	vand.u32 $0x7800, v24;
	v15 =	vor.u32 v9, v14;
	v14 =	vnsel vm0, $0x0, v17  }
0x153: {  	v13 =	vadd.s32 $0xFFFFFFFF, v11;
	vm0 =	vgt.s32 v18, $0x0;
	v14 =	vmin.u32 v14, $0x7F  }
0x154: {  	v20 =	vld [tilespmem:$0x100A0];
	v16 =	vnsel vm0, $0x0, v18;
	v21 =	vshll.u32 v14, $0x8;
	v14 =	vshll.u32 v14, $0x7  }
0x155: {  	v16 =	vmin.u32 v16, $0x7F;
	v21 =	vand.u32 $0x7800, v21;
	v14 =	vand.u32 $0x380, v14  }
0x156: {  	vm0 =	vgt.s32 v13, $0x0;
	v21 =	vor.u32 v14, v21;
	v14 =	vshll.u32 v16, $0x8  }
0x157: {  	v23 =	vand.u32 $0x380, v23;
	v10 =	vld [tilespmem:$0x100B0];
	v22 =	vand.u32 $0x7800, v14;
	v14 =	vnsel vm0, $0x0, v13  }
0x158: {  	v23 =	vor.u32 v23, v24;
	v14 =	vmin.u32 v14, $0x7F  }
0x159: {  	v19 =	vadd.s32 $0xFFFFFFFF, v20;
	v25 =	vshll.u32 v14, $0x8;
	v14 =	vshll.u32 v14, $0x7  }
0x15a: {  	v25 =	vand.u32 $0x7800, v25;
	v26 =	vand.u32 $0x380, v14;
	v14 =	vor.u32 $0x400, v0  }
0x15b: {  	vm1 =	vgt.s32 v20, $0x0;
	v25 =	vor.u32 v26, v25;
	v15 =	vor.u32 v14, v15  }
0x15c: {  	vm3 =	vgt.s32 v10, $0x0;
	v27 =	vnsel vm1, $0x0, v20;
	v25 =	vor.u32 v14, v25  }
0x15d: {  	vm1 =	vlt.s32 v11, $0x80;
	v24 =	vnsel vm3, $0x0, v10;
	v27 =	vmin.u32 v27, $0x7F  }
0x15e: {  	vm2 =	vgt.s32 v13, $0xFFFFFFFF;
	v24 =	vmin.u32 v24, $0x7F;
	v29 =	vshll.u32 v27, $0x7  }
0x15f: {  	v27 =	vshll.u32 v27, $0x8;
	v12 =	vadd.s32 $0xFFFFFFFF, v10;
	v16 =	vshll.u32 v16, $0x7  }
0x160: {  	v9 =	vor.u32 $0x410, v0;
	v16 =	vand.u32 $0x380, v16;
	vm0 =	vgt.s32 v19, $0x0;
	v15 =	vld.idx.msk [tilespmem:v15+s2+$0x0], $0xffff  }
0x161: {  	v21 =	vor.u32 v9, v21;
	v16 =	vor.u32 v16, v22;
	v26 =	vnsel vm0, $0x0, v19;
	v25 =	vld.idx.msk [tilespmem:v25+s2+$0x0], $0xffff  }
0x162: {  	v22 =	vor.u32 $0x400, v23;
	v16 =	vor.u32 v9, v16;
	v26 =	vmin.u32 v26, $0x7F  }
0x163: {  	vm0 =	vgt.s32 v12, $0x0;
	v28 =	vshll.u32 v26, $0x8;
	v26 =	vshll.u32 v26, $0x7  }
0x164: {  	v23 =	vnsel vm0, $0x0, v12;
	v28 =	vand.u32 $0x7800, v28;
	v26 =	vand.u32 $0x380, v26  }
0x165: {  	v30 =	vor.u32 v0, v22;
	v23 =	vmin.u32 v23, $0x7F;
	v26 =	vor.u32 v26, v28  }
0x166: {  	v28 =	vshll.u32 v23, $0x8;
	v60 =	vand.u32 $0x7FFFFFFF, v15;
	v31 =	vand.u32 $0x7FFFFFFF, v25  }
0x167: {  	v23 =	vshll.u32 v23, $0x7;
	v32 =	vnsel vm1, $0x7F61B1E6, v60;
	v31 =	vnsel vm2, $0x7F61B1E6, v31  }
0x168: {  	v28 =	vand.u32 $0x7800, v28;
	v23 =	vand.u32 $0x380, v23;
	vm1 =	vle.f32 v31, v32  }
0x169: {  	v27 =	vand.u32 $0x7800, v27;
	v23 =	vor.u32 v23, v28;
	v15 =	vsel vm1, v25, v15  }
0x16a: {  	v28 =	vshll.u32 v24, $0x8;
	v24 =	vshll.u32 v24, $0x7;
	vm2 =	vmneg vm1;
	[tilespmem:v30+s14+$0x0] =	vst.idx.msk $0xffff, v15  }
0x16b: {  	v24 =	vand.u32 $0x380, v24;
	v25 =	vand.u32 $0x7800, v28;
	v15 =	vsel vm2, $0x1, v1;
	v30 =	vld.idx.msk [tilespmem:v16+s2+$0x0], $0xffff  }
0x16c: {  	v28 =	vsel vm1, $0xFFFFFFFF, v1;
	v24 =	vor.u32 v24, v25;
	v15 =	vadd.s32 v15, v11;
	v25 =	vld.idx.msk [tilespmem:v21+s2+$0x0], $0xffff  }
0x16d: {  	vm2 =	vgt.s32 v17, $0xFFFFFFFF;
	v16 =	vadd.s32 v28, v13;
	vm1 =	vgt.s32 v15, $0x0  }
0x16e: {  	v13 =	vor.u32 $0x420, v0;
	v21 =	vand.u32 $0x380, v29;
	v11 =	vnsel vm1, $0x0, v15  }
0x16f: {  	v29 =	vor.u32 v2, v22;
	v26 =	vor.u32 v13, v26;
	v11 =	vmin.u32 v11, $0x7F  }
0x170: {  	v21 =	vor.u32 v21, v27;
	vm1 =	vlt.s32 v18, $0x80;
	v28 =	vshll.u32 v11, $0x8  }
0x171: {  	v27 =	vand.u32 $0x7800, v28;
	v28 =	vand.u32 $0x7FFFFFFF, v30;
	v31 =	vand.u32 $0x7FFFFFFF, v25  }
0x172: {  	v61 =	vor.u32 v13, v21;
	v21 =	vnsel vm1, $0x7F61B1E6, v28;
	v28 =	vnsel vm2, $0x7F61B1E6, v31  }
0x173: {  	vm3 =	vgt.s32 v19, $0xFFFFFFFF;
	v11 =	vshll.u32 v11, $0x7;
	vm2 =	vle.f32 v28, v21  }
0x174: {  	vm0 =	vgt.s32 v12, $0xFFFFFFFF;
	v11 =	vand.u32 $0x380, v11;
	v25 =	vsel vm2, v25, v30  }
0x175: {  	v27 =	vor.u32 v11, v27;
	v28 =	vsel vm2, $0xFFFFFFFF, v1;
	vm2 =	vmneg vm2;
	[tilespmem:v29+s14+$0x0] =	vst.idx.msk $0xffff, v25  }
0x176: {  	v11 =	vor.u32 $0x430, v0;
	vm1 =	vlt.s32 v20, $0x80;
	v25 =	vsel vm2, $0x1, v1;
	v29 =	vld.idx.msk [tilespmem:v26+s2+$0x0], $0xffff  }
0x177: {  	v21 =	vor.u32 v4, v22;
	v31 =	vor.u32 v11, v23;
	v18 =	vadd.s32 v25, v18;
	v25 =	vld.idx.msk [tilespmem:v61+s2+$0x0], $0xffff  }
0x178: {  	v34 =	vor.u32 v11, v24;
	v17 =	vadd.s32 v28, v17;
	vm2 =	vgt.s32 v18, $0x0  }
0x179: {  	v27 =	vor.u32 v14, v27;
	vm4 =	vgt.s32 v17, $0x0;
	v23 =	vnsel vm2, $0x0, v18  }
0x17a: {  	v30 =	vor.u32 v3, v22;
	v22 =	vnsel vm4, $0x0, v17;
	v23 =	vmin.u32 v23, $0x7F  }
0x17b: {  	v22 =	vmin.u32 v22, $0x7F;
	v26 =	vshll.u32 v23, $0x8;
	v28 =	vshll.u32 v23, $0x7  }
0x17c: {  	v23 =	vand.u32 $0x7800, v26;
	v26 =	vand.u32 $0x7FFFFFFF, v29;
	v32 =	vand.u32 $0x7FFFFFFF, v25  }
0x17d: {  	v24 =	vshll.u32 v22, $0x8;
	v33 =	vnsel vm3, $0x7F61B1E6, v26;
	v32 =	vnsel vm1, $0x7F61B1E6, v32  }
0x17e: {  	v22 =	vshll.u32 v22, $0x7;
	v24 =	vand.u32 $0x7800, v24;
	vm1 =	vle.f32 v33, v32  }
0x17f: {  	v22 =	vand.u32 $0x380, v22;
	vm2 =	vmneg vm1;
	v25 =	vsel vm1, v29, v25  }
0x180: {  	v29 =	vsel vm1, $0xFFFFFFFF, v1;
	v62 =	vsel vm2, $0x1, v1;
	vm2 =	vgt.s32 v16, $0x0  }
0x181: {  	v22 =	vor.u32 v22, v24;
	[tilespmem:v30+s14+$0x0] =	vst.idx.msk $0xffff, v25;
	v19 =	vadd.s32 v29, v19;
	v25 =	vnsel vm2, $0x0, v16  }
0x182: {  	v20 =	vadd.s32 v62, v20;
	vm2 =	vgt.s32 v19, $0x0;
	v25 =	vmin.u32 v25, $0x7F  }
0x183: {  	v29 =	vld.idx.msk [tilespmem:v31+s2+$0x0], $0xffff;
	v31 =	vnsel vm2, $0x0, v19;
	v63 =	vshll.u32 v25, $0x8;
	v25 =	vshll.u32 v25, $0x7  }
0x184: {  	v31 =	vmin.u32 v31, $0x7F;
	v32 =	vand.u32 $0x7800, v63;
	v25 =	vand.u32 $0x380, v25  }
0x185: {  	s31 =	simm.s32 $0x1;
	v33 =	vshll.u32 v31, $0x7;
	v25 =	vor.u32 v25, v32;
	v32 =	vshll.u32 v31, $0x8;
	v31 =	vld.idx.msk [tilespmem:v34+s2+$0x0], $0xffff  }
0x186: {  	v24 =	vand.u32 $0x380, v28;
	v28 =	vmov s31;
	vm3 =	vgt.s32 v20, $0x0  }
0x187: {  	v26 =	vshll.u32 v28, $0x8;
	v28 =	vshll.u32 v28, $0x7;
	v30 =	vnsel vm3, $0x0, v20  }
0x188: {  	v26 =	vand.u32 $0x7800, v26;
	vm1 =	vlt.s32 v10, $0x80;
	v30 =	vmin.u32 v30, $0x7F  }
0x189: {  	s16 =	simm.s32 $0x2;
	v34 =	vor.u32 v14, v25;
	v25 =	vshll.u32 v30, $0x7;
	v35 =	vand.u32 $0x7FFFFFFF, v29  }
.LBB2_6:
0x18a: {  	p0 =	sne.s32 s16, $0x7F;
	v32 =	vand.u32 $0x7800, v32;
	v33 =	vand.u32 $0x380, v33;
	v36 =	vand.u32 $0x7FFFFFFF, v31;
	s17 =	smov.u32 s16;
	s16 =	sadd.s32 $0x1, s16  }
0x18b: {  	v30 =	vshll.u32 v30, $0x8;
	v35 =	vnsel vm0, $0x7F61B1E6, v35;
	v36 =	vnsel vm1, $0x7F61B1E6, v36  }
0x18c: {  	v28 =	vand.u32 $0x380, v28;
	v30 =	vand.u32 $0x7800, v30;
	vm0 =	vle.f32 v35, v36  }
0x18d: {  	v32 =	vor.u32 v33, v32;
	vm2 =	vmneg vm0;
	v29 =	vsel vm0, v29, v31  }
0x18e: {  	vm1 =	vlt.s32 v15, $0x80;
	[tilespmem:v21+s14+$0x0] =	vst.idx.msk $0xffff, v29;
	v21 =	vsel vm0, $0xFFFFFFFF, v1;
	v29 =	vsel vm2, $0x1, v1  }
0x18f: {  	vm2 =	vgt.s32 v16, $0xFFFFFFFF;
	v31 =	vld.idx.msk [tilespmem:v34+s2+$0x0], $0xffff;
	v12 =	vadd.s32 v21, v12;
	v10 =	vadd.s32 v29, v10  }
0x190: {  	v23 =	vor.u32 v24, v23;
	v26 =	vor.u32 v28, v26;
	v21 =	vld.idx.msk [tilespmem:v27+s2+$0x0], $0xffff;
	vm0 =	vgt.s32 v12, $0x0  }
0x191: {  	v24 =	vor.u32 $0x400, v26;
	vm3 =	vgt.s32 v10, $0x0;
	v26 =	vnsel vm0, $0x0, v12  }
0x192: {  	vm0 =	vgt.s32 v12, $0xFFFFFFFF;
	v27 =	vnsel vm3, $0x0, v10;
	v26 =	vmin.u32 v26, $0x7F  }
0x193: {  	v27 =	vmin.u32 v27, $0x7F;
	v28 =	vshll.u32 v26, $0x8;
	v26 =	vshll.u32 v26, $0x7  }
0x194: {  	v22 =	vor.u32 v9, v22;
	v23 =	vor.u32 v9, v23;
	v28 =	vand.u32 $0x7800, v28  }
0x195: {  	v33 =	vor.u32 v0, v24;
	v29 =	vand.u32 $0x7FFFFFFF, v31;
	v26 =	vand.u32 $0x380, v26  }
0x196: {  	v29 =	vnsel vm2, $0x7F61B1E6, v29;
	v34 =	vand.u32 $0x7FFFFFFF, v21;
	v26 =	vor.u32 v26, v28  }
0x197: {  	v28 =	vnsel vm1, $0x7F61B1E6, v34;
	v34 =	vshll.u32 v27, $0x8;
	v27 =	vshll.u32 v27, $0x7  }
0x198: {  	vm1 =	vle.f32 v29, v28;
	v28 =	vand.u32 $0x7800, v34;
	v27 =	vand.u32 $0x380, v27  }
0x199: {  	vm2 =	vmneg vm1;
	v21 =	vsel vm1, v31, v21;
	v27 =	vor.u32 v27, v28  }
0x19a: {  	v28 =	vsel vm2, $0x1, v1;
	[tilespmem:v33+s14+$0x0] =	vst.idx.msk $0xffff, v21;
	v21 =	vsel vm1, $0xFFFFFFFF, v1  }
0x19b: {  	v15 =	vadd.s32 v28, v15;
	v16 =	vadd.s32 v21, v16;
	v23 =	vld.idx.msk [tilespmem:v23+s2+$0x0], $0xffff  }
0x19c: {  	vm3 =	vlt.s32 v18, $0x80;
	vm2 =	vgt.s32 v17, $0xFFFFFFFF;
	vm1 =	vgt.s32 v15, $0x0;
	v22 =	vld.idx.msk [tilespmem:v22+s2+$0x0], $0xffff  }
0x19d: {  	v28 =	vor.u32 v13, v32;
	v21 =	vnsel vm1, $0x0, v15  }
0x19e: {  	v25 =	vand.u32 $0x380, v25;
	v21 =	vmin.u32 v21, $0x7F  }
0x19f: {  	v25 =	vor.u32 v25, v30;
	v29 =	vshll.u32 v21, $0x8;
	v21 =	vshll.u32 v21, $0x7  }
0x1a0: {  	v25 =	vor.u32 v13, v25;
	v29 =	vand.u32 $0x7800, v29;
	v21 =	vand.u32 $0x380, v21  }
0x1a1: {  	v30 =	vor.u32 v2, v24;
	v29 =	vor.u32 v21, v29;
	v21 =	vand.u32 $0x7FFFFFFF, v23  }
0x1a2: {  	v31 =	vand.u32 $0x7FFFFFFF, v22;
	v21 =	vnsel vm3, $0x7F61B1E6, v21  }
0x1a3: {  	v31 =	vnsel vm2, $0x7F61B1E6, v31  }
0x1a4: {  	vm2 =	vle.f32 v31, v21;
	v21 =	vor.u32 v4, v24  }
0x1a5: {  	vm1 =	vlt.s32 v20, $0x80;
	v22 =	vsel vm2, v22, v23;
	v23 =	vsel vm2, $0xFFFFFFFF, v1  }
0x1a6: {  	vm3 =	vmneg vm2;
	vm2 =	vgt.s32 v19, $0xFFFFFFFF;
	v17 =	vadd.s32 v23, v17;
	[tilespmem:v30+s14+$0x0] =	vst.idx.msk $0xffff, v22  }
0x1a7: {  	v31 =	vor.u32 v3, v24;
	vm4 =	vgt.s32 v17, $0x0;
	v22 =	vsel vm3, $0x1, v1;
	v30 =	vld.idx.msk [tilespmem:v28+s2+$0x0], $0xffff  }
0x1a8: {  	v32 =	vor.u32 v11, v26;
	v23 =	vnsel vm4, $0x0, v17;
	v18 =	vadd.s32 v22, v18;
	v25 =	vld.idx.msk [tilespmem:v25+s2+$0x0], $0xffff  }
0x1a9: {  	v33 =	vor.u32 v11, v27;
	v22 =	vmin.u32 v23, $0x7F;
	vm3 =	vgt.s32 v18, $0x0  }
0x1aa: {  	v23 =	vnsel vm3, $0x0, v18;
	v24 =	vshll.u32 v22, $0x8;
	v22 =	vshll.u32 v22, $0x7  }
0x1ab: {  	v23 =	vmin.u32 v23, $0x7F;
	v24 =	vand.u32 $0x7800, v24;
	v22 =	vand.u32 $0x380, v22  }
0x1ac: {  	v22 =	vor.u32 v22, v24;
	v24 =	vshll.u32 v23, $0x8;
	v26 =	vshll.u32 v23, $0x7  }
0x1ad: {  	v23 =	vand.u32 $0x7800, v24;
	v24 =	vand.u32 $0x380, v26;
	v26 =	vand.u32 $0x7FFFFFFF, v30  }
0x1ae: {  	v27 =	vmov s17;
	v34 =	vnsel vm2, $0x7F61B1E6, v26;
	v26 =	vand.u32 $0x7FFFFFFF, v25  }
0x1af: {  	v35 =	vshll.u32 v27, $0x8;
	v28 =	vshll.u32 v27, $0x7;
	v27 =	vnsel vm1, $0x7F61B1E6, v26  }
0x1b0: {  	v26 =	vand.u32 $0x7800, v35;
	vm1 =	vle.f32 v34, v27  }
0x1b1: {  	v27 =	vor.u32 v14, v29;
	vm2 =	vmneg vm1;
	v25 =	vsel vm1, v30, v25  }
0x1b2: {  	v29 =	vsel vm2, $0x1, v1;
	[tilespmem:v31+s14+$0x0] =	vst.idx.msk $0xffff, v25;
	v25 =	vsel vm1, $0xFFFFFFFF, v1;
	vm1 =	vlt.s32 v10, $0x80  }
0x1b3: {  	vm2 =	vgt.s32 v16, $0x0;
	v20 =	vadd.s32 v29, v20;
	v19 =	vadd.s32 v25, v19;
	v29 =	vld.idx.msk [tilespmem:v32+s2+$0x0], $0xffff  }
0x1b4: {  	v25 =	vnsel vm2, $0x0, v16;
	vm3 =	vgt.s32 v20, $0x0;
	vm2 =	vgt.s32 v19, $0x0;
	v31 =	vld.idx.msk [tilespmem:v33+s2+$0x0], $0xffff  }
.Ltmp2:
0x1b5: {  	v25 =	vmin.u32 v25, $0x7F;
	v30 =	vnsel vm3, $0x0, v20;
	v32 =	vnsel vm2, $0x0, v19;
	(pc) =	sbr.rel @p0 .LBB2_6-.Ltmp2, $4  }
0x1b6: {  	v33 =	vshll.u32 v25, $0x8;
	v25 =	vshll.u32 v25, $0x7;
	v30 =	vmin.u32 v30, $0x7F  }
0x1b7: {  	v33 =	vand.u32 $0x7800, v33;
	v25 =	vand.u32 $0x380, v25;
	v34 =	vmin.u32 v32, $0x7F  }
0x1b8: {  	v25 =	vor.u32 v25, v33;
	v32 =	vshll.u32 v34, $0x8;
	v33 =	vshll.u32 v34, $0x7  }
0x1b9: {  	v34 =	vor.u32 v14, v25;
	v25 =	vshll.u32 v30, $0x7;
	v35 =	vand.u32 $0x7FFFFFFF, v29  }
0x1ba: {  	v36 =	vand.u32 $0x7FFFFFFF, v31  }
0x1bb: {  	v35 =	vnsel vm0, $0x7F61B1E6, v35;
	v36 =	vnsel vm1, $0x7F61B1E6, v36  }
0x1bc: {  	vm0 =	vle.f32 v35, v36  }
0x1bd: {  	v29 =	vsel vm0, v29, v31  }
0x1be: {  	[tilespmem:v21+s14+$0x0] =	vst.idx.msk $0xffff, v29  }
0x1bf: {  	v21 =	vld.idx.msk [tilespmem:v34+s2+$0x0], $0xffff  }
0x1c0: {  	v27 =	vld.idx.msk [tilespmem:v27+s2+$0x0], $0xffff  }
0x1c1: {  	v28 =	vand.u32 $0x380, v28  }
0x1c2: {  	v26 =	vor.u32 v28, v26  }
0x1c3: {  	vm1 =	vlt.s32 v15, $0x80;
	v15 =	vor.u32 $0x400, v26  }
0x1c4: {  	vm2 =	vgt.s32 v16, $0xFFFFFFFF;
	v16 =	vor.u32 v24, v23;
	v23 =	vor.u32 v0, v15  }
0x1c5: {  	v16 =	vor.u32 v9, v16;
	v24 =	vand.u32 $0x7FFFFFFF, v21;
	v26 =	vand.u32 $0x7FFFFFFF, v27  }
0x1c6: {  	v22 =	vor.u32 v9, v22;
	v24 =	vnsel vm2, $0x7F61B1E6, v24;
	v26 =	vnsel vm1, $0x7F61B1E6, v26  }
0x1c7: {  	vm1 =	vle.f32 v24, v26  }
0x1c8: {  	v21 =	vsel vm1, v21, v27  }
0x1c9: {  	[tilespmem:v23+s14+$0x0] =	vst.idx.msk $0xffff, v21  }
0x1ca: {  	v16 =	vld.idx.msk [tilespmem:v16+s2+$0x0], $0xffff  }
0x1cb: {  	v21 =	vld.idx.msk [tilespmem:v22+s2+$0x0], $0xffff  }
0x1cc: {  	vm2 =	vlt.s32 v18, $0x80;
	v18 =	vand.u32 $0x380, v25;
	v24 =	vshll.u32 v30, $0x8  }
0x1cd: {  	v24 =	vand.u32 $0x7800, v24;
	v23 =	vand.u32 $0x380, v33;
	v22 =	vand.u32 $0x7800, v32  }
0x1ce: {  	vm1 =	vmneg vm0;
	v22 =	vor.u32 v23, v22;
	v23 =	vsel vm0, $0xFFFFFFFF, v1  }
0x1cf: {  	vm0 =	vgt.s32 v17, $0xFFFFFFFF;
	v17 =	vor.u32 v13, v22;
	v22 =	vor.u32 v2, v15  }
0x1d0: {  	v18 =	vor.u32 v18, v24;
	v24 =	vand.u32 $0x7FFFFFFF, v16;
	v25 =	vand.u32 $0x7FFFFFFF, v21  }
0x1d1: {  	v18 =	vor.u32 v13, v18;
	v24 =	vnsel vm2, $0x7F61B1E6, v24;
	v25 =	vnsel vm0, $0x7F61B1E6, v25  }
0x1d2: {  	vm0 =	vle.f32 v25, v24  }
0x1d3: {  	v26 =	vsel vm1, $0x1, v1;
	v12 =	vadd.s32 v23, v12;
	v16 =	vsel vm0, v21, v16  }
0x1d4: {  	v10 =	vadd.s32 v26, v10;
	vm1 =	vgt.s32 v12, $0x0;
	[tilespmem:v22+s14+$0x0] =	vst.idx.msk $0xffff, v16  }
0x1d5: {  	v21 =	vnsel vm1, $0x0, v12;
	vm0 =	vgt.s32 v10, $0x0;
	vm1 =	vgt.s32 v19, $0xFFFFFFFF;
	v17 =	vld.idx.msk [tilespmem:v17+s2+$0x0], $0xffff  }
0x1d6: {  	v19 =	vor.u32 v3, v15;
	v16 =	vmin.u32 v21, $0x7F;
	v21 =	vnsel vm0, $0x0, v10;
	v18 =	vld.idx.msk [tilespmem:v18+s2+$0x0], $0xffff  }
0x1d7: {  	v21 =	vmin.u32 v21, $0x7F;
	v22 =	vshll.u32 v16, $0x8;
	v16 =	vshll.u32 v16, $0x7  }
0x1d8: {  	v22 =	vand.u32 $0x7800, v22;
	v23 =	vshll.u32 v21, $0x8;
	v21 =	vshll.u32 v21, $0x7  }
0x1d9: {  	v16 =	vand.u32 $0x380, v16;
	v23 =	vand.u32 $0x7800, v23;
	v21 =	vand.u32 $0x380, v21  }
0x1da: {  	vm0 =	vlt.s32 v20, $0x80;
	v16 =	vor.u32 v16, v22;
	v21 =	vor.u32 v21, v23  }
0x1db: {  	v16 =	vor.u32 v11, v16;
	v20 =	vand.u32 $0x7FFFFFFF, v17;
	v22 =	vand.u32 $0x7FFFFFFF, v18  }
0x1dc: {  	v21 =	vor.u32 v11, v21;
	v20 =	vnsel vm1, $0x7F61B1E6, v20;
	v22 =	vnsel vm0, $0x7F61B1E6, v22  }
0x1dd: {  	vm0 =	vle.f32 v20, v22  }
0x1de: {  	v17 =	vsel vm0, v17, v18  }
0x1df: {  	[tilespmem:v19+s14+$0x0] =	vst.idx.msk $0xffff, v17  }
0x1e0: {  	v16 =	vld.idx.msk [tilespmem:v16+s2+$0x0], $0xffff  }
0x1e1: {  	v17 =	vld.idx.msk [tilespmem:v21+s2+$0x0], $0xffff;
	_ =	sdelay $0x3  }
0x1e2: {  	vm0 =	vgt.s32 v12, $0xFFFFFFFF;
	v12 =	vor.u32 v4, v15  }
0x1e3: {  	vm1 =	vlt.s32 v10, $0x80;
	v10 =	vand.u32 $0x7FFFFFFF, v16;
	v15 =	vand.u32 $0x7FFFFFFF, v17  }
0x1e4: {  	v10 =	vnsel vm0, $0x7F61B1E6, v10;
	v15 =	vnsel vm1, $0x7F61B1E6, v15  }
0x1e5: {  	vm0 =	vle.f32 v10, v15  }
0x1e6: {  	v10 =	vsel vm0, v16, v17  }
0x1e7: {  	[tilespmem:v12+s14+$0x0] =	vst.idx.msk $0xffff, v10  }
0x1e8: {  	v12 =	vld [tilespmem:$0x100C0];
	_ =	sdelay $0x2  }
0x1e9: {  	v22 =	vld [tilespmem:$0x100D0];
	_ =	sdelay $0x1  }
0x1ea: {  	vm0 =	vgt.s32 v12, $0x0  }
0x1eb: {  	s16 =	simm.s32 $0x0;
	s31 =	simm.s32 $0x1;
	v10 =	vnsel vm0, $0x0, v12  }
0x1ec: {  	v58 =	vmov s31;
	v27 =	vmov s16;
	v10 =	vmin.u32 v10, $0x7F  }
0x1ed: {  	v21 =	vadd.s32 $0xFFFFFFFF, v22;
	v16 =	vshll.u32 v10, $0x8;
	v10 =	vshll.u32 v10, $0x7  }
0x1ee: {  	vm0 =	vgt.s32 v21, $0x0;
	v16 =	vand.u32 $0x7800, v16;
	v10 =	vand.u32 $0x380, v10  }
0x1ef: {  	v28 =	vshll.u32 v27, $0x8;
	v19 =	vor.u32 v10, v16;
	v16 =	vnsel vm0, $0x0, v21  }
0x1f0: {  	v15 =	vadd.s32 $0xFFFFFFFF, v12;
	vm0 =	vgt.s32 v22, $0x0;
	v16 =	vmin.u32 v16, $0x7F  }
0x1f1: {  	v20 =	vnsel vm0, $0x0, v22;
	v25 =	vshll.u32 v16, $0x8;
	v16 =	vshll.u32 v16, $0x7  }
0x1f2: {  	v20 =	vmin.u32 v20, $0x7F;
	v25 =	vand.u32 $0x7800, v25;
	v16 =	vand.u32 $0x380, v16  }
0x1f3: {  	v24 =	vld [tilespmem:$0x100E0];
	vm0 =	vgt.s32 v15, $0x0;
	v25 =	vor.u32 v16, v25;
	v16 =	vshll.u32 v20, $0x8  }
0x1f4: {  	v27 =	vshll.u32 v27, $0x7;
	v17 =	vld [tilespmem:$0x100F0];
	v26 =	vand.u32 $0x7800, v16;
	v16 =	vnsel vm0, $0x0, v15  }
0x1f5: {  	v28 =	vand.u32 $0x7800, v28;
	v27 =	vand.u32 $0x380, v27;
	v16 =	vmin.u32 v16, $0x7F  }
0x1f6: {  	v27 =	vor.u32 v27, v28;
	v29 =	vshll.u32 v16, $0x8;
	v16 =	vshll.u32 v16, $0x7  }
0x1f7: {  	v29 =	vand.u32 $0x7800, v29;
	v30 =	vand.u32 $0x380, v16;
	v16 =	vor.u32 $0x440, v0  }
0x1f8: {  	v23 =	vadd.s32 $0xFFFFFFFF, v24;
	v29 =	vor.u32 v30, v29;
	v19 =	vor.u32 v16, v19  }
0x1f9: {  	v18 =	vadd.s32 $0xFFFFFFFF, v17;
	vm1 =	vgt.s32 v24, $0x0;
	v29 =	vor.u32 v16, v29  }
0x1fa: {  	vm3 =	vgt.s32 v17, $0x0;
	v31 =	vnsel vm1, $0x0, v24;
	vm1 =	vlt.s32 v12, $0x80  }
0x1fb: {  	vm2 =	vgt.s32 v15, $0xFFFFFFFF;
	v28 =	vnsel vm3, $0x0, v17;
	v31 =	vmin.u32 v31, $0x7F  }
0x1fc: {  	vm3 =	vgt.s32 v23, $0xFFFFFFFF;
	v28 =	vmin.u32 v28, $0x7F;
	v42 =	vshll.u32 v31, $0x7  }
0x1fd: {  	v31 =	vshll.u32 v31, $0x8;
	v47 =	vshll.u32 v28, $0x8;
	v28 =	vshll.u32 v28, $0x7;
	v19 =	vld.idx.msk [tilespmem:v19+s2+$0x0], $0xffff  }
0x1fe: {  	v31 =	vand.u32 $0x7800, v31;
	v28 =	vand.u32 $0x380, v28;
	v20 =	vshll.u32 v20, $0x7;
	v29 =	vld.idx.msk [tilespmem:v29+s2+$0x0], $0xffff  }
0x1ff: {  	v10 =	vor.u32 $0x450, v0;
	v20 =	vand.u32 $0x380, v20;
	vm0 =	vgt.s32 v23, $0x0  }
0x200: {  	v25 =	vor.u32 v10, v25;
	v20 =	vor.u32 v20, v26;
	v26 =	vor.u32 $0x400, v27  }
0x201: {  	v20 =	vor.u32 v10, v20;
	v44 =	vor.u32 v5, v26;
	v51 =	vor.u32 v6, v26  }
0x202: {  	v55 =	vor.u32 v7, v26;
	v30 =	vnsel vm0, $0x0, v23;
	vm0 =	vgt.s32 v18, $0x0  }
0x203: {  	v30 =	vmin.u32 v30, $0x7F;
	v46 =	vand.u32 $0x7FFFFFFF, v19;
	v45 =	vand.u32 $0x7FFFFFFF, v29  }
0x204: {  	v27 =	vnsel vm0, $0x0, v18;
	v36 =	vnsel vm1, $0x7F61B1E6, v46;
	v35 =	vnsel vm2, $0x7F61B1E6, v45  }
0x205: {  	v41 =	vshll.u32 v30, $0x8;
	v30 =	vshll.u32 v30, $0x7;
	vm1 =	vle.f32 v35, v36  }
0x206: {  	v27 =	vmin.u32 v27, $0x7F;
	v32 =	vand.u32 $0x7800, v41;
	v19 =	vsel vm1, v29, v19  }
0x207: {  	v30 =	vand.u32 $0x380, v30;
	v43 =	vshll.u32 v27, $0x8;
	v27 =	vshll.u32 v27, $0x7;
	[tilespmem:v44+s14+$0x0] =	vst.idx.msk $0xffff, v19  }
0x208: {  	v30 =	vor.u32 v30, v32;
	v32 =	vand.u32 $0x7800, v43;
	v29 =	vand.u32 $0x7800, v47;
	v34 =	vld.idx.msk [tilespmem:v20+s2+$0x0], $0xffff  }
0x209: {  	v27 =	vand.u32 $0x380, v27;
	vm2 =	vmneg vm1;
	v28 =	vor.u32 v28, v29;
	v29 =	vld.idx.msk [tilespmem:v25+s2+$0x0], $0xffff  }
0x20a: {  	v48 =	vsel vm1, $0xFFFFFFFF, v1;
	v19 =	vsel vm2, $0x1, v1;
	vm2 =	vgt.s32 v21, $0xFFFFFFFF  }
0x20b: {  	v19 =	vadd.s32 v19, v12;
	v20 =	vadd.s32 v48, v15;
	v15 =	vor.u32 $0x460, v0  }
0x20c: {  	v25 =	vand.u32 $0x380, v42;
	vm1 =	vgt.s32 v19, $0x0;
	v30 =	vor.u32 v15, v30  }
0x20d: {  	v25 =	vor.u32 v25, v31;
	v12 =	vnsel vm1, $0x0, v19;
	vm1 =	vlt.s32 v22, $0x80  }
0x20e: {  	v53 =	vor.u32 v15, v25;
	v50 =	vand.u32 $0x7FFFFFFF, v34;
	v52 =	vand.u32 $0x7FFFFFFF, v29  }
0x20f: {  	v12 =	vmin.u32 v12, $0x7F;
	v25 =	vnsel vm1, $0x7F61B1E6, v50;
	v54 =	vnsel vm2, $0x7F61B1E6, v52  }
0x210: {  	v27 =	vor.u32 v27, v32;
	v49 =	vshll.u32 v12, $0x8;
	vm2 =	vle.f32 v54, v25  }
0x211: {  	v12 =	vshll.u32 v12, $0x7;
	v31 =	vand.u32 $0x7800, v49;
	v29 =	vsel vm2, v29, v34  }
0x212: {  	v12 =	vand.u32 $0x380, v12;
	v32 =	vsel vm2, $0xFFFFFFFF, v1;
	vm2 =	vmneg vm2;
	[tilespmem:v51+s14+$0x0] =	vst.idx.msk $0xffff, v29  }
0x213: {  	vm0 =	vgt.s32 v18, $0xFFFFFFFF;
	v31 =	vor.u32 v12, v31;
	v29 =	vsel vm2, $0x1, v1;
	v33 =	vld.idx.msk [tilespmem:v30+s2+$0x0], $0xffff  }
0x214: {  	v12 =	vor.u32 $0x470, v0;
	vm1 =	vlt.s32 v24, $0x80;
	v22 =	vadd.s32 v29, v22;
	v29 =	vld.idx.msk [tilespmem:v53+s2+$0x0], $0xffff  }
0x215: {  	v25 =	vor.u32 v8, v26;
	v56 =	vor.u32 v12, v27;
	vm2 =	vgt.s32 v22, $0x0  }
0x216: {  	v38 =	vor.u32 v12, v28;
	v21 =	vadd.s32 v32, v21;
	v27 =	vnsel vm2, $0x0, v22  }
0x217: {  	v31 =	vor.u32 v16, v31;
	vm4 =	vgt.s32 v21, $0x0;
	v27 =	vmin.u32 v27, $0x7F  }
0x218: {  	v26 =	vnsel vm4, $0x0, v21;
	v30 =	vshll.u32 v27, $0x8;
	v57 =	vshll.u32 v27, $0x7  }
0x219: {  	v27 =	vand.u32 $0x7800, v30;
	v30 =	vand.u32 $0x7FFFFFFF, v33;
	v36 =	vand.u32 $0x7FFFFFFF, v29  }
0x21a: {  	v26 =	vmin.u32 v26, $0x7F;
	v37 =	vnsel vm3, $0x7F61B1E6, v30;
	v36 =	vnsel vm1, $0x7F61B1E6, v36  }
0x21b: {  	v28 =	vshll.u32 v26, $0x8;
	v26 =	vshll.u32 v26, $0x7;
	vm1 =	vle.f32 v37, v36  }
0x21c: {  	v28 =	vand.u32 $0x7800, v28;
	vm2 =	vmneg vm1;
	v29 =	vsel vm1, v33, v29  }
0x21d: {  	v59 =	vsel vm1, $0xFFFFFFFF, v1;
	v60 =	vsel vm2, $0x1, v1;
	vm2 =	vgt.s32 v20, $0x0  }
0x21e: {  	v26 =	vand.u32 $0x380, v26;
	[tilespmem:v55+s14+$0x0] =	vst.idx.msk $0xffff, v29;
	v23 =	vadd.s32 v59, v23;
	v29 =	vnsel vm2, $0x0, v20  }
0x21f: {  	v24 =	vadd.s32 v60, v24;
	vm2 =	vgt.s32 v23, $0x0;
	v29 =	vmin.u32 v29, $0x7F  }
0x220: {  	v61 =	vnsel vm2, $0x0, v23;
	v63 =	vshll.u32 v29, $0x8;
	v29 =	vshll.u32 v29, $0x7  }
0x221: {  	v33 =	vld.idx.msk [tilespmem:v56+s2+$0x0], $0xffff;
	v35 =	vmin.u32 v61, $0x7F;
	v36 =	vand.u32 $0x7800, v63;
	v29 =	vand.u32 $0x380, v29  }
0x222: {  	v37 =	vshll.u32 v35, $0x7;
	v29 =	vor.u32 v29, v36;
	v36 =	vshll.u32 v35, $0x8;
	v35 =	vld.idx.msk [tilespmem:v38+s2+$0x0], $0xffff  }
0x223: {  	v32 =	vshll.u32 v58, $0x7;
	v26 =	vor.u32 v26, v28;
	vm3 =	vgt.s32 v24, $0x0  }
0x224: {  	v28 =	vand.u32 $0x380, v57;
	v30 =	vshll.u32 v58, $0x8;
	v62 =	vnsel vm3, $0x0, v24  }
0x225: {  	v30 =	vand.u32 $0x7800, v30;
	vm1 =	vlt.s32 v17, $0x80;
	v34 =	vmin.u32 v62, $0x7F  }
0x226: {  	s16 =	simm.s32 $0x2;
	v38 =	vor.u32 v16, v29;
	v29 =	vshll.u32 v34, $0x7;
	v39 =	vand.u32 $0x7FFFFFFF, v33  }
.LBB2_8:
0x227: {  	p0 =	sne.s32 s16, $0x7F;
	v36 =	vand.u32 $0x7800, v36;
	v37 =	vand.u32 $0x380, v37;
	v40 =	vand.u32 $0x7FFFFFFF, v35;
	s17 =	smov.u32 s16;
	s16 =	sadd.s32 $0x1, s16  }
0x228: {  	v34 =	vshll.u32 v34, $0x8;
	v39 =	vnsel vm0, $0x7F61B1E6, v39;
	v40 =	vnsel vm1, $0x7F61B1E6, v40  }
0x229: {  	v32 =	vand.u32 $0x380, v32;
	v34 =	vand.u32 $0x7800, v34;
	vm0 =	vle.f32 v39, v40  }
0x22a: {  	v36 =	vor.u32 v37, v36;
	vm2 =	vmneg vm0;
	v33 =	vsel vm0, v33, v35  }
0x22b: {  	vm1 =	vlt.s32 v19, $0x80;
	[tilespmem:v25+s14+$0x0] =	vst.idx.msk $0xffff, v33;
	v25 =	vsel vm0, $0xFFFFFFFF, v1;
	v33 =	vsel vm2, $0x1, v1  }
0x22c: {  	vm2 =	vgt.s32 v20, $0xFFFFFFFF;
	v35 =	vld.idx.msk [tilespmem:v38+s2+$0x0], $0xffff;
	v18 =	vadd.s32 v25, v18;
	v17 =	vadd.s32 v33, v17  }
0x22d: {  	v27 =	vor.u32 v28, v27;
	v30 =	vor.u32 v32, v30;
	v25 =	vld.idx.msk [tilespmem:v31+s2+$0x0], $0xffff;
	vm0 =	vgt.s32 v18, $0x0  }
0x22e: {  	v28 =	vor.u32 $0x400, v30;
	vm3 =	vgt.s32 v17, $0x0;
	v30 =	vnsel vm0, $0x0, v18  }
0x22f: {  	vm0 =	vgt.s32 v18, $0xFFFFFFFF;
	v31 =	vnsel vm3, $0x0, v17;
	v30 =	vmin.u32 v30, $0x7F  }
0x230: {  	v31 =	vmin.u32 v31, $0x7F;
	v32 =	vshll.u32 v30, $0x8;
	v30 =	vshll.u32 v30, $0x7  }
0x231: {  	v26 =	vor.u32 v10, v26;
	v27 =	vor.u32 v10, v27;
	v32 =	vand.u32 $0x7800, v32  }
0x232: {  	v37 =	vor.u32 v5, v28;
	v33 =	vand.u32 $0x7FFFFFFF, v35;
	v30 =	vand.u32 $0x380, v30  }
0x233: {  	v33 =	vnsel vm2, $0x7F61B1E6, v33;
	v38 =	vand.u32 $0x7FFFFFFF, v25;
	v30 =	vor.u32 v30, v32  }
0x234: {  	v32 =	vnsel vm1, $0x7F61B1E6, v38;
	v38 =	vshll.u32 v31, $0x8;
	v31 =	vshll.u32 v31, $0x7  }
0x235: {  	vm1 =	vle.f32 v33, v32;
	v32 =	vand.u32 $0x7800, v38;
	v31 =	vand.u32 $0x380, v31  }
0x236: {  	vm2 =	vmneg vm1;
	v25 =	vsel vm1, v35, v25;
	v31 =	vor.u32 v31, v32  }
0x237: {  	v32 =	vsel vm2, $0x1, v1;
	[tilespmem:v37+s14+$0x0] =	vst.idx.msk $0xffff, v25;
	v25 =	vsel vm1, $0xFFFFFFFF, v1  }
0x238: {  	v19 =	vadd.s32 v32, v19;
	v20 =	vadd.s32 v25, v20;
	v27 =	vld.idx.msk [tilespmem:v27+s2+$0x0], $0xffff  }
0x239: {  	vm3 =	vlt.s32 v22, $0x80;
	vm2 =	vgt.s32 v21, $0xFFFFFFFF;
	vm1 =	vgt.s32 v19, $0x0;
	v26 =	vld.idx.msk [tilespmem:v26+s2+$0x0], $0xffff  }
0x23a: {  	v32 =	vor.u32 v15, v36;
	v25 =	vnsel vm1, $0x0, v19  }
0x23b: {  	v29 =	vand.u32 $0x380, v29;
	v25 =	vmin.u32 v25, $0x7F  }
0x23c: {  	v29 =	vor.u32 v29, v34;
	v33 =	vshll.u32 v25, $0x8;
	v25 =	vshll.u32 v25, $0x7  }
0x23d: {  	v29 =	vor.u32 v15, v29;
	v33 =	vand.u32 $0x7800, v33;
	v25 =	vand.u32 $0x380, v25  }
0x23e: {  	v34 =	vor.u32 v6, v28;
	v33 =	vor.u32 v25, v33;
	v25 =	vand.u32 $0x7FFFFFFF, v27  }
0x23f: {  	v35 =	vand.u32 $0x7FFFFFFF, v26;
	v25 =	vnsel vm3, $0x7F61B1E6, v25  }
0x240: {  	v35 =	vnsel vm2, $0x7F61B1E6, v35  }
0x241: {  	vm2 =	vle.f32 v35, v25;
	v25 =	vor.u32 v8, v28  }
0x242: {  	vm1 =	vlt.s32 v24, $0x80;
	v26 =	vsel vm2, v26, v27;
	v27 =	vsel vm2, $0xFFFFFFFF, v1  }
0x243: {  	vm3 =	vmneg vm2;
	vm2 =	vgt.s32 v23, $0xFFFFFFFF;
	v21 =	vadd.s32 v27, v21;
	[tilespmem:v34+s14+$0x0] =	vst.idx.msk $0xffff, v26  }
0x244: {  	v35 =	vor.u32 v7, v28;
	vm4 =	vgt.s32 v21, $0x0;
	v26 =	vsel vm3, $0x1, v1;
	v34 =	vld.idx.msk [tilespmem:v32+s2+$0x0], $0xffff  }
0x245: {  	v36 =	vor.u32 v12, v30;
	v27 =	vnsel vm4, $0x0, v21;
	v22 =	vadd.s32 v26, v22;
	v29 =	vld.idx.msk [tilespmem:v29+s2+$0x0], $0xffff  }
0x246: {  	v37 =	vor.u32 v12, v31;
	v26 =	vmin.u32 v27, $0x7F;
	vm3 =	vgt.s32 v22, $0x0  }
0x247: {  	v27 =	vnsel vm3, $0x0, v22;
	v28 =	vshll.u32 v26, $0x8;
	v26 =	vshll.u32 v26, $0x7  }
0x248: {  	v27 =	vmin.u32 v27, $0x7F;
	v28 =	vand.u32 $0x7800, v28;
	v26 =	vand.u32 $0x380, v26  }
0x249: {  	v26 =	vor.u32 v26, v28;
	v28 =	vshll.u32 v27, $0x8;
	v30 =	vshll.u32 v27, $0x7  }
0x24a: {  	v27 =	vand.u32 $0x7800, v28;
	v28 =	vand.u32 $0x380, v30;
	v30 =	vand.u32 $0x7FFFFFFF, v34  }
0x24b: {  	v31 =	vmov s17;
	v38 =	vnsel vm2, $0x7F61B1E6, v30;
	v30 =	vand.u32 $0x7FFFFFFF, v29  }
0x24c: {  	v39 =	vshll.u32 v31, $0x8;
	v32 =	vshll.u32 v31, $0x7;
	v31 =	vnsel vm1, $0x7F61B1E6, v30  }
0x24d: {  	v30 =	vand.u32 $0x7800, v39;
	vm1 =	vle.f32 v38, v31  }
0x24e: {  	v31 =	vor.u32 v16, v33;
	vm2 =	vmneg vm1;
	v29 =	vsel vm1, v34, v29  }
0x24f: {  	v33 =	vsel vm2, $0x1, v1;
	[tilespmem:v35+s14+$0x0] =	vst.idx.msk $0xffff, v29;
	v29 =	vsel vm1, $0xFFFFFFFF, v1;
	vm1 =	vlt.s32 v17, $0x80  }
0x250: {  	vm2 =	vgt.s32 v20, $0x0;
	v24 =	vadd.s32 v33, v24;
	v23 =	vadd.s32 v29, v23;
	v33 =	vld.idx.msk [tilespmem:v36+s2+$0x0], $0xffff  }
0x251: {  	v29 =	vnsel vm2, $0x0, v20;
	vm3 =	vgt.s32 v24, $0x0;
	vm2 =	vgt.s32 v23, $0x0;
	v35 =	vld.idx.msk [tilespmem:v37+s2+$0x0], $0xffff  }
.Ltmp3:
0x252: {  	v29 =	vmin.u32 v29, $0x7F;
	v34 =	vnsel vm3, $0x0, v24;
	v36 =	vnsel vm2, $0x0, v23;
	(pc) =	sbr.rel @p0 .LBB2_8-.Ltmp3, $4  }
0x253: {  	v37 =	vshll.u32 v29, $0x8;
	v29 =	vshll.u32 v29, $0x7;
	v34 =	vmin.u32 v34, $0x7F  }
0x254: {  	v37 =	vand.u32 $0x7800, v37;
	v29 =	vand.u32 $0x380, v29;
	v38 =	vmin.u32 v36, $0x7F  }
0x255: {  	v29 =	vor.u32 v29, v37;
	v36 =	vshll.u32 v38, $0x8;
	v37 =	vshll.u32 v38, $0x7  }
0x256: {  	v38 =	vor.u32 v16, v29;
	v29 =	vshll.u32 v34, $0x7;
	v39 =	vand.u32 $0x7FFFFFFF, v33  }
0x257: {  	v40 =	vand.u32 $0x7FFFFFFF, v35  }
0x258: {  	v39 =	vnsel vm0, $0x7F61B1E6, v39;
	v40 =	vnsel vm1, $0x7F61B1E6, v40  }
0x259: {  	vm0 =	vle.f32 v39, v40  }
0x25a: {  	v33 =	vsel vm0, v33, v35  }
0x25b: {  	[tilespmem:v25+s14+$0x0] =	vst.idx.msk $0xffff, v33  }
0x25c: {  	v25 =	vld.idx.msk [tilespmem:v38+s2+$0x0], $0xffff  }
0x25d: {  	v31 =	vld.idx.msk [tilespmem:v31+s2+$0x0], $0xffff  }
0x25e: {  	v32 =	vand.u32 $0x380, v32  }
0x25f: {  	v30 =	vor.u32 v32, v30  }
0x260: {  	vm1 =	vlt.s32 v19, $0x80;
	v19 =	vor.u32 $0x400, v30  }
0x261: {  	vm2 =	vgt.s32 v20, $0xFFFFFFFF;
	v20 =	vor.u32 v28, v27;
	v27 =	vor.u32 v5, v19  }
0x262: {  	v20 =	vor.u32 v10, v20;
	v28 =	vand.u32 $0x7FFFFFFF, v25;
	v30 =	vand.u32 $0x7FFFFFFF, v31  }
0x263: {  	v26 =	vor.u32 v10, v26;
	v28 =	vnsel vm2, $0x7F61B1E6, v28;
	v30 =	vnsel vm1, $0x7F61B1E6, v30  }
0x264: {  	vm1 =	vle.f32 v28, v30  }
0x265: {  	v25 =	vsel vm1, v25, v31  }
0x266: {  	[tilespmem:v27+s14+$0x0] =	vst.idx.msk $0xffff, v25  }
0x267: {  	v20 =	vld.idx.msk [tilespmem:v20+s2+$0x0], $0xffff  }
0x268: {  	v25 =	vld.idx.msk [tilespmem:v26+s2+$0x0], $0xffff  }
0x269: {  	vm2 =	vlt.s32 v22, $0x80;
	v22 =	vand.u32 $0x380, v29;
	v28 =	vshll.u32 v34, $0x8  }
0x26a: {  	v28 =	vand.u32 $0x7800, v28;
	v27 =	vand.u32 $0x380, v37;
	v26 =	vand.u32 $0x7800, v36  }
0x26b: {  	vm1 =	vmneg vm0;
	v26 =	vor.u32 v27, v26;
	v27 =	vsel vm0, $0xFFFFFFFF, v1  }
0x26c: {  	vm0 =	vgt.s32 v21, $0xFFFFFFFF;
	v21 =	vor.u32 v15, v26;
	v26 =	vor.u32 v6, v19  }
0x26d: {  	v22 =	vor.u32 v22, v28;
	v28 =	vand.u32 $0x7FFFFFFF, v20;
	v29 =	vand.u32 $0x7FFFFFFF, v25  }
0x26e: {  	v22 =	vor.u32 v15, v22;
	v28 =	vnsel vm2, $0x7F61B1E6, v28;
	v29 =	vnsel vm0, $0x7F61B1E6, v29  }
0x26f: {  	vm0 =	vle.f32 v29, v28  }
0x270: {  	v30 =	vsel vm1, $0x1, v1;
	v18 =	vadd.s32 v27, v18;
	v20 =	vsel vm0, v25, v20  }
0x271: {  	v17 =	vadd.s32 v30, v17;
	vm1 =	vgt.s32 v18, $0x0;
	[tilespmem:v26+s14+$0x0] =	vst.idx.msk $0xffff, v20  }
0x272: {  	v25 =	vnsel vm1, $0x0, v18;
	vm0 =	vgt.s32 v17, $0x0;
	vm1 =	vgt.s32 v23, $0xFFFFFFFF;
	v21 =	vld.idx.msk [tilespmem:v21+s2+$0x0], $0xffff  }
0x273: {  	v23 =	vor.u32 v7, v19;
	v20 =	vmin.u32 v25, $0x7F;
	v25 =	vnsel vm0, $0x0, v17;
	v22 =	vld.idx.msk [tilespmem:v22+s2+$0x0], $0xffff  }
0x274: {  	v25 =	vmin.u32 v25, $0x7F;
	v26 =	vshll.u32 v20, $0x8;
	v20 =	vshll.u32 v20, $0x7  }
0x275: {  	v26 =	vand.u32 $0x7800, v26;
	v27 =	vshll.u32 v25, $0x8;
	v25 =	vshll.u32 v25, $0x7  }
0x276: {  	v20 =	vand.u32 $0x380, v20;
	v27 =	vand.u32 $0x7800, v27;
	v25 =	vand.u32 $0x380, v25  }
0x277: {  	vm0 =	vlt.s32 v24, $0x80;
	v20 =	vor.u32 v20, v26;
	v25 =	vor.u32 v25, v27  }
0x278: {  	v20 =	vor.u32 v12, v20;
	v24 =	vand.u32 $0x7FFFFFFF, v21;
	v26 =	vand.u32 $0x7FFFFFFF, v22  }
0x279: {  	v25 =	vor.u32 v12, v25;
	v24 =	vnsel vm1, $0x7F61B1E6, v24;
	v26 =	vnsel vm0, $0x7F61B1E6, v26  }
0x27a: {  	vm0 =	vle.f32 v24, v26  }
0x27b: {  	v21 =	vsel vm0, v21, v22  }
0x27c: {  	[tilespmem:v23+s14+$0x0] =	vst.idx.msk $0xffff, v21  }
0x27d: {  	v20 =	vld.idx.msk [tilespmem:v20+s2+$0x0], $0xffff  }
0x27e: {  	v21 =	vld.idx.msk [tilespmem:v25+s2+$0x0], $0xffff;
	_ =	sdelay $0x3  }
0x27f: {  	vm0 =	vgt.s32 v18, $0xFFFFFFFF;
	v18 =	vor.u32 v8, v19  }
0x280: {  	vm1 =	vlt.s32 v17, $0x80;
	v17 =	vand.u32 $0x7FFFFFFF, v20;
	v19 =	vand.u32 $0x7FFFFFFF, v21  }
0x281: {  	v17 =	vnsel vm0, $0x7F61B1E6, v17;
	v19 =	vnsel vm1, $0x7F61B1E6, v19  }
0x282: {  	vm0 =	vle.f32 v17, v19  }
0x283: {  	v17 =	vsel vm0, v20, v21  }
0x284: {  	[tilespmem:v18+s14+$0x0] =	vst.idx.msk $0xffff, v17  }
0x285: {  	[hbm4b:s5+s10] =	stream.strided.scatter [tilespmem:s14], [sflag:$0x1], $0x8000, s11, s10, $0x38;
	[tilespmem:$0x10100] =	vst v63  }
0x286: {  	_ =	swait.ge [sflag:s12], $0x8000  }
0x287: {  	[sflag:s12] =	ssyncset.done $0x0  }
0x288: {  	s16 =	simm.s32 $0x0;
	[sflag:s12] =	ssyncadd.s32 $0xFFFF8000  }
0x289: {  	[tilespmem:s16], [sflag:$0x1] =	stream.strided.gather [hbm4b:s6+s10], $0x8000, s11, s10, $0x38;
	[tilespmem:$0x10100] =	vst v63  }
0x28a: {  	_ =	swait.ge [sflag:s12], $0x8000  }
0x28b: {  	[sflag:s12] =	ssyncset.done $0x0  }
0x28c: {  	[sflag:s12] =	ssyncadd.s32 $0xFFFF8000  }
0x28d: {  	[tilespmem:s13], [sflag:$0x1] =	stream.linear.gather [hbm4b:s7+s16], $0x100, $0x38;
	[tilespmem:$0x10100] =	vst v63  }
0x28e: {  	_ =	swait.ge [sflag:s12], $0x100  }
0x28f: {  	[sflag:s12] =	ssyncset.done $0x0  }
0x290: {  	[sflag:s12] =	ssyncadd.s32 $0xFFFFFF00  }
0x291: {  	v21 =	vld [tilespmem:$0x10000]  }
0x292: {  	v23 =	vld [tilespmem:$0x10010]  }
0x293: {  	v19 =	vld [tilespmem:$0x10020]  }
0x294: {  	s31 =	simm.s32 $0x1  }
0x295: {  	v57 =	vmov s31  }
0x296: {  	v58 =	vshll.u32 v57, $0x8;
	v39 =	vshll.u32 v57, $0x7;
	v17 =	vld [tilespmem:$0x10030]  }
0x297: {  	v26 =	vmov s16;
	vm0 =	vgt.s32 v21, $0x0;
	v24 =	vadd.s32 $0xFFFFFFFF, v21  }
0x298: {  	v30 =	vadd.s32 $0xFFFFFFFF, v23;
	v20 =	vadd.s32 $0xFFFFFFFF, v19;
	vm1 =	vgt.s32 v23, $0x0  }
0x299: {  	vm3 =	vlt.s32 v23, $0x80;
	v18 =	vnsel vm0, $0x0, v21;
	vm0 =	vgt.s32 v30, $0x0  }
0x29a: {  	vm2 =	vgt.s32 v24, $0x0;
	v28 =	vnsel vm1, $0x0, v23;
	vm1 =	vgt.s32 v20, $0x0  }
0x29b: {  	vm4 =	vgt.s32 v30, $0xFFFFFFFF;
	v22 =	vmin.u32 v18, $0x7F;
	v18 =	vadd.s32 $0xFFFFFFFF, v17  }
0x29c: {  	v27 =	vnsel vm0, $0x0, v30;
	v29 =	vnsel vm2, $0x0, v24;
	v28 =	vmin.u32 v28, $0x7F  }
0x29d: {  	vm0 =	vlt.s32 v21, $0x80;
	v25 =	vshll.u32 v22, $0x8;
	v22 =	vshll.u32 v22, $0x7  }
0x29e: {  	v27 =	vmin.u32 v27, $0x7F;
	v29 =	vmin.u32 v29, $0x7F;
	v41 =	vshll.u32 v28, $0x8  }
0x29f: {  	v28 =	vshll.u32 v28, $0x7;
	vm2 =	vgt.s32 v18, $0x0;
	v25 =	vand.u32 $0x7800, v25  }
0x2a0: {  	v22 =	vand.u32 $0x380, v22;
	v31 =	vshll.u32 v27, $0x8;
	v40 =	vshll.u32 v29, $0x8  }
0x2a1: {  	v29 =	vshll.u32 v29, $0x7;
	v27 =	vshll.u32 v27, $0x7;
	v28 =	vand.u32 $0x380, v28  }
0x2a2: {  	v33 =	vand.u32 $0x7800, v41;
	v44 =	vnsel vm2, $0x0, v18;
	vm2 =	vgt.s32 v17, $0x0  }
0x2a3: {  	v22 =	vor.u32 v25, v22;
	v25 =	vshll.u32 v26, $0x8;
	v32 =	vand.u32 $0x7800, v40  }
0x2a4: {  	v29 =	vand.u32 $0x380, v29;
	v26 =	vshll.u32 v26, $0x7;
	v31 =	vand.u32 $0x7800, v31  }
0x2a5: {  	v28 =	vor.u32 v33, v28;
	v29 =	vor.u32 v32, v29;
	v22 =	vor.u32 v0, v22  }
0x2a6: {  	v45 =	vnsel vm2, $0x0, v17;
	vm2 =	vgt.s32 v20, $0xFFFFFFFF;
	v29 =	vor.u32 v0, v29  }
0x2a7: {  	v25 =	vand.u32 $0x7800, v25;
	v26 =	vand.u32 $0x380, v26;
	v28 =	vor.u32 v2, v28  }
0x2a8: {  	v33 =	vmin.u32 v45, $0x7F;
	v42 =	vor.u32 v26, v25;
	v25 =	vand.u32 $0x380, v27  }
0x2a9: {  	v26 =	vnsel vm1, $0x0, v20;
	vm1 =	vgt.s32 v19, $0x0;
	v50 =	vshll.u32 v33, $0x8  }
0x2aa: {  	v33 =	vshll.u32 v33, $0x7;
	v25 =	vor.u32 v31, v25;
	v26 =	vmin.u32 v26, $0x7F;
	v22 =	vld.idx.msk [tilespmem:v22+s2+$0x0], $0xffff  }
0x2ab: {  	v27 =	vnsel vm1, $0x0, v19;
	vm1 =	vgt.s32 v24, $0xFFFFFFFF;
	v46 =	vor.u32 v0, v42;
	v29 =	vld.idx.msk [tilespmem:v29+s2+$0x0], $0xffff  }
0x2ac: {  	v53 =	vor.u32 v2, v42;
	v27 =	vmin.u32 v27, $0x7F;
	v31 =	vshll.u32 v26, $0x8  }
0x2ad: {  	v26 =	vshll.u32 v26, $0x7;
	v25 =	vor.u32 v2, v25;
	v31 =	vand.u32 $0x7800, v31  }
0x2ae: {  	v26 =	vand.u32 $0x380, v26;
	v43 =	vshll.u32 v27, $0x8;
	v27 =	vshll.u32 v27, $0x7  }
0x2af: {  	v31 =	vor.u32 v31, v26;
	v26 =	vand.u32 $0x380, v27;
	v27 =	vand.u32 $0x7800, v43  }
0x2b0: {  	v27 =	vor.u32 v27, v26;
	v48 =	vand.u32 $0x7FFFFFFF, v22;
	v47 =	vand.u32 $0x7FFFFFFF, v29  }
0x2b1: {  	v26 =	vmin.u32 v44, $0x7F;
	v36 =	vnsel vm0, $0x7F61B1E6, v48;
	v35 =	vnsel vm1, $0x7F61B1E6, v47  }
0x2b2: {  	v31 =	vor.u32 v3, v31;
	v49 =	vshll.u32 v26, $0x8;
	vm0 =	vle.f32 v35, v36  }
0x2b3: {  	v26 =	vshll.u32 v26, $0x7;
	vm1 =	vmneg vm0;
	v22 =	vsel vm0, v29, v22  }
0x2b4: {  	v51 =	vand.u32 $0x7800, v49;
	v26 =	vand.u32 $0x380, v26;
	v29 =	vsel vm1, $0x1, v1;
	[tilespmem:v46+s14+$0x0] =	vst.idx.msk $0xffff, v22  }
0x2b5: {  	v55 =	vor.u32 v3, v27;
	v35 =	vor.u32 v51, v26;
	v22 =	vadd.s32 v29, v21;
	v52 =	vld.idx.msk [tilespmem:v25+s2+$0x0], $0xffff  }
0x2b6: {  	v26 =	vand.u32 $0x7800, v50;
	v29 =	vsel vm0, $0xFFFFFFFF, v1;
	v34 =	vld.idx.msk [tilespmem:v28+s2+$0x0], $0xffff;
	vm0 =	vgt.s32 v22, $0x0  }
0x2b7: {  	vm1 =	vlt.s32 v19, $0x80;
	v21 =	vand.u32 $0x380, v33;
	v25 =	vnsel vm0, $0x0, v22  }
0x2b8: {  	v21 =	vor.u32 v26, v21;
	v24 =	vadd.s32 v29, v24;
	v25 =	vmin.u32 v25, $0x7F  }
0x2b9: {  	vm0 =	vlt.s32 v17, $0x80;
	v26 =	vshll.u32 v25, $0x8;
	v25 =	vshll.u32 v25, $0x7  }
0x2ba: {  	vm15 =	vgt.s32 v24, $0x0;
	v26 =	vand.u32 $0x7800, v26;
	v28 =	vand.u32 $0x380, v25  }
0x2bb: {  	v29 =	vand.u32 $0x7FFFFFFF, v34;
	v26 =	vor.u32 v26, v28;
	v28 =	vand.u32 $0x7FFFFFFF, v52  }
0x2bc: {  	v60 =	vnsel vm15, $0x0, v24;
	v54 =	vnsel vm3, $0x7F61B1E6, v29;
	v28 =	vnsel vm4, $0x7F61B1E6, v28  }
0x2bd: {  	v27 =	vor.u32 v4, v21;
	v61 =	vmin.u32 v60, $0x7F;
	vm3 =	vle.f32 v28, v54  }
0x2be: {  	v25 =	vor.u32 v4, v42;
	v62 =	vshll.u32 v61, $0x8;
	v56 =	vsel vm3, v52, v34  }
0x2bf: {  	v32 =	vshll.u32 v61, $0x7;
	v29 =	vor.u32 v3, v42;
	v38 =	vand.u32 $0x7800, v62;
	[tilespmem:v53+s14+$0x0] =	vst.idx.msk $0xffff, v56  }
0x2c0: {  	v32 =	vand.u32 $0x380, v32;
	vm14 =	vmneg vm3;
	v21 =	vsel vm3, $0xFFFFFFFF, v1;
	v34 =	vld.idx.msk [tilespmem:v31+s2+$0x0], $0xffff  }
0x2c1: {  	v28 =	vor.u32 v4, v35;
	v21 =	vadd.s32 v21, v30;
	v30 =	vsel vm14, $0x1, v1;
	v35 =	vld.idx.msk [tilespmem:v55+s2+$0x0], $0xffff  }
0x2c2: {  	v32 =	vor.u32 v38, v32;
	vm3 =	vgt.s32 v21, $0x0;
	v23 =	vadd.s32 v30, v23  }
0x2c3: {  	v38 =	vand.u32 $0x380, v39;
	v31 =	vnsel vm3, $0x0, v21;
	vm3 =	vgt.s32 v23, $0x0  }
0x2c4: {  	v32 =	vor.u32 v0, v32;
	v31 =	vmin.u32 v31, $0x7F;
	v59 =	vnsel vm3, $0x0, v23  }
0x2c5: {  	v30 =	vand.u32 $0x7800, v58;
	v36 =	vmin.u32 v59, $0x7F;
	v37 =	vshll.u32 v31, $0x8  }
0x2c6: {  	v33 =	vshll.u32 v31, $0x7;
	v63 =	vand.u32 $0x7FFFFFFF, v34;
	v41 =	vand.u32 $0x7FFFFFFF, v35  }
0x2c7: {  	s16 =	simm.s32 $0x2;
	v31 =	vshll.u32 v36, $0x8;
	v39 =	vnsel vm2, $0x7F61B1E6, v63;
	v40 =	vnsel vm1, $0x7F61B1E6, v41  }
.LBB2_10:
0x2c8: {  	p0 =	sne.s32 s16, $0x7F;
	v37 =	vand.u32 $0x7800, v37;
	v36 =	vshll.u32 v36, $0x7;
	vm1 =	vle.f32 v39, v40;
	s17 =	smov.u32 s16;
	s16 =	sadd.s32 $0x1, s16  }
0x2c9: {  	vm2 =	vmneg vm1;
	v34 =	vsel vm1, v34, v35;
	v35 =	vsel vm1, $0xFFFFFFFF, v1  }
0x2ca: {  	v36 =	vand.u32 $0x380, v36;
	[tilespmem:v29+s14+$0x0] =	vst.idx.msk $0xffff, v34;
	v20 =	vadd.s32 v35, v20;
	v29 =	vsel vm2, $0x1, v1  }
0x2cb: {  	v30 =	vor.u32 v38, v30;
	v33 =	vand.u32 $0x380, v33;
	v19 =	vadd.s32 v29, v19;
	v28 =	vld.idx.msk [tilespmem:v28+s2+$0x0], $0xffff  }
0x2cc: {  	vm1 =	vlt.s32 v22, $0x80;
	v29 =	vor.u32 v37, v33;
	vm3 =	vgt.s32 v20, $0x0;
	v27 =	vld.idx.msk [tilespmem:v27+s2+$0x0], $0xffff  }
0x2cd: {  	vm2 =	vgt.s32 v24, $0xFFFFFFFF;
	v33 =	vnsel vm3, $0x0, v20;
	vm3 =	vgt.s32 v19, $0x0  }
0x2ce: {  	v33 =	vmin.u32 v33, $0x7F;
	v34 =	vnsel vm3, $0x0, v19;
	vm3 =	vgt.s32 v18, $0xFFFFFFFF  }
0x2cf: {  	v34 =	vmin.u32 v34, $0x7F;
	v35 =	vshll.u32 v33, $0x8;
	v33 =	vshll.u32 v33, $0x7  }
0x2d0: {  	v31 =	vand.u32 $0x7800, v31;
	v35 =	vand.u32 $0x7800, v35;
	v33 =	vand.u32 $0x380, v33  }
0x2d1: {  	v31 =	vor.u32 v31, v36;
	v36 =	vshll.u32 v34, $0x8;
	v37 =	vand.u32 $0x7FFFFFFF, v28  }
0x2d2: {  	v31 =	vor.u32 v2, v31;
	v29 =	vor.u32 v2, v29;
	v38 =	vand.u32 $0x7FFFFFFF, v27  }
0x2d3: {  	v26 =	vor.u32 v0, v26;
	v37 =	vnsel vm3, $0x7F61B1E6, v37;
	v38 =	vnsel vm0, $0x7F61B1E6, v38  }
0x2d4: {  	v34 =	vshll.u32 v34, $0x7;
	v33 =	vor.u32 v35, v33;
	vm0 =	vle.f32 v37, v38  }
0x2d5: {  	vm3 =	vmneg vm0;
	v27 =	vsel vm0, v28, v27;
	v28 =	vsel vm0, $0xFFFFFFFF, v1  }
0x2d6: {  	v34 =	vand.u32 $0x380, v34;
	v18 =	vadd.s32 v28, v18;
	[tilespmem:v25+s14+$0x0] =	vst.idx.msk $0xffff, v27;
	v25 =	vsel vm3, $0x1, v1  }
0x2d7: {  	v28 =	vand.u32 $0x7800, v36;
	vm0 =	vgt.s32 v18, $0x0;
	v27 =	vld.idx.msk [tilespmem:v32+s2+$0x0], $0xffff;
	v17 =	vadd.s32 v25, v17  }
0x2d8: {  	v28 =	vor.u32 v28, v34;
	v25 =	vld.idx.msk [tilespmem:v26+s2+$0x0], $0xffff;
	v26 =	vnsel vm0, $0x0, v18;
	vm0 =	vgt.s32 v17, $0x0  }
0x2d9: {  	v26 =	vmin.u32 v26, $0x7F;
	v32 =	vnsel vm0, $0x0, v17  }
0x2da: {  	vm4 =	vgt.s32 v21, $0xFFFFFFFF;
	vm3 =	vlt.s32 v23, $0x80;
	v32 =	vmin.u32 v32, $0x7F  }
0x2db: {  	v34 =	vshll.u32 v26, $0x8;
	v26 =	vshll.u32 v26, $0x7;
	v35 =	vshll.u32 v32, $0x8  }
0x2dc: {  	v34 =	vand.u32 $0x7800, v34;
	v26 =	vand.u32 $0x380, v26;
	v32 =	vshll.u32 v32, $0x7  }
0x2dd: {  	v36 =	vor.u32 v0, v30;
	v34 =	vor.u32 v34, v26;
	v26 =	vand.u32 $0x7800, v35  }
0x2de: {  	v35 =	vand.u32 $0x7FFFFFFF, v27;
	v32 =	vand.u32 $0x380, v32;
	v37 =	vand.u32 $0x7FFFFFFF, v25  }
0x2df: {  	v35 =	vnsel vm2, $0x7F61B1E6, v35;
	v32 =	vor.u32 v26, v32;
	v37 =	vnsel vm1, $0x7F61B1E6, v37  }
0x2e0: {  	vm0 =	vle.f32 v35, v37  }
0x2e1: {  	vm1 =	vmneg vm0;
	v25 =	vsel vm0, v27, v25;
	v26 =	vsel vm0, $0xFFFFFFFF, v1  }
0x2e2: {  	v24 =	vadd.s32 v26, v24;
	[tilespmem:v36+s14+$0x0] =	vst.idx.msk $0xffff, v25;
	v25 =	vsel vm1, $0x1, v1  }
0x2e3: {  	vm1 =	vlt.s32 v19, $0x80;
	v22 =	vadd.s32 v25, v22;
	v35 =	vld.idx.msk [tilespmem:v29+s2+$0x0], $0xffff  }
0x2e4: {  	vm2 =	vgt.s32 v20, $0xFFFFFFFF;
	vm0 =	vgt.s32 v22, $0x0;
	v31 =	vld.idx.msk [tilespmem:v31+s2+$0x0], $0xffff  }
0x2e5: {  	v25 =	vnsel vm0, $0x0, v22  }
0x2e6: {  	v25 =	vmin.u32 v25, $0x7F  }
0x2e7: {  	vm0 =	vlt.s32 v17, $0x80;
	v26 =	vshll.u32 v25, $0x8;
	v25 =	vshll.u32 v25, $0x7  }
0x2e8: {  	v26 =	vand.u32 $0x7800, v26;
	v27 =	vand.u32 $0x380, v25;
	v25 =	vor.u32 v4, v30  }
0x2e9: {  	v36 =	vor.u32 v2, v30;
	v26 =	vor.u32 v26, v27;
	v27 =	vand.u32 $0x7FFFFFFF, v35  }
0x2ea: {  	v33 =	vor.u32 v3, v33;
	v29 =	vand.u32 $0x7FFFFFFF, v31;
	v27 =	vnsel vm4, $0x7F61B1E6, v27  }
0x2eb: {  	v38 =	vor.u32 v3, v28;
	v37 =	vnsel vm3, $0x7F61B1E6, v29;
	v29 =	vor.u32 v3, v30  }
0x2ec: {  	v28 =	vor.u32 v4, v34;
	vm3 =	vle.f32 v27, v37;
	v27 =	vor.u32 v4, v32  }
0x2ed: {  	vm4 =	vmneg vm3;
	v30 =	vsel vm3, v35, v31;
	v31 =	vsel vm3, $0xFFFFFFFF, v1  }
0x2ee: {  	v32 =	vmov s17;
	v21 =	vadd.s32 v31, v21;
	[tilespmem:v36+s14+$0x0] =	vst.idx.msk $0xffff, v30;
	v30 =	vsel vm4, $0x1, v1  }
0x2ef: {  	v31 =	vshll.u32 v32, $0x8;
	vm3 =	vgt.s32 v21, $0x0;
	v23 =	vadd.s32 v30, v23;
	v34 =	vld.idx.msk [tilespmem:v33+s2+$0x0], $0xffff  }
0x2f0: {  	v30 =	vand.u32 $0x7800, v31;
	v31 =	vnsel vm3, $0x0, v21;
	vm3 =	vgt.s32 v23, $0x0;
	v35 =	vld.idx.msk [tilespmem:v38+s2+$0x0], $0xffff  }
0x2f1: {  	vm4 =	vgt.s32 v24, $0x0;
	v31 =	vmin.u32 v31, $0x7F;
	v33 =	vnsel vm3, $0x0, v23  }
0x2f2: {  	v38 =	vnsel vm4, $0x0, v24;
	v37 =	vshll.u32 v31, $0x8;
	v36 =	vmin.u32 v33, $0x7F  }
.Ltmp4:
0x2f3: {  	v38 =	vmin.u32 v38, $0x7F;
	v33 =	vshll.u32 v31, $0x7;
	v31 =	vshll.u32 v36, $0x8;
	(pc) =	sbr.rel @p0 .LBB2_10-.Ltmp4, $4  }
0x2f4: {  	v32 =	vshll.u32 v32, $0x7;
	v39 =	vshll.u32 v38, $0x8;
	v38 =	vshll.u32 v38, $0x7  }
0x2f5: {  	v39 =	vand.u32 $0x7800, v39;
	v38 =	vand.u32 $0x380, v38;
	v40 =	vand.u32 $0x7FFFFFFF, v34  }
0x2f6: {  	v39 =	vor.u32 v39, v38;
	v38 =	vand.u32 $0x380, v32;
	v41 =	vand.u32 $0x7FFFFFFF, v35  }
0x2f7: {  	v32 =	vor.u32 v0, v39;
	v39 =	vnsel vm2, $0x7F61B1E6, v40;
	v40 =	vnsel vm1, $0x7F61B1E6, v41  }
0x2f8: {  	_ =	sdelay $0x1  }
0x2f9: {  	vm1 =	vle.f32 v39, v40  }
0x2fa: {  	v34 =	vsel vm1, v34, v35  }
0x2fb: {  	[tilespmem:v29+s14+$0x0] =	vst.idx.msk $0xffff, v34  }
0x2fc: {  	v28 =	vld.idx.msk [tilespmem:v28+s2+$0x0], $0xffff  }
0x2fd: {  	v27 =	vld.idx.msk [tilespmem:v27+s2+$0x0], $0xffff;
	_ =	sdelay $0x4  }
0x2fe: {  	vm2 =	vgt.s32 v18, $0xFFFFFFFF;
	v29 =	vand.u32 $0x7FFFFFFF, v28;
	v39 =	vand.u32 $0x7FFFFFFF, v27  }
0x2ff: {  	v26 =	vor.u32 v0, v26;
	v29 =	vnsel vm2, $0x7F61B1E6, v29;
	v34 =	vnsel vm0, $0x7F61B1E6, v39  }
0x300: {  	vm0 =	vle.f32 v29, v34  }
0x301: {  	v27 =	vsel vm0, v28, v27  }
0x302: {  	[tilespmem:v25+s14+$0x0] =	vst.idx.msk $0xffff, v27  }
0x303: {  	v25 =	vld.idx.msk [tilespmem:v32+s2+$0x0], $0xffff  }
0x304: {  	vm2 =	vmneg vm1;
	v29 =	vsel vm1, $0xFFFFFFFF, v1;
	v26 =	vld.idx.msk [tilespmem:v26+s2+$0x0], $0xffff  }
0x305: {  	vm1 =	vlt.s32 v22, $0x80;
	v28 =	vshll.u32 v36, $0x7;
	v20 =	vadd.s32 v29, v20  }
0x306: {  	v29 =	vor.u32 v38, v30;
	v30 =	vand.u32 $0x380, v33;
	v27 =	vand.u32 $0x7800, v37  }
0x307: {  	v28 =	vand.u32 $0x380, v28;
	v22 =	vor.u32 v27, v30;
	v27 =	vand.u32 $0x7800, v31  }
0x308: {  	vm3 =	vgt.s32 v24, $0xFFFFFFFF;
	v24 =	vor.u32 v27, v28;
	v27 =	vor.u32 v0, v29  }
0x309: {  	v22 =	vor.u32 v2, v22;
	v28 =	vand.u32 $0x7FFFFFFF, v25;
	v30 =	vand.u32 $0x7FFFFFFF, v26  }
0x30a: {  	v24 =	vor.u32 v2, v24;
	v28 =	vnsel vm3, $0x7F61B1E6, v28;
	v30 =	vnsel vm1, $0x7F61B1E6, v30  }
0x30b: {  	v31 =	vsel vm2, $0x1, v1;
	vm2 =	vle.f32 v28, v30  }
0x30c: {  	v19 =	vadd.s32 v31, v19;
	vm1 =	vgt.s32 v20, $0x0;
	v25 =	vsel vm2, v25, v26  }
0x30d: {  	v28 =	vnsel vm1, $0x0, v20;
	vm1 =	vgt.s32 v19, $0x0;
	[tilespmem:v27+s14+$0x0] =	vst.idx.msk $0xffff, v25  }
0x30e: {  	v26 =	vmin.u32 v28, $0x7F;
	vm2 =	vlt.s32 v23, $0x80;
	v25 =	vnsel vm1, $0x0, v19;
	v22 =	vld.idx.msk [tilespmem:v22+s2+$0x0], $0xffff  }
0x30f: {  	v27 =	vshll.u32 v26, $0x8;
	v26 =	vshll.u32 v26, $0x7;
	vm1 =	vmneg vm0;
	v24 =	vld.idx.msk [tilespmem:v24+s2+$0x0], $0xffff  }
0x310: {  	v25 =	vmin.u32 v25, $0x7F;
	v27 =	vand.u32 $0x7800, v27;
	v26 =	vand.u32 $0x380, v26  }
0x311: {  	v28 =	vshll.u32 v25, $0x8;
	v25 =	vshll.u32 v25, $0x7;
	v26 =	vor.u32 v27, v26  }
0x312: {  	v25 =	vand.u32 $0x380, v25;
	v27 =	vand.u32 $0x7800, v28;
	v28 =	vsel vm0, $0xFFFFFFFF, v1  }
0x313: {  	vm0 =	vgt.s32 v21, $0xFFFFFFFF;
	v21 =	vor.u32 v2, v29;
	v26 =	vor.u32 v3, v26  }
0x314: {  	v25 =	vor.u32 v27, v25;
	v23 =	vand.u32 $0x7FFFFFFF, v22;
	v27 =	vand.u32 $0x7FFFFFFF, v24  }
0x315: {  	v25 =	vor.u32 v3, v25;
	v23 =	vnsel vm0, $0x7F61B1E6, v23;
	v27 =	vnsel vm2, $0x7F61B1E6, v27  }
0x316: {  	v18 =	vadd.s32 v28, v18;
	vm0 =	vle.f32 v23, v27  }
0x317: {  	v28 =	vsel vm1, $0x1, v1;
	vm1 =	vgt.s32 v18, $0x0;
	v22 =	vsel vm0, v22, v24  }
0x318: {  	v17 =	vadd.s32 v28, v17;
	v23 =	vnsel vm1, $0x0, v18;
	[tilespmem:v21+s14+$0x0] =	vst.idx.msk $0xffff, v22  }
0x319: {  	vm0 =	vgt.s32 v17, $0x0;
	v21 =	vmin.u32 v23, $0x7F;
	v23 =	vld.idx.msk [tilespmem:v26+s2+$0x0], $0xffff  }
0x31a: {  	vm1 =	vgt.s32 v20, $0xFFFFFFFF;
	v22 =	vnsel vm0, $0x0, v17;
	vm0 =	vlt.s32 v19, $0x80;
	v25 =	vld.idx.msk [tilespmem:v25+s2+$0x0], $0xffff  }
0x31b: {  	v22 =	vmin.u32 v22, $0x7F;
	v24 =	vshll.u32 v21, $0x8;
	v21 =	vshll.u32 v21, $0x7  }
0x31c: {  	v26 =	vshll.u32 v22, $0x8;
	v24 =	vand.u32 $0x7800, v24;
	v22 =	vshll.u32 v22, $0x7  }
0x31d: {  	v21 =	vand.u32 $0x380, v21;
	v26 =	vand.u32 $0x7800, v26;
	v22 =	vand.u32 $0x380, v22  }
0x31e: {  	v19 =	vor.u32 v3, v29;
	v21 =	vor.u32 v24, v21;
	v22 =	vor.u32 v26, v22  }
0x31f: {  	v20 =	vor.u32 v4, v21;
	v21 =	vand.u32 $0x7FFFFFFF, v23;
	v24 =	vand.u32 $0x7FFFFFFF, v25  }
0x320: {  	v22 =	vor.u32 v4, v22;
	v21 =	vnsel vm1, $0x7F61B1E6, v21;
	v24 =	vnsel vm0, $0x7F61B1E6, v24  }
0x321: {  	vm0 =	vle.f32 v21, v24  }
0x322: {  	v21 =	vsel vm0, v23, v25  }
0x323: {  	[tilespmem:v19+s14+$0x0] =	vst.idx.msk $0xffff, v21  }
0x324: {  	v19 =	vld.idx.msk [tilespmem:v20+s2+$0x0], $0xffff  }
0x325: {  	v20 =	vld.idx.msk [tilespmem:v22+s2+$0x0], $0xffff;
	_ =	sdelay $0x3  }
0x326: {  	vm0 =	vlt.s32 v17, $0x80;
	v17 =	vor.u32 v4, v29  }
0x327: {  	vm1 =	vgt.s32 v18, $0xFFFFFFFF;
	v18 =	vand.u32 $0x7FFFFFFF, v19;
	v21 =	vand.u32 $0x7FFFFFFF, v20  }
0x328: {  	v18 =	vnsel vm1, $0x7F61B1E6, v18;
	v21 =	vnsel vm0, $0x7F61B1E6, v21  }
0x329: {  	vm0 =	vle.f32 v18, v21  }
0x32a: {  	v18 =	vsel vm0, v19, v20  }
0x32b: {  	[tilespmem:v17+s14+$0x0] =	vst.idx.msk $0xffff, v18  }
0x32c: {  	v21 =	vld [tilespmem:$0x10040]  }
0x32d: {  	v23 =	vld [tilespmem:$0x10050]  }
0x32e: {  	v19 =	vld [tilespmem:$0x10060]  }
0x32f: {  	s31 =	simm.s32 $0x1  }
0x330: {  	v57 =	vmov s31  }
0x331: {  	s16 =	simm.s32 $0x0;
	v58 =	vshll.u32 v57, $0x8;
	v39 =	vshll.u32 v57, $0x7;
	v17 =	vld [tilespmem:$0x10070]  }
0x332: {  	v26 =	vmov s16;
	vm0 =	vgt.s32 v21, $0x0;
	v24 =	vadd.s32 $0xFFFFFFFF, v21  }
0x333: {  	v30 =	vadd.s32 $0xFFFFFFFF, v23;
	v20 =	vadd.s32 $0xFFFFFFFF, v19;
	vm1 =	vgt.s32 v23, $0x0  }
0x334: {  	vm3 =	vlt.s32 v23, $0x80;
	v18 =	vnsel vm0, $0x0, v21;
	vm0 =	vgt.s32 v30, $0x0  }
0x335: {  	vm2 =	vgt.s32 v24, $0x0;
	v28 =	vnsel vm1, $0x0, v23;
	vm1 =	vgt.s32 v20, $0x0  }
0x336: {  	vm4 =	vgt.s32 v30, $0xFFFFFFFF;
	v22 =	vmin.u32 v18, $0x7F;
	v18 =	vadd.s32 $0xFFFFFFFF, v17  }
0x337: {  	v27 =	vnsel vm0, $0x0, v30;
	v29 =	vnsel vm2, $0x0, v24;
	v28 =	vmin.u32 v28, $0x7F  }
0x338: {  	vm0 =	vlt.s32 v21, $0x80;
	v25 =	vshll.u32 v22, $0x8;
	v22 =	vshll.u32 v22, $0x7  }
0x339: {  	v27 =	vmin.u32 v27, $0x7F;
	v29 =	vmin.u32 v29, $0x7F;
	v41 =	vshll.u32 v28, $0x8  }
0x33a: {  	v28 =	vshll.u32 v28, $0x7;
	vm2 =	vgt.s32 v18, $0x0;
	v25 =	vand.u32 $0x7800, v25  }
0x33b: {  	v22 =	vand.u32 $0x380, v22;
	v31 =	vshll.u32 v27, $0x8;
	v40 =	vshll.u32 v29, $0x8  }
0x33c: {  	v29 =	vshll.u32 v29, $0x7;
	v27 =	vshll.u32 v27, $0x7;
	v28 =	vand.u32 $0x380, v28  }
0x33d: {  	v33 =	vand.u32 $0x7800, v41;
	v44 =	vnsel vm2, $0x0, v18;
	vm2 =	vgt.s32 v17, $0x0  }
0x33e: {  	v22 =	vor.u32 v25, v22;
	v25 =	vshll.u32 v26, $0x8;
	v32 =	vand.u32 $0x7800, v40  }
0x33f: {  	v29 =	vand.u32 $0x380, v29;
	v26 =	vshll.u32 v26, $0x7;
	v31 =	vand.u32 $0x7800, v31  }
0x340: {  	v28 =	vor.u32 v33, v28;
	v29 =	vor.u32 v32, v29;
	v22 =	vor.u32 v5, v22  }
0x341: {  	v45 =	vnsel vm2, $0x0, v17;
	vm2 =	vgt.s32 v20, $0xFFFFFFFF;
	v29 =	vor.u32 v5, v29  }
0x342: {  	v25 =	vand.u32 $0x7800, v25;
	v26 =	vand.u32 $0x380, v26;
	v28 =	vor.u32 v6, v28  }
0x343: {  	v33 =	vmin.u32 v45, $0x7F;
	v42 =	vor.u32 v26, v25;
	v25 =	vand.u32 $0x380, v27  }
0x344: {  	v26 =	vnsel vm1, $0x0, v20;
	vm1 =	vgt.s32 v19, $0x0;
	v50 =	vshll.u32 v33, $0x8  }
0x345: {  	v33 =	vshll.u32 v33, $0x7;
	v25 =	vor.u32 v31, v25;
	v26 =	vmin.u32 v26, $0x7F;
	v22 =	vld.idx.msk [tilespmem:v22+s2+$0x0], $0xffff  }
0x346: {  	v27 =	vnsel vm1, $0x0, v19;
	vm1 =	vgt.s32 v24, $0xFFFFFFFF;
	v46 =	vor.u32 v5, v42;
	v29 =	vld.idx.msk [tilespmem:v29+s2+$0x0], $0xffff  }
0x347: {  	v53 =	vor.u32 v6, v42;
	v27 =	vmin.u32 v27, $0x7F;
	v31 =	vshll.u32 v26, $0x8  }
0x348: {  	v26 =	vshll.u32 v26, $0x7;
	v25 =	vor.u32 v6, v25;
	v31 =	vand.u32 $0x7800, v31  }
0x349: {  	v26 =	vand.u32 $0x380, v26;
	v43 =	vshll.u32 v27, $0x8;
	v27 =	vshll.u32 v27, $0x7  }
0x34a: {  	v31 =	vor.u32 v31, v26;
	v26 =	vand.u32 $0x380, v27;
	v27 =	vand.u32 $0x7800, v43  }
0x34b: {  	v27 =	vor.u32 v27, v26;
	v48 =	vand.u32 $0x7FFFFFFF, v22;
	v47 =	vand.u32 $0x7FFFFFFF, v29  }
0x34c: {  	v26 =	vmin.u32 v44, $0x7F;
	v36 =	vnsel vm0, $0x7F61B1E6, v48;
	v35 =	vnsel vm1, $0x7F61B1E6, v47  }
0x34d: {  	v31 =	vor.u32 v7, v31;
	v49 =	vshll.u32 v26, $0x8;
	vm0 =	vle.f32 v35, v36  }
0x34e: {  	v26 =	vshll.u32 v26, $0x7;
	vm1 =	vmneg vm0;
	v22 =	vsel vm0, v29, v22  }
0x34f: {  	v51 =	vand.u32 $0x7800, v49;
	v26 =	vand.u32 $0x380, v26;
	v29 =	vsel vm1, $0x1, v1;
	[tilespmem:v46+s14+$0x0] =	vst.idx.msk $0xffff, v22  }
0x350: {  	v55 =	vor.u32 v7, v27;
	v35 =	vor.u32 v51, v26;
	v22 =	vadd.s32 v29, v21;
	v52 =	vld.idx.msk [tilespmem:v25+s2+$0x0], $0xffff  }
0x351: {  	v26 =	vand.u32 $0x7800, v50;
	v29 =	vsel vm0, $0xFFFFFFFF, v1;
	v34 =	vld.idx.msk [tilespmem:v28+s2+$0x0], $0xffff;
	vm0 =	vgt.s32 v22, $0x0  }
0x352: {  	vm1 =	vlt.s32 v19, $0x80;
	v21 =	vand.u32 $0x380, v33;
	v25 =	vnsel vm0, $0x0, v22  }
0x353: {  	v21 =	vor.u32 v26, v21;
	v24 =	vadd.s32 v29, v24;
	v25 =	vmin.u32 v25, $0x7F  }
0x354: {  	vm0 =	vlt.s32 v17, $0x80;
	v26 =	vshll.u32 v25, $0x8;
	v25 =	vshll.u32 v25, $0x7  }
0x355: {  	vm15 =	vgt.s32 v24, $0x0;
	v26 =	vand.u32 $0x7800, v26;
	v28 =	vand.u32 $0x380, v25  }
0x356: {  	v29 =	vand.u32 $0x7FFFFFFF, v34;
	v26 =	vor.u32 v26, v28;
	v28 =	vand.u32 $0x7FFFFFFF, v52  }
0x357: {  	v60 =	vnsel vm15, $0x0, v24;
	v54 =	vnsel vm3, $0x7F61B1E6, v29;
	v28 =	vnsel vm4, $0x7F61B1E6, v28  }
0x358: {  	v27 =	vor.u32 v8, v21;
	v61 =	vmin.u32 v60, $0x7F;
	vm3 =	vle.f32 v28, v54  }
0x359: {  	v25 =	vor.u32 v8, v42;
	v62 =	vshll.u32 v61, $0x8;
	v56 =	vsel vm3, v52, v34  }
0x35a: {  	v32 =	vshll.u32 v61, $0x7;
	v29 =	vor.u32 v7, v42;
	v38 =	vand.u32 $0x7800, v62;
	[tilespmem:v53+s14+$0x0] =	vst.idx.msk $0xffff, v56  }
0x35b: {  	v32 =	vand.u32 $0x380, v32;
	vm14 =	vmneg vm3;
	v21 =	vsel vm3, $0xFFFFFFFF, v1;
	v34 =	vld.idx.msk [tilespmem:v31+s2+$0x0], $0xffff  }
0x35c: {  	v28 =	vor.u32 v8, v35;
	v21 =	vadd.s32 v21, v30;
	v30 =	vsel vm14, $0x1, v1;
	v35 =	vld.idx.msk [tilespmem:v55+s2+$0x0], $0xffff  }
0x35d: {  	v32 =	vor.u32 v38, v32;
	vm3 =	vgt.s32 v21, $0x0;
	v23 =	vadd.s32 v30, v23  }
0x35e: {  	v38 =	vand.u32 $0x380, v39;
	v31 =	vnsel vm3, $0x0, v21;
	vm3 =	vgt.s32 v23, $0x0  }
0x35f: {  	v32 =	vor.u32 v5, v32;
	v31 =	vmin.u32 v31, $0x7F;
	v59 =	vnsel vm3, $0x0, v23  }
0x360: {  	v30 =	vand.u32 $0x7800, v58;
	v36 =	vmin.u32 v59, $0x7F;
	v37 =	vshll.u32 v31, $0x8  }
0x361: {  	v33 =	vshll.u32 v31, $0x7;
	v63 =	vand.u32 $0x7FFFFFFF, v34;
	v41 =	vand.u32 $0x7FFFFFFF, v35  }
0x362: {  	s16 =	simm.s32 $0x2;
	v31 =	vshll.u32 v36, $0x8;
	v39 =	vnsel vm2, $0x7F61B1E6, v63;
	v40 =	vnsel vm1, $0x7F61B1E6, v41  }
.LBB2_12:
0x363: {  	p0 =	sne.s32 s16, $0x7F;
	v37 =	vand.u32 $0x7800, v37;
	v36 =	vshll.u32 v36, $0x7;
	vm1 =	vle.f32 v39, v40;
	s17 =	smov.u32 s16;
	s16 =	sadd.s32 $0x1, s16  }
0x364: {  	vm2 =	vmneg vm1;
	v34 =	vsel vm1, v34, v35;
	v35 =	vsel vm1, $0xFFFFFFFF, v1  }
0x365: {  	v36 =	vand.u32 $0x380, v36;
	[tilespmem:v29+s14+$0x0] =	vst.idx.msk $0xffff, v34;
	v20 =	vadd.s32 v35, v20;
	v29 =	vsel vm2, $0x1, v1  }
0x366: {  	v30 =	vor.u32 v38, v30;
	v33 =	vand.u32 $0x380, v33;
	v19 =	vadd.s32 v29, v19;
	v28 =	vld.idx.msk [tilespmem:v28+s2+$0x0], $0xffff  }
0x367: {  	vm1 =	vlt.s32 v22, $0x80;
	v29 =	vor.u32 v37, v33;
	vm3 =	vgt.s32 v20, $0x0;
	v27 =	vld.idx.msk [tilespmem:v27+s2+$0x0], $0xffff  }
0x368: {  	vm2 =	vgt.s32 v24, $0xFFFFFFFF;
	v33 =	vnsel vm3, $0x0, v20;
	vm3 =	vgt.s32 v19, $0x0  }
0x369: {  	v33 =	vmin.u32 v33, $0x7F;
	v34 =	vnsel vm3, $0x0, v19;
	vm3 =	vgt.s32 v18, $0xFFFFFFFF  }
0x36a: {  	v34 =	vmin.u32 v34, $0x7F;
	v35 =	vshll.u32 v33, $0x8;
	v33 =	vshll.u32 v33, $0x7  }
0x36b: {  	v31 =	vand.u32 $0x7800, v31;
	v35 =	vand.u32 $0x7800, v35;
	v33 =	vand.u32 $0x380, v33  }
0x36c: {  	v31 =	vor.u32 v31, v36;
	v36 =	vshll.u32 v34, $0x8;
	v37 =	vand.u32 $0x7FFFFFFF, v28  }
0x36d: {  	v31 =	vor.u32 v6, v31;
	v29 =	vor.u32 v6, v29;
	v38 =	vand.u32 $0x7FFFFFFF, v27  }
0x36e: {  	v26 =	vor.u32 v5, v26;
	v37 =	vnsel vm3, $0x7F61B1E6, v37;
	v38 =	vnsel vm0, $0x7F61B1E6, v38  }
0x36f: {  	v34 =	vshll.u32 v34, $0x7;
	v33 =	vor.u32 v35, v33;
	vm0 =	vle.f32 v37, v38  }
0x370: {  	vm3 =	vmneg vm0;
	v27 =	vsel vm0, v28, v27;
	v28 =	vsel vm0, $0xFFFFFFFF, v1  }
0x371: {  	v34 =	vand.u32 $0x380, v34;
	v18 =	vadd.s32 v28, v18;
	[tilespmem:v25+s14+$0x0] =	vst.idx.msk $0xffff, v27;
	v25 =	vsel vm3, $0x1, v1  }
0x372: {  	v28 =	vand.u32 $0x7800, v36;
	vm0 =	vgt.s32 v18, $0x0;
	v27 =	vld.idx.msk [tilespmem:v32+s2+$0x0], $0xffff;
	v17 =	vadd.s32 v25, v17  }
0x373: {  	v28 =	vor.u32 v28, v34;
	v25 =	vld.idx.msk [tilespmem:v26+s2+$0x0], $0xffff;
	v26 =	vnsel vm0, $0x0, v18;
	vm0 =	vgt.s32 v17, $0x0  }
0x374: {  	v26 =	vmin.u32 v26, $0x7F;
	v32 =	vnsel vm0, $0x0, v17  }
0x375: {  	vm4 =	vgt.s32 v21, $0xFFFFFFFF;
	vm3 =	vlt.s32 v23, $0x80;
	v32 =	vmin.u32 v32, $0x7F  }
0x376: {  	v34 =	vshll.u32 v26, $0x8;
	v26 =	vshll.u32 v26, $0x7;
	v35 =	vshll.u32 v32, $0x8  }
0x377: {  	v34 =	vand.u32 $0x7800, v34;
	v26 =	vand.u32 $0x380, v26;
	v32 =	vshll.u32 v32, $0x7  }
0x378: {  	v36 =	vor.u32 v5, v30;
	v34 =	vor.u32 v34, v26;
	v26 =	vand.u32 $0x7800, v35  }
0x379: {  	v35 =	vand.u32 $0x7FFFFFFF, v27;
	v32 =	vand.u32 $0x380, v32;
	v37 =	vand.u32 $0x7FFFFFFF, v25  }
0x37a: {  	v35 =	vnsel vm2, $0x7F61B1E6, v35;
	v32 =	vor.u32 v26, v32;
	v37 =	vnsel vm1, $0x7F61B1E6, v37  }
0x37b: {  	vm0 =	vle.f32 v35, v37  }
0x37c: {  	vm1 =	vmneg vm0;
	v25 =	vsel vm0, v27, v25;
	v26 =	vsel vm0, $0xFFFFFFFF, v1  }
0x37d: {  	v24 =	vadd.s32 v26, v24;
	[tilespmem:v36+s14+$0x0] =	vst.idx.msk $0xffff, v25;
	v25 =	vsel vm1, $0x1, v1  }
0x37e: {  	vm1 =	vlt.s32 v19, $0x80;
	v22 =	vadd.s32 v25, v22;
	v35 =	vld.idx.msk [tilespmem:v29+s2+$0x0], $0xffff  }
0x37f: {  	vm2 =	vgt.s32 v20, $0xFFFFFFFF;
	vm0 =	vgt.s32 v22, $0x0;
	v31 =	vld.idx.msk [tilespmem:v31+s2+$0x0], $0xffff  }
0x380: {  	v25 =	vnsel vm0, $0x0, v22  }
0x381: {  	v25 =	vmin.u32 v25, $0x7F  }
0x382: {  	vm0 =	vlt.s32 v17, $0x80;
	v26 =	vshll.u32 v25, $0x8;
	v25 =	vshll.u32 v25, $0x7  }
0x383: {  	v26 =	vand.u32 $0x7800, v26;
	v27 =	vand.u32 $0x380, v25;
	v25 =	vor.u32 v8, v30  }
0x384: {  	v36 =	vor.u32 v6, v30;
	v26 =	vor.u32 v26, v27;
	v27 =	vand.u32 $0x7FFFFFFF, v35  }
0x385: {  	v33 =	vor.u32 v7, v33;
	v29 =	vand.u32 $0x7FFFFFFF, v31;
	v27 =	vnsel vm4, $0x7F61B1E6, v27  }
0x386: {  	v38 =	vor.u32 v7, v28;
	v37 =	vnsel vm3, $0x7F61B1E6, v29;
	v29 =	vor.u32 v7, v30  }
0x387: {  	v28 =	vor.u32 v8, v34;
	vm3 =	vle.f32 v27, v37;
	v27 =	vor.u32 v8, v32  }
0x388: {  	vm4 =	vmneg vm3;
	v30 =	vsel vm3, v35, v31;
	v31 =	vsel vm3, $0xFFFFFFFF, v1  }
0x389: {  	v32 =	vmov s17;
	v21 =	vadd.s32 v31, v21;
	[tilespmem:v36+s14+$0x0] =	vst.idx.msk $0xffff, v30;
	v30 =	vsel vm4, $0x1, v1  }
0x38a: {  	v31 =	vshll.u32 v32, $0x8;
	vm3 =	vgt.s32 v21, $0x0;
	v23 =	vadd.s32 v30, v23;
	v34 =	vld.idx.msk [tilespmem:v33+s2+$0x0], $0xffff  }
0x38b: {  	v30 =	vand.u32 $0x7800, v31;
	v31 =	vnsel vm3, $0x0, v21;
	vm3 =	vgt.s32 v23, $0x0;
	v35 =	vld.idx.msk [tilespmem:v38+s2+$0x0], $0xffff  }
0x38c: {  	vm4 =	vgt.s32 v24, $0x0;
	v31 =	vmin.u32 v31, $0x7F;
	v33 =	vnsel vm3, $0x0, v23  }
0x38d: {  	v38 =	vnsel vm4, $0x0, v24;
	v37 =	vshll.u32 v31, $0x8;
	v36 =	vmin.u32 v33, $0x7F  }
.Ltmp5:
0x38e: {  	v38 =	vmin.u32 v38, $0x7F;
	v33 =	vshll.u32 v31, $0x7;
	v31 =	vshll.u32 v36, $0x8;
	(pc) =	sbr.rel @p0 .LBB2_12-.Ltmp5, $4  }
0x38f: {  	v32 =	vshll.u32 v32, $0x7;
	v39 =	vshll.u32 v38, $0x8;
	v38 =	vshll.u32 v38, $0x7  }
0x390: {  	v39 =	vand.u32 $0x7800, v39;
	v38 =	vand.u32 $0x380, v38;
	v40 =	vand.u32 $0x7FFFFFFF, v34  }
0x391: {  	v39 =	vor.u32 v39, v38;
	v38 =	vand.u32 $0x380, v32;
	v41 =	vand.u32 $0x7FFFFFFF, v35  }
0x392: {  	v32 =	vor.u32 v5, v39;
	v39 =	vnsel vm2, $0x7F61B1E6, v40;
	v40 =	vnsel vm1, $0x7F61B1E6, v41  }
0x393: {  	_ =	sdelay $0x1  }
0x394: {  	vm1 =	vle.f32 v39, v40  }
0x395: {  	v34 =	vsel vm1, v34, v35  }
0x396: {  	[tilespmem:v29+s14+$0x0] =	vst.idx.msk $0xffff, v34  }
0x397: {  	v28 =	vld.idx.msk [tilespmem:v28+s2+$0x0], $0xffff  }
0x398: {  	v27 =	vld.idx.msk [tilespmem:v27+s2+$0x0], $0xffff;
	_ =	sdelay $0x4  }
0x399: {  	vm2 =	vgt.s32 v18, $0xFFFFFFFF;
	v29 =	vand.u32 $0x7FFFFFFF, v28;
	v42 =	vand.u32 $0x7FFFFFFF, v27  }
0x39a: {  	v26 =	vor.u32 v5, v26;
	v29 =	vnsel vm2, $0x7F61B1E6, v29;
	v34 =	vnsel vm0, $0x7F61B1E6, v42  }
0x39b: {  	vm0 =	vle.f32 v29, v34  }
0x39c: {  	v27 =	vsel vm0, v28, v27  }
0x39d: {  	[tilespmem:v25+s14+$0x0] =	vst.idx.msk $0xffff, v27  }
0x39e: {  	v25 =	vld.idx.msk [tilespmem:v32+s2+$0x0], $0xffff  }
0x39f: {  	vm2 =	vmneg vm1;
	v29 =	vsel vm1, $0xFFFFFFFF, v1;
	v26 =	vld.idx.msk [tilespmem:v26+s2+$0x0], $0xffff  }
0x3a0: {  	vm1 =	vlt.s32 v22, $0x80;
	v28 =	vshll.u32 v36, $0x7;
	v20 =	vadd.s32 v29, v20  }
0x3a1: {  	v29 =	vor.u32 v38, v30;
	v30 =	vand.u32 $0x380, v33;
	v27 =	vand.u32 $0x7800, v37  }
0x3a2: {  	v28 =	vand.u32 $0x380, v28;
	v22 =	vor.u32 v27, v30;
	v27 =	vand.u32 $0x7800, v31  }
0x3a3: {  	vm3 =	vgt.s32 v24, $0xFFFFFFFF;
	v24 =	vor.u32 v27, v28;
	v27 =	vor.u32 v5, v29  }
0x3a4: {  	v22 =	vor.u32 v6, v22;
	v28 =	vand.u32 $0x7FFFFFFF, v25;
	v30 =	vand.u32 $0x7FFFFFFF, v26  }
0x3a5: {  	v24 =	vor.u32 v6, v24;
	v28 =	vnsel vm3, $0x7F61B1E6, v28;
	v30 =	vnsel vm1, $0x7F61B1E6, v30  }
0x3a6: {  	v31 =	vsel vm2, $0x1, v1;
	vm2 =	vle.f32 v28, v30  }
0x3a7: {  	v19 =	vadd.s32 v31, v19;
	vm1 =	vgt.s32 v20, $0x0;
	v25 =	vsel vm2, v25, v26  }
0x3a8: {  	v28 =	vnsel vm1, $0x0, v20;
	vm1 =	vgt.s32 v19, $0x0;
	[tilespmem:v27+s14+$0x0] =	vst.idx.msk $0xffff, v25  }
0x3a9: {  	v26 =	vmin.u32 v28, $0x7F;
	vm2 =	vlt.s32 v23, $0x80;
	v25 =	vnsel vm1, $0x0, v19;
	v22 =	vld.idx.msk [tilespmem:v22+s2+$0x0], $0xffff  }
0x3aa: {  	v27 =	vshll.u32 v26, $0x8;
	v26 =	vshll.u32 v26, $0x7;
	vm1 =	vmneg vm0;
	v24 =	vld.idx.msk [tilespmem:v24+s2+$0x0], $0xffff  }
0x3ab: {  	v25 =	vmin.u32 v25, $0x7F;
	v27 =	vand.u32 $0x7800, v27;
	v26 =	vand.u32 $0x380, v26  }
0x3ac: {  	v28 =	vshll.u32 v25, $0x8;
	v25 =	vshll.u32 v25, $0x7;
	v26 =	vor.u32 v27, v26  }
0x3ad: {  	v25 =	vand.u32 $0x380, v25;
	v27 =	vand.u32 $0x7800, v28;
	v28 =	vsel vm0, $0xFFFFFFFF, v1  }
0x3ae: {  	vm0 =	vgt.s32 v21, $0xFFFFFFFF;
	v21 =	vor.u32 v6, v29;
	v26 =	vor.u32 v7, v26  }
0x3af: {  	v25 =	vor.u32 v27, v25;
	v23 =	vand.u32 $0x7FFFFFFF, v22;
	v27 =	vand.u32 $0x7FFFFFFF, v24  }
0x3b0: {  	v25 =	vor.u32 v7, v25;
	v23 =	vnsel vm0, $0x7F61B1E6, v23;
	v27 =	vnsel vm2, $0x7F61B1E6, v27  }
0x3b1: {  	v18 =	vadd.s32 v28, v18;
	vm0 =	vle.f32 v23, v27  }
0x3b2: {  	v28 =	vsel vm1, $0x1, v1;
	vm1 =	vgt.s32 v18, $0x0;
	v22 =	vsel vm0, v22, v24  }
0x3b3: {  	v17 =	vadd.s32 v28, v17;
	v23 =	vnsel vm1, $0x0, v18;
	[tilespmem:v21+s14+$0x0] =	vst.idx.msk $0xffff, v22  }
0x3b4: {  	vm0 =	vgt.s32 v17, $0x0;
	v21 =	vmin.u32 v23, $0x7F;
	v23 =	vld.idx.msk [tilespmem:v26+s2+$0x0], $0xffff  }
0x3b5: {  	vm1 =	vgt.s32 v20, $0xFFFFFFFF;
	v22 =	vnsel vm0, $0x0, v17;
	vm0 =	vlt.s32 v19, $0x80;
	v25 =	vld.idx.msk [tilespmem:v25+s2+$0x0], $0xffff  }
0x3b6: {  	v22 =	vmin.u32 v22, $0x7F;
	v24 =	vshll.u32 v21, $0x8;
	v21 =	vshll.u32 v21, $0x7  }
0x3b7: {  	v26 =	vshll.u32 v22, $0x8;
	v24 =	vand.u32 $0x7800, v24;
	v22 =	vshll.u32 v22, $0x7  }
0x3b8: {  	v21 =	vand.u32 $0x380, v21;
	v26 =	vand.u32 $0x7800, v26;
	v22 =	vand.u32 $0x380, v22  }
0x3b9: {  	v19 =	vor.u32 v7, v29;
	v21 =	vor.u32 v24, v21;
	v22 =	vor.u32 v26, v22  }
0x3ba: {  	v20 =	vor.u32 v8, v21;
	v21 =	vand.u32 $0x7FFFFFFF, v23;
	v24 =	vand.u32 $0x7FFFFFFF, v25  }
0x3bb: {  	v22 =	vor.u32 v8, v22;
	v21 =	vnsel vm1, $0x7F61B1E6, v21;
	v24 =	vnsel vm0, $0x7F61B1E6, v24  }
0x3bc: {  	vm0 =	vle.f32 v21, v24  }
0x3bd: {  	v21 =	vsel vm0, v23, v25  }
0x3be: {  	[tilespmem:v19+s14+$0x0] =	vst.idx.msk $0xffff, v21  }
0x3bf: {  	v19 =	vld.idx.msk [tilespmem:v20+s2+$0x0], $0xffff  }
0x3c0: {  	v20 =	vld.idx.msk [tilespmem:v22+s2+$0x0], $0xffff;
	_ =	sdelay $0x3  }
0x3c1: {  	vm0 =	vlt.s32 v17, $0x80;
	v17 =	vor.u32 v8, v29  }
0x3c2: {  	vm1 =	vgt.s32 v18, $0xFFFFFFFF;
	v18 =	vand.u32 $0x7FFFFFFF, v19;
	v21 =	vand.u32 $0x7FFFFFFF, v20  }
0x3c3: {  	v18 =	vnsel vm1, $0x7F61B1E6, v18;
	v21 =	vnsel vm0, $0x7F61B1E6, v21  }
0x3c4: {  	vm0 =	vle.f32 v18, v21  }
0x3c5: {  	v18 =	vsel vm0, v19, v20  }
0x3c6: {  	[tilespmem:v17+s14+$0x0] =	vst.idx.msk $0xffff, v18  }
0x3c7: {  	v21 =	vld [tilespmem:$0x10080]  }
0x3c8: {  	v23 =	vld [tilespmem:$0x10090]  }
0x3c9: {  	v19 =	vld [tilespmem:$0x100A0]  }
0x3ca: {  	v17 =	vld [tilespmem:$0x100B0];
	_ =	sdelay $0x1  }
0x3cb: {  	s31 =	simm.s32 $0x1  }
0x3cc: {  	v57 =	vmov s31  }
0x3cd: {  	v58 =	vshll.u32 v57, $0x8;
	vm0 =	vgt.s32 v21, $0x0;
	v24 =	vadd.s32 $0xFFFFFFFF, v21  }
0x3ce: {  	v30 =	vadd.s32 $0xFFFFFFFF, v23;
	v20 =	vadd.s32 $0xFFFFFFFF, v19;
	vm4 =	vgt.s32 v17, $0x0  }
0x3cf: {  	v18 =	vnsel vm0, $0x0, v21;
	vm0 =	vgt.s32 v30, $0x0;
	vm1 =	vgt.s32 v24, $0x0  }
0x3d0: {  	vm2 =	vgt.s32 v24, $0xFFFFFFFF;
	vm3 =	vgt.s32 v30, $0xFFFFFFFF;
	v47 =	vnsel vm4, $0x0, v17  }
0x3d1: {  	v18 =	vmin.u32 v18, $0x7F;
	v27 =	vnsel vm0, $0x0, v30;
	vm0 =	vgt.s32 v23, $0x0  }
0x3d2: {  	v29 =	vnsel vm1, $0x0, v24;
	vm1 =	vlt.s32 v21, $0x80;
	v22 =	vshll.u32 v18, $0x8  }
0x3d3: {  	v18 =	vshll.u32 v18, $0x7;
	v27 =	vmin.u32 v27, $0x7F;
	v28 =	vnsel vm0, $0x0, v23  }
0x3d4: {  	v29 =	vmin.u32 v29, $0x7F;
	vm0 =	vgt.s32 v20, $0x0;
	v22 =	vand.u32 $0x7800, v22  }
0x3d5: {  	v25 =	vand.u32 $0x380, v18;
	v18 =	vadd.s32 $0xFFFFFFFF, v17;
	v28 =	vmin.u32 v28, $0x7F  }
0x3d6: {  	s16 =	simm.s32 $0x0;
	v31 =	vshll.u32 v27, $0x8;
	v43 =	vshll.u32 v29, $0x8;
	v29 =	vshll.u32 v29, $0x7  }
0x3d7: {  	v27 =	vshll.u32 v27, $0x7;
	v22 =	vor.u32 v25, v22;
	v25 =	vmov s16  }
0x3d8: {  	v32 =	vand.u32 $0x7800, v43;
	v29 =	vand.u32 $0x380, v29;
	v31 =	vand.u32 $0x7800, v31  }
0x3d9: {  	v26 =	vshll.u32 v25, $0x8;
	v25 =	vshll.u32 v25, $0x7;
	v29 =	vor.u32 v29, v32  }
0x3da: {  	v22 =	vor.u32 v14, v22;
	v25 =	vand.u32 $0x380, v25;
	v26 =	vand.u32 $0x7800, v26  }
0x3db: {  	v25 =	vor.u32 v25, v26;
	v26 =	vor.u32 v14, v29;
	v29 =	vshll.u32 v28, $0x8  }
0x3dc: {  	v28 =	vshll.u32 v28, $0x7;
	v44 =	vor.u32 $0x400, v25;
	v25 =	vand.u32 $0x380, v27  }
0x3dd: {  	v27 =	vnsel vm0, $0x0, v20;
	vm0 =	vgt.s32 v19, $0x0;
	v28 =	vand.u32 $0x380, v28  }
0x3de: {  	v29 =	vand.u32 $0x7800, v29;
	v25 =	vor.u32 v25, v31;
	v27 =	vmin.u32 v27, $0x7F  }
0x3df: {  	v31 =	vnsel vm0, $0x0, v19;
	v28 =	vor.u32 v28, v29;
	vm0 =	vgt.s32 v18, $0x0  }
0x3e0: {  	v49 =	vor.u32 v0, v44;
	v54 =	vor.u32 v2, v44;
	v45 =	vshll.u32 v27, $0x8  }
0x3e1: {  	v27 =	vshll.u32 v27, $0x7;
	v29 =	vmin.u32 v31, $0x7F;
	v25 =	vor.u32 v9, v25;
	v22 =	vld.idx.msk [tilespmem:v22+s2+$0x0], $0xffff  }
0x3e2: {  	v28 =	vor.u32 v9, v28;
	v46 =	vnsel vm0, $0x0, v18;
	vm0 =	vlt.s32 v23, $0x80;
	v26 =	vld.idx.msk [tilespmem:v26+s2+$0x0], $0xffff  }
0x3e3: {  	v33 =	vand.u32 $0x7800, v45;
	v31 =	vshll.u32 v29, $0x8;
	v29 =	vshll.u32 v29, $0x7  }
0x3e4: {  	v27 =	vand.u32 $0x380, v27;
	v31 =	vand.u32 $0x7800, v31;
	v29 =	vand.u32 $0x380, v29  }
0x3e5: {  	v27 =	vor.u32 v27, v33;
	v29 =	vor.u32 v29, v31;
	v31 =	vmin.u32 v46, $0x7F  }
0x3e6: {  	v33 =	vmin.u32 v47, $0x7F;
	v48 =	vor.u32 v13, v27;
	v51 =	vshll.u32 v31, $0x8  }
0x3e7: {  	v56 =	vor.u32 v13, v29;
	v50 =	vand.u32 $0x7FFFFFFF, v22;
	v27 =	vand.u32 $0x7FFFFFFF, v26  }
0x3e8: {  	v37 =	vand.u32 $0x7800, v51;
	v36 =	vnsel vm1, $0x7F61B1E6, v50;
	v27 =	vnsel vm2, $0x7F61B1E6, v27  }
0x3e9: {  	vm1 =	vle.f32 v27, v36;
	v27 =	vshll.u32 v31, $0x7;
	v31 =	vshll.u32 v33, $0x8  }
0x3ea: {  	vm2 =	vmneg vm1;
	v27 =	vand.u32 $0x380, v27;
	v22 =	vsel vm1, v26, v22  }
0x3eb: {  	v36 =	vand.u32 $0x7800, v58;
	v26 =	vsel vm2, $0x1, v1;
	v52 =	vor.u32 v27, v37;
	[tilespmem:v49+s14+$0x0] =	vst.idx.msk $0xffff, v22  }
0x3ec: {  	v27 =	vshll.u32 v33, $0x7;
	v22 =	vadd.s32 v26, v21;
	v21 =	vand.u32 $0x7800, v31;
	v31 =	vld.idx.msk [tilespmem:v28+s2+$0x0], $0xffff  }
0x3ed: {  	vm2 =	vgt.s32 v20, $0xFFFFFFFF;
	v26 =	vsel vm1, $0xFFFFFFFF, v1;
	v53 =	vld.idx.msk [tilespmem:v25+s2+$0x0], $0xffff;
	vm1 =	vgt.s32 v22, $0x0  }
0x3ee: {  	v27 =	vand.u32 $0x380, v27;
	v29 =	vor.u32 v11, v52;
	v25 =	vnsel vm1, $0x0, v22  }
0x3ef: {  	v24 =	vadd.s32 v26, v24;
	v21 =	vor.u32 v27, v21;
	v25 =	vmin.u32 v25, $0x7F  }
0x3f0: {  	vm1 =	vlt.s32 v19, $0x80;
	v26 =	vshll.u32 v25, $0x8;
	v25 =	vshll.u32 v25, $0x7  }
0x3f1: {  	vm15 =	vgt.s32 v24, $0x0;
	v26 =	vand.u32 $0x7800, v26;
	v27 =	vand.u32 $0x380, v25  }
0x3f2: {  	v28 =	vand.u32 $0x7FFFFFFF, v53;
	v26 =	vor.u32 v27, v26;
	v27 =	vand.u32 $0x7FFFFFFF, v31  }
0x3f3: {  	v60 =	vnsel vm15, $0x0, v24;
	v28 =	vnsel vm3, $0x7F61B1E6, v28;
	v55 =	vnsel vm0, $0x7F61B1E6, v27  }
0x3f4: {  	v37 =	vmin.u32 v60, $0x7F;
	v25 =	vor.u32 v4, v44;
	vm3 =	vle.f32 v28, v55  }
0x3f5: {  	v61 =	vshll.u32 v37, $0x8;
	v37 =	vshll.u32 v37, $0x7;
	v31 =	vsel vm3, v53, v31  }
0x3f6: {  	v38 =	vand.u32 $0x7800, v61;
	v37 =	vand.u32 $0x380, v37;
	vm0 =	vlt.s32 v17, $0x80;
	[tilespmem:v54+s14+$0x0] =	vst.idx.msk $0xffff, v31  }
0x3f7: {  	v28 =	vor.u32 v11, v21;
	vm14 =	vmneg vm3;
	v21 =	vsel vm3, $0xFFFFFFFF, v1;
	v32 =	vld.idx.msk [tilespmem:v48+s2+$0x0], $0xffff  }
0x3f8: {  	v27 =	vor.u32 v3, v44;
	v21 =	vadd.s32 v21, v30;
	v30 =	vsel vm14, $0x1, v1;
	v34 =	vld.idx.msk [tilespmem:v56+s2+$0x0], $0xffff  }
0x3f9: {  	v37 =	vor.u32 v37, v38;
	vm3 =	vgt.s32 v21, $0x0;
	v23 =	vadd.s32 v30, v23  }
0x3fa: {  	v30 =	vshll.u32 v57, $0x7;
	v31 =	vnsel vm3, $0x0, v21;
	vm3 =	vgt.s32 v23, $0x0  }
0x3fb: {  	v30 =	vand.u32 $0x380, v30;
	v31 =	vmin.u32 v31, $0x7F;
	v59 =	vnsel vm3, $0x0, v23  }
0x3fc: {  	v36 =	vor.u32 v30, v36;
	v30 =	vor.u32 v14, v37;
	v35 =	vmin.u32 v59, $0x7F  }
0x3fd: {  	v33 =	vshll.u32 v31, $0x8;
	v62 =	vand.u32 $0x7FFFFFFF, v32;
	v63 =	vand.u32 $0x7FFFFFFF, v34  }
0x3fe: {  	s16 =	simm.s32 $0x2;
	v31 =	vshll.u32 v31, $0x7;
	v37 =	vnsel vm2, $0x7F61B1E6, v62;
	v38 =	vnsel vm1, $0x7F61B1E6, v63  }
.LBB2_14:
0x3ff: {  	p0 =	sne.s32 s16, $0x7F;
	v39 =	vshll.u32 v35, $0x8;
	v35 =	vshll.u32 v35, $0x7;
	vm1 =	vle.f32 v37, v38;
	s17 =	smov.u32 s16;
	s16 =	sadd.s32 $0x1, s16  }
0x400: {  	vm2 =	vmneg vm1;
	v32 =	vsel vm1, v32, v34;
	v34 =	vsel vm1, $0xFFFFFFFF, v1  }
0x401: {  	v33 =	vand.u32 $0x7800, v33;
	[tilespmem:v27+s14+$0x0] =	vst.idx.msk $0xffff, v32;
	v20 =	vadd.s32 v34, v20;
	v32 =	vsel vm2, $0x1, v1  }
0x402: {  	v31 =	vand.u32 $0x380, v31;
	v27 =	vor.u32 $0x400, v36;
	v19 =	vadd.s32 v32, v19;
	v29 =	vld.idx.msk [tilespmem:v29+s2+$0x0], $0xffff  }
0x403: {  	vm1 =	vlt.s32 v22, $0x80;
	v31 =	vor.u32 v31, v33;
	vm3 =	vgt.s32 v20, $0x0;
	v28 =	vld.idx.msk [tilespmem:v28+s2+$0x0], $0xffff  }
0x404: {  	vm2 =	vgt.s32 v24, $0xFFFFFFFF;
	v32 =	vnsel vm3, $0x0, v20;
	vm3 =	vgt.s32 v19, $0x0  }
0x405: {  	v32 =	vmin.u32 v32, $0x7F;
	v33 =	vnsel vm3, $0x0, v19;
	vm3 =	vgt.s32 v18, $0xFFFFFFFF  }
0x406: {  	v34 =	vand.u32 $0x380, v35;
	v35 =	vshll.u32 v32, $0x8;
	v32 =	vshll.u32 v32, $0x7  }
0x407: {  	v36 =	vand.u32 $0x7800, v39;
	v35 =	vand.u32 $0x7800, v35;
	v32 =	vand.u32 $0x380, v32  }
0x408: {  	v34 =	vor.u32 v34, v36;
	v32 =	vor.u32 v32, v35;
	v35 =	vand.u32 $0x7FFFFFFF, v29  }
0x409: {  	v31 =	vor.u32 v9, v31;
	v34 =	vor.u32 v9, v34;
	v36 =	vand.u32 $0x7FFFFFFF, v28  }
0x40a: {  	v26 =	vor.u32 v14, v26;
	v35 =	vnsel vm3, $0x7F61B1E6, v35;
	v36 =	vnsel vm0, $0x7F61B1E6, v36  }
0x40b: {  	v33 =	vmin.u32 v33, $0x7F;
	vm0 =	vle.f32 v35, v36  }
0x40c: {  	vm3 =	vmneg vm0;
	v28 =	vsel vm0, v29, v28;
	v29 =	vsel vm0, $0xFFFFFFFF, v1  }
0x40d: {  	v35 =	vshll.u32 v33, $0x8;
	v18 =	vadd.s32 v29, v18;
	[tilespmem:v25+s14+$0x0] =	vst.idx.msk $0xffff, v28;
	v25 =	vsel vm3, $0x1, v1  }
0x40e: {  	v29 =	vshll.u32 v33, $0x7;
	vm0 =	vgt.s32 v18, $0x0;
	v28 =	vld.idx.msk [tilespmem:v30+s2+$0x0], $0xffff;
	v17 =	vadd.s32 v25, v17  }
0x40f: {  	v29 =	vand.u32 $0x380, v29;
	v30 =	vnsel vm0, $0x0, v18;
	v25 =	vld.idx.msk [tilespmem:v26+s2+$0x0], $0xffff;
	v26 =	vand.u32 $0x7800, v35  }
0x410: {  	vm4 =	vgt.s32 v17, $0x0;
	v29 =	vor.u32 v29, v26;
	v26 =	vmin.u32 v30, $0x7F  }
0x411: {  	vm3 =	vgt.s32 v21, $0xFFFFFFFF;
	vm0 =	vlt.s32 v23, $0x80;
	v30 =	vnsel vm4, $0x0, v17  }
0x412: {  	v32 =	vor.u32 v13, v32;
	v30 =	vmin.u32 v30, $0x7F;
	v33 =	vshll.u32 v26, $0x8  }
0x413: {  	v26 =	vshll.u32 v26, $0x7;
	v33 =	vand.u32 $0x7800, v33;
	v35 =	vshll.u32 v30, $0x8  }
0x414: {  	v37 =	vor.u32 v0, v27;
	v26 =	vand.u32 $0x380, v26;
	v36 =	vand.u32 $0x7FFFFFFF, v28  }
0x415: {  	v33 =	vor.u32 v26, v33;
	v36 =	vnsel vm2, $0x7F61B1E6, v36;
	v38 =	vand.u32 $0x7FFFFFFF, v25  }
0x416: {  	v30 =	vshll.u32 v30, $0x7;
	v26 =	vnsel vm1, $0x7F61B1E6, v38  }
0x417: {  	v30 =	vand.u32 $0x380, v30;
	vm1 =	vle.f32 v36, v26;
	v26 =	vand.u32 $0x7800, v35  }
0x418: {  	vm2 =	vmneg vm1;
	v25 =	vsel vm1, v28, v25;
	v28 =	vsel vm1, $0xFFFFFFFF, v1  }
0x419: {  	v24 =	vadd.s32 v28, v24;
	v28 =	vor.u32 v30, v26;
	[tilespmem:v37+s14+$0x0] =	vst.idx.msk $0xffff, v25;
	v25 =	vsel vm2, $0x1, v1  }
0x41a: {  	vm1 =	vlt.s32 v19, $0x80;
	v22 =	vadd.s32 v25, v22;
	v30 =	vld.idx.msk [tilespmem:v34+s2+$0x0], $0xffff  }
0x41b: {  	vm2 =	vgt.s32 v20, $0xFFFFFFFF;
	vm4 =	vgt.s32 v22, $0x0;
	v31 =	vld.idx.msk [tilespmem:v31+s2+$0x0], $0xffff  }
0x41c: {  	v25 =	vnsel vm4, $0x0, v22  }
0x41d: {  	v25 =	vmin.u32 v25, $0x7F  }
0x41e: {  	v26 =	vshll.u32 v25, $0x8;
	v25 =	vshll.u32 v25, $0x7  }
0x41f: {  	v26 =	vand.u32 $0x7800, v26;
	v34 =	vand.u32 $0x380, v25;
	v25 =	vor.u32 v4, v27  }
0x420: {  	v35 =	vor.u32 v2, v27;
	v26 =	vor.u32 v34, v26;
	v34 =	vand.u32 $0x7FFFFFFF, v30  }
0x421: {  	v36 =	vand.u32 $0x7FFFFFFF, v31;
	v34 =	vnsel vm0, $0x7F61B1E6, v34;
	vm0 =	vlt.s32 v17, $0x80  }
0x422: {  	v37 =	vor.u32 v13, v29;
	v27 =	vor.u32 v3, v27;
	v36 =	vnsel vm3, $0x7F61B1E6, v36  }
0x423: {  	v29 =	vor.u32 v11, v33;
	v28 =	vor.u32 v11, v28;
	vm3 =	vle.f32 v36, v34  }
0x424: {  	vm4 =	vmneg vm3;
	v30 =	vsel vm3, v31, v30;
	v31 =	vsel vm3, $0xFFFFFFFF, v1  }
0x425: {  	v33 =	vmov s17;
	v21 =	vadd.s32 v31, v21;
	[tilespmem:v35+s14+$0x0] =	vst.idx.msk $0xffff, v30;
	v30 =	vsel vm4, $0x1, v1  }
0x426: {  	v36 =	vshll.u32 v33, $0x8;
	vm3 =	vgt.s32 v21, $0x0;
	v23 =	vadd.s32 v30, v23;
	v32 =	vld.idx.msk [tilespmem:v32+s2+$0x0], $0xffff  }
0x427: {  	v30 =	vshll.u32 v33, $0x7;
	v31 =	vnsel vm3, $0x0, v21;
	vm3 =	vgt.s32 v23, $0x0;
	v34 =	vld.idx.msk [tilespmem:v37+s2+$0x0], $0xffff  }
0x428: {  	vm4 =	vgt.s32 v24, $0x0;
	v31 =	vmin.u32 v31, $0x7F;
	v33 =	vnsel vm3, $0x0, v23  }
0x429: {  	v37 =	vnsel vm4, $0x0, v24;
	v35 =	vmin.u32 v33, $0x7F;
	v33 =	vshll.u32 v31, $0x8  }
.Ltmp6:
0x42a: {  	v30 =	vand.u32 $0x380, v30;
	v37 =	vmin.u32 v37, $0x7F;
	v31 =	vshll.u32 v31, $0x7;
	(pc) =	sbr.rel @p0 .LBB2_14-.Ltmp6, $4  }
0x42b: {  	v36 =	vand.u32 $0x7800, v36;
	v38 =	vshll.u32 v37, $0x8;
	v37 =	vshll.u32 v37, $0x7  }
0x42c: {  	v38 =	vand.u32 $0x7800, v38;
	v37 =	vand.u32 $0x380, v37;
	v39 =	vand.u32 $0x7FFFFFFF, v32  }
0x42d: {  	v36 =	vor.u32 v30, v36;
	v37 =	vor.u32 v37, v38;
	v38 =	vand.u32 $0x7FFFFFFF, v34  }
0x42e: {  	v30 =	vor.u32 v14, v37;
	v37 =	vnsel vm2, $0x7F61B1E6, v39;
	v38 =	vnsel vm1, $0x7F61B1E6, v38  }
0x42f: {  	_ =	sdelay $0x1  }
0x430: {  	vm1 =	vle.f32 v37, v38  }
0x431: {  	v32 =	vsel vm1, v32, v34  }
0x432: {  	[tilespmem:v27+s14+$0x0] =	vst.idx.msk $0xffff, v32  }
0x433: {  	v27 =	vld.idx.msk [tilespmem:v29+s2+$0x0], $0xffff  }
0x434: {  	v28 =	vld.idx.msk [tilespmem:v28+s2+$0x0], $0xffff;
	_ =	sdelay $0x4  }
0x435: {  	vm2 =	vgt.s32 v18, $0xFFFFFFFF;
	v29 =	vand.u32 $0x7FFFFFFF, v27;
	v53 =	vand.u32 $0x7FFFFFFF, v28  }
0x436: {  	v14 =	vor.u32 v14, v26;
	v26 =	vnsel vm2, $0x7F61B1E6, v29;
	v29 =	vnsel vm0, $0x7F61B1E6, v53  }
0x437: {  	vm0 =	vle.f32 v26, v29  }
0x438: {  	v26 =	vsel vm0, v27, v28  }
0x439: {  	[tilespmem:v25+s14+$0x0] =	vst.idx.msk $0xffff, v26  }
0x43a: {  	v25 =	vld.idx.msk [tilespmem:v30+s2+$0x0], $0xffff  }
0x43b: {  	vm3 =	vgt.s32 v24, $0xFFFFFFFF;
	vm2 =	vlt.s32 v22, $0x80;
	v14 =	vld.idx.msk [tilespmem:v14+s2+$0x0], $0xffff  }
0x43c: {  	v29 =	vand.u32 $0x7800, v33;
	v27 =	vshll.u32 v35, $0x7;
	v28 =	vsel vm1, $0xFFFFFFFF, v1  }
0x43d: {  	v26 =	vshll.u32 v35, $0x8;
	v20 =	vadd.s32 v28, v20;
	v28 =	vor.u32 $0x400, v36  }
0x43e: {  	v27 =	vand.u32 $0x380, v27;
	v30 =	vand.u32 $0x380, v31;
	v26 =	vand.u32 $0x7800, v26  }
0x43f: {  	v22 =	vor.u32 v30, v29;
	v24 =	vor.u32 v27, v26;
	v26 =	vor.u32 v0, v28  }
0x440: {  	v24 =	vor.u32 v9, v24;
	v27 =	vand.u32 $0x7FFFFFFF, v25;
	v29 =	vand.u32 $0x7FFFFFFF, v14  }
0x441: {  	v9 =	vor.u32 v9, v22;
	v22 =	vnsel vm3, $0x7F61B1E6, v27;
	v27 =	vnsel vm2, $0x7F61B1E6, v29  }
0x442: {  	vm1 =	vmneg vm1;
	vm2 =	vle.f32 v22, v27  }
0x443: {  	v29 =	vsel vm1, $0x1, v1;
	vm1 =	vgt.s32 v20, $0x0;
	v14 =	vsel vm2, v25, v14  }
0x444: {  	v19 =	vadd.s32 v29, v19;
	v22 =	vnsel vm1, $0x0, v20;
	[tilespmem:v26+s14+$0x0] =	vst.idx.msk $0xffff, v14  }
0x445: {  	vm1 =	vgt.s32 v19, $0x0;
	v22 =	vmin.u32 v22, $0x7F;
	vm2 =	vlt.s32 v23, $0x80;
	v24 =	vld.idx.msk [tilespmem:v24+s2+$0x0], $0xffff  }
0x446: {  	v14 =	vnsel vm1, $0x0, v19;
	v25 =	vshll.u32 v22, $0x8;
	v22 =	vshll.u32 v22, $0x7;
	v9 =	vld.idx.msk [tilespmem:v9+s2+$0x0], $0xffff  }
0x447: {  	v26 =	vsel vm0, $0xFFFFFFFF, v1;
	vm1 =	vgt.s32 v21, $0xFFFFFFFF;
	v21 =	vor.u32 v2, v28  }
0x448: {  	v25 =	vand.u32 $0x7800, v25;
	v22 =	vand.u32 $0x380, v22;
	v14 =	vmin.u32 v14, $0x7F  }
0x449: {  	v22 =	vor.u32 v22, v25;
	v25 =	vshll.u32 v14, $0x8;
	v14 =	vshll.u32 v14, $0x7  }
0x44a: {  	v25 =	vand.u32 $0x7800, v25;
	v14 =	vand.u32 $0x380, v14;
	v22 =	vor.u32 v13, v22  }
0x44b: {  	v14 =	vor.u32 v14, v25;
	v23 =	vand.u32 $0x7FFFFFFF, v24;
	v25 =	vand.u32 $0x7FFFFFFF, v9  }
0x44c: {  	v13 =	vor.u32 v13, v14;
	v23 =	vnsel vm2, $0x7F61B1E6, v23;
	v25 =	vnsel vm1, $0x7F61B1E6, v25  }
0x44d: {  	vm0 =	vmneg vm0;
	v18 =	vadd.s32 v26, v18;
	vm1 =	vle.f32 v25, v23  }
0x44e: {  	v14 =	vsel vm0, $0x1, v1;
	vm0 =	vgt.s32 v18, $0x0;
	v9 =	vsel vm1, v9, v24  }
0x44f: {  	v14 =	vadd.s32 v14, v17;
	v17 =	vnsel vm0, $0x0, v18;
	[tilespmem:v21+s14+$0x0] =	vst.idx.msk $0xffff, v9  }
0x450: {  	v17 =	vmin.u32 v17, $0x7F;
	vm0 =	vgt.s32 v14, $0x0;
	v22 =	vld.idx.msk [tilespmem:v22+s2+$0x0], $0xffff  }
0x451: {  	vm1 =	vgt.s32 v20, $0xFFFFFFFF;
	v9 =	vnsel vm0, $0x0, v14;
	v21 =	vshll.u32 v17, $0x8;
	v13 =	vld.idx.msk [tilespmem:v13+s2+$0x0], $0xffff  }
0x452: {  	v17 =	vshll.u32 v17, $0x7;
	vm0 =	vlt.s32 v19, $0x80;
	v19 =	vor.u32 v3, v28  }
0x453: {  	v9 =	vmin.u32 v9, $0x7F;
	v21 =	vand.u32 $0x7800, v21;
	v17 =	vand.u32 $0x380, v17  }
0x454: {  	v23 =	vshll.u32 v9, $0x8;
	v9 =	vshll.u32 v9, $0x7;
	v17 =	vor.u32 v17, v21  }
0x455: {  	v23 =	vand.u32 $0x7800, v23;
	v9 =	vand.u32 $0x380, v9;
	v17 =	vor.u32 v11, v17  }
0x456: {  	v9 =	vor.u32 v9, v23;
	v20 =	vand.u32 $0x7FFFFFFF, v22;
	v21 =	vand.u32 $0x7FFFFFFF, v13  }
0x457: {  	v9 =	vor.u32 v11, v9;
	v11 =	vnsel vm1, $0x7F61B1E6, v20;
	v20 =	vnsel vm0, $0x7F61B1E6, v21  }
0x458: {  	vm0 =	vle.f32 v11, v20  }
0x459: {  	v11 =	vsel vm0, v22, v13  }
0x45a: {  	[tilespmem:v19+s14+$0x0] =	vst.idx.msk $0xffff, v11  }
0x45b: {  	v11 =	vld.idx.msk [tilespmem:v17+s2+$0x0], $0xffff  }
0x45c: {  	v9 =	vld.idx.msk [tilespmem:v9+s2+$0x0], $0xffff;
	_ =	sdelay $0x3  }
0x45d: {  	vm1 =	vgt.s32 v18, $0xFFFFFFFF;
	v13 =	vor.u32 v4, v28  }
0x45e: {  	vm0 =	vlt.s32 v14, $0x80;
	v14 =	vand.u32 $0x7FFFFFFF, v11;
	v17 =	vand.u32 $0x7FFFFFFF, v9  }
0x45f: {  	v14 =	vnsel vm1, $0x7F61B1E6, v14;
	v17 =	vnsel vm0, $0x7F61B1E6, v17  }
0x460: {  	vm0 =	vle.f32 v14, v17  }
0x461: {  	v9 =	vsel vm0, v11, v9  }
0x462: {  	[tilespmem:v13+s14+$0x0] =	vst.idx.msk $0xffff, v9  }
0x463: {  	v17 =	vld [tilespmem:$0x100C0]  }
0x464: {  	v19 =	vld [tilespmem:$0x100D0]  }
0x465: {  	v13 =	vld [tilespmem:$0x100E0]  }
0x466: {  	v9 =	vld [tilespmem:$0x100F0];
	_ =	sdelay $0x2  }
0x467: {  	vm0 =	vgt.s32 v17, $0x0  }
0x468: {  	v20 =	vadd.s32 $0xFFFFFFFF, v17;
	v26 =	vadd.s32 $0xFFFFFFFF, v19;
	v14 =	vadd.s32 $0xFFFFFFFF, v13  }
0x469: {  	vm4 =	vgt.s32 v9, $0x0;
	v11 =	vnsel vm0, $0x0, v17;
	vm0 =	vgt.s32 v26, $0x0  }
0x46a: {  	vm1 =	vgt.s32 v20, $0x0;
	vm2 =	vgt.s32 v20, $0xFFFFFFFF;
	vm3 =	vgt.s32 v26, $0xFFFFFFFF  }
0x46b: {  	v11 =	vmin.u32 v11, $0x7F;
	v23 =	vnsel vm0, $0x0, v26;
	vm0 =	vgt.s32 v19, $0x0  }
0x46c: {  	v25 =	vnsel vm1, $0x0, v20;
	vm1 =	vlt.s32 v17, $0x80;
	v18 =	vshll.u32 v11, $0x8  }
0x46d: {  	v11 =	vshll.u32 v11, $0x7;
	v23 =	vmin.u32 v23, $0x7F;
	v24 =	vnsel vm0, $0x0, v19  }
0x46e: {  	v25 =	vmin.u32 v25, $0x7F;
	vm0 =	vgt.s32 v14, $0x0;
	v18 =	vand.u32 $0x7800, v18  }
0x46f: {  	v21 =	vand.u32 $0x380, v11;
	v11 =	vadd.s32 $0xFFFFFFFF, v9;
	v24 =	vmin.u32 v24, $0x7F  }
0x470: {  	s16 =	simm.s32 $0x0;
	v27 =	vshll.u32 v23, $0x8;
	v28 =	vshll.u32 v25, $0x8;
	v25 =	vshll.u32 v25, $0x7  }
0x471: {  	v23 =	vshll.u32 v23, $0x7;
	v18 =	vor.u32 v21, v18;
	v21 =	vmov s16  }
0x472: {  	v28 =	vand.u32 $0x7800, v28;
	v25 =	vand.u32 $0x380, v25;
	v27 =	vand.u32 $0x7800, v27  }
0x473: {  	v22 =	vshll.u32 v21, $0x8;
	v21 =	vshll.u32 v21, $0x7;
	v25 =	vor.u32 v25, v28  }
0x474: {  	v18 =	vor.u32 v16, v18;
	v21 =	vand.u32 $0x380, v21;
	v22 =	vand.u32 $0x7800, v22  }
0x475: {  	v21 =	vor.u32 v21, v22;
	v22 =	vor.u32 v16, v25;
	v25 =	vshll.u32 v24, $0x8  }
0x476: {  	v24 =	vshll.u32 v24, $0x7;
	v28 =	vor.u32 $0x400, v21;
	v21 =	vand.u32 $0x380, v23  }
0x477: {  	v23 =	vnsel vm0, $0x0, v14;
	vm0 =	vgt.s32 v13, $0x0;
	v24 =	vand.u32 $0x380, v24  }
0x478: {  	v25 =	vand.u32 $0x7800, v25;
	v21 =	vor.u32 v21, v27;
	v23 =	vmin.u32 v23, $0x7F  }
0x479: {  	v27 =	vnsel vm0, $0x0, v13;
	v24 =	vor.u32 v24, v25;
	vm0 =	vgt.s32 v11, $0x0  }
0x47a: {  	v31 =	vor.u32 v5, v28;
	v29 =	vshll.u32 v23, $0x8;
	v23 =	vshll.u32 v23, $0x7  }
0x47b: {  	v25 =	vmin.u32 v27, $0x7F;
	v21 =	vor.u32 v10, v21;
	v18 =	vld.idx.msk [tilespmem:v18+s2+$0x0], $0xffff;
	v24 =	vor.u32 v10, v24  }
0x47c: {  	v29 =	vand.u32 $0x7800, v29;
	v23 =	vand.u32 $0x380, v23;
	v27 =	vshll.u32 v25, $0x8;
	v22 =	vld.idx.msk [tilespmem:v22+s2+$0x0], $0xffff  }
0x47d: {  	v25 =	vshll.u32 v25, $0x7;
	v23 =	vor.u32 v23, v29;
	v27 =	vand.u32 $0x7800, v27  }
0x47e: {  	v25 =	vand.u32 $0x380, v25;
	v29 =	vnsel vm0, $0x0, v11;
	vm0 =	vlt.s32 v19, $0x80  }
0x47f: {  	v25 =	vor.u32 v25, v27;
	v27 =	vmin.u32 v29, $0x7F;
	v29 =	vnsel vm4, $0x0, v9  }
0x480: {  	v30 =	vor.u32 v15, v23;
	v55 =	vshll.u32 v27, $0x8;
	v29 =	vmin.u32 v29, $0x7F  }
0x481: {  	v58 =	vor.u32 v15, v25;
	v54 =	vand.u32 $0x7FFFFFFF, v18;
	v23 =	vand.u32 $0x7FFFFFFF, v22  }
0x482: {  	v33 =	vand.u32 $0x7800, v55;
	v32 =	vnsel vm1, $0x7F61B1E6, v54;
	v23 =	vnsel vm2, $0x7F61B1E6, v23  }
0x483: {  	vm1 =	vle.f32 v23, v32;
	v23 =	vshll.u32 v27, $0x7;
	v27 =	vshll.u32 v29, $0x8  }
0x484: {  	vm2 =	vmneg vm1;
	v23 =	vand.u32 $0x380, v23;
	v18 =	vsel vm1, v22, v18  }
0x485: {  	v22 =	vsel vm2, $0x1, v1;
	v56 =	vor.u32 v23, v33;
	v23 =	vshll.u32 v29, $0x7  }
0x486: {  	[tilespmem:v31+s14+$0x0] =	vst.idx.msk $0xffff, v18;
	vm2 =	vgt.s32 v14, $0xFFFFFFFF;
	v31 =	vor.u32 v6, v28;
	v18 =	vadd.s32 v22, v17  }
0x487: {  	v17 =	vand.u32 $0x7800, v27;
	v22 =	vsel vm1, $0xFFFFFFFF, v1;
	v27 =	vld.idx.msk [tilespmem:v24+s2+$0x0], $0xffff;
	v23 =	vand.u32 $0x380, v23  }
0x488: {  	v29 =	vld.idx.msk [tilespmem:v21+s2+$0x0], $0xffff;
	v25 =	vor.u32 v12, v56;
	vm1 =	vgt.s32 v18, $0x0;
	v20 =	vadd.s32 v22, v20  }
0x489: {  	v17 =	vor.u32 v23, v17;
	v21 =	vnsel vm1, $0x0, v18;
	vm15 =	vgt.s32 v20, $0x0  }
0x48a: {  	vm1 =	vlt.s32 v13, $0x80;
	v21 =	vmin.u32 v21, $0x7F;
	v60 =	vnsel vm15, $0x0, v20  }
0x48b: {  	v22 =	vshll.u32 v21, $0x8;
	v21 =	vshll.u32 v21, $0x7;
	v33 =	vmin.u32 v60, $0x7F  }
0x48c: {  	v22 =	vand.u32 $0x7800, v22;
	v23 =	vand.u32 $0x380, v21;
	v21 =	vor.u32 v8, v28  }
0x48d: {  	v24 =	vand.u32 $0x7FFFFFFF, v29;
	v22 =	vor.u32 v23, v22;
	v23 =	vand.u32 $0x7FFFFFFF, v27  }
0x48e: {  	v61 =	vshll.u32 v33, $0x8;
	v24 =	vnsel vm3, $0x7F61B1E6, v24;
	v57 =	vnsel vm0, $0x7F61B1E6, v23  }
0x48f: {  	v33 =	vshll.u32 v33, $0x7;
	v34 =	vand.u32 $0x7800, v61;
	vm3 =	vle.f32 v24, v57  }
0x490: {  	v33 =	vand.u32 $0x380, v33;
	v23 =	vor.u32 v7, v28;
	v27 =	vsel vm3, v29, v27  }
0x491: {  	s31 =	simm.s32 $0x1;
	vm0 =	vlt.s32 v9, $0x80;
	v33 =	vor.u32 v33, v34;
	v24 =	vor.u32 v12, v17;
	[tilespmem:v31+s14+$0x0] =	vst.idx.msk $0xffff, v27  }
0x492: {  	vm14 =	vmneg vm3;
	v17 =	vsel vm3, $0xFFFFFFFF, v1;
	v29 =	vmov s31;
	v28 =	vld.idx.msk [tilespmem:v30+s2+$0x0], $0xffff  }
0x493: {  	v17 =	vadd.s32 v17, v26;
	v26 =	vsel vm14, $0x1, v1;
	v59 =	vshll.u32 v29, $0x8;
	v30 =	vld.idx.msk [tilespmem:v58+s2+$0x0], $0xffff  }
0x494: {  	vm3 =	vgt.s32 v17, $0x0;
	v19 =	vadd.s32 v26, v19;
	v26 =	vshll.u32 v29, $0x7  }
0x495: {  	v32 =	vand.u32 $0x7800, v59;
	v27 =	vnsel vm3, $0x0, v17;
	vm3 =	vgt.s32 v19, $0x0  }
0x496: {  	v26 =	vand.u32 $0x380, v26;
	v27 =	vmin.u32 v27, $0x7F;
	v29 =	vnsel vm3, $0x0, v19  }
0x497: {  	v32 =	vor.u32 v26, v32;
	v26 =	vor.u32 v16, v33;
	v31 =	vmin.u32 v29, $0x7F  }
0x498: {  	v29 =	vshll.u32 v27, $0x8;
	v62 =	vand.u32 $0x7FFFFFFF, v28;
	v63 =	vand.u32 $0x7FFFFFFF, v30  }
0x499: {  	s16 =	simm.s32 $0x2;
	v27 =	vshll.u32 v27, $0x7;
	v33 =	vnsel vm2, $0x7F61B1E6, v62;
	v34 =	vnsel vm1, $0x7F61B1E6, v63  }
.LBB2_16:
0x49a: {  	p0 =	sne.s32 s16, $0x7F;
	v35 =	vshll.u32 v31, $0x8;
	v31 =	vshll.u32 v31, $0x7;
	vm1 =	vle.f32 v33, v34;
	s17 =	smov.u32 s16;
	s16 =	sadd.s32 $0x1, s16  }
0x49b: {  	vm2 =	vmneg vm1;
	v28 =	vsel vm1, v28, v30;
	v30 =	vsel vm1, $0xFFFFFFFF, v1  }
0x49c: {  	v29 =	vand.u32 $0x7800, v29;
	[tilespmem:v23+s14+$0x0] =	vst.idx.msk $0xffff, v28;
	v14 =	vadd.s32 v30, v14;
	v28 =	vsel vm2, $0x1, v1  }
0x49d: {  	v27 =	vand.u32 $0x380, v27;
	v23 =	vor.u32 $0x400, v32;
	v13 =	vadd.s32 v28, v13;
	v25 =	vld.idx.msk [tilespmem:v25+s2+$0x0], $0xffff  }
0x49e: {  	vm1 =	vlt.s32 v18, $0x80;
	v27 =	vor.u32 v27, v29;
	vm3 =	vgt.s32 v14, $0x0;
	v24 =	vld.idx.msk [tilespmem:v24+s2+$0x0], $0xffff  }
0x49f: {  	vm2 =	vgt.s32 v20, $0xFFFFFFFF;
	v28 =	vnsel vm3, $0x0, v14;
	vm3 =	vgt.s32 v13, $0x0  }
0x4a0: {  	v28 =	vmin.u32 v28, $0x7F;
	v29 =	vnsel vm3, $0x0, v13;
	vm3 =	vgt.s32 v11, $0xFFFFFFFF  }
0x4a1: {  	v30 =	vand.u32 $0x380, v31;
	v31 =	vshll.u32 v28, $0x8;
	v28 =	vshll.u32 v28, $0x7  }
0x4a2: {  	v32 =	vand.u32 $0x7800, v35;
	v31 =	vand.u32 $0x7800, v31;
	v28 =	vand.u32 $0x380, v28  }
0x4a3: {  	v30 =	vor.u32 v30, v32;
	v28 =	vor.u32 v28, v31;
	v31 =	vand.u32 $0x7FFFFFFF, v25  }
0x4a4: {  	v27 =	vor.u32 v10, v27;
	v30 =	vor.u32 v10, v30;
	v32 =	vand.u32 $0x7FFFFFFF, v24  }
0x4a5: {  	v22 =	vor.u32 v16, v22;
	v31 =	vnsel vm3, $0x7F61B1E6, v31;
	v32 =	vnsel vm0, $0x7F61B1E6, v32  }
0x4a6: {  	v29 =	vmin.u32 v29, $0x7F;
	vm0 =	vle.f32 v31, v32  }
0x4a7: {  	vm3 =	vmneg vm0;
	v24 =	vsel vm0, v25, v24;
	v25 =	vsel vm0, $0xFFFFFFFF, v1  }
0x4a8: {  	v31 =	vshll.u32 v29, $0x8;
	v11 =	vadd.s32 v25, v11;
	[tilespmem:v21+s14+$0x0] =	vst.idx.msk $0xffff, v24;
	v21 =	vsel vm3, $0x1, v1  }
0x4a9: {  	v25 =	vshll.u32 v29, $0x7;
	vm0 =	vgt.s32 v11, $0x0;
	v24 =	vld.idx.msk [tilespmem:v26+s2+$0x0], $0xffff;
	v9 =	vadd.s32 v21, v9  }
0x4aa: {  	v25 =	vand.u32 $0x380, v25;
	v26 =	vnsel vm0, $0x0, v11;
	v21 =	vld.idx.msk [tilespmem:v22+s2+$0x0], $0xffff;
	v22 =	vand.u32 $0x7800, v31  }
0x4ab: {  	vm4 =	vgt.s32 v9, $0x0;
	v25 =	vor.u32 v25, v22;
	v22 =	vmin.u32 v26, $0x7F  }
0x4ac: {  	vm3 =	vgt.s32 v17, $0xFFFFFFFF;
	vm0 =	vlt.s32 v19, $0x80;
	v26 =	vnsel vm4, $0x0, v9  }
0x4ad: {  	v28 =	vor.u32 v15, v28;
	v26 =	vmin.u32 v26, $0x7F;
	v29 =	vshll.u32 v22, $0x8  }
0x4ae: {  	v22 =	vshll.u32 v22, $0x7;
	v29 =	vand.u32 $0x7800, v29;
	v31 =	vshll.u32 v26, $0x8  }
0x4af: {  	v33 =	vor.u32 v5, v23;
	v22 =	vand.u32 $0x380, v22;
	v32 =	vand.u32 $0x7FFFFFFF, v24  }
0x4b0: {  	v29 =	vor.u32 v22, v29;
	v32 =	vnsel vm2, $0x7F61B1E6, v32;
	v34 =	vand.u32 $0x7FFFFFFF, v21  }
0x4b1: {  	v26 =	vshll.u32 v26, $0x7;
	v22 =	vnsel vm1, $0x7F61B1E6, v34  }
0x4b2: {  	v26 =	vand.u32 $0x380, v26;
	vm1 =	vle.f32 v32, v22;
	v22 =	vand.u32 $0x7800, v31  }
0x4b3: {  	vm2 =	vmneg vm1;
	v21 =	vsel vm1, v24, v21;
	v24 =	vsel vm1, $0xFFFFFFFF, v1  }
0x4b4: {  	v20 =	vadd.s32 v24, v20;
	v24 =	vor.u32 v26, v22;
	[tilespmem:v33+s14+$0x0] =	vst.idx.msk $0xffff, v21;
	v21 =	vsel vm2, $0x1, v1  }
0x4b5: {  	vm1 =	vlt.s32 v13, $0x80;
	v18 =	vadd.s32 v21, v18;
	v26 =	vld.idx.msk [tilespmem:v30+s2+$0x0], $0xffff  }
0x4b6: {  	vm2 =	vgt.s32 v14, $0xFFFFFFFF;
	vm4 =	vgt.s32 v18, $0x0;
	v27 =	vld.idx.msk [tilespmem:v27+s2+$0x0], $0xffff  }
0x4b7: {  	v21 =	vnsel vm4, $0x0, v18  }
0x4b8: {  	v21 =	vmin.u32 v21, $0x7F  }
0x4b9: {  	v22 =	vshll.u32 v21, $0x8;
	v21 =	vshll.u32 v21, $0x7  }
0x4ba: {  	v22 =	vand.u32 $0x7800, v22;
	v30 =	vand.u32 $0x380, v21;
	v21 =	vor.u32 v8, v23  }
0x4bb: {  	v31 =	vor.u32 v6, v23;
	v22 =	vor.u32 v30, v22;
	v30 =	vand.u32 $0x7FFFFFFF, v26  }
0x4bc: {  	v32 =	vand.u32 $0x7FFFFFFF, v27;
	v30 =	vnsel vm0, $0x7F61B1E6, v30;
	vm0 =	vlt.s32 v9, $0x80  }
0x4bd: {  	v33 =	vor.u32 v15, v25;
	v23 =	vor.u32 v7, v23;
	v32 =	vnsel vm3, $0x7F61B1E6, v32  }
0x4be: {  	v25 =	vor.u32 v12, v29;
	v24 =	vor.u32 v12, v24;
	vm3 =	vle.f32 v32, v30  }
0x4bf: {  	vm4 =	vmneg vm3;
	v26 =	vsel vm3, v27, v26;
	v27 =	vsel vm3, $0xFFFFFFFF, v1  }
0x4c0: {  	v29 =	vmov s17;
	v17 =	vadd.s32 v27, v17;
	[tilespmem:v31+s14+$0x0] =	vst.idx.msk $0xffff, v26;
	v26 =	vsel vm4, $0x1, v1  }
0x4c1: {  	v32 =	vshll.u32 v29, $0x8;
	vm3 =	vgt.s32 v17, $0x0;
	v19 =	vadd.s32 v26, v19;
	v28 =	vld.idx.msk [tilespmem:v28+s2+$0x0], $0xffff  }
0x4c2: {  	v26 =	vshll.u32 v29, $0x7;
	v27 =	vnsel vm3, $0x0, v17;
	vm3 =	vgt.s32 v19, $0x0;
	v30 =	vld.idx.msk [tilespmem:v33+s2+$0x0], $0xffff  }
0x4c3: {  	vm4 =	vgt.s32 v20, $0x0;
	v27 =	vmin.u32 v27, $0x7F;
	v29 =	vnsel vm3, $0x0, v19  }
0x4c4: {  	v33 =	vnsel vm4, $0x0, v20;
	v31 =	vmin.u32 v29, $0x7F;
	v29 =	vshll.u32 v27, $0x8  }
.Ltmp7:
0x4c5: {  	v26 =	vand.u32 $0x380, v26;
	v33 =	vmin.u32 v33, $0x7F;
	v27 =	vshll.u32 v27, $0x7;
	(pc) =	sbr.rel @p0 .LBB2_16-.Ltmp7, $4  }
0x4c6: {  	v32 =	vand.u32 $0x7800, v32;
	v34 =	vshll.u32 v33, $0x8;
	v33 =	vshll.u32 v33, $0x7  }
0x4c7: {  	v34 =	vand.u32 $0x7800, v34;
	v33 =	vand.u32 $0x380, v33;
	v35 =	vand.u32 $0x7FFFFFFF, v28  }
0x4c8: {  	v32 =	vor.u32 v26, v32;
	v33 =	vor.u32 v33, v34;
	v34 =	vand.u32 $0x7FFFFFFF, v30  }
0x4c9: {  	v26 =	vor.u32 v16, v33;
	v33 =	vnsel vm2, $0x7F61B1E6, v35;
	v34 =	vnsel vm1, $0x7F61B1E6, v34  }
0x4ca: {  	_ =	sdelay $0x1  }
0x4cb: {  	vm1 =	vle.f32 v33, v34  }
0x4cc: {  	v28 =	vsel vm1, v28, v30  }
0x4cd: {  	[tilespmem:v23+s14+$0x0] =	vst.idx.msk $0xffff, v28  }
0x4ce: {  	v23 =	vld.idx.msk [tilespmem:v25+s2+$0x0], $0xffff  }
0x4cf: {  	v24 =	vld.idx.msk [tilespmem:v24+s2+$0x0], $0xffff;
	_ =	sdelay $0x4  }
0x4d0: {  	vm2 =	vgt.s32 v11, $0xFFFFFFFF;
	v25 =	vand.u32 $0x7FFFFFFF, v23;
	v61 =	vand.u32 $0x7FFFFFFF, v24  }
0x4d1: {  	v16 =	vor.u32 v16, v22;
	v62 =	vnsel vm2, $0x7F61B1E6, v25;
	v63 =	vnsel vm0, $0x7F61B1E6, v61  }
0x4d2: {  	vm0 =	vle.f32 v62, v63  }
0x4d3: {  	v22 =	vsel vm0, v23, v24  }
0x4d4: {  	[tilespmem:v21+s14+$0x0] =	vst.idx.msk $0xffff, v22  }
0x4d5: {  	v21 =	vld.idx.msk [tilespmem:v26+s2+$0x0], $0xffff  }
0x4d6: {  	v16 =	vld.idx.msk [tilespmem:v16+s2+$0x0], $0xffff  }
0x4d7: {  	v33 =	vand.u32 $0x7800, v29;
	v34 =	vor.u32 $0x400, v32;
	v35 =	vand.u32 $0x380, v27  }
0x4d8: {  	vm15 =	vlt.s32 v18, $0x80;
	v30 =	vshll.u32 v31, $0x7;
	v28 =	vshll.u32 v31, $0x8  }
0x4d9: {  	vm3 =	vgt.s32 v20, $0xFFFFFFFF;
	v23 =	vand.u32 $0x380, v30;
	v22 =	vand.u32 $0x7800, v28  }
0x4da: {  	v36 =	vor.u32 v35, v33;
	v38 =	vor.u32 v5, v34;
	v37 =	vor.u32 v23, v22  }
0x4db: {  	v20 =	vor.u32 v10, v37;
	v39 =	vand.u32 $0x7FFFFFFF, v21;
	v40 =	vand.u32 $0x7FFFFFFF, v16  }
0x4dc: {  	v10 =	vor.u32 v10, v36;
	v41 =	vnsel vm3, $0x7F61B1E6, v39;
	v42 =	vnsel vm15, $0x7F61B1E6, v40  }
0x4dd: {  	v31 =	vsel vm1, $0xFFFFFFFF, v1;
	vm2 =	vle.f32 v41, v42  }
0x4de: {  	vm1 =	vmneg vm1;
	v14 =	vadd.s32 v31, v14;
	v16 =	vsel vm2, v21, v16  }
0x4df: {  	vm8 =	vgt.s32 v17, $0xFFFFFFFF;
	v43 =	vsel vm1, $0x1, v1;
	vm6 =	vgt.s32 v14, $0x0;
	[tilespmem:v38+s14+$0x0] =	vst.idx.msk $0xffff, v16  }
0x4e0: {  	vm9 =	vlt.s32 v19, $0x80;
	v13 =	vadd.s32 v43, v13;
	v44 =	vnsel vm6, $0x0, v14;
	v20 =	vld.idx.msk [tilespmem:v20+s2+$0x0], $0xffff  }
0x4e1: {  	v49 =	vor.u32 v6, v34;
	vm7 =	vgt.s32 v13, $0x0;
	v18 =	vmin.u32 v44, $0x7F;
	v10 =	vld.idx.msk [tilespmem:v10+s2+$0x0], $0xffff  }
0x4e2: {  	v45 =	vnsel vm7, $0x0, v13;
	v46 =	vshll.u32 v18, $0x8;
	v18 =	vshll.u32 v18, $0x7  }
0x4e3: {  	v18 =	vand.u32 $0x380, v18;
	v21 =	vand.u32 $0x7800, v46;
	v16 =	vmin.u32 v45, $0x7F  }
0x4e4: {  	v18 =	vor.u32 v18, v21;
	v47 =	vshll.u32 v16, $0x8;
	v16 =	vshll.u32 v16, $0x7  }
0x4e5: {  	v18 =	vor.u32 v15, v18;
	v21 =	vand.u32 $0x7800, v47;
	v16 =	vand.u32 $0x380, v16  }
0x4e6: {  	v16 =	vor.u32 v16, v21;
	v50 =	vand.u32 $0x7FFFFFFF, v20;
	v51 =	vand.u32 $0x7FFFFFFF, v10  }
0x4e7: {  	v52 =	vor.u32 v15, v16;
	v19 =	vnsel vm9, $0x7F61B1E6, v50;
	v21 =	vnsel vm8, $0x7F61B1E6, v51  }
0x4e8: {  	v48 =	vsel vm0, $0xFFFFFFFF, v1;
	vm1 =	vle.f32 v21, v19  }
0x4e9: {  	vm0 =	vmneg vm0;
	v11 =	vadd.s32 v48, v11;
	v10 =	vsel vm1, v10, v20  }
0x4ea: {  	v57 =	vor.u32 v7, v34;
	v53 =	vsel vm0, $0x1, v1;
	vm10 =	vgt.s32 v11, $0x0;
	[tilespmem:v49+s14+$0x0] =	vst.idx.msk $0xffff, v10  }
0x4eb: {  	vm13 =	vgt.s32 v14, $0xFFFFFFFF;
	v9 =	vadd.s32 v53, v9;
	v54 =	vnsel vm10, $0x0, v11;
	v18 =	vld.idx.msk [tilespmem:v18+s2+$0x0], $0xffff  }
0x4ec: {  	vm12 =	vlt.s32 v13, $0x80;
	vm11 =	vgt.s32 v9, $0x0;
	v16 =	vmin.u32 v54, $0x7F;
	v15 =	vld.idx.msk [tilespmem:v52+s2+$0x0], $0xffff  }
0x4ed: {  	v55 =	vshll.u32 v16, $0x8;
	v16 =	vshll.u32 v16, $0x7;
	v10 =	vnsel vm11, $0x0, v9  }
0x4ee: {  	v17 =	vand.u32 $0x7800, v55;
	v16 =	vand.u32 $0x380, v16;
	v10 =	vmin.u32 v10, $0x7F  }
0x4ef: {  	v16 =	vor.u32 v16, v17;
	v56 =	vshll.u32 v10, $0x8;
	v10 =	vshll.u32 v10, $0x7  }
0x4f0: {  	v58 =	vor.u32 v12, v16;
	v19 =	vand.u32 $0x7800, v56;
	v10 =	vand.u32 $0x380, v10  }
0x4f1: {  	v10 =	vor.u32 v10, v19;
	v59 =	vand.u32 $0x7FFFFFFF, v18;
	v60 =	vand.u32 $0x7FFFFFFF, v15  }
0x4f2: {  	v10 =	vor.u32 v12, v10;
	v61 =	vnsel vm13, $0x7F61B1E6, v59;
	v62 =	vnsel vm12, $0x7F61B1E6, v60  }
0x4f3: {  	vm0 =	vle.f32 v61, v62  }
0x4f4: {  	v12 =	vsel vm0, v18, v15  }
0x4f5: {  	[tilespmem:v57+s14+$0x0] =	vst.idx.msk $0xffff, v12  }
0x4f6: {  	v12 =	vld.idx.msk [tilespmem:v58+s2+$0x0], $0xffff  }
0x4f7: {  	v10 =	vld.idx.msk [tilespmem:v10+s2+$0x0], $0xffff;
	_ =	sdelay $0x3  }
0x4f8: {  	v63 =	vor.u32 v8, v34;
	vm14 =	vlt.s32 v9, $0x80  }
0x4f9: {  	vm15 =	vgt.s32 v11, $0xFFFFFFFF;
	v9 =	vand.u32 $0x7FFFFFFF, v12;
	v11 =	vand.u32 $0x7FFFFFFF, v10  }
0x4fa: {  	v9 =	vnsel vm15, $0x7F61B1E6, v9;
	v11 =	vnsel vm14, $0x7F61B1E6, v11  }
0x4fb: {  	s15 =	sadd.s32 $0x1, s15;
	vm0 =	vle.f32 v9, v11  }
0x4fc: {  	p0 =	sne.s32 s15, s9;
	v9 =	vsel vm0, v12, v10  }
.Ltmp8:
0x4fd: {  	[tilespmem:v63+s14+$0x0] =	vst.idx.msk $0xffff, v9;
	(pc) =	sbr.rel @p0 .LBB2_1-.Ltmp8, $4  }
0x4fe: {  	[hbm4b:s8+s10] =	stream.strided.scatter [tilespmem:s14], [sflag:$0x1], $0x8000, s11, s10, $0x38;
	[tilespmem:$0x10100] =	vst v63  }
0x4ff: {  	_ =	swait.ge [sflag:s12], $0x8000  }
0x500: {  	[sflag:s12] =	ssyncset.done $0x0  }
0x501: {  	[sflag:s12] =	ssyncadd.s32 $0xFFFF8000  }
0x502: {  	_ =	sfence.sel $0x180000  }
0x503: {  	[bflag:$0x0] =	sbarrier.arrive $0xFFFF  }
0x504: {  	p0 =	sne.s32 s1, $0x0;
	_ =	strace $0x90000047  }
0x505: {  	s0 =	sadd.s32 @!p0 $0x100000, s0;
	[bflag:$0x2] =	sbarrier.arrive $0xFFFF  }
0x506: {  	[sflag:s0] =	ssyncadd.tile.s32 @!p0 $0x1;
	_ =	shalt  }
.Lfunc_end2:
_tile_overlayer_lowered:
.L_overlay_start_2:
0x507: {  	(tag) =	ssettag $0x2  }
0x508: {  	s0 =	rddreg [dreg:$0x0];
	s2 =	stileid.u32  }
0x509: {  	s1 =	rddreg [dreg:$0x1];
	p0 =	sne.s32 s2, $0x0  }
0x50a: {  	s3 =	rddreg [dreg:$0x2];
	[bflag:$0x3] =	sbarrier.arrive $0xFFFF;
	s2 =	simm.s32 @!p0 $0x1C01  }
0x50b: {  	[timem:s3], [sflag:s2] =	dma.local @!p0 [hbm:s0], s1  }
0x50c: {  	s0 =	simm.s32 @!p0 $0x1  }
0x50d: {  	_ =	swait.ge @!p0 [sflag:s0], s1  }
0x50e: {  	s1 =	ssub.s32 @!p0 $0x0, s1;
	[sflag:s0] =	ssyncset.done @!p0 $0x0  }
0x50f: {  	[sflag:s0] =	ssyncadd.s32 @!p0 s1  }
0x510: {  	[bflag:$0x3] =	sbarrier.arrive $0xFFFF  }
0x511: {  	_ =	shalt  }

</sc_bundles>
